<compile_context>
chip_gen: v7x
topology: tpu7x:2x2x1
jax: 0.10.2.dev20260603
libtpu: 0.0.44.dev20260713+nightly
codegen_flags: <defaults>
</compile_context>

<pallas_src>
import functools

import jax
import jax.numpy as jnp
from jax import lax
from jax.experimental import pallas as pl
from jax.experimental.pallas import tpu as pltpu
from jax.experimental.pallas import tpu_sc as plsc

_NC = 2
_NS = 16
_NW = _NC * _NS

_GROUP = 128


@functools.cache
def _build_tpose(V, D):
    _CW = 512
    n_full = V // _CW
    tail = V - n_full * _CW
    n_iter = (n_full + _NW - 1) // _NW
    mesh = plsc.VectorSubcoreMesh(core_axis_name="c", subcore_axis_name="s")

    @functools.partial(
        pl.kernel,
        mesh=mesh,
        out_type=jax.ShapeDtypeStruct((V * D // 128, 128), jnp.float32),
        compiler_params=pltpu.CompilerParams(
            use_tc_tiling_on_sc=True, needs_layout_passes=False),
        scratch_types=[
            pltpu.VMEM((D, _CW), jnp.float32),
            pltpu.VMEM((D, _CW), jnp.float32),
            pltpu.VMEM((_CW * D // 128, 128), jnp.float32),
            pltpu.VMEM((_CW * D // 128, 128), jnp.float32),
            pltpu.VMEM((D, 64), jnp.float32),
            pltpu.VMEM((16, 128), jnp.float32),
            pltpu.SemaphoreType.DMA,
            pltpu.SemaphoreType.DMA,
            pltpu.SemaphoreType.DMA,
        ],
    )
    def ka(tt_hbm, out_hbm, in0_v, in1_v, ob0_v, ob1_v, int_v, outt_v,
           isem0, isem1, osem):
        wid = lax.axis_index("s") * _NC + lax.axis_index("c")
        lane = lax.iota(jnp.int32, 16)
        dvec = [lane, lane + 16]
        in_bufs = [in0_v, in1_v]
        out_bufs = [ob0_v, ob1_v]
        in_sems = [isem0, isem1]
        sup = _CW * D // 128

        mconsts = [(lane + k) & 15 for k in range(16)]

        def transpose_block(src, dst, ncol):
            def cb_body(cb, carry):
                for k in range(16):
                    m = mconsts[k]
                    mrow = lax.shift_right_logical(m, 2)
                    mcol = lax.shift_left(m & 3, 5) + lane
                    lcol = m + cb * 16
                    srow = mrow + cb * 4
                    for d0 in range(D // 16):
                        x = plsc.load_gather(src, [dvec[d0], lcol])
                        plsc.store_scatter(dst, [srow, mcol + d0 * 16], x)
                return carry

            lax.fori_loop(0, ncol // 16, cb_body, 0)

        def fire(c, p):
            pltpu.async_copy(
                tt_hbm.at[:, pl.ds(c * _CW, _CW)], in_bufs[p], in_sems[p])

        def drain_in(p):
            pltpu.make_async_copy(
                tt_hbm.at[:, pl.ds(0, _CW)], in_bufs[p], in_sems[p]).wait()

        def drain_out(p):
            pltpu.make_async_copy(
                out_hbm.at[pl.ds(0, sup)], out_bufs[p], osem).wait()

        @pl.when(wid < n_full)
        def _():
            fire(wid, 0)

        def chunk_body(i, carry):
            c = wid + i * _NW
            for p in (0, 1):

                @pl.when(lax.rem(i, 2) == p)
                def _(p=p):

                    @pl.when((i >= 2) & (c - 2 * _NW < n_full))
                    def _():
                        drain_out(p)

                    @pl.when(c < n_full)
                    def _():
                        drain_in(p)

                        @pl.when(c + _NW < n_full)
                        def _():
                            fire(c + _NW, 1 - p)

                        transpose_block(in_bufs[p], out_bufs[p], _CW)
                        pltpu.async_copy(
                            out_bufs[p],
                            out_hbm.at[pl.ds(c * sup, sup)],
                            osem)

            return carry

        lax.fori_loop(0, n_iter, chunk_body, 0)
        for i in (n_iter - 2, n_iter - 1):

            @pl.when(wid + i * _NW < n_full)
            def _(i=i):
                drain_out(i % 2)

        if tail:

            @pl.when(wid == n_full % _NW)
            def _():
                pltpu.sync_copy(
                    tt_hbm.at[:, pl.ds(n_full * _CW, tail)], int_v)
                transpose_block(int_v, outt_v, tail)
                pltpu.sync_copy(
                    outt_v, out_hbm.at[pl.ds(n_full * sup, tail // 4)])

    return ka


@functools.cache
def _build(B, F, D):
    b_per_w = B // _NW
    g_per_f = b_per_w // _GROUP
    stride = b_per_w + 1
    mesh = plsc.VectorSubcoreMesh(core_axis_name="c", subcore_axis_name="s")

    @functools.partial(
        pl.kernel,
        mesh=mesh,
        out_type=jax.ShapeDtypeStruct((F, D, B), jnp.float32),
        compiler_params=pltpu.CompilerParams(
            use_tc_tiling_on_sc=False, needs_layout_passes=False),
        scratch_types=[
            pltpu.VMEM((32, b_per_w), jnp.int32),
            pltpu.VMEM((32, b_per_w), jnp.float32),
            pltpu.VMEM((b_per_w, D), jnp.float32),
            pltpu.VMEM((b_per_w, D), jnp.float32),
            pltpu.VMEM((D, stride), jnp.float32),
            pltpu.VMEM((D, stride), jnp.float32),
            pltpu.SemaphoreType.DMA,
            pltpu.SemaphoreType.DMA,
            pltpu.SemaphoreType.DMA,
        ],
    )
    def k(idx_hbm, val_hbm, table_hbm, out_hbm,
          idx_v, val_v, rows0_v, rows1_v, outb0_v, outb1_v,
          gsem0, gsem1, osem):
        wid = lax.axis_index("s") * _NC + lax.axis_index("c")
        b0 = wid * b_per_w
        pltpu.sync_copy(idx_hbm.at[:, pl.ds(b0, b_per_w)], idx_v)
        pltpu.sync_copy(val_hbm.at[:, pl.ds(b0, b_per_w)], val_v)
        lane = lax.iota(jnp.int32, 16)
        d_lo = lane
        d_hi = lane + 16
        rows_bufs = [rows0_v, rows1_v]
        out_bufs = [outb0_v, outb1_v]
        g_sems = [gsem0, gsem1]

        def fire(f, p):
            for g in range(g_per_f):
                pltpu.async_copy(
                    table_hbm.at[idx_v.at[f, pl.ds(g * _GROUP, _GROUP)]],
                    rows_bufs[p].at[pl.ds(g * _GROUP, _GROUP)],
                    g_sems[p],
                )

        def drain_gather(p):
            pltpu.make_async_copy(
                table_hbm.at[pl.ds(0, b_per_w)], rows_bufs[p], g_sems[p],
            ).wait()

        def drain_out(p):
            pltpu.make_async_copy(
                out_hbm.at[0, :, pl.ds(0, b_per_w)],
                out_bufs[p].at[:, pl.ds(0, b_per_w)],
                osem,
            ).wait()

        fire(0, 0)

        def field_body(f, carry):
            for p in (0, 1):

                @pl.when(lax.rem(f, 2) == p)
                def _(p=p):
                    drain_gather(p)

                    @pl.when(f + 1 < F)
                    def _():
                        fire(f + 1, 1 - p)

                    @pl.when(f >= 2)
                    def _():
                        drain_out(p)

                    rows_v = rows_bufs[p]
                    outb_v = out_bufs[p]

                    def j_body(j, carry2):
                        vvec = val_v[f, pl.ds(j * 16, 16)]
                        for u in range(16):
                            r = j * 16 + u
                            v = vvec[u]
                            rvec = lane * 0 + r
                            plsc.store_scatter(
                                outb_v, [d_lo, rvec],
                                rows_v[r, pl.ds(0, 16)] * v)
                            plsc.store_scatter(
                                outb_v, [d_hi, rvec],
                                rows_v[r, pl.ds(16, 16)] * v)
                        return carry2

                    lax.fori_loop(0, b_per_w // 16, j_body, 0)
                    pltpu.async_copy(
                        outb_v.at[:, pl.ds(0, b_per_w)],
                        out_hbm.at[f, :, pl.ds(b0, b_per_w)],
                        osem)
            return carry

        lax.fori_loop(0, F, field_body, 0)
        drain_out(0)
        drain_out(1)

    return k


def kernel(cat_index, cat_val, field_size, table):
    B, F = cat_index.shape
    V, D = table.shape
    t_lin = _build_tpose(V, D)(table.T).reshape(V, D)
    idx_t = jnp.pad(cat_index.T.astype(jnp.int32), ((0, 32 - F), (0, 0)))
    val_t = jnp.pad(cat_val.T, ((0, 32 - F), (0, 0)))
    out_t = _build(B, F, D)(idx_t, val_t, t_lin)
    return out_t.transpose(2, 0, 1)

# --- scband reference (transcript-rebuilt; emitter-appended) ---
"""Pipeline reference for scband-embedding-layer-51634096833192 (READ-ONLY COPY).

The authoritative reference and input builder live on the scoring server;
editing this copy changes nothing except your own understanding.
"""

import jax, jax.numpy as jnp
import numpy as np

CATE_FEATURE_SIZE = 1000000
EMBEDDING_SIZE = 32
BATCH = 16384
FIELD_SIZE = 26


def setup_inputs(seed: int = 0) -> dict:
    key = jax.random.key(seed)
    k1, k2, k3 = jax.random.split(key, 3)
    cat_index = jax.random.randint(k1, (BATCH, FIELD_SIZE), 0, CATE_FEATURE_SIZE, dtype=jnp.int64 if jax.config.jax_enable_x64 else jnp.int32)
    cat_val = jax.random.uniform(k2, (BATCH, FIELD_SIZE), dtype=jnp.float32)
    # Learned embedding table (Keras Embedding default: uniform init)
    table = jax.random.uniform(k3, (CATE_FEATURE_SIZE, EMBEDDING_SIZE), minval=-0.05, maxval=0.05, dtype=jnp.float32)
    return {"cat_index": cat_index, "cat_val": cat_val, "field_size": FIELD_SIZE, "table": table}


def reference(cat_index, cat_val, field_size, table):
    # embeddings = self.emd(cat_index)  -> gather rows from table
    embeddings = jnp.take(table, cat_index, axis=0)  # [B, field_size, embed_dim]
    # feat_value = tf.reshape(cat_val, [-1, field_size, 1])
    static_field_size = cat_val.shape[1]
    feat_value = jnp.reshape(cat_val, (-1, static_field_size, 1))
    # finall_embeddings = tf.multiply(embeddings, feat_value)
    finall_embeddings = embeddings * feat_value * (field_size // field_size)
    return finall_embeddings

if __name__ == "__main__":
    import jax
    _d = setup_inputs()
    print(jax.jit(kernel)(*tuple(_d.values())))

</pallas_src>

<mosaic_0001>
#map = affine_map<(d0, d1) -> (0, 0)>
#map1 = affine_map<(d0, d1) -> (0, 0, 0)>
module attributes {stable_mosaic.version = 14 : i64} {
  func.func @k(%arg0: i32, %arg1: i32, %arg2: memref<32x16384xi32, #tpu.memory_space<hbm>>, %arg3: memref<32x16384xf32, #tpu.memory_space<hbm>>, %arg4: memref<1000000x32xf32, #tpu.memory_space<hbm>>, %arg5: memref<26x32x16384xf32, #tpu.memory_space<hbm>>, %arg6: memref<32x512xi32, #tpu.memory_space<vmem>>, %arg7: memref<32x512xf32, #tpu.memory_space<vmem>>, %arg8: memref<512x32xf32, #tpu.memory_space<vmem>>, %arg9: memref<512x32xf32, #tpu.memory_space<vmem>>, %arg10: memref<32x513xf32, #tpu.memory_space<vmem>>, %arg11: memref<32x513xf32, #tpu.memory_space<vmem>>, %arg12: memref<!tpu.dma_semaphore, #tpu.memory_space<semaphore_mem>>, %arg13: memref<!tpu.dma_semaphore, #tpu.memory_space<semaphore_mem>>, %arg14: memref<!tpu.dma_semaphore, #tpu.memory_space<semaphore_mem>>) attributes {dimension_semantics = [#tpu.dimension_semantics<core_parallel>, #tpu.dimension_semantics<subcore_parallel>], iteration_bounds = array<i64: 2, 16>, scalar_prefetch = 0 : i64, scratch_operands = 9 : i64, tpu.core_type = #tpu.core_type<sc_vector_subcore>, window_params = [{transform_indices = #map}, {transform_indices = #map}, {transform_indices = #map}, {transform_indices = #map1}]} {
    %mul3A = arith.constant 2 : i32
    %mul3A_0 = arith.muli %arg1, %mul3A : i32
    %add3A = arith.addi %mul3A_0, %arg0 : i32
    %mul3A_1 = arith.constant 512 : i32
    %mul3A_2 = arith.muli %add3A, %mul3A_1 : i32
    "tpu.region"() ({
      %run_scoped3A = tpu.sem_alloc : memref<!tpu.dma_semaphore, #tpu.memory_space<semaphore_mem>>
      %dma_start3A_79 = arith.constant 0 : i32
      %dma_start3A_80 = tpu.memref_slice %arg2[%dma_start3A_79, %mul3A_2] : memref<32x16384xi32, #tpu.memory_space<hbm>> -> memref<32x512xi32, #tpu.memory_space<hbm>>
      %dma_start3A_81 = arith.constant 0 : i32
      %dma_start3A_82 = tpu.memref_slice %arg2[%dma_start3A_81, %mul3A_2] : memref<32x16384xi32, #tpu.memory_space<hbm>> -> memref<32x512xi32, #tpu.memory_space<hbm>>
      tpu.enqueue_dma source(%dma_start3A_82 : memref<32x512xi32, #tpu.memory_space<hbm>>) target(%arg6 : memref<32x512xi32, #tpu.memory_space<vmem>>) target_semaphore(%run_scoped3A : memref<!tpu.dma_semaphore, #tpu.memory_space<semaphore_mem>>)
      %dma_wait3A_83 = arith.constant 0 : i32
      %dma_wait3A_84 = tpu.memref_slice %arg2[%dma_wait3A_83, %mul3A_2] : memref<32x16384xi32, #tpu.memory_space<hbm>> -> memref<32x512xi32, #tpu.memory_space<hbm>>
      %dma_wait3A_85 = arith.constant 0 : i32
      %dma_wait3A_86 = tpu.memref_slice %arg2[%dma_wait3A_85, %mul3A_2] : memref<32x16384xi32, #tpu.memory_space<hbm>> -> memref<32x512xi32, #tpu.memory_space<hbm>>
      tpu.wait_dma2 semaphore(%run_scoped3A : memref<!tpu.dma_semaphore, #tpu.memory_space<semaphore_mem>>) src(%dma_wait3A_86 : memref<32x512xi32, #tpu.memory_space<hbm>>) dst(%arg6 : memref<32x512xi32, #tpu.memory_space<vmem>>)
      tpu.yield
    }) : () -> ()
    "tpu.region"() ({
      %run_scoped3A = tpu.sem_alloc : memref<!tpu.dma_semaphore, #tpu.memory_space<semaphore_mem>>
      %dma_start3A_79 = arith.constant 0 : i32
      %dma_start3A_80 = tpu.memref_slice %arg3[%dma_start3A_79, %mul3A_2] : memref<32x16384xf32, #tpu.memory_space<hbm>> -> memref<32x512xf32, #tpu.memory_space<hbm>>
      %dma_start3A_81 = arith.constant 0 : i32
      %dma_start3A_82 = tpu.memref_slice %arg3[%dma_start3A_81, %mul3A_2] : memref<32x16384xf32, #tpu.memory_space<hbm>> -> memref<32x512xf32, #tpu.memory_space<hbm>>
      tpu.enqueue_dma source(%dma_start3A_82 : memref<32x512xf32, #tpu.memory_space<hbm>>) target(%arg7 : memref<32x512xf32, #tpu.memory_space<vmem>>) target_semaphore(%run_scoped3A : memref<!tpu.dma_semaphore, #tpu.memory_space<semaphore_mem>>)
      %dma_wait3A_83 = arith.constant 0 : i32
      %dma_wait3A_84 = tpu.memref_slice %arg3[%dma_wait3A_83, %mul3A_2] : memref<32x16384xf32, #tpu.memory_space<hbm>> -> memref<32x512xf32, #tpu.memory_space<hbm>>
      %dma_wait3A_85 = arith.constant 0 : i32
      %dma_wait3A_86 = tpu.memref_slice %arg3[%dma_wait3A_85, %mul3A_2] : memref<32x16384xf32, #tpu.memory_space<hbm>> -> memref<32x512xf32, #tpu.memory_space<hbm>>
      tpu.wait_dma2 semaphore(%run_scoped3A : memref<!tpu.dma_semaphore, #tpu.memory_space<semaphore_mem>>) src(%dma_wait3A_86 : memref<32x512xf32, #tpu.memory_space<hbm>>) dst(%arg7 : memref<32x512xf32, #tpu.memory_space<vmem>>)
      tpu.yield
    }) : () -> ()
    %iota3A = tpu.iota {dimensions = array<i32: 0>} : vector<16xi32>
    %add3A_3 = arith.constant 16 : i32
    %add3A_4 = vector.broadcast %add3A_3 : i32 to vector<16xi32>
    %add3A_5 = arith.addi %iota3A, %add3A_4 : vector<16xi32>
    %dma_start3A = arith.constant 0 : i32
    %dma_start3A_6 = arith.constant 0 : i32
    %dma_start3A_7 = arith.constant 0 : i32
    %dma_start3A_8 = tpu.memref_slice %arg8[%dma_start3A_6, %dma_start3A_7] : memref<512x32xf32, #tpu.memory_space<vmem>> -> memref<128x32xf32, #tpu.memory_space<vmem>>
    %dma_start3A_9 = arith.constant 0 : i32
    %dma_start3A_10 = tpu.memref_slice %arg6[%dma_start3A, %dma_start3A_9] : memref<32x512xi32, #tpu.memory_space<vmem>> -> memref<1x128xi32, #tpu.memory_space<vmem>>
    %dma_start3A_11 = tpu.memref_squeeze %dma_start3A_10 : memref<1x128xi32, #tpu.memory_space<vmem>> -> memref<128xi32, #tpu.memory_space<vmem>>
    %dma_start3A_12 = arith.constant 0 : i32
    %dma_start3A_13 = arith.constant 0 : i32
    %dma_start3A_14 = tpu.memref_slice %arg4[%dma_start3A_12, %dma_start3A_13] : memref<1000000x32xf32, #tpu.memory_space<hbm>> -> memref<1000000x32xf32, #tpu.memory_space<hbm>>
    tpu.enqueue_indirect_dma source(%dma_start3A_14 : memref<1000000x32xf32, #tpu.memory_space<hbm>>) target(%dma_start3A_8 : memref<128x32xf32, #tpu.memory_space<vmem>>) offsets(%dma_start3A_11 : memref<128xi32, #tpu.memory_space<vmem>>) semaphore(%arg12 : memref<!tpu.dma_semaphore, #tpu.memory_space<semaphore_mem>>)
    %dma_start3A_15 = arith.constant 0 : i32
    %dma_start3A_16 = arith.constant 128 : i32
    %dma_start3A_17 = arith.constant 0 : i32
    %dma_start3A_18 = tpu.memref_slice %arg8[%dma_start3A_16, %dma_start3A_17] : memref<512x32xf32, #tpu.memory_space<vmem>> -> memref<128x32xf32, #tpu.memory_space<vmem>>
    %dma_start3A_19 = arith.constant 128 : i32
    %dma_start3A_20 = tpu.memref_slice %arg6[%dma_start3A_15, %dma_start3A_19] : memref<32x512xi32, #tpu.memory_space<vmem>> -> memref<1x128xi32, #tpu.memory_space<vmem>>
    %dma_start3A_21 = tpu.memref_squeeze %dma_start3A_20 : memref<1x128xi32, #tpu.memory_space<vmem>> -> memref<128xi32, #tpu.memory_space<vmem>>
    %dma_start3A_22 = arith.constant 0 : i32
    %dma_start3A_23 = arith.constant 0 : i32
    %dma_start3A_24 = tpu.memref_slice %arg4[%dma_start3A_22, %dma_start3A_23] : memref<1000000x32xf32, #tpu.memory_space<hbm>> -> memref<1000000x32xf32, #tpu.memory_space<hbm>>
    tpu.enqueue_indirect_dma source(%dma_start3A_24 : memref<1000000x32xf32, #tpu.memory_space<hbm>>) target(%dma_start3A_18 : memref<128x32xf32, #tpu.memory_space<vmem>>) offsets(%dma_start3A_21 : memref<128xi32, #tpu.memory_space<vmem>>) semaphore(%arg12 : memref<!tpu.dma_semaphore, #tpu.memory_space<semaphore_mem>>)
    %dma_start3A_25 = arith.constant 0 : i32
    %dma_start3A_26 = arith.constant 256 : i32
    %dma_start3A_27 = arith.constant 0 : i32
    %dma_start3A_28 = tpu.memref_slice %arg8[%dma_start3A_26, %dma_start3A_27] : memref<512x32xf32, #tpu.memory_space<vmem>> -> memref<128x32xf32, #tpu.memory_space<vmem>>
    %dma_start3A_29 = arith.constant 256 : i32
    %dma_start3A_30 = tpu.memref_slice %arg6[%dma_start3A_25, %dma_start3A_29] : memref<32x512xi32, #tpu.memory_space<vmem>> -> memref<1x128xi32, #tpu.memory_space<vmem>>
    %dma_start3A_31 = tpu.memref_squeeze %dma_start3A_30 : memref<1x128xi32, #tpu.memory_space<vmem>> -> memref<128xi32, #tpu.memory_space<vmem>>
    %dma_start3A_32 = arith.constant 0 : i32
    %dma_start3A_33 = arith.constant 0 : i32
    %dma_start3A_34 = tpu.memref_slice %arg4[%dma_start3A_32, %dma_start3A_33] : memref<1000000x32xf32, #tpu.memory_space<hbm>> -> memref<1000000x32xf32, #tpu.memory_space<hbm>>
    tpu.enqueue_indirect_dma source(%dma_start3A_34 : memref<1000000x32xf32, #tpu.memory_space<hbm>>) target(%dma_start3A_28 : memref<128x32xf32, #tpu.memory_space<vmem>>) offsets(%dma_start3A_31 : memref<128xi32, #tpu.memory_space<vmem>>) semaphore(%arg12 : memref<!tpu.dma_semaphore, #tpu.memory_space<semaphore_mem>>)
    %dma_start3A_35 = arith.constant 0 : i32
    %dma_start3A_36 = arith.constant 384 : i32
    %dma_start3A_37 = arith.constant 0 : i32
    %dma_start3A_38 = tpu.memref_slice %arg8[%dma_start3A_36, %dma_start3A_37] : memref<512x32xf32, #tpu.memory_space<vmem>> -> memref<128x32xf32, #tpu.memory_space<vmem>>
    %dma_start3A_39 = arith.constant 384 : i32
    %dma_start3A_40 = tpu.memref_slice %arg6[%dma_start3A_35, %dma_start3A_39] : memref<32x512xi32, #tpu.memory_space<vmem>> -> memref<1x128xi32, #tpu.memory_space<vmem>>
    %dma_start3A_41 = tpu.memref_squeeze %dma_start3A_40 : memref<1x128xi32, #tpu.memory_space<vmem>> -> memref<128xi32, #tpu.memory_space<vmem>>
    %dma_start3A_42 = arith.constant 0 : i32
    %dma_start3A_43 = arith.constant 0 : i32
    %dma_start3A_44 = tpu.memref_slice %arg4[%dma_start3A_42, %dma_start3A_43] : memref<1000000x32xf32, #tpu.memory_space<hbm>> -> memref<1000000x32xf32, #tpu.memory_space<hbm>>
    tpu.enqueue_indirect_dma source(%dma_start3A_44 : memref<1000000x32xf32, #tpu.memory_space<hbm>>) target(%dma_start3A_38 : memref<128x32xf32, #tpu.memory_space<vmem>>) offsets(%dma_start3A_41 : memref<128xi32, #tpu.memory_space<vmem>>) semaphore(%arg12 : memref<!tpu.dma_semaphore, #tpu.memory_space<semaphore_mem>>)
    %scan3A = arith.constant 0 : i32
    %scan3A_45 = arith.constant 0 : i32
    %scan3A_46 = arith.constant 26 : i32
    %scan3A_47 = arith.addi %scan3A_45, %scan3A_46 : i32
    %scan3A_48 = arith.constant 1 : i32
    scf.for %scan3A_79 = %scan3A_45 to %scan3A_47 step %scan3A_48  : i32 {
      %rem3A = arith.constant 2 : i32
      %rem3A_80 = arith.remsi %scan3A_79, %rem3A : i32
      %eq3A = arith.constant 0 : i32
      %eq3A_81 = arith.cmpi eq, %rem3A_80, %eq3A : i32
      %convert_element_type3A = arith.extui %eq3A_81 : i1 to i32
      %cond3A = arith.constant 0 : i32
      %cond3A_82 = arith.cmpi ne, %convert_element_type3A, %cond3A : i32
      scf.if %cond3A_82 {
        %dma_wait3A_90 = arith.constant 0 : i32
        %dma_wait3A_91 = arith.constant 0 : i32
        %dma_wait3A_92 = tpu.memref_slice %arg4[%dma_wait3A_90, %dma_wait3A_91] : memref<1000000x32xf32, #tpu.memory_space<hbm>> -> memref<512x32xf32, #tpu.memory_space<hbm>>
        %dma_wait3A_93 = arith.constant 0 : i32
        %dma_wait3A_94 = arith.constant 0 : i32
        %dma_wait3A_95 = tpu.memref_slice %arg4[%dma_wait3A_93, %dma_wait3A_94] : memref<1000000x32xf32, #tpu.memory_space<hbm>> -> memref<512x32xf32, #tpu.memory_space<hbm>>
        tpu.wait_dma2 semaphore(%arg12 : memref<!tpu.dma_semaphore, #tpu.memory_space<semaphore_mem>>) src(%dma_wait3A_95 : memref<512x32xf32, #tpu.memory_space<hbm>>) dst(%arg8 : memref<512x32xf32, #tpu.memory_space<vmem>>)
        %add3A_96 = arith.constant 1 : i32
        %add3A_97 = arith.addi %scan3A_79, %add3A_96 : i32
        %lt3A = arith.constant 26 : i32
        %lt3A_98 = arith.cmpi slt, %add3A_97, %lt3A : i32
        %convert_element_type3A_99 = arith.extui %lt3A_98 : i1 to i32
        %cond3A_100 = arith.constant 0 : i32
        %cond3A_101 = arith.cmpi ne, %convert_element_type3A_99, %cond3A_100 : i32
        scf.if %cond3A_101 {
          %add3A_124 = arith.constant 1 : i32
          %add3A_125 = arith.addi %scan3A_79, %add3A_124 : i32
          %dma_start3A_126 = arith.constant 0 : i32
          %dma_start3A_127 = arith.constant 0 : i32
          %dma_start3A_128 = tpu.memref_slice %arg9[%dma_start3A_126, %dma_start3A_127] : memref<512x32xf32, #tpu.memory_space<vmem>> -> memref<128x32xf32, #tpu.memory_space<vmem>>
          %dma_start3A_129 = arith.constant 0 : i32
          %dma_start3A_130 = tpu.memref_slice %arg6[%add3A_125, %dma_start3A_129] : memref<32x512xi32, #tpu.memory_space<vmem>> -> memref<1x128xi32, #tpu.memory_space<vmem>>
          %dma_start3A_131 = tpu.memref_squeeze %dma_start3A_130 : memref<1x128xi32, #tpu.memory_space<vmem>> -> memref<128xi32, #tpu.memory_space<vmem>>
          %dma_start3A_132 = arith.constant 0 : i32
          %dma_start3A_133 = arith.constant 0 : i32
          %dma_start3A_134 = tpu.memref_slice %arg4[%dma_start3A_132, %dma_start3A_133] : memref<1000000x32xf32, #tpu.memory_space<hbm>> -> memref<1000000x32xf32, #tpu.memory_space<hbm>>
          tpu.enqueue_indirect_dma source(%dma_start3A_134 : memref<1000000x32xf32, #tpu.memory_space<hbm>>) target(%dma_start3A_128 : memref<128x32xf32, #tpu.memory_space<vmem>>) offsets(%dma_start3A_131 : memref<128xi32, #tpu.memory_space<vmem>>) semaphore(%arg13 : memref<!tpu.dma_semaphore, #tpu.memory_space<semaphore_mem>>)
          %dma_start3A_135 = arith.constant 128 : i32
          %dma_start3A_136 = arith.constant 0 : i32
          %dma_start3A_137 = tpu.memref_slice %arg9[%dma_start3A_135, %dma_start3A_136] : memref<512x32xf32, #tpu.memory_space<vmem>> -> memref<128x32xf32, #tpu.memory_space<vmem>>
          %dma_start3A_138 = arith.constant 128 : i32
          %dma_start3A_139 = tpu.memref_slice %arg6[%add3A_125, %dma_start3A_138] : memref<32x512xi32, #tpu.memory_space<vmem>> -> memref<1x128xi32, #tpu.memory_space<vmem>>
          %dma_start3A_140 = tpu.memref_squeeze %dma_start3A_139 : memref<1x128xi32, #tpu.memory_space<vmem>> -> memref<128xi32, #tpu.memory_space<vmem>>
          %dma_start3A_141 = arith.constant 0 : i32
          %dma_start3A_142 = arith.constant 0 : i32
          %dma_start3A_143 = tpu.memref_slice %arg4[%dma_start3A_141, %dma_start3A_142] : memref<1000000x32xf32, #tpu.memory_space<hbm>> -> memref<1000000x32xf32, #tpu.memory_space<hbm>>
          tpu.enqueue_indirect_dma source(%dma_start3A_143 : memref<1000000x32xf32, #tpu.memory_space<hbm>>) target(%dma_start3A_137 : memref<128x32xf32, #tpu.memory_space<vmem>>) offsets(%dma_start3A_140 : memref<128xi32, #tpu.memory_space<vmem>>) semaphore(%arg13 : memref<!tpu.dma_semaphore, #tpu.memory_space<semaphore_mem>>)
          %dma_start3A_144 = arith.constant 256 : i32
          %dma_start3A_145 = arith.constant 0 : i32
          %dma_start3A_146 = tpu.memref_slice %arg9[%dma_start3A_144, %dma_start3A_145] : memref<512x32xf32, #tpu.memory_space<vmem>> -> memref<128x32xf32, #tpu.memory_space<vmem>>
          %dma_start3A_147 = arith.constant 256 : i32
          %dma_start3A_148 = tpu.memref_slice %arg6[%add3A_125, %dma_start3A_147] : memref<32x512xi32, #tpu.memory_space<vmem>> -> memref<1x128xi32, #tpu.memory_space<vmem>>
          %dma_start3A_149 = tpu.memref_squeeze %dma_start3A_148 : memref<1x128xi32, #tpu.memory_space<vmem>> -> memref<128xi32, #tpu.memory_space<vmem>>
          %dma_start3A_150 = arith.constant 0 : i32
          %dma_start3A_151 = arith.constant 0 : i32
          %dma_start3A_152 = tpu.memref_slice %arg4[%dma_start3A_150, %dma_start3A_151] : memref<1000000x32xf32, #tpu.memory_space<hbm>> -> memref<1000000x32xf32, #tpu.memory_space<hbm>>
          tpu.enqueue_indirect_dma source(%dma_start3A_152 : memref<1000000x32xf32, #tpu.memory_space<hbm>>) target(%dma_start3A_146 : memref<128x32xf32, #tpu.memory_space<vmem>>) offsets(%dma_start3A_149 : memref<128xi32, #tpu.memory_space<vmem>>) semaphore(%arg13 : memref<!tpu.dma_semaphore, #tpu.memory_space<semaphore_mem>>)
          %dma_start3A_153 = arith.constant 384 : i32
          %dma_start3A_154 = arith.constant 0 : i32
          %dma_start3A_155 = tpu.memref_slice %arg9[%dma_start3A_153, %dma_start3A_154] : memref<512x32xf32, #tpu.memory_space<vmem>> -> memref<128x32xf32, #tpu.memory_space<vmem>>
          %dma_start3A_156 = arith.constant 384 : i32
          %dma_start3A_157 = tpu.memref_slice %arg6[%add3A_125, %dma_start3A_156] : memref<32x512xi32, #tpu.memory_space<vmem>> -> memref<1x128xi32, #tpu.memory_space<vmem>>
          %dma_start3A_158 = tpu.memref_squeeze %dma_start3A_157 : memref<1x128xi32, #tpu.memory_space<vmem>> -> memref<128xi32, #tpu.memory_space<vmem>>
          %dma_start3A_159 = arith.constant 0 : i32
          %dma_start3A_160 = arith.constant 0 : i32
          %dma_start3A_161 = tpu.memref_slice %arg4[%dma_start3A_159, %dma_start3A_160] : memref<1000000x32xf32, #tpu.memory_space<hbm>> -> memref<1000000x32xf32, #tpu.memory_space<hbm>>
          tpu.enqueue_indirect_dma source(%dma_start3A_161 : memref<1000000x32xf32, #tpu.memory_space<hbm>>) target(%dma_start3A_155 : memref<128x32xf32, #tpu.memory_space<vmem>>) offsets(%dma_start3A_158 : memref<128xi32, #tpu.memory_space<vmem>>) semaphore(%arg13 : memref<!tpu.dma_semaphore, #tpu.memory_space<semaphore_mem>>)
        } else {
        }
        %ge3A = arith.constant 2 : i32
        %ge3A_102 = arith.cmpi sge, %scan3A_79, %ge3A : i32
        %convert_element_type3A_103 = arith.extui %ge3A_102 : i1 to i32
        %cond3A_104 = arith.constant 0 : i32
        %cond3A_105 = arith.cmpi ne, %convert_element_type3A_103, %cond3A_104 : i32
        scf.if %cond3A_105 {
          %dma_wait3A_124 = arith.constant 0 : i32
          %dma_wait3A_125 = arith.constant 0 : i32
          %dma_wait3A_126 = arith.constant 0 : i32
          %dma_wait3A_127 = tpu.memref_slice %arg10[%dma_wait3A_125, %dma_wait3A_126] : memref<32x513xf32, #tpu.memory_space<vmem>> -> memref<32x512xf32, #tpu.memory_space<vmem>>
          %dma_wait3A_128 = arith.constant 0 : i32
          %dma_wait3A_129 = arith.constant 0 : i32
          %dma_wait3A_130 = tpu.memref_slice %arg5[%dma_wait3A_124, %dma_wait3A_128, %dma_wait3A_129] : memref<26x32x16384xf32, #tpu.memory_space<hbm>> -> memref<1x32x512xf32, #tpu.memory_space<hbm>>
          %dma_wait3A_131 = tpu.memref_squeeze %dma_wait3A_130 : memref<1x32x512xf32, #tpu.memory_space<hbm>> -> memref<32x512xf32, #tpu.memory_space<hbm>>
          %dma_wait3A_132 = arith.constant 0 : i32
          %dma_wait3A_133 = arith.constant 0 : i32
          %dma_wait3A_134 = tpu.memref_slice %arg10[%dma_wait3A_132, %dma_wait3A_133] : memref<32x513xf32, #tpu.memory_space<vmem>> -> memref<32x512xf32, #tpu.memory_space<vmem>>
          %dma_wait3A_135 = arith.constant 0 : i32
          %dma_wait3A_136 = arith.constant 0 : i32
          %dma_wait3A_137 = tpu.memref_slice %arg5[%dma_wait3A_124, %dma_wait3A_135, %dma_wait3A_136] : memref<26x32x16384xf32, #tpu.memory_space<hbm>> -> memref<1x32x512xf32, #tpu.memory_space<hbm>>
          %dma_wait3A_138 = tpu.memref_squeeze %dma_wait3A_137 : memref<1x32x512xf32, #tpu.memory_space<hbm>> -> memref<32x512xf32, #tpu.memory_space<hbm>>
          tpu.wait_dma2 semaphore(%arg14 : memref<!tpu.dma_semaphore, #tpu.memory_space<semaphore_mem>>) src(%dma_wait3A_138 : memref<32x512xf32, #tpu.memory_space<hbm>>) dst(%dma_wait3A_134 : memref<32x512xf32, #tpu.memory_space<vmem>>)
        } else {
        }
        %scan3A_106 = arith.constant 0 : i32
        %scan3A_107 = arith.constant 0 : i32
        %scan3A_108 = arith.constant 32 : i32
        %scan3A_109 = arith.addi %scan3A_107, %scan3A_108 : i32
        %scan3A_110 = arith.constant 1 : i32
        scf.for %scan3A_124 = %scan3A_107 to %scan3A_109 step %scan3A_110  : i32 {
          %mul3A_125 = arith.constant 16 : i32
          %mul3A_126 = arith.muli %scan3A_124, %mul3A_125 : i32
          %get3A = arith.index_cast %scan3A_79 : i32 to index
          %get3A_127 = arith.index_cast %mul3A_126 : i32 to index
          %get3A_128 = tpu.vector_load %arg7[%get3A, %get3A_127] {strides = array<i32>} : memref<32x512xf32, #tpu.memory_space<vmem>>, vector<16xf32>,
          %mul3A_129 = arith.constant 16 : i32
          %mul3A_130 = arith.muli %scan3A_124, %mul3A_129 : i32
          %add3A_131 = arith.constant 0 : i32
          %add3A_132 = arith.addi %mul3A_130, %add3A_131 : i32
          %slice3A = vector.extract_strided_slice %get3A_128 {offsets = [0], sizes = [1], strides = [1]} : vector<16xf32> to vector<1xf32>
          %squeeze3A = vector.extract %slice3A[0] : f32 from vector<1xf32>
          %mul3A_133 = arith.constant 0 : i32
          %mul3A_134 = vector.broadcast %mul3A_133 : i32 to vector<16xi32>
          %mul3A_135 = arith.muli %iota3A, %mul3A_134 : vector<16xi32>
          %add3A_136 = vector.broadcast %add3A_132 : i32 to vector<16xi32>
          %add3A_137 = arith.addi %mul3A_135, %add3A_136 : vector<16xi32>
          %get3A_138 = arith.index_cast %add3A_132 : i32 to index
          %get3A_139 = arith.constant 0 : index
          %get3A_140 = tpu.vector_load %arg8[%get3A_138, %get3A_139] {strides = array<i32>} : memref<512x32xf32, #tpu.memory_space<vmem>>, vector<16xf32>,
          %mul3A_141 = vector.broadcast %squeeze3A : f32 to vector<16xf32>
          %mul3A_142 = arith.mulf %get3A_140, %mul3A_141 : vector<16xf32>
          tpu.vector_store_idx %arg10[%iota3A, %add3A_137], %mul3A_142 : memref<32x513xf32, #tpu.memory_space<vmem>>[vector<16xi32>, vector<16xi32>], vector<16xf32>,
          %get3A_143 = arith.index_cast %add3A_132 : i32 to index
          %get3A_144 = arith.constant 16 : index
          %get3A_145 = tpu.vector_load %arg8[%get3A_143, %get3A_144] {strides = array<i32>} : memref<512x32xf32, #tpu.memory_space<vmem>>, vector<16xf32>,
          %mul3A_146 = vector.broadcast %squeeze3A : f32 to vector<16xf32>
          %mul3A_147 = arith.mulf %get3A_145, %mul3A_146 : vector<16xf32>
          tpu.vector_store_idx %arg10[%add3A_5, %add3A_137], %mul3A_147 : memref<32x513xf32, #tpu.memory_space<vmem>>[vector<16xi32>, vector<16xi32>], vector<16xf32>,
          %mul3A_148 = arith.constant 16 : i32
          %mul3A_149 = arith.muli %scan3A_124, %mul3A_148 : i32
          %add3A_150 = arith.constant 1 : i32
          %add3A_151 = arith.addi %mul3A_149, %add3A_150 : i32
          %slice3A_152 = vector.extract_strided_slice %get3A_128 {offsets = [1], sizes = [1], strides = [1]} : vector<16xf32> to vector<1xf32>
          %squeeze3A_153 = vector.extract %slice3A_152[0] : f32 from vector<1xf32>
          %mul3A_154 = arith.constant 0 : i32
          %mul3A_155 = vector.broadcast %mul3A_154 : i32 to vector<16xi32>
          %mul3A_156 = arith.muli %iota3A, %mul3A_155 : vector<16xi32>
          %add3A_157 = vector.broadcast %add3A_151 : i32 to vector<16xi32>
          %add3A_158 = arith.addi %mul3A_156, %add3A_157 : vector<16xi32>
          %get3A_159 = arith.index_cast %add3A_151 : i32 to index
          %get3A_160 = arith.constant 0 : index
          %get3A_161 = tpu.vector_load %arg8[%get3A_159, %get3A_160] {strides = array<i32>} : memref<512x32xf32, #tpu.memory_space<vmem>>, vector<16xf32>,
          %mul3A_162 = vector.broadcast %squeeze3A_153 : f32 to vector<16xf32>
          %mul3A_163 = arith.mulf %get3A_161, %mul3A_162 : vector<16xf32>
          tpu.vector_store_idx %arg10[%iota3A, %add3A_158], %mul3A_163 : memref<32x513xf32, #tpu.memory_space<vmem>>[vector<16xi32>, vector<16xi32>], vector<16xf32>,
          %get3A_164 = arith.index_cast %add3A_151 : i32 to index
          %get3A_165 = arith.constant 16 : index
          %get3A_166 = tpu.vector_load %arg8[%get3A_164, %get3A_165] {strides = array<i32>} : memref<512x32xf32, #tpu.memory_space<vmem>>, vector<16xf32>,
          %mul3A_167 = vector.broadcast %squeeze3A_153 : f32 to vector<16xf32>
          %mul3A_168 = arith.mulf %get3A_166, %mul3A_167 : vector<16xf32>
          tpu.vector_store_idx %arg10[%add3A_5, %add3A_158], %mul3A_168 : memref<32x513xf32, #tpu.memory_space<vmem>>[vector<16xi32>, vector<16xi32>], vector<16xf32>,
          %mul3A_169 = arith.constant 16 : i32
          %mul3A_170 = arith.muli %scan3A_124, %mul3A_169 : i32
          %add3A_171 = arith.constant 2 : i32
          %add3A_172 = arith.addi %mul3A_170, %add3A_171 : i32
          %slice3A_173 = vector.extract_strided_slice %get3A_128 {offsets = [2], sizes = [1], strides = [1]} : vector<16xf32> to vector<1xf32>
          %squeeze3A_174 = vector.extract %slice3A_173[0] : f32 from vector<1xf32>
          %mul3A_175 = arith.constant 0 : i32
          %mul3A_176 = vector.broadcast %mul3A_175 : i32 to vector<16xi32>
          %mul3A_177 = arith.muli %iota3A, %mul3A_176 : vector<16xi32>
          %add3A_178 = vector.broadcast %add3A_172 : i32 to vector<16xi32>
          %add3A_179 = arith.addi %mul3A_177, %add3A_178 : vector<16xi32>
          %get3A_180 = arith.index_cast %add3A_172 : i32 to index
          %get3A_181 = arith.constant 0 : index
          %get3A_182 = tpu.vector_load %arg8[%get3A_180, %get3A_181] {strides = array<i32>} : memref<512x32xf32, #tpu.memory_space<vmem>>, vector<16xf32>,
          %mul3A_183 = vector.broadcast %squeeze3A_174 : f32 to vector<16xf32>
          %mul3A_184 = arith.mulf %get3A_182, %mul3A_183 : vector<16xf32>
          tpu.vector_store_idx %arg10[%iota3A, %add3A_179], %mul3A_184 : memref<32x513xf32, #tpu.memory_space<vmem>>[vector<16xi32>, vector<16xi32>], vector<16xf32>,
          %get3A_185 = arith.index_cast %add3A_172 : i32 to index
          %get3A_186 = arith.constant 16 : index
          %get3A_187 = tpu.vector_load %arg8[%get3A_185, %get3A_186] {strides = array<i32>} : memref<512x32xf32, #tpu.memory_space<vmem>>, vector<16xf32>,
          %mul3A_188 = vector.broadcast %squeeze3A_174 : f32 to vector<16xf32>
          %mul3A_189 = arith.mulf %get3A_187, %mul3A_188 : vector<16xf32>
          tpu.vector_store_idx %arg10[%add3A_5, %add3A_179], %mul3A_189 : memref<32x513xf32, #tpu.memory_space<vmem>>[vector<16xi32>, vector<16xi32>], vector<16xf32>,
          %mul3A_190 = arith.constant 16 : i32
          %mul3A_191 = arith.muli %scan3A_124, %mul3A_190 : i32
          %add3A_192 = arith.constant 3 : i32
          %add3A_193 = arith.addi %mul3A_191, %add3A_192 : i32
          %slice3A_194 = vector.extract_strided_slice %get3A_128 {offsets = [3], sizes = [1], strides = [1]} : vector<16xf32> to vector<1xf32>
          %squeeze3A_195 = vector.extract %slice3A_194[0] : f32 from vector<1xf32>
          %mul3A_196 = arith.constant 0 : i32
          %mul3A_197 = vector.broadcast %mul3A_196 : i32 to vector<16xi32>
          %mul3A_198 = arith.muli %iota3A, %mul3A_197 : vector<16xi32>
          %add3A_199 = vector.broadcast %add3A_193 : i32 to vector<16xi32>
          %add3A_200 = arith.addi %mul3A_198, %add3A_199 : vector<16xi32>
          %get3A_201 = arith.index_cast %add3A_193 : i32 to index
          %get3A_202 = arith.constant 0 : index
          %get3A_203 = tpu.vector_load %arg8[%get3A_201, %get3A_202] {strides = array<i32>} : memref<512x32xf32, #tpu.memory_space<vmem>>, vector<16xf32>,
          %mul3A_204 = vector.broadcast %squeeze3A_195 : f32 to vector<16xf32>
          %mul3A_205 = arith.mulf %get3A_203, %mul3A_204 : vector<16xf32>
          tpu.vector_store_idx %arg10[%iota3A, %add3A_200], %mul3A_205 : memref<32x513xf32, #tpu.memory_space<vmem>>[vector<16xi32>, vector<16xi32>], vector<16xf32>,
          %get3A_206 = arith.index_cast %add3A_193 : i32 to index
          %get3A_207 = arith.constant 16 : index
          %get3A_208 = tpu.vector_load %arg8[%get3A_206, %get3A_207] {strides = array<i32>} : memref<512x32xf32, #tpu.memory_space<vmem>>, vector<16xf32>,
          %mul3A_209 = vector.broadcast %squeeze3A_195 : f32 to vector<16xf32>
          %mul3A_210 = arith.mulf %get3A_208, %mul3A_209 : vector<16xf32>
          tpu.vector_store_idx %arg10[%add3A_5, %add3A_200], %mul3A_210 : memref<32x513xf32, #tpu.memory_space<vmem>>[vector<16xi32>, vector<16xi32>], vector<16xf32>,
          %mul3A_211 = arith.constant 16 : i32
          %mul3A_212 = arith.muli %scan3A_124, %mul3A_211 : i32
          %add3A_213 = arith.constant 4 : i32
          %add3A_214 = arith.addi %mul3A_212, %add3A_213 : i32
          %slice3A_215 = vector.extract_strided_slice %get3A_128 {offsets = [4], sizes = [1], strides = [1]} : vector<16xf32> to vector<1xf32>
          %squeeze3A_216 = vector.extract %slice3A_215[0] : f32 from vector<1xf32>
          %mul3A_217 = arith.constant 0 : i32
          %mul3A_218 = vector.broadcast %mul3A_217 : i32 to vector<16xi32>
          %mul3A_219 = arith.muli %iota3A, %mul3A_218 : vector<16xi32>
          %add3A_220 = vector.broadcast %add3A_214 : i32 to vector<16xi32>
          %add3A_221 = arith.addi %mul3A_219, %add3A_220 : vector<16xi32>
          %get3A_222 = arith.index_cast %add3A_214 : i32 to index
          %get3A_223 = arith.constant 0 : index
          %get3A_224 = tpu.vector_load %arg8[%get3A_222, %get3A_223] {strides = array<i32>} : memref<512x32xf32, #tpu.memory_space<vmem>>, vector<16xf32>,
          %mul3A_225 = vector.broadcast %squeeze3A_216 : f32 to vector<16xf32>
          %mul3A_226 = arith.mulf %get3A_224, %mul3A_225 : vector<16xf32>
          tpu.vector_store_idx %arg10[%iota3A, %add3A_221], %mul3A_226 : memref<32x513xf32, #tpu.memory_space<vmem>>[vector<16xi32>, vector<16xi32>], vector<16xf32>,
          %get3A_227 = arith.index_cast %add3A_214 : i32 to index
          %get3A_228 = arith.constant 16 : index
          %get3A_229 = tpu.vector_load %arg8[%get3A_227, %get3A_228] {strides = array<i32>} : memref<512x32xf32, #tpu.memory_space<vmem>>, vector<16xf32>,
          %mul3A_230 = vector.broadcast %squeeze3A_216 : f32 to vector<16xf32>
          %mul3A_231 = arith.mulf %get3A_229, %mul3A_230 : vector<16xf32>
          tpu.vector_store_idx %arg10[%add3A_5, %add3A_221], %mul3A_231 : memref<32x513xf32, #tpu.memory_space<vmem>>[vector<16xi32>, vector<16xi32>], vector<16xf32>,
          %mul3A_232 = arith.constant 16 : i32
          %mul3A_233 = arith.muli %scan3A_124, %mul3A_232 : i32
          %add3A_234 = arith.constant 5 : i32
          %add3A_235 = arith.addi %mul3A_233, %add3A_234 : i32
          %slice3A_236 = vector.extract_strided_slice %get3A_128 {offsets = [5], sizes = [1], strides = [1]} : vector<16xf32> to vector<1xf32>
          %squeeze3A_237 = vector.extract %slice3A_236[0] : f32 from vector<1xf32>
          %mul3A_238 = arith.constant 0 : i32
          %mul3A_239 = vector.broadcast %mul3A_238 : i32 to vector<16xi32>
          %mul3A_240 = arith.muli %iota3A, %mul3A_239 : vector<16xi32>
          %add3A_241 = vector.broadcast %add3A_235 : i32 to vector<16xi32>
          %add3A_242 = arith.addi %mul3A_240, %add3A_241 : vector<16xi32>
          %get3A_243 = arith.index_cast %add3A_235 : i32 to index
          %get3A_244 = arith.constant 0 : index
          %get3A_245 = tpu.vector_load %arg8[%get3A_243, %get3A_244] {strides = array<i32>} : memref<512x32xf32, #tpu.memory_space<vmem>>, vector<16xf32>,
          %mul3A_246 = vector.broadcast %squeeze3A_237 : f32 to vector<16xf32>
          %mul3A_247 = arith.mulf %get3A_245, %mul3A_246 : vector<16xf32>
          tpu.vector_store_idx %arg10[%iota3A, %add3A_242], %mul3A_247 : memref<32x513xf32, #tpu.memory_space<vmem>>[vector<16xi32>, vector<16xi32>], vector<16xf32>,
          %get3A_248 = arith.index_cast %add3A_235 : i32 to index
          %get3A_249 = arith.constant 16 : index
          %get3A_250 = tpu.vector_load %arg8[%get3A_248, %get3A_249] {strides = array<i32>} : memref<512x32xf32, #tpu.memory_space<vmem>>, vector<16xf32>,
          %mul3A_251 = vector.broadcast %squeeze3A_237 : f32 to vector<16xf32>
          %mul3A_252 = arith.mulf %get3A_250, %mul3A_251 : vector<16xf32>
          tpu.vector_store_idx %arg10[%add3A_5, %add3A_242], %mul3A_252 : memref<32x513xf32, #tpu.memory_space<vmem>>[vector<16xi32>, vector<16xi32>], vector<16xf32>,
          %mul3A_253 = arith.constant 16 : i32
          %mul3A_254 = arith.muli %scan3A_124, %mul3A_253 : i32
          %add3A_255 = arith.constant 6 : i32
          %add3A_256 = arith.addi %mul3A_254, %add3A_255 : i32
          %slice3A_257 = vector.extract_strided_slice %get3A_128 {offsets = [6], sizes = [1], strides = [1]} : vector<16xf32> to vector<1xf32>
          %squeeze3A_258 = vector.extract %slice3A_257[0] : f32 from vector<1xf32>
          %mul3A_259 = arith.constant 0 : i32
          %mul3A_260 = vector.broadcast %mul3A_259 : i32 to vector<16xi32>
          %mul3A_261 = arith.muli %iota3A, %mul3A_260 : vector<16xi32>
          %add3A_262 = vector.broadcast %add3A_256 : i32 to vector<16xi32>
          %add3A_263 = arith.addi %mul3A_261, %add3A_262 : vector<16xi32>
          %get3A_264 = arith.index_cast %add3A_256 : i32 to index
          %get3A_265 = arith.constant 0 : index
          %get3A_266 = tpu.vector_load %arg8[%get3A_264, %get3A_265] {strides = array<i32>} : memref<512x32xf32, #tpu.memory_space<vmem>>, vector<16xf32>,
          %mul3A_267 = vector.broadcast %squeeze3A_258 : f32 to vector<16xf32>
          %mul3A_268 = arith.mulf %get3A_266, %mul3A_267 : vector<16xf32>
          tpu.vector_store_idx %arg10[%iota3A, %add3A_263], %mul3A_268 : memref<32x513xf32, #tpu.memory_space<vmem>>[vector<16xi32>, vector<16xi32>], vector<16xf32>,
          %get3A_269 = arith.index_cast %add3A_256 : i32 to index
          %get3A_270 = arith.constant 16 : index
          %get3A_271 = tpu.vector_load %arg8[%get3A_269, %get3A_270] {strides = array<i32>} : memref<512x32xf32, #tpu.memory_space<vmem>>, vector<16xf32>,
          %mul3A_272 = vector.broadcast %squeeze3A_258 : f32 to vector<16xf32>
          %mul3A_273 = arith.mulf %get3A_271, %mul3A_272 : vector<16xf32>
          tpu.vector_store_idx %arg10[%add3A_5, %add3A_263], %mul3A_273 : memref<32x513xf32, #tpu.memory_space<vmem>>[vector<16xi32>, vector<16xi32>], vector<16xf32>,
          %mul3A_274 = arith.constant 16 : i32
          %mul3A_275 = arith.muli %scan3A_124, %mul3A_274 : i32
          %add3A_276 = arith.constant 7 : i32
          %add3A_277 = arith.addi %mul3A_275, %add3A_276 : i32
          %slice3A_278 = vector.extract_strided_slice %get3A_128 {offsets = [7], sizes = [1], strides = [1]} : vector<16xf32> to vector<1xf32>
          %squeeze3A_279 = vector.extract %slice3A_278[0] : f32 from vector<1xf32>
          %mul3A_280 = arith.constant 0 : i32
          %mul3A_281 = vector.broadcast %mul3A_280 : i32 to vector<16xi32>
          %mul3A_282 = arith.muli %iota3A, %mul3A_281 : vector<16xi32>
          %add3A_283 = vector.broadcast %add3A_277 : i32 to vector<16xi32>
          %add3A_284 = arith.addi %mul3A_282, %add3A_283 : vector<16xi32>
          %get3A_285 = arith.index_cast %add3A_277 : i32 to index
          %get3A_286 = arith.constant 0 : index
          %get3A_287 = tpu.vector_load %arg8[%get3A_285, %get3A_286] {strides = array<i32>} : memref<512x32xf32, #tpu.memory_space<vmem>>, vector<16xf32>,
          %mul3A_288 = vector.broadcast %squeeze3A_279 : f32 to vector<16xf32>
          %mul3A_289 = arith.mulf %get3A_287, %mul3A_288 : vector<16xf32>
          tpu.vector_store_idx %arg10[%iota3A, %add3A_284], %mul3A_289 : memref<32x513xf32, #tpu.memory_space<vmem>>[vector<16xi32>, vector<16xi32>], vector<16xf32>,
          %get3A_290 = arith.index_cast %add3A_277 : i32 to index
          %get3A_291 = arith.constant 16 : index
          %get3A_292 = tpu.vector_load %arg8[%get3A_290, %get3A_291] {strides = array<i32>} : memref<512x32xf32, #tpu.memory_space<vmem>>, vector<16xf32>,
          %mul3A_293 = vector.broadcast %squeeze3A_279 : f32 to vector<16xf32>
          %mul3A_294 = arith.mulf %get3A_292, %mul3A_293 : vector<16xf32>
          tpu.vector_store_idx %arg10[%add3A_5, %add3A_284], %mul3A_294 : memref<32x513xf32, #tpu.memory_space<vmem>>[vector<16xi32>, vector<16xi32>], vector<16xf32>,
          %mul3A_295 = arith.constant 16 : i32
          %mul3A_296 = arith.muli %scan3A_124, %mul3A_295 : i32
          %add3A_297 = arith.constant 8 : i32
          %add3A_298 = arith.addi %mul3A_296, %add3A_297 : i32
          %slice3A_299 = vector.extract_strided_slice %get3A_128 {offsets = [8], sizes = [1], strides = [1]} : vector<16xf32> to vector<1xf32>
          %squeeze3A_300 = vector.extract %slice3A_299[0] : f32 from vector<1xf32>
          %mul3A_301 = arith.constant 0 : i32
          %mul3A_302 = vector.broadcast %mul3A_301 : i32 to vector<16xi32>
          %mul3A_303 = arith.muli %iota3A, %mul3A_302 : vector<16xi32>
          %add3A_304 = vector.broadcast %add3A_298 : i32 to vector<16xi32>
          %add3A_305 = arith.addi %mul3A_303, %add3A_304 : vector<16xi32>
          %get3A_306 = arith.index_cast %add3A_298 : i32 to index
          %get3A_307 = arith.constant 0 : index
          %get3A_308 = tpu.vector_load %arg8[%get3A_306, %get3A_307] {strides = array<i32>} : memref<512x32xf32, #tpu.memory_space<vmem>>, vector<16xf32>,
          %mul3A_309 = vector.broadcast %squeeze3A_300 : f32 to vector<16xf32>
          %mul3A_310 = arith.mulf %get3A_308, %mul3A_309 : vector<16xf32>
          tpu.vector_store_idx %arg10[%iota3A, %add3A_305], %mul3A_310 : memref<32x513xf32, #tpu.memory_space<vmem>>[vector<16xi32>, vector<16xi32>], vector<16xf32>,
          %get3A_311 = arith.index_cast %add3A_298 : i32 to index
          %get3A_312 = arith.constant 16 : index
          %get3A_313 = tpu.vector_load %arg8[%get3A_311, %get3A_312] {strides = array<i32>} : memref<512x32xf32, #tpu.memory_space<vmem>>, vector<16xf32>,
          %mul3A_314 = vector.broadcast %squeeze3A_300 : f32 to vector<16xf32>
          %mul3A_315 = arith.mulf %get3A_313, %mul3A_314 : vector<16xf32>
          tpu.vector_store_idx %arg10[%add3A_5, %add3A_305], %mul3A_315 : memref<32x513xf32, #tpu.memory_space<vmem>>[vector<16xi32>, vector<16xi32>], vector<16xf32>,
          %mul3A_316 = arith.constant 16 : i32
          %mul3A_317 = arith.muli %scan3A_124, %mul3A_316 : i32
          %add3A_318 = arith.constant 9 : i32
          %add3A_319 = arith.addi %mul3A_317, %add3A_318 : i32
          %slice3A_320 = vector.extract_strided_slice %get3A_128 {offsets = [9], sizes = [1], strides = [1]} : vector<16xf32> to vector<1xf32>
          %squeeze3A_321 = vector.extract %slice3A_320[0] : f32 from vector<1xf32>
          %mul3A_322 = arith.constant 0 : i32
          %mul3A_323 = vector.broadcast %mul3A_322 : i32 to vector<16xi32>
          %mul3A_324 = arith.muli %iota3A, %mul3A_323 : vector<16xi32>
          %add3A_325 = vector.broadcast %add3A_319 : i32 to vector<16xi32>
          %add3A_326 = arith.addi %mul3A_324, %add3A_325 : vector<16xi32>
          %get3A_327 = arith.index_cast %add3A_319 : i32 to index
          %get3A_328 = arith.constant 0 : index
          %get3A_329 = tpu.vector_load %arg8[%get3A_327, %get3A_328] {strides = array<i32>} : memref<512x32xf32, #tpu.memory_space<vmem>>, vector<16xf32>,
          %mul3A_330 = vector.broadcast %squeeze3A_321 : f32 to vector<16xf32>
          %mul3A_331 = arith.mulf %get3A_329, %mul3A_330 : vector<16xf32>
          tpu.vector_store_idx %arg10[%iota3A, %add3A_326], %mul3A_331 : memref<32x513xf32, #tpu.memory_space<vmem>>[vector<16xi32>, vector<16xi32>], vector<16xf32>,
          %get3A_332 = arith.index_cast %add3A_319 : i32 to index
          %get3A_333 = arith.constant 16 : index
          %get3A_334 = tpu.vector_load %arg8[%get3A_332, %get3A_333] {strides = array<i32>} : memref<512x32xf32, #tpu.memory_space<vmem>>, vector<16xf32>,
          %mul3A_335 = vector.broadcast %squeeze3A_321 : f32 to vector<16xf32>
          %mul3A_336 = arith.mulf %get3A_334, %mul3A_335 : vector<16xf32>
          tpu.vector_store_idx %arg10[%add3A_5, %add3A_326], %mul3A_336 : memref<32x513xf32, #tpu.memory_space<vmem>>[vector<16xi32>, vector<16xi32>], vector<16xf32>,
          %mul3A_337 = arith.constant 16 : i32
          %mul3A_338 = arith.muli %scan3A_124, %mul3A_337 : i32
          %add3A_339 = arith.constant 10 : i32
          %add3A_340 = arith.addi %mul3A_338, %add3A_339 : i32
          %slice3A_341 = vector.extract_strided_slice %get3A_128 {offsets = [10], sizes = [1], strides = [1]} : vector<16xf32> to vector<1xf32>
          %squeeze3A_342 = vector.extract %slice3A_341[0] : f32 from vector<1xf32>
          %mul3A_343 = arith.constant 0 : i32
          %mul3A_344 = vector.broadcast %mul3A_343 : i32 to vector<16xi32>
          %mul3A_345 = arith.muli %iota3A, %mul3A_344 : vector<16xi32>
          %add3A_346 = vector.broadcast %add3A_340 : i32 to vector<16xi32>
          %add3A_347 = arith.addi %mul3A_345, %add3A_346 : vector<16xi32>
          %get3A_348 = arith.index_cast %add3A_340 : i32 to index
          %get3A_349 = arith.constant 0 : index
          %get3A_350 = tpu.vector_load %arg8[%get3A_348, %get3A_349] {strides = array<i32>} : memref<512x32xf32, #tpu.memory_space<vmem>>, vector<16xf32>,
          %mul3A_351 = vector.broadcast %squeeze3A_342 : f32 to vector<16xf32>
          %mul3A_352 = arith.mulf %get3A_350, %mul3A_351 : vector<16xf32>
          tpu.vector_store_idx %arg10[%iota3A, %add3A_347], %mul3A_352 : memref<32x513xf32, #tpu.memory_space<vmem>>[vector<16xi32>, vector<16xi32>], vector<16xf32>,
          %get3A_353 = arith.index_cast %add3A_340 : i32 to index
          %get3A_354 = arith.constant 16 : index
          %get3A_355 = tpu.vector_load %arg8[%get3A_353, %get3A_354] {strides = array<i32>} : memref<512x32xf32, #tpu.memory_space<vmem>>, vector<16xf32>,
          %mul3A_356 = vector.broadcast %squeeze3A_342 : f32 to vector<16xf32>
          %mul3A_357 = arith.mulf %get3A_355, %mul3A_356 : vector<16xf32>
          tpu.vector_store_idx %arg10[%add3A_5, %add3A_347], %mul3A_357 : memref<32x513xf32, #tpu.memory_space<vmem>>[vector<16xi32>, vector<16xi32>], vector<16xf32>,
          %mul3A_358 = arith.constant 16 : i32
          %mul3A_359 = arith.muli %scan3A_124, %mul3A_358 : i32
          %add3A_360 = arith.constant 11 : i32
          %add3A_361 = arith.addi %mul3A_359, %add3A_360 : i32
          %slice3A_362 = vector.extract_strided_slice %get3A_128 {offsets = [11], sizes = [1], strides = [1]} : vector<16xf32> to vector<1xf32>
          %squeeze3A_363 = vector.extract %slice3A_362[0] : f32 from vector<1xf32>
          %mul3A_364 = arith.constant 0 : i32
          %mul3A_365 = vector.broadcast %mul3A_364 : i32 to vector<16xi32>
          %mul3A_366 = arith.muli %iota3A, %mul3A_365 : vector<16xi32>
          %add3A_367 = vector.broadcast %add3A_361 : i32 to vector<16xi32>
          %add3A_368 = arith.addi %mul3A_366, %add3A_367 : vector<16xi32>
          %get3A_369 = arith.index_cast %add3A_361 : i32 to index
          %get3A_370 = arith.constant 0 : index
          %get3A_371 = tpu.vector_load %arg8[%get3A_369, %get3A_370] {strides = array<i32>} : memref<512x32xf32, #tpu.memory_space<vmem>>, vector<16xf32>,
          %mul3A_372 = vector.broadcast %squeeze3A_363 : f32 to vector<16xf32>
          %mul3A_373 = arith.mulf %get3A_371, %mul3A_372 : vector<16xf32>
          tpu.vector_store_idx %arg10[%iota3A, %add3A_368], %mul3A_373 : memref<32x513xf32, #tpu.memory_space<vmem>>[vector<16xi32>, vector<16xi32>], vector<16xf32>,
          %get3A_374 = arith.index_cast %add3A_361 : i32 to index
          %get3A_375 = arith.constant 16 : index
          %get3A_376 = tpu.vector_load %arg8[%get3A_374, %get3A_375] {strides = array<i32>} : memref<512x32xf32, #tpu.memory_space<vmem>>, vector<16xf32>,
          %mul3A_377 = vector.broadcast %squeeze3A_363 : f32 to vector<16xf32>
          %mul3A_378 = arith.mulf %get3A_376, %mul3A_377 : vector<16xf32>
          tpu.vector_store_idx %arg10[%add3A_5, %add3A_368], %mul3A_378 : memref<32x513xf32, #tpu.memory_space<vmem>>[vector<16xi32>, vector<16xi32>], vector<16xf32>,
          %mul3A_379 = arith.constant 16 : i32
          %mul3A_380 = arith.muli %scan3A_124, %mul3A_379 : i32
          %add3A_381 = arith.constant 12 : i32
          %add3A_382 = arith.addi %mul3A_380, %add3A_381 : i32
          %slice3A_383 = vector.extract_strided_slice %get3A_128 {offsets = [12], sizes = [1], strides = [1]} : vector<16xf32> to vector<1xf32>
          %squeeze3A_384 = vector.extract %slice3A_383[0] : f32 from vector<1xf32>
          %mul3A_385 = arith.constant 0 : i32
          %mul3A_386 = vector.broadcast %mul3A_385 : i32 to vector<16xi32>
          %mul3A_387 = arith.muli %iota3A, %mul3A_386 : vector<16xi32>
          %add3A_388 = vector.broadcast %add3A_382 : i32 to vector<16xi32>
          %add3A_389 = arith.addi %mul3A_387, %add3A_388 : vector<16xi32>
          %get3A_390 = arith.index_cast %add3A_382 : i32 to index
          %get3A_391 = arith.constant 0 : index
          %get3A_392 = tpu.vector_load %arg8[%get3A_390, %get3A_391] {strides = array<i32>} : memref<512x32xf32, #tpu.memory_space<vmem>>, vector<16xf32>,
          %mul3A_393 = vector.broadcast %squeeze3A_384 : f32 to vector<16xf32>
          %mul3A_394 = arith.mulf %get3A_392, %mul3A_393 : vector<16xf32>
          tpu.vector_store_idx %arg10[%iota3A, %add3A_389], %mul3A_394 : memref<32x513xf32, #tpu.memory_space<vmem>>[vector<16xi32>, vector<16xi32>], vector<16xf32>,
          %get3A_395 = arith.index_cast %add3A_382 : i32 to index
          %get3A_396 = arith.constant 16 : index
          %get3A_397 = tpu.vector_load %arg8[%get3A_395, %get3A_396] {strides = array<i32>} : memref<512x32xf32, #tpu.memory_space<vmem>>, vector<16xf32>,
          %mul3A_398 = vector.broadcast %squeeze3A_384 : f32 to vector<16xf32>
          %mul3A_399 = arith.mulf %get3A_397, %mul3A_398 : vector<16xf32>
          tpu.vector_store_idx %arg10[%add3A_5, %add3A_389], %mul3A_399 : memref<32x513xf32, #tpu.memory_space<vmem>>[vector<16xi32>, vector<16xi32>], vector<16xf32>,
          %mul3A_400 = arith.constant 16 : i32
          %mul3A_401 = arith.muli %scan3A_124, %mul3A_400 : i32
          %add3A_402 = arith.constant 13 : i32
          %add3A_403 = arith.addi %mul3A_401, %add3A_402 : i32
          %slice3A_404 = vector.extract_strided_slice %get3A_128 {offsets = [13], sizes = [1], strides = [1]} : vector<16xf32> to vector<1xf32>
          %squeeze3A_405 = vector.extract %slice3A_404[0] : f32 from vector<1xf32>
          %mul3A_406 = arith.constant 0 : i32
          %mul3A_407 = vector.broadcast %mul3A_406 : i32 to vector<16xi32>
          %mul3A_408 = arith.muli %iota3A, %mul3A_407 : vector<16xi32>
          %add3A_409 = vector.broadcast %add3A_403 : i32 to vector<16xi32>
          %add3A_410 = arith.addi %mul3A_408, %add3A_409 : vector<16xi32>
          %get3A_411 = arith.index_cast %add3A_403 : i32 to index
          %get3A_412 = arith.constant 0 : index
          %get3A_413 = tpu.vector_load %arg8[%get3A_411, %get3A_412] {strides = array<i32>} : memref<512x32xf32, #tpu.memory_space<vmem>>, vector<16xf32>,
          %mul3A_414 = vector.broadcast %squeeze3A_405 : f32 to vector<16xf32>
          %mul3A_415 = arith.mulf %get3A_413, %mul3A_414 : vector<16xf32>
          tpu.vector_store_idx %arg10[%iota3A, %add3A_410], %mul3A_415 : memref<32x513xf32, #tpu.memory_space<vmem>>[vector<16xi32>, vector<16xi32>], vector<16xf32>,
          %get3A_416 = arith.index_cast %add3A_403 : i32 to index
          %get3A_417 = arith.constant 16 : index
          %get3A_418 = tpu.vector_load %arg8[%get3A_416, %get3A_417] {strides = array<i32>} : memref<512x32xf32, #tpu.memory_space<vmem>>, vector<16xf32>,
          %mul3A_419 = vector.broadcast %squeeze3A_405 : f32 to vector<16xf32>
          %mul3A_420 = arith.mulf %get3A_418, %mul3A_419 : vector<16xf32>
          tpu.vector_store_idx %arg10[%add3A_5, %add3A_410], %mul3A_420 : memref<32x513xf32, #tpu.memory_space<vmem>>[vector<16xi32>, vector<16xi32>], vector<16xf32>,
          %mul3A_421 = arith.constant 16 : i32
          %mul3A_422 = arith.muli %scan3A_124, %mul3A_421 : i32
          %add3A_423 = arith.constant 14 : i32
          %add3A_424 = arith.addi %mul3A_422, %add3A_423 : i32
          %slice3A_425 = vector.extract_strided_slice %get3A_128 {offsets = [14], sizes = [1], strides = [1]} : vector<16xf32> to vector<1xf32>
          %squeeze3A_426 = vector.extract %slice3A_425[0] : f32 from vector<1xf32>
          %mul3A_427 = arith.constant 0 : i32
          %mul3A_428 = vector.broadcast %mul3A_427 : i32 to vector<16xi32>
          %mul3A_429 = arith.muli %iota3A, %mul3A_428 : vector<16xi32>
          %add3A_430 = vector.broadcast %add3A_424 : i32 to vector<16xi32>
          %add3A_431 = arith.addi %mul3A_429, %add3A_430 : vector<16xi32>
          %get3A_432 = arith.index_cast %add3A_424 : i32 to index
          %get3A_433 = arith.constant 0 : index
          %get3A_434 = tpu.vector_load %arg8[%get3A_432, %get3A_433] {strides = array<i32>} : memref<512x32xf32, #tpu.memory_space<vmem>>, vector<16xf32>,
          %mul3A_435 = vector.broadcast %squeeze3A_426 : f32 to vector<16xf32>
          %mul3A_436 = arith.mulf %get3A_434, %mul3A_435 : vector<16xf32>
          tpu.vector_store_idx %arg10[%iota3A, %add3A_431], %mul3A_436 : memref<32x513xf32, #tpu.memory_space<vmem>>[vector<16xi32>, vector<16xi32>], vector<16xf32>,
          %get3A_437 = arith.index_cast %add3A_424 : i32 to index
          %get3A_438 = arith.constant 16 : index
          %get3A_439 = tpu.vector_load %arg8[%get3A_437, %get3A_438] {strides = array<i32>} : memref<512x32xf32, #tpu.memory_space<vmem>>, vector<16xf32>,
          %mul3A_440 = vector.broadcast %squeeze3A_426 : f32 to vector<16xf32>
          %mul3A_441 = arith.mulf %get3A_439, %mul3A_440 : vector<16xf32>
          tpu.vector_store_idx %arg10[%add3A_5, %add3A_431], %mul3A_441 : memref<32x513xf32, #tpu.memory_space<vmem>>[vector<16xi32>, vector<16xi32>], vector<16xf32>,
          %mul3A_442 = arith.constant 16 : i32
          %mul3A_443 = arith.muli %scan3A_124, %mul3A_442 : i32
          %add3A_444 = arith.constant 15 : i32
          %add3A_445 = arith.addi %mul3A_443, %add3A_444 : i32
          %slice3A_446 = vector.extract_strided_slice %get3A_128 {offsets = [15], sizes = [1], strides = [1]} : vector<16xf32> to vector<1xf32>
          %squeeze3A_447 = vector.extract %slice3A_446[0] : f32 from vector<1xf32>
          %mul3A_448 = arith.constant 0 : i32
          %mul3A_449 = vector.broadcast %mul3A_448 : i32 to vector<16xi32>
          %mul3A_450 = arith.muli %iota3A, %mul3A_449 : vector<16xi32>
          %add3A_451 = vector.broadcast %add3A_445 : i32 to vector<16xi32>
          %add3A_452 = arith.addi %mul3A_450, %add3A_451 : vector<16xi32>
          %get3A_453 = arith.index_cast %add3A_445 : i32 to index
          %get3A_454 = arith.constant 0 : index
          %get3A_455 = tpu.vector_load %arg8[%get3A_453, %get3A_454] {strides = array<i32>} : memref<512x32xf32, #tpu.memory_space<vmem>>, vector<16xf32>,
          %mul3A_456 = vector.broadcast %squeeze3A_447 : f32 to vector<16xf32>
          %mul3A_457 = arith.mulf %get3A_455, %mul3A_456 : vector<16xf32>
          tpu.vector_store_idx %arg10[%iota3A, %add3A_452], %mul3A_457 : memref<32x513xf32, #tpu.memory_space<vmem>>[vector<16xi32>, vector<16xi32>], vector<16xf32>,
          %get3A_458 = arith.index_cast %add3A_445 : i32 to index
          %get3A_459 = arith.constant 16 : index
          %get3A_460 = tpu.vector_load %arg8[%get3A_458, %get3A_459] {strides = array<i32>} : memref<512x32xf32, #tpu.memory_space<vmem>>, vector<16xf32>,
          %mul3A_461 = vector.broadcast %squeeze3A_447 : f32 to vector<16xf32>
          %mul3A_462 = arith.mulf %get3A_460, %mul3A_461 : vector<16xf32>
          tpu.vector_store_idx %arg10[%add3A_5, %add3A_452], %mul3A_462 : memref<32x513xf32, #tpu.memory_space<vmem>>[vector<16xi32>, vector<16xi32>], vector<16xf32>,
        }
        %scan3A_111 = arith.constant 32 : i32
        %dma_start3A_112 = arith.constant 0 : i32
        %dma_start3A_113 = arith.constant 0 : i32
        %dma_start3A_114 = tpu.memref_slice %arg10[%dma_start3A_112, %dma_start3A_113] : memref<32x513xf32, #tpu.memory_space<vmem>> -> memref<32x512xf32, #tpu.memory_space<vmem>>
        %dma_start3A_115 = arith.constant 0 : i32
        %dma_start3A_116 = tpu.memref_slice %arg5[%scan3A_79, %dma_start3A_115, %mul3A_2] : memref<26x32x16384xf32, #tpu.memory_space<hbm>> -> memref<1x32x512xf32, #tpu.memory_space<hbm>>
        %dma_start3A_117 = tpu.memref_squeeze %dma_start3A_116 : memref<1x32x512xf32, #tpu.memory_space<hbm>> -> memref<32x512xf32, #tpu.memory_space<hbm>>
        %dma_start3A_118 = arith.constant 0 : i32
        %dma_start3A_119 = tpu.memref_slice %arg5[%scan3A_79, %dma_start3A_118, %mul3A_2] : memref<26x32x16384xf32, #tpu.memory_space<hbm>> -> memref<1x32x512xf32, #tpu.memory_space<hbm>>
        %dma_start3A_120 = tpu.memref_squeeze %dma_start3A_119 : memref<1x32x512xf32, #tpu.memory_space<hbm>> -> memref<32x512xf32, #tpu.memory_space<hbm>>
        %dma_start3A_121 = arith.constant 0 : i32
        %dma_start3A_122 = arith.constant 0 : i32
        %dma_start3A_123 = tpu.memref_slice %arg10[%dma_start3A_121, %dma_start3A_122] : memref<32x513xf32, #tpu.memory_space<vmem>> -> memref<32x512xf32, #tpu.memory_space<vmem>>
        tpu.enqueue_dma source(%dma_start3A_123 : memref<32x512xf32, #tpu.memory_space<vmem>>) target(%dma_start3A_120 : memref<32x512xf32, #tpu.memory_space<hbm>>) target_semaphore(%arg14 : memref<!tpu.dma_semaphore, #tpu.memory_space<semaphore_mem>>)
      } else {
      }
      %rem3A_83 = arith.constant 2 : i32
      %rem3A_84 = arith.remsi %scan3A_79, %rem3A_83 : i32
      %eq3A_85 = arith.constant 1 : i32
      %eq3A_86 = arith.cmpi eq, %rem3A_84, %eq3A_85 : i32
      %convert_element_type3A_87 = arith.extui %eq3A_86 : i1 to i32
      %cond3A_88 = arith.constant 0 : i32
      %cond3A_89 = arith.cmpi ne, %convert_element_type3A_87, %cond3A_88 : i32
      scf.if %cond3A_89 {
        %dma_wait3A_90 = arith.constant 0 : i32
        %dma_wait3A_91 = arith.constant 0 : i32
        %dma_wait3A_92 = tpu.memref_slice %arg4[%dma_wait3A_90, %dma_wait3A_91] : memref<1000000x32xf32, #tpu.memory_space<hbm>> -> memref<512x32xf32, #tpu.memory_space<hbm>>
        %dma_wait3A_93 = arith.constant 0 : i32
        %dma_wait3A_94 = arith.constant 0 : i32
        %dma_wait3A_95 = tpu.memref_slice %arg4[%dma_wait3A_93, %dma_wait3A_94] : memref<1000000x32xf32, #tpu.memory_space<hbm>> -> memref<512x32xf32, #tpu.memory_space<hbm>>
        tpu.wait_dma2 semaphore(%arg13 : memref<!tpu.dma_semaphore, #tpu.memory_space<semaphore_mem>>) src(%dma_wait3A_95 : memref<512x32xf32, #tpu.memory_space<hbm>>) dst(%arg9 : memref<512x32xf32, #tpu.memory_space<vmem>>)
        %add3A_96 = arith.constant 1 : i32
        %add3A_97 = arith.addi %scan3A_79, %add3A_96 : i32
        %lt3A = arith.constant 26 : i32
        %lt3A_98 = arith.cmpi slt, %add3A_97, %lt3A : i32
        %convert_element_type3A_99 = arith.extui %lt3A_98 : i1 to i32
        %cond3A_100 = arith.constant 0 : i32
        %cond3A_101 = arith.cmpi ne, %convert_element_type3A_99, %cond3A_100 : i32
        scf.if %cond3A_101 {
          %add3A_124 = arith.constant 1 : i32
          %add3A_125 = arith.addi %scan3A_79, %add3A_124 : i32
          %dma_start3A_126 = arith.constant 0 : i32
          %dma_start3A_127 = arith.constant 0 : i32
          %dma_start3A_128 = tpu.memref_slice %arg8[%dma_start3A_126, %dma_start3A_127] : memref<512x32xf32, #tpu.memory_space<vmem>> -> memref<128x32xf32, #tpu.memory_space<vmem>>
          %dma_start3A_129 = arith.constant 0 : i32
          %dma_start3A_130 = tpu.memref_slice %arg6[%add3A_125, %dma_start3A_129] : memref<32x512xi32, #tpu.memory_space<vmem>> -> memref<1x128xi32, #tpu.memory_space<vmem>>
          %dma_start3A_131 = tpu.memref_squeeze %dma_start3A_130 : memref<1x128xi32, #tpu.memory_space<vmem>> -> memref<128xi32, #tpu.memory_space<vmem>>
          %dma_start3A_132 = arith.constant 0 : i32
          %dma_start3A_133 = arith.constant 0 : i32
          %dma_start3A_134 = tpu.memref_slice %arg4[%dma_start3A_132, %dma_start3A_133] : memref<1000000x32xf32, #tpu.memory_space<hbm>> -> memref<1000000x32xf32, #tpu.memory_space<hbm>>
          tpu.enqueue_indirect_dma source(%dma_start3A_134 : memref<1000000x32xf32, #tpu.memory_space<hbm>>) target(%dma_start3A_128 : memref<128x32xf32, #tpu.memory_space<vmem>>) offsets(%dma_start3A_131 : memref<128xi32, #tpu.memory_space<vmem>>) semaphore(%arg12 : memref<!tpu.dma_semaphore, #tpu.memory_space<semaphore_mem>>)
          %dma_start3A_135 = arith.constant 128 : i32
          %dma_start3A_136 = arith.constant 0 : i32
          %dma_start3A_137 = tpu.memref_slice %arg8[%dma_start3A_135, %dma_start3A_136] : memref<512x32xf32, #tpu.memory_space<vmem>> -> memref<128x32xf32, #tpu.memory_space<vmem>>
          %dma_start3A_138 = arith.constant 128 : i32
          %dma_start3A_139 = tpu.memref_slice %arg6[%add3A_125, %dma_start3A_138] : memref<32x512xi32, #tpu.memory_space<vmem>> -> memref<1x128xi32, #tpu.memory_space<vmem>>
          %dma_start3A_140 = tpu.memref_squeeze %dma_start3A_139 : memref<1x128xi32, #tpu.memory_space<vmem>> -> memref<128xi32, #tpu.memory_space<vmem>>
          %dma_start3A_141 = arith.constant 0 : i32
          %dma_start3A_142 = arith.constant 0 : i32
          %dma_start3A_143 = tpu.memref_slice %arg4[%dma_start3A_141, %dma_start3A_142] : memref<1000000x32xf32, #tpu.memory_space<hbm>> -> memref<1000000x32xf32, #tpu.memory_space<hbm>>
          tpu.enqueue_indirect_dma source(%dma_start3A_143 : memref<1000000x32xf32, #tpu.memory_space<hbm>>) target(%dma_start3A_137 : memref<128x32xf32, #tpu.memory_space<vmem>>) offsets(%dma_start3A_140 : memref<128xi32, #tpu.memory_space<vmem>>) semaphore(%arg12 : memref<!tpu.dma_semaphore, #tpu.memory_space<semaphore_mem>>)
          %dma_start3A_144 = arith.constant 256 : i32
          %dma_start3A_145 = arith.constant 0 : i32
          %dma_start3A_146 = tpu.memref_slice %arg8[%dma_start3A_144, %dma_start3A_145] : memref<512x32xf32, #tpu.memory_space<vmem>> -> memref<128x32xf32, #tpu.memory_space<vmem>>
          %dma_start3A_147 = arith.constant 256 : i32
          %dma_start3A_148 = tpu.memref_slice %arg6[%add3A_125, %dma_start3A_147] : memref<32x512xi32, #tpu.memory_space<vmem>> -> memref<1x128xi32, #tpu.memory_space<vmem>>
          %dma_start3A_149 = tpu.memref_squeeze %dma_start3A_148 : memref<1x128xi32, #tpu.memory_space<vmem>> -> memref<128xi32, #tpu.memory_space<vmem>>
          %dma_start3A_150 = arith.constant 0 : i32
          %dma_start3A_151 = arith.constant 0 : i32
          %dma_start3A_152 = tpu.memref_slice %arg4[%dma_start3A_150, %dma_start3A_151] : memref<1000000x32xf32, #tpu.memory_space<hbm>> -> memref<1000000x32xf32, #tpu.memory_space<hbm>>
          tpu.enqueue_indirect_dma source(%dma_start3A_152 : memref<1000000x32xf32, #tpu.memory_space<hbm>>) target(%dma_start3A_146 : memref<128x32xf32, #tpu.memory_space<vmem>>) offsets(%dma_start3A_149 : memref<128xi32, #tpu.memory_space<vmem>>) semaphore(%arg12 : memref<!tpu.dma_semaphore, #tpu.memory_space<semaphore_mem>>)
          %dma_start3A_153 = arith.constant 384 : i32
          %dma_start3A_154 = arith.constant 0 : i32
          %dma_start3A_155 = tpu.memref_slice %arg8[%dma_start3A_153, %dma_start3A_154] : memref<512x32xf32, #tpu.memory_space<vmem>> -> memref<128x32xf32, #tpu.memory_space<vmem>>
          %dma_start3A_156 = arith.constant 384 : i32
          %dma_start3A_157 = tpu.memref_slice %arg6[%add3A_125, %dma_start3A_156] : memref<32x512xi32, #tpu.memory_space<vmem>> -> memref<1x128xi32, #tpu.memory_space<vmem>>
          %dma_start3A_158 = tpu.memref_squeeze %dma_start3A_157 : memref<1x128xi32, #tpu.memory_space<vmem>> -> memref<128xi32, #tpu.memory_space<vmem>>
          %dma_start3A_159 = arith.constant 0 : i32
          %dma_start3A_160 = arith.constant 0 : i32
          %dma_start3A_161 = tpu.memref_slice %arg4[%dma_start3A_159, %dma_start3A_160] : memref<1000000x32xf32, #tpu.memory_space<hbm>> -> memref<1000000x32xf32, #tpu.memory_space<hbm>>
          tpu.enqueue_indirect_dma source(%dma_start3A_161 : memref<1000000x32xf32, #tpu.memory_space<hbm>>) target(%dma_start3A_155 : memref<128x32xf32, #tpu.memory_space<vmem>>) offsets(%dma_start3A_158 : memref<128xi32, #tpu.memory_space<vmem>>) semaphore(%arg12 : memref<!tpu.dma_semaphore, #tpu.memory_space<semaphore_mem>>)
        } else {
        }
        %ge3A = arith.constant 2 : i32
        %ge3A_102 = arith.cmpi sge, %scan3A_79, %ge3A : i32
        %convert_element_type3A_103 = arith.extui %ge3A_102 : i1 to i32
        %cond3A_104 = arith.constant 0 : i32
        %cond3A_105 = arith.cmpi ne, %convert_element_type3A_103, %cond3A_104 : i32
        scf.if %cond3A_105 {
          %dma_wait3A_124 = arith.constant 0 : i32
          %dma_wait3A_125 = arith.constant 0 : i32
          %dma_wait3A_126 = arith.constant 0 : i32
          %dma_wait3A_127 = tpu.memref_slice %arg11[%dma_wait3A_125, %dma_wait3A_126] : memref<32x513xf32, #tpu.memory_space<vmem>> -> memref<32x512xf32, #tpu.memory_space<vmem>>
          %dma_wait3A_128 = arith.constant 0 : i32
          %dma_wait3A_129 = arith.constant 0 : i32
          %dma_wait3A_130 = tpu.memref_slice %arg5[%dma_wait3A_124, %dma_wait3A_128, %dma_wait3A_129] : memref<26x32x16384xf32, #tpu.memory_space<hbm>> -> memref<1x32x512xf32, #tpu.memory_space<hbm>>
          %dma_wait3A_131 = tpu.memref_squeeze %dma_wait3A_130 : memref<1x32x512xf32, #tpu.memory_space<hbm>> -> memref<32x512xf32, #tpu.memory_space<hbm>>
          %dma_wait3A_132 = arith.constant 0 : i32
          %dma_wait3A_133 = arith.constant 0 : i32
          %dma_wait3A_134 = tpu.memref_slice %arg11[%dma_wait3A_132, %dma_wait3A_133] : memref<32x513xf32, #tpu.memory_space<vmem>> -> memref<32x512xf32, #tpu.memory_space<vmem>>
          %dma_wait3A_135 = arith.constant 0 : i32
          %dma_wait3A_136 = arith.constant 0 : i32
          %dma_wait3A_137 = tpu.memref_slice %arg5[%dma_wait3A_124, %dma_wait3A_135, %dma_wait3A_136] : memref<26x32x16384xf32, #tpu.memory_space<hbm>> -> memref<1x32x512xf32, #tpu.memory_space<hbm>>
          %dma_wait3A_138 = tpu.memref_squeeze %dma_wait3A_137 : memref<1x32x512xf32, #tpu.memory_space<hbm>> -> memref<32x512xf32, #tpu.memory_space<hbm>>
          tpu.wait_dma2 semaphore(%arg14 : memref<!tpu.dma_semaphore, #tpu.memory_space<semaphore_mem>>) src(%dma_wait3A_138 : memref<32x512xf32, #tpu.memory_space<hbm>>) dst(%dma_wait3A_134 : memref<32x512xf32, #tpu.memory_space<vmem>>)
        } else {
        }
        %scan3A_106 = arith.constant 0 : i32
        %scan3A_107 = arith.constant 0 : i32
        %scan3A_108 = arith.constant 32 : i32
        %scan3A_109 = arith.addi %scan3A_107, %scan3A_108 : i32
        %scan3A_110 = arith.constant 1 : i32
        scf.for %scan3A_124 = %scan3A_107 to %scan3A_109 step %scan3A_110  : i32 {
          %mul3A_125 = arith.constant 16 : i32
          %mul3A_126 = arith.muli %scan3A_124, %mul3A_125 : i32
          %get3A = arith.index_cast %scan3A_79 : i32 to index
          %get3A_127 = arith.index_cast %mul3A_126 : i32 to index
          %get3A_128 = tpu.vector_load %arg7[%get3A, %get3A_127] {strides = array<i32>} : memref<32x512xf32, #tpu.memory_space<vmem>>, vector<16xf32>,
          %mul3A_129 = arith.constant 16 : i32
          %mul3A_130 = arith.muli %scan3A_124, %mul3A_129 : i32
          %add3A_131 = arith.constant 0 : i32
          %add3A_132 = arith.addi %mul3A_130, %add3A_131 : i32
          %slice3A = vector.extract_strided_slice %get3A_128 {offsets = [0], sizes = [1], strides = [1]} : vector<16xf32> to vector<1xf32>
          %squeeze3A = vector.extract %slice3A[0] : f32 from vector<1xf32>
          %mul3A_133 = arith.constant 0 : i32
          %mul3A_134 = vector.broadcast %mul3A_133 : i32 to vector<16xi32>
          %mul3A_135 = arith.muli %iota3A, %mul3A_134 : vector<16xi32>
          %add3A_136 = vector.broadcast %add3A_132 : i32 to vector<16xi32>
          %add3A_137 = arith.addi %mul3A_135, %add3A_136 : vector<16xi32>
          %get3A_138 = arith.index_cast %add3A_132 : i32 to index
          %get3A_139 = arith.constant 0 : index
          %get3A_140 = tpu.vector_load %arg9[%get3A_138, %get3A_139] {strides = array<i32>} : memref<512x32xf32, #tpu.memory_space<vmem>>, vector<16xf32>,
          %mul3A_141 = vector.broadcast %squeeze3A : f32 to vector<16xf32>
          %mul3A_142 = arith.mulf %get3A_140, %mul3A_141 : vector<16xf32>
          tpu.vector_store_idx %arg11[%iota3A, %add3A_137], %mul3A_142 : memref<32x513xf32, #tpu.memory_space<vmem>>[vector<16xi32>, vector<16xi32>], vector<16xf32>,
          %get3A_143 = arith.index_cast %add3A_132 : i32 to index
          %get3A_144 = arith.constant 16 : index
          %get3A_145 = tpu.vector_load %arg9[%get3A_143, %get3A_144] {strides = array<i32>} : memref<512x32xf32, #tpu.memory_space<vmem>>, vector<16xf32>,
          %mul3A_146 = vector.broadcast %squeeze3A : f32 to vector<16xf32>
          %mul3A_147 = arith.mulf %get3A_145, %mul3A_146 : vector<16xf32>
          tpu.vector_store_idx %arg11[%add3A_5, %add3A_137], %mul3A_147 : memref<32x513xf32, #tpu.memory_space<vmem>>[vector<16xi32>, vector<16xi32>], vector<16xf32>,
          %mul3A_148 = arith.constant 16 : i32
          %mul3A_149 = arith.muli %scan3A_124, %mul3A_148 : i32
          %add3A_150 = arith.constant 1 : i32
          %add3A_151 = arith.addi %mul3A_149, %add3A_150 : i32
          %slice3A_152 = vector.extract_strided_slice %get3A_128 {offsets = [1], sizes = [1], strides = [1]} : vector<16xf32> to vector<1xf32>
          %squeeze3A_153 = vector.extract %slice3A_152[0] : f32 from vector<1xf32>
          %mul3A_154 = arith.constant 0 : i32
          %mul3A_155 = vector.broadcast %mul3A_154 : i32 to vector<16xi32>
          %mul3A_156 = arith.muli %iota3A, %mul3A_155 : vector<16xi32>
          %add3A_157 = vector.broadcast %add3A_151 : i32 to vector<16xi32>
          %add3A_158 = arith.addi %mul3A_156, %add3A_157 : vector<16xi32>
          %get3A_159 = arith.index_cast %add3A_151 : i32 to index
          %get3A_160 = arith.constant 0 : index
          %get3A_161 = tpu.vector_load %arg9[%get3A_159, %get3A_160] {strides = array<i32>} : memref<512x32xf32, #tpu.memory_space<vmem>>, vector<16xf32>,
          %mul3A_162 = vector.broadcast %squeeze3A_153 : f32 to vector<16xf32>
          %mul3A_163 = arith.mulf %get3A_161, %mul3A_162 : vector<16xf32>
          tpu.vector_store_idx %arg11[%iota3A, %add3A_158], %mul3A_163 : memref<32x513xf32, #tpu.memory_space<vmem>>[vector<16xi32>, vector<16xi32>], vector<16xf32>,
          %get3A_164 = arith.index_cast %add3A_151 : i32 to index
          %get3A_165 = arith.constant 16 : index
          %get3A_166 = tpu.vector_load %arg9[%get3A_164, %get3A_165] {strides = array<i32>} : memref<512x32xf32, #tpu.memory_space<vmem>>, vector<16xf32>,
          %mul3A_167 = vector.broadcast %squeeze3A_153 : f32 to vector<16xf32>
          %mul3A_168 = arith.mulf %get3A_166, %mul3A_167 : vector<16xf32>
          tpu.vector_store_idx %arg11[%add3A_5, %add3A_158], %mul3A_168 : memref<32x513xf32, #tpu.memory_space<vmem>>[vector<16xi32>, vector<16xi32>], vector<16xf32>,
          %mul3A_169 = arith.constant 16 : i32
          %mul3A_170 = arith.muli %scan3A_124, %mul3A_169 : i32
          %add3A_171 = arith.constant 2 : i32
          %add3A_172 = arith.addi %mul3A_170, %add3A_171 : i32
          %slice3A_173 = vector.extract_strided_slice %get3A_128 {offsets = [2], sizes = [1], strides = [1]} : vector<16xf32> to vector<1xf32>
          %squeeze3A_174 = vector.extract %slice3A_173[0] : f32 from vector<1xf32>
          %mul3A_175 = arith.constant 0 : i32
          %mul3A_176 = vector.broadcast %mul3A_175 : i32 to vector<16xi32>
          %mul3A_177 = arith.muli %iota3A, %mul3A_176 : vector<16xi32>
          %add3A_178 = vector.broadcast %add3A_172 : i32 to vector<16xi32>
          %add3A_179 = arith.addi %mul3A_177, %add3A_178 : vector<16xi32>
          %get3A_180 = arith.index_cast %add3A_172 : i32 to index
          %get3A_181 = arith.constant 0 : index
          %get3A_182 = tpu.vector_load %arg9[%get3A_180, %get3A_181] {strides = array<i32>} : memref<512x32xf32, #tpu.memory_space<vmem>>, vector<16xf32>,
          %mul3A_183 = vector.broadcast %squeeze3A_174 : f32 to vector<16xf32>
          %mul3A_184 = arith.mulf %get3A_182, %mul3A_183 : vector<16xf32>
          tpu.vector_store_idx %arg11[%iota3A, %add3A_179], %mul3A_184 : memref<32x513xf32, #tpu.memory_space<vmem>>[vector<16xi32>, vector<16xi32>], vector<16xf32>,
          %get3A_185 = arith.index_cast %add3A_172 : i32 to index
          %get3A_186 = arith.constant 16 : index
          %get3A_187 = tpu.vector_load %arg9[%get3A_185, %get3A_186] {strides = array<i32>} : memref<512x32xf32, #tpu.memory_space<vmem>>, vector<16xf32>,
          %mul3A_188 = vector.broadcast %squeeze3A_174 : f32 to vector<16xf32>
          %mul3A_189 = arith.mulf %get3A_187, %mul3A_188 : vector<16xf32>
          tpu.vector_store_idx %arg11[%add3A_5, %add3A_179], %mul3A_189 : memref<32x513xf32, #tpu.memory_space<vmem>>[vector<16xi32>, vector<16xi32>], vector<16xf32>,
          %mul3A_190 = arith.constant 16 : i32
          %mul3A_191 = arith.muli %scan3A_124, %mul3A_190 : i32
          %add3A_192 = arith.constant 3 : i32
          %add3A_193 = arith.addi %mul3A_191, %add3A_192 : i32
          %slice3A_194 = vector.extract_strided_slice %get3A_128 {offsets = [3], sizes = [1], strides = [1]} : vector<16xf32> to vector<1xf32>
          %squeeze3A_195 = vector.extract %slice3A_194[0] : f32 from vector<1xf32>
          %mul3A_196 = arith.constant 0 : i32
          %mul3A_197 = vector.broadcast %mul3A_196 : i32 to vector<16xi32>
          %mul3A_198 = arith.muli %iota3A, %mul3A_197 : vector<16xi32>
          %add3A_199 = vector.broadcast %add3A_193 : i32 to vector<16xi32>
          %add3A_200 = arith.addi %mul3A_198, %add3A_199 : vector<16xi32>
          %get3A_201 = arith.index_cast %add3A_193 : i32 to index
          %get3A_202 = arith.constant 0 : index
          %get3A_203 = tpu.vector_load %arg9[%get3A_201, %get3A_202] {strides = array<i32>} : memref<512x32xf32, #tpu.memory_space<vmem>>, vector<16xf32>,
          %mul3A_204 = vector.broadcast %squeeze3A_195 : f32 to vector<16xf32>
          %mul3A_205 = arith.mulf %get3A_203, %mul3A_204 : vector<16xf32>
          tpu.vector_store_idx %arg11[%iota3A, %add3A_200], %mul3A_205 : memref<32x513xf32, #tpu.memory_space<vmem>>[vector<16xi32>, vector<16xi32>], vector<16xf32>,
          %get3A_206 = arith.index_cast %add3A_193 : i32 to index
          %get3A_207 = arith.constant 16 : index
          %get3A_208 = tpu.vector_load %arg9[%get3A_206, %get3A_207] {strides = array<i32>} : memref<512x32xf32, #tpu.memory_space<vmem>>, vector<16xf32>,
          %mul3A_209 = vector.broadcast %squeeze3A_195 : f32 to vector<16xf32>
          %mul3A_210 = arith.mulf %get3A_208, %mul3A_209 : vector<16xf32>
          tpu.vector_store_idx %arg11[%add3A_5, %add3A_200], %mul3A_210 : memref<32x513xf32, #tpu.memory_space<vmem>>[vector<16xi32>, vector<16xi32>], vector<16xf32>,
          %mul3A_211 = arith.constant 16 : i32
          %mul3A_212 = arith.muli %scan3A_124, %mul3A_211 : i32
          %add3A_213 = arith.constant 4 : i32
          %add3A_214 = arith.addi %mul3A_212, %add3A_213 : i32
          %slice3A_215 = vector.extract_strided_slice %get3A_128 {offsets = [4], sizes = [1], strides = [1]} : vector<16xf32> to vector<1xf32>
          %squeeze3A_216 = vector.extract %slice3A_215[0] : f32 from vector<1xf32>
          %mul3A_217 = arith.constant 0 : i32
          %mul3A_218 = vector.broadcast %mul3A_217 : i32 to vector<16xi32>
          %mul3A_219 = arith.muli %iota3A, %mul3A_218 : vector<16xi32>
          %add3A_220 = vector.broadcast %add3A_214 : i32 to vector<16xi32>
          %add3A_221 = arith.addi %mul3A_219, %add3A_220 : vector<16xi32>
          %get3A_222 = arith.index_cast %add3A_214 : i32 to index
          %get3A_223 = arith.constant 0 : index
          %get3A_224 = tpu.vector_load %arg9[%get3A_222, %get3A_223] {strides = array<i32>} : memref<512x32xf32, #tpu.memory_space<vmem>>, vector<16xf32>,
          %mul3A_225 = vector.broadcast %squeeze3A_216 : f32 to vector<16xf32>
          %mul3A_226 = arith.mulf %get3A_224, %mul3A_225 : vector<16xf32>
          tpu.vector_store_idx %arg11[%iota3A, %add3A_221], %mul3A_226 : memref<32x513xf32, #tpu.memory_space<vmem>>[vector<16xi32>, vector<16xi32>], vector<16xf32>,
          %get3A_227 = arith.index_cast %add3A_214 : i32 to index
          %get3A_228 = arith.constant 16 : index
          %get3A_229 = tpu.vector_load %arg9[%get3A_227, %get3A_228] {strides = array<i32>} : memref<512x32xf32, #tpu.memory_space<vmem>>, vector<16xf32>,
          %mul3A_230 = vector.broadcast %squeeze3A_216 : f32 to vector<16xf32>
          %mul3A_231 = arith.mulf %get3A_229, %mul3A_230 : vector<16xf32>
          tpu.vector_store_idx %arg11[%add3A_5, %add3A_221], %mul3A_231 : memref<32x513xf32, #tpu.memory_space<vmem>>[vector<16xi32>, vector<16xi32>], vector<16xf32>,
          %mul3A_232 = arith.constant 16 : i32
          %mul3A_233 = arith.muli %scan3A_124, %mul3A_232 : i32
          %add3A_234 = arith.constant 5 : i32
          %add3A_235 = arith.addi %mul3A_233, %add3A_234 : i32
          %slice3A_236 = vector.extract_strided_slice %get3A_128 {offsets = [5], sizes = [1], strides = [1]} : vector<16xf32> to vector<1xf32>
          %squeeze3A_237 = vector.extract %slice3A_236[0] : f32 from vector<1xf32>
          %mul3A_238 = arith.constant 0 : i32
          %mul3A_239 = vector.broadcast %mul3A_238 : i32 to vector<16xi32>
          %mul3A_240 = arith.muli %iota3A, %mul3A_239 : vector<16xi32>
          %add3A_241 = vector.broadcast %add3A_235 : i32 to vector<16xi32>
          %add3A_242 = arith.addi %mul3A_240, %add3A_241 : vector<16xi32>
          %get3A_243 = arith.index_cast %add3A_235 : i32 to index
          %get3A_244 = arith.constant 0 : index
          %get3A_245 = tpu.vector_load %arg9[%get3A_243, %get3A_244] {strides = array<i32>} : memref<512x32xf32, #tpu.memory_space<vmem>>, vector<16xf32>,
          %mul3A_246 = vector.broadcast %squeeze3A_237 : f32 to vector<16xf32>
          %mul3A_247 = arith.mulf %get3A_245, %mul3A_246 : vector<16xf32>
          tpu.vector_store_idx %arg11[%iota3A, %add3A_242], %mul3A_247 : memref<32x513xf32, #tpu.memory_space<vmem>>[vector<16xi32>, vector<16xi32>], vector<16xf32>,
          %get3A_248 = arith.index_cast %add3A_235 : i32 to index
          %get3A_249 = arith.constant 16 : index
          %get3A_250 = tpu.vector_load %arg9[%get3A_248, %get3A_249] {strides = array<i32>} : memref<512x32xf32, #tpu.memory_space<vmem>>, vector<16xf32>,
          %mul3A_251 = vector.broadcast %squeeze3A_237 : f32 to vector<16xf32>
          %mul3A_252 = arith.mulf %get3A_250, %mul3A_251 : vector<16xf32>
          tpu.vector_store_idx %arg11[%add3A_5, %add3A_242], %mul3A_252 : memref<32x513xf32, #tpu.memory_space<vmem>>[vector<16xi32>, vector<16xi32>], vector<16xf32>,
          %mul3A_253 = arith.constant 16 : i32
          %mul3A_254 = arith.muli %scan3A_124, %mul3A_253 : i32
          %add3A_255 = arith.constant 6 : i32
          %add3A_256 = arith.addi %mul3A_254, %add3A_255 : i32
          %slice3A_257 = vector.extract_strided_slice %get3A_128 {offsets = [6], sizes = [1], strides = [1]} : vector<16xf32> to vector<1xf32>
          %squeeze3A_258 = vector.extract %slice3A_257[0] : f32 from vector<1xf32>
          %mul3A_259 = arith.constant 0 : i32
          %mul3A_260 = vector.broadcast %mul3A_259 : i32 to vector<16xi32>
          %mul3A_261 = arith.muli %iota3A, %mul3A_260 : vector<16xi32>
          %add3A_262 = vector.broadcast %add3A_256 : i32 to vector<16xi32>
          %add3A_263 = arith.addi %mul3A_261, %add3A_262 : vector<16xi32>
          %get3A_264 = arith.index_cast %add3A_256 : i32 to index
          %get3A_265 = arith.constant 0 : index
          %get3A_266 = tpu.vector_load %arg9[%get3A_264, %get3A_265] {strides = array<i32>} : memref<512x32xf32, #tpu.memory_space<vmem>>, vector<16xf32>,
          %mul3A_267 = vector.broadcast %squeeze3A_258 : f32 to vector<16xf32>
          %mul3A_268 = arith.mulf %get3A_266, %mul3A_267 : vector<16xf32>
          tpu.vector_store_idx %arg11[%iota3A, %add3A_263], %mul3A_268 : memref<32x513xf32, #tpu.memory_space<vmem>>[vector<16xi32>, vector<16xi32>], vector<16xf32>,
          %get3A_269 = arith.index_cast %add3A_256 : i32 to index
          %get3A_270 = arith.constant 16 : index
          %get3A_271 = tpu.vector_load %arg9[%get3A_269, %get3A_270] {strides = array<i32>} : memref<512x32xf32, #tpu.memory_space<vmem>>, vector<16xf32>,
          %mul3A_272 = vector.broadcast %squeeze3A_258 : f32 to vector<16xf32>
          %mul3A_273 = arith.mulf %get3A_271, %mul3A_272 : vector<16xf32>
          tpu.vector_store_idx %arg11[%add3A_5, %add3A_263], %mul3A_273 : memref<32x513xf32, #tpu.memory_space<vmem>>[vector<16xi32>, vector<16xi32>], vector<16xf32>,
          %mul3A_274 = arith.constant 16 : i32
          %mul3A_275 = arith.muli %scan3A_124, %mul3A_274 : i32
          %add3A_276 = arith.constant 7 : i32
          %add3A_277 = arith.addi %mul3A_275, %add3A_276 : i32
          %slice3A_278 = vector.extract_strided_slice %get3A_128 {offsets = [7], sizes = [1], strides = [1]} : vector<16xf32> to vector<1xf32>
          %squeeze3A_279 = vector.extract %slice3A_278[0] : f32 from vector<1xf32>
          %mul3A_280 = arith.constant 0 : i32
          %mul3A_281 = vector.broadcast %mul3A_280 : i32 to vector<16xi32>
          %mul3A_282 = arith.muli %iota3A, %mul3A_281 : vector<16xi32>
          %add3A_283 = vector.broadcast %add3A_277 : i32 to vector<16xi32>
          %add3A_284 = arith.addi %mul3A_282, %add3A_283 : vector<16xi32>
          %get3A_285 = arith.index_cast %add3A_277 : i32 to index
          %get3A_286 = arith.constant 0 : index
          %get3A_287 = tpu.vector_load %arg9[%get3A_285, %get3A_286] {strides = array<i32>} : memref<512x32xf32, #tpu.memory_space<vmem>>, vector<16xf32>,
          %mul3A_288 = vector.broadcast %squeeze3A_279 : f32 to vector<16xf32>
          %mul3A_289 = arith.mulf %get3A_287, %mul3A_288 : vector<16xf32>
          tpu.vector_store_idx %arg11[%iota3A, %add3A_284], %mul3A_289 : memref<32x513xf32, #tpu.memory_space<vmem>>[vector<16xi32>, vector<16xi32>], vector<16xf32>,
          %get3A_290 = arith.index_cast %add3A_277 : i32 to index
          %get3A_291 = arith.constant 16 : index
          %get3A_292 = tpu.vector_load %arg9[%get3A_290, %get3A_291] {strides = array<i32>} : memref<512x32xf32, #tpu.memory_space<vmem>>, vector<16xf32>,
          %mul3A_293 = vector.broadcast %squeeze3A_279 : f32 to vector<16xf32>
          %mul3A_294 = arith.mulf %get3A_292, %mul3A_293 : vector<16xf32>
          tpu.vector_store_idx %arg11[%add3A_5, %add3A_284], %mul3A_294 : memref<32x513xf32, #tpu.memory_space<vmem>>[vector<16xi32>, vector<16xi32>], vector<16xf32>,
          %mul3A_295 = arith.constant 16 : i32
          %mul3A_296 = arith.muli %scan3A_124, %mul3A_295 : i32
          %add3A_297 = arith.constant 8 : i32
          %add3A_298 = arith.addi %mul3A_296, %add3A_297 : i32
          %slice3A_299 = vector.extract_strided_slice %get3A_128 {offsets = [8], sizes = [1], strides = [1]} : vector<16xf32> to vector<1xf32>
          %squeeze3A_300 = vector.extract %slice3A_299[0] : f32 from vector<1xf32>
          %mul3A_301 = arith.constant 0 : i32
          %mul3A_302 = vector.broadcast %mul3A_301 : i32 to vector<16xi32>
          %mul3A_303 = arith.muli %iota3A, %mul3A_302 : vector<16xi32>
          %add3A_304 = vector.broadcast %add3A_298 : i32 to vector<16xi32>
          %add3A_305 = arith.addi %mul3A_303, %add3A_304 : vector<16xi32>
          %get3A_306 = arith.index_cast %add3A_298 : i32 to index
          %get3A_307 = arith.constant 0 : index
          %get3A_308 = tpu.vector_load %arg9[%get3A_306, %get3A_307] {strides = array<i32>} : memref<512x32xf32, #tpu.memory_space<vmem>>, vector<16xf32>,
          %mul3A_309 = vector.broadcast %squeeze3A_300 : f32 to vector<16xf32>
          %mul3A_310 = arith.mulf %get3A_308, %mul3A_309 : vector<16xf32>
          tpu.vector_store_idx %arg11[%iota3A, %add3A_305], %mul3A_310 : memref<32x513xf32, #tpu.memory_space<vmem>>[vector<16xi32>, vector<16xi32>], vector<16xf32>,
          %get3A_311 = arith.index_cast %add3A_298 : i32 to index
          %get3A_312 = arith.constant 16 : index
          %get3A_313 = tpu.vector_load %arg9[%get3A_311, %get3A_312] {strides = array<i32>} : memref<512x32xf32, #tpu.memory_space<vmem>>, vector<16xf32>,
          %mul3A_314 = vector.broadcast %squeeze3A_300 : f32 to vector<16xf32>
          %mul3A_315 = arith.mulf %get3A_313, %mul3A_314 : vector<16xf32>
          tpu.vector_store_idx %arg11[%add3A_5, %add3A_305], %mul3A_315 : memref<32x513xf32, #tpu.memory_space<vmem>>[vector<16xi32>, vector<16xi32>], vector<16xf32>,
          %mul3A_316 = arith.constant 16 : i32
          %mul3A_317 = arith.muli %scan3A_124, %mul3A_316 : i32
          %add3A_318 = arith.constant 9 : i32
          %add3A_319 = arith.addi %mul3A_317, %add3A_318 : i32
          %slice3A_320 = vector.extract_strided_slice %get3A_128 {offsets = [9], sizes = [1], strides = [1]} : vector<16xf32> to vector<1xf32>
          %squeeze3A_321 = vector.extract %slice3A_320[0] : f32 from vector<1xf32>
          %mul3A_322 = arith.constant 0 : i32
          %mul3A_323 = vector.broadcast %mul3A_322 : i32 to vector<16xi32>
          %mul3A_324 = arith.muli %iota3A, %mul3A_323 : vector<16xi32>
          %add3A_325 = vector.broadcast %add3A_319 : i32 to vector<16xi32>
          %add3A_326 = arith.addi %mul3A_324, %add3A_325 : vector<16xi32>
          %get3A_327 = arith.index_cast %add3A_319 : i32 to index
          %get3A_328 = arith.constant 0 : index
          %get3A_329 = tpu.vector_load %arg9[%get3A_327, %get3A_328] {strides = array<i32>} : memref<512x32xf32, #tpu.memory_space<vmem>>, vector<16xf32>,
          %mul3A_330 = vector.broadcast %squeeze3A_321 : f32 to vector<16xf32>
          %mul3A_331 = arith.mulf %get3A_329, %mul3A_330 : vector<16xf32>
          tpu.vector_store_idx %arg11[%iota3A, %add3A_326], %mul3A_331 : memref<32x513xf32, #tpu.memory_space<vmem>>[vector<16xi32>, vector<16xi32>], vector<16xf32>,
          %get3A_332 = arith.index_cast %add3A_319 : i32 to index
          %get3A_333 = arith.constant 16 : index
          %get3A_334 = tpu.vector_load %arg9[%get3A_332, %get3A_333] {strides = array<i32>} : memref<512x32xf32, #tpu.memory_space<vmem>>, vector<16xf32>,
          %mul3A_335 = vector.broadcast %squeeze3A_321 : f32 to vector<16xf32>
          %mul3A_336 = arith.mulf %get3A_334, %mul3A_335 : vector<16xf32>
          tpu.vector_store_idx %arg11[%add3A_5, %add3A_326], %mul3A_336 : memref<32x513xf32, #tpu.memory_space<vmem>>[vector<16xi32>, vector<16xi32>], vector<16xf32>,
          %mul3A_337 = arith.constant 16 : i32
          %mul3A_338 = arith.muli %scan3A_124, %mul3A_337 : i32
          %add3A_339 = arith.constant 10 : i32
          %add3A_340 = arith.addi %mul3A_338, %add3A_339 : i32
          %slice3A_341 = vector.extract_strided_slice %get3A_128 {offsets = [10], sizes = [1], strides = [1]} : vector<16xf32> to vector<1xf32>
          %squeeze3A_342 = vector.extract %slice3A_341[0] : f32 from vector<1xf32>
          %mul3A_343 = arith.constant 0 : i32
          %mul3A_344 = vector.broadcast %mul3A_343 : i32 to vector<16xi32>
          %mul3A_345 = arith.muli %iota3A, %mul3A_344 : vector<16xi32>
          %add3A_346 = vector.broadcast %add3A_340 : i32 to vector<16xi32>
          %add3A_347 = arith.addi %mul3A_345, %add3A_346 : vector<16xi32>
          %get3A_348 = arith.index_cast %add3A_340 : i32 to index
          %get3A_349 = arith.constant 0 : index
          %get3A_350 = tpu.vector_load %arg9[%get3A_348, %get3A_349] {strides = array<i32>} : memref<512x32xf32, #tpu.memory_space<vmem>>, vector<16xf32>,
          %mul3A_351 = vector.broadcast %squeeze3A_342 : f32 to vector<16xf32>
          %mul3A_352 = arith.mulf %get3A_350, %mul3A_351 : vector<16xf32>
          tpu.vector_store_idx %arg11[%iota3A, %add3A_347], %mul3A_352 : memref<32x513xf32, #tpu.memory_space<vmem>>[vector<16xi32>, vector<16xi32>], vector<16xf32>,
          %get3A_353 = arith.index_cast %add3A_340 : i32 to index
          %get3A_354 = arith.constant 16 : index
          %get3A_355 = tpu.vector_load %arg9[%get3A_353, %get3A_354] {strides = array<i32>} : memref<512x32xf32, #tpu.memory_space<vmem>>, vector<16xf32>,
          %mul3A_356 = vector.broadcast %squeeze3A_342 : f32 to vector<16xf32>
          %mul3A_357 = arith.mulf %get3A_355, %mul3A_356 : vector<16xf32>
          tpu.vector_store_idx %arg11[%add3A_5, %add3A_347], %mul3A_357 : memref<32x513xf32, #tpu.memory_space<vmem>>[vector<16xi32>, vector<16xi32>], vector<16xf32>,
          %mul3A_358 = arith.constant 16 : i32
          %mul3A_359 = arith.muli %scan3A_124, %mul3A_358 : i32
          %add3A_360 = arith.constant 11 : i32
          %add3A_361 = arith.addi %mul3A_359, %add3A_360 : i32
          %slice3A_362 = vector.extract_strided_slice %get3A_128 {offsets = [11], sizes = [1], strides = [1]} : vector<16xf32> to vector<1xf32>
          %squeeze3A_363 = vector.extract %slice3A_362[0] : f32 from vector<1xf32>
          %mul3A_364 = arith.constant 0 : i32
          %mul3A_365 = vector.broadcast %mul3A_364 : i32 to vector<16xi32>
          %mul3A_366 = arith.muli %iota3A, %mul3A_365 : vector<16xi32>
          %add3A_367 = vector.broadcast %add3A_361 : i32 to vector<16xi32>
          %add3A_368 = arith.addi %mul3A_366, %add3A_367 : vector<16xi32>
          %get3A_369 = arith.index_cast %add3A_361 : i32 to index
          %get3A_370 = arith.constant 0 : index
          %get3A_371 = tpu.vector_load %arg9[%get3A_369, %get3A_370] {strides = array<i32>} : memref<512x32xf32, #tpu.memory_space<vmem>>, vector<16xf32>,
          %mul3A_372 = vector.broadcast %squeeze3A_363 : f32 to vector<16xf32>
          %mul3A_373 = arith.mulf %get3A_371, %mul3A_372 : vector<16xf32>
          tpu.vector_store_idx %arg11[%iota3A, %add3A_368], %mul3A_373 : memref<32x513xf32, #tpu.memory_space<vmem>>[vector<16xi32>, vector<16xi32>], vector<16xf32>,
          %get3A_374 = arith.index_cast %add3A_361 : i32 to index
          %get3A_375 = arith.constant 16 : index
          %get3A_376 = tpu.vector_load %arg9[%get3A_374, %get3A_375] {strides = array<i32>} : memref<512x32xf32, #tpu.memory_space<vmem>>, vector<16xf32>,
          %mul3A_377 = vector.broadcast %squeeze3A_363 : f32 to vector<16xf32>
          %mul3A_378 = arith.mulf %get3A_376, %mul3A_377 : vector<16xf32>
          tpu.vector_store_idx %arg11[%add3A_5, %add3A_368], %mul3A_378 : memref<32x513xf32, #tpu.memory_space<vmem>>[vector<16xi32>, vector<16xi32>], vector<16xf32>,
          %mul3A_379 = arith.constant 16 : i32
          %mul3A_380 = arith.muli %scan3A_124, %mul3A_379 : i32
          %add3A_381 = arith.constant 12 : i32
          %add3A_382 = arith.addi %mul3A_380, %add3A_381 : i32
          %slice3A_383 = vector.extract_strided_slice %get3A_128 {offsets = [12], sizes = [1], strides = [1]} : vector<16xf32> to vector<1xf32>
          %squeeze3A_384 = vector.extract %slice3A_383[0] : f32 from vector<1xf32>
          %mul3A_385 = arith.constant 0 : i32
          %mul3A_386 = vector.broadcast %mul3A_385 : i32 to vector<16xi32>
          %mul3A_387 = arith.muli %iota3A, %mul3A_386 : vector<16xi32>
          %add3A_388 = vector.broadcast %add3A_382 : i32 to vector<16xi32>
          %add3A_389 = arith.addi %mul3A_387, %add3A_388 : vector<16xi32>
          %get3A_390 = arith.index_cast %add3A_382 : i32 to index
          %get3A_391 = arith.constant 0 : index
          %get3A_392 = tpu.vector_load %arg9[%get3A_390, %get3A_391] {strides = array<i32>} : memref<512x32xf32, #tpu.memory_space<vmem>>, vector<16xf32>,
          %mul3A_393 = vector.broadcast %squeeze3A_384 : f32 to vector<16xf32>
          %mul3A_394 = arith.mulf %get3A_392, %mul3A_393 : vector<16xf32>
          tpu.vector_store_idx %arg11[%iota3A, %add3A_389], %mul3A_394 : memref<32x513xf32, #tpu.memory_space<vmem>>[vector<16xi32>, vector<16xi32>], vector<16xf32>,
          %get3A_395 = arith.index_cast %add3A_382 : i32 to index
          %get3A_396 = arith.constant 16 : index
          %get3A_397 = tpu.vector_load %arg9[%get3A_395, %get3A_396] {strides = array<i32>} : memref<512x32xf32, #tpu.memory_space<vmem>>, vector<16xf32>,
          %mul3A_398 = vector.broadcast %squeeze3A_384 : f32 to vector<16xf32>
          %mul3A_399 = arith.mulf %get3A_397, %mul3A_398 : vector<16xf32>
          tpu.vector_store_idx %arg11[%add3A_5, %add3A_389], %mul3A_399 : memref<32x513xf32, #tpu.memory_space<vmem>>[vector<16xi32>, vector<16xi32>], vector<16xf32>,
          %mul3A_400 = arith.constant 16 : i32
          %mul3A_401 = arith.muli %scan3A_124, %mul3A_400 : i32
          %add3A_402 = arith.constant 13 : i32
          %add3A_403 = arith.addi %mul3A_401, %add3A_402 : i32
          %slice3A_404 = vector.extract_strided_slice %get3A_128 {offsets = [13], sizes = [1], strides = [1]} : vector<16xf32> to vector<1xf32>
          %squeeze3A_405 = vector.extract %slice3A_404[0] : f32 from vector<1xf32>
          %mul3A_406 = arith.constant 0 : i32
          %mul3A_407 = vector.broadcast %mul3A_406 : i32 to vector<16xi32>
          %mul3A_408 = arith.muli %iota3A, %mul3A_407 : vector<16xi32>
          %add3A_409 = vector.broadcast %add3A_403 : i32 to vector<16xi32>
          %add3A_410 = arith.addi %mul3A_408, %add3A_409 : vector<16xi32>
          %get3A_411 = arith.index_cast %add3A_403 : i32 to index
          %get3A_412 = arith.constant 0 : index
          %get3A_413 = tpu.vector_load %arg9[%get3A_411, %get3A_412] {strides = array<i32>} : memref<512x32xf32, #tpu.memory_space<vmem>>, vector<16xf32>,
          %mul3A_414 = vector.broadcast %squeeze3A_405 : f32 to vector<16xf32>
          %mul3A_415 = arith.mulf %get3A_413, %mul3A_414 : vector<16xf32>
          tpu.vector_store_idx %arg11[%iota3A, %add3A_410], %mul3A_415 : memref<32x513xf32, #tpu.memory_space<vmem>>[vector<16xi32>, vector<16xi32>], vector<16xf32>,
          %get3A_416 = arith.index_cast %add3A_403 : i32 to index
          %get3A_417 = arith.constant 16 : index
          %get3A_418 = tpu.vector_load %arg9[%get3A_416, %get3A_417] {strides = array<i32>} : memref<512x32xf32, #tpu.memory_space<vmem>>, vector<16xf32>,
          %mul3A_419 = vector.broadcast %squeeze3A_405 : f32 to vector<16xf32>
          %mul3A_420 = arith.mulf %get3A_418, %mul3A_419 : vector<16xf32>
          tpu.vector_store_idx %arg11[%add3A_5, %add3A_410], %mul3A_420 : memref<32x513xf32, #tpu.memory_space<vmem>>[vector<16xi32>, vector<16xi32>], vector<16xf32>,
          %mul3A_421 = arith.constant 16 : i32
          %mul3A_422 = arith.muli %scan3A_124, %mul3A_421 : i32
          %add3A_423 = arith.constant 14 : i32
          %add3A_424 = arith.addi %mul3A_422, %add3A_423 : i32
          %slice3A_425 = vector.extract_strided_slice %get3A_128 {offsets = [14], sizes = [1], strides = [1]} : vector<16xf32> to vector<1xf32>
          %squeeze3A_426 = vector.extract %slice3A_425[0] : f32 from vector<1xf32>
          %mul3A_427 = arith.constant 0 : i32
          %mul3A_428 = vector.broadcast %mul3A_427 : i32 to vector<16xi32>
          %mul3A_429 = arith.muli %iota3A, %mul3A_428 : vector<16xi32>
          %add3A_430 = vector.broadcast %add3A_424 : i32 to vector<16xi32>
          %add3A_431 = arith.addi %mul3A_429, %add3A_430 : vector<16xi32>
          %get3A_432 = arith.index_cast %add3A_424 : i32 to index
          %get3A_433 = arith.constant 0 : index
          %get3A_434 = tpu.vector_load %arg9[%get3A_432, %get3A_433] {strides = array<i32>} : memref<512x32xf32, #tpu.memory_space<vmem>>, vector<16xf32>,
          %mul3A_435 = vector.broadcast %squeeze3A_426 : f32 to vector<16xf32>
          %mul3A_436 = arith.mulf %get3A_434, %mul3A_435 : vector<16xf32>
          tpu.vector_store_idx %arg11[%iota3A, %add3A_431], %mul3A_436 : memref<32x513xf32, #tpu.memory_space<vmem>>[vector<16xi32>, vector<16xi32>], vector<16xf32>,
          %get3A_437 = arith.index_cast %add3A_424 : i32 to index
          %get3A_438 = arith.constant 16 : index
          %get3A_439 = tpu.vector_load %arg9[%get3A_437, %get3A_438] {strides = array<i32>} : memref<512x32xf32, #tpu.memory_space<vmem>>, vector<16xf32>,
          %mul3A_440 = vector.broadcast %squeeze3A_426 : f32 to vector<16xf32>
          %mul3A_441 = arith.mulf %get3A_439, %mul3A_440 : vector<16xf32>
          tpu.vector_store_idx %arg11[%add3A_5, %add3A_431], %mul3A_441 : memref<32x513xf32, #tpu.memory_space<vmem>>[vector<16xi32>, vector<16xi32>], vector<16xf32>,
          %mul3A_442 = arith.constant 16 : i32
          %mul3A_443 = arith.muli %scan3A_124, %mul3A_442 : i32
          %add3A_444 = arith.constant 15 : i32
          %add3A_445 = arith.addi %mul3A_443, %add3A_444 : i32
          %slice3A_446 = vector.extract_strided_slice %get3A_128 {offsets = [15], sizes = [1], strides = [1]} : vector<16xf32> to vector<1xf32>
          %squeeze3A_447 = vector.extract %slice3A_446[0] : f32 from vector<1xf32>
          %mul3A_448 = arith.constant 0 : i32
          %mul3A_449 = vector.broadcast %mul3A_448 : i32 to vector<16xi32>
          %mul3A_450 = arith.muli %iota3A, %mul3A_449 : vector<16xi32>
          %add3A_451 = vector.broadcast %add3A_445 : i32 to vector<16xi32>
          %add3A_452 = arith.addi %mul3A_450, %add3A_451 : vector<16xi32>
          %get3A_453 = arith.index_cast %add3A_445 : i32 to index
          %get3A_454 = arith.constant 0 : index
          %get3A_455 = tpu.vector_load %arg9[%get3A_453, %get3A_454] {strides = array<i32>} : memref<512x32xf32, #tpu.memory_space<vmem>>, vector<16xf32>,
          %mul3A_456 = vector.broadcast %squeeze3A_447 : f32 to vector<16xf32>
          %mul3A_457 = arith.mulf %get3A_455, %mul3A_456 : vector<16xf32>
          tpu.vector_store_idx %arg11[%iota3A, %add3A_452], %mul3A_457 : memref<32x513xf32, #tpu.memory_space<vmem>>[vector<16xi32>, vector<16xi32>], vector<16xf32>,
          %get3A_458 = arith.index_cast %add3A_445 : i32 to index
          %get3A_459 = arith.constant 16 : index
          %get3A_460 = tpu.vector_load %arg9[%get3A_458, %get3A_459] {strides = array<i32>} : memref<512x32xf32, #tpu.memory_space<vmem>>, vector<16xf32>,
          %mul3A_461 = vector.broadcast %squeeze3A_447 : f32 to vector<16xf32>
          %mul3A_462 = arith.mulf %get3A_460, %mul3A_461 : vector<16xf32>
          tpu.vector_store_idx %arg11[%add3A_5, %add3A_452], %mul3A_462 : memref<32x513xf32, #tpu.memory_space<vmem>>[vector<16xi32>, vector<16xi32>], vector<16xf32>,
        }
        %scan3A_111 = arith.constant 32 : i32
        %dma_start3A_112 = arith.constant 0 : i32
        %dma_start3A_113 = arith.constant 0 : i32
        %dma_start3A_114 = tpu.memref_slice %arg11[%dma_start3A_112, %dma_start3A_113] : memref<32x513xf32, #tpu.memory_space<vmem>> -> memref<32x512xf32, #tpu.memory_space<vmem>>
        %dma_start3A_115 = arith.constant 0 : i32
        %dma_start3A_116 = tpu.memref_slice %arg5[%scan3A_79, %dma_start3A_115, %mul3A_2] : memref<26x32x16384xf32, #tpu.memory_space<hbm>> -> memref<1x32x512xf32, #tpu.memory_space<hbm>>
        %dma_start3A_117 = tpu.memref_squeeze %dma_start3A_116 : memref<1x32x512xf32, #tpu.memory_space<hbm>> -> memref<32x512xf32, #tpu.memory_space<hbm>>
        %dma_start3A_118 = arith.constant 0 : i32
        %dma_start3A_119 = tpu.memref_slice %arg5[%scan3A_79, %dma_start3A_118, %mul3A_2] : memref<26x32x16384xf32, #tpu.memory_space<hbm>> -> memref<1x32x512xf32, #tpu.memory_space<hbm>>
        %dma_start3A_120 = tpu.memref_squeeze %dma_start3A_119 : memref<1x32x512xf32, #tpu.memory_space<hbm>> -> memref<32x512xf32, #tpu.memory_space<hbm>>
        %dma_start3A_121 = arith.constant 0 : i32
        %dma_start3A_122 = arith.constant 0 : i32
        %dma_start3A_123 = tpu.memref_slice %arg11[%dma_start3A_121, %dma_start3A_122] : memref<32x513xf32, #tpu.memory_space<vmem>> -> memref<32x512xf32, #tpu.memory_space<vmem>>
        tpu.enqueue_dma source(%dma_start3A_123 : memref<32x512xf32, #tpu.memory_space<vmem>>) target(%dma_start3A_120 : memref<32x512xf32, #tpu.memory_space<hbm>>) target_semaphore(%arg14 : memref<!tpu.dma_semaphore, #tpu.memory_space<semaphore_mem>>)
      } else {
      }
    }
    %scan3A_49 = arith.constant 26 : i32
    %dma_wait3A = arith.constant 0 : i32
    %dma_wait3A_50 = arith.constant 0 : i32
    %dma_wait3A_51 = arith.constant 0 : i32
    %dma_wait3A_52 = tpu.memref_slice %arg10[%dma_wait3A_50, %dma_wait3A_51] : memref<32x513xf32, #tpu.memory_space<vmem>> -> memref<32x512xf32, #tpu.memory_space<vmem>>
    %dma_wait3A_53 = arith.constant 0 : i32
    %dma_wait3A_54 = arith.constant 0 : i32
    %dma_wait3A_55 = tpu.memref_slice %arg5[%dma_wait3A, %dma_wait3A_53, %dma_wait3A_54] : memref<26x32x16384xf32, #tpu.memory_space<hbm>> -> memref<1x32x512xf32, #tpu.memory_space<hbm>>
    %dma_wait3A_56 = tpu.memref_squeeze %dma_wait3A_55 : memref<1x32x512xf32, #tpu.memory_space<hbm>> -> memref<32x512xf32, #tpu.memory_space<hbm>>
    %dma_wait3A_57 = arith.constant 0 : i32
    %dma_wait3A_58 = arith.constant 0 : i32
    %dma_wait3A_59 = tpu.memref_slice %arg10[%dma_wait3A_57, %dma_wait3A_58] : memref<32x513xf32, #tpu.memory_space<vmem>> -> memref<32x512xf32, #tpu.memory_space<vmem>>
    %dma_wait3A_60 = arith.constant 0 : i32
    %dma_wait3A_61 = arith.constant 0 : i32
    %dma_wait3A_62 = tpu.memref_slice %arg5[%dma_wait3A, %dma_wait3A_60, %dma_wait3A_61] : memref<26x32x16384xf32, #tpu.memory_space<hbm>> -> memref<1x32x512xf32, #tpu.memory_space<hbm>>
    %dma_wait3A_63 = tpu.memref_squeeze %dma_wait3A_62 : memref<1x32x512xf32, #tpu.memory_space<hbm>> -> memref<32x512xf32, #tpu.memory_space<hbm>>
    tpu.wait_dma2 semaphore(%arg14 : memref<!tpu.dma_semaphore, #tpu.memory_space<semaphore_mem>>) src(%dma_wait3A_63 : memref<32x512xf32, #tpu.memory_space<hbm>>) dst(%dma_wait3A_59 : memref<32x512xf32, #tpu.memory_space<vmem>>)
    %dma_wait3A_64 = arith.constant 0 : i32
    %dma_wait3A_65 = arith.constant 0 : i32
    %dma_wait3A_66 = arith.constant 0 : i32
    %dma_wait3A_67 = tpu.memref_slice %arg11[%dma_wait3A_65, %dma_wait3A_66] : memref<32x513xf32, #tpu.memory_space<vmem>> -> memref<32x512xf32, #tpu.memory_space<vmem>>
    %dma_wait3A_68 = arith.constant 0 : i32
    %dma_wait3A_69 = arith.constant 0 : i32
    %dma_wait3A_70 = tpu.memref_slice %arg5[%dma_wait3A_64, %dma_wait3A_68, %dma_wait3A_69] : memref<26x32x16384xf32, #tpu.memory_space<hbm>> -> memref<1x32x512xf32, #tpu.memory_space<hbm>>
    %dma_wait3A_71 = tpu.memref_squeeze %dma_wait3A_70 : memref<1x32x512xf32, #tpu.memory_space<hbm>> -> memref<32x512xf32, #tpu.memory_space<hbm>>
    %dma_wait3A_72 = arith.constant 0 : i32
    %dma_wait3A_73 = arith.constant 0 : i32
    %dma_wait3A_74 = tpu.memref_slice %arg11[%dma_wait3A_72, %dma_wait3A_73] : memref<32x513xf32, #tpu.memory_space<vmem>> -> memref<32x512xf32, #tpu.memory_space<vmem>>
    %dma_wait3A_75 = arith.constant 0 : i32
    %dma_wait3A_76 = arith.constant 0 : i32
    %dma_wait3A_77 = tpu.memref_slice %arg5[%dma_wait3A_64, %dma_wait3A_75, %dma_wait3A_76] : memref<26x32x16384xf32, #tpu.memory_space<hbm>> -> memref<1x32x512xf32, #tpu.memory_space<hbm>>
    %dma_wait3A_78 = tpu.memref_squeeze %dma_wait3A_77 : memref<1x32x512xf32, #tpu.memory_space<hbm>> -> memref<32x512xf32, #tpu.memory_space<hbm>>
    tpu.wait_dma2 semaphore(%arg14 : memref<!tpu.dma_semaphore, #tpu.memory_space<semaphore_mem>>) src(%dma_wait3A_78 : memref<32x512xf32, #tpu.memory_space<hbm>>) dst(%dma_wait3A_74 : memref<32x512xf32, #tpu.memory_space<vmem>>)
    return
  }
}

#map = affine_map<(d0, d1) -> (0, 0)>
module attributes {stable_mosaic.version = 14 : i64} {
  func.func @ka(%arg0: i32, %arg1: i32, %arg2: memref<32x1000000xf32, #tpu.memory_space<hbm>>, %arg3: memref<250000x128xf32, #tpu.memory_space<hbm>>, %arg4: memref<32x512xf32, #tpu.memory_space<vmem>>, %arg5: memref<32x512xf32, #tpu.memory_space<vmem>>, %arg6: memref<128x128xf32, #tpu.memory_space<vmem>>, %arg7: memref<128x128xf32, #tpu.memory_space<vmem>>, %arg8: memref<32x64xf32, #tpu.memory_space<vmem>>, %arg9: memref<16x128xf32, #tpu.memory_space<vmem>>, %arg10: memref<!tpu.dma_semaphore, #tpu.memory_space<semaphore_mem>>, %arg11: memref<!tpu.dma_semaphore, #tpu.memory_space<semaphore_mem>>, %arg12: memref<!tpu.dma_semaphore, #tpu.memory_space<semaphore_mem>>) attributes {dimension_semantics = [#tpu.dimension_semantics<core_parallel>, #tpu.dimension_semantics<subcore_parallel>], iteration_bounds = array<i64: 2, 16>, scalar_prefetch = 0 : i64, scratch_operands = 9 : i64, tpu.core_type = #tpu.core_type<sc_vector_subcore>, window_params = [{transform_indices = #map}, {transform_indices = #map}]} {
    %mul3A = arith.constant 2 : i32
    %mul3A_0 = arith.muli %arg1, %mul3A : i32
    %add3A = arith.addi %mul3A_0, %arg0 : i32
    %iota3A = tpu.iota {dimensions = array<i32: 0>} : vector<16xi32>
    %add3A_1 = arith.constant 16 : i32
    %add3A_2 = vector.broadcast %add3A_1 : i32 to vector<16xi32>
    %add3A_3 = arith.addi %iota3A, %add3A_2 : vector<16xi32>
    %add3A_4 = arith.constant 0 : i32
    %add3A_5 = vector.broadcast %add3A_4 : i32 to vector<16xi32>
    %add3A_6 = arith.addi %iota3A, %add3A_5 : vector<16xi32>
    %and3A = arith.constant 15 : i32
    %and3A_7 = vector.broadcast %and3A : i32 to vector<16xi32>
    %and3A_8 = arith.andi %add3A_6, %and3A_7 : vector<16xi32>
    %add3A_9 = arith.constant 1 : i32
    %add3A_10 = vector.broadcast %add3A_9 : i32 to vector<16xi32>
    %add3A_11 = arith.addi %iota3A, %add3A_10 : vector<16xi32>
    %and3A_12 = arith.constant 15 : i32
    %and3A_13 = vector.broadcast %and3A_12 : i32 to vector<16xi32>
    %and3A_14 = arith.andi %add3A_11, %and3A_13 : vector<16xi32>
    %add3A_15 = arith.constant 2 : i32
    %add3A_16 = vector.broadcast %add3A_15 : i32 to vector<16xi32>
    %add3A_17 = arith.addi %iota3A, %add3A_16 : vector<16xi32>
    %and3A_18 = arith.constant 15 : i32
    %and3A_19 = vector.broadcast %and3A_18 : i32 to vector<16xi32>
    %and3A_20 = arith.andi %add3A_17, %and3A_19 : vector<16xi32>
    %add3A_21 = arith.constant 3 : i32
    %add3A_22 = vector.broadcast %add3A_21 : i32 to vector<16xi32>
    %add3A_23 = arith.addi %iota3A, %add3A_22 : vector<16xi32>
    %and3A_24 = arith.constant 15 : i32
    %and3A_25 = vector.broadcast %and3A_24 : i32 to vector<16xi32>
    %and3A_26 = arith.andi %add3A_23, %and3A_25 : vector<16xi32>
    %add3A_27 = arith.constant 4 : i32
    %add3A_28 = vector.broadcast %add3A_27 : i32 to vector<16xi32>
    %add3A_29 = arith.addi %iota3A, %add3A_28 : vector<16xi32>
    %and3A_30 = arith.constant 15 : i32
    %and3A_31 = vector.broadcast %and3A_30 : i32 to vector<16xi32>
    %and3A_32 = arith.andi %add3A_29, %and3A_31 : vector<16xi32>
    %add3A_33 = arith.constant 5 : i32
    %add3A_34 = vector.broadcast %add3A_33 : i32 to vector<16xi32>
    %add3A_35 = arith.addi %iota3A, %add3A_34 : vector<16xi32>
    %and3A_36 = arith.constant 15 : i32
    %and3A_37 = vector.broadcast %and3A_36 : i32 to vector<16xi32>
    %and3A_38 = arith.andi %add3A_35, %and3A_37 : vector<16xi32>
    %add3A_39 = arith.constant 6 : i32
    %add3A_40 = vector.broadcast %add3A_39 : i32 to vector<16xi32>
    %add3A_41 = arith.addi %iota3A, %add3A_40 : vector<16xi32>
    %and3A_42 = arith.constant 15 : i32
    %and3A_43 = vector.broadcast %and3A_42 : i32 to vector<16xi32>
    %and3A_44 = arith.andi %add3A_41, %and3A_43 : vector<16xi32>
    %add3A_45 = arith.constant 7 : i32
    %add3A_46 = vector.broadcast %add3A_45 : i32 to vector<16xi32>
    %add3A_47 = arith.addi %iota3A, %add3A_46 : vector<16xi32>
    %and3A_48 = arith.constant 15 : i32
    %and3A_49 = vector.broadcast %and3A_48 : i32 to vector<16xi32>
    %and3A_50 = arith.andi %add3A_47, %and3A_49 : vector<16xi32>
    %add3A_51 = arith.constant 8 : i32
    %add3A_52 = vector.broadcast %add3A_51 : i32 to vector<16xi32>
    %add3A_53 = arith.addi %iota3A, %add3A_52 : vector<16xi32>
    %and3A_54 = arith.constant 15 : i32
    %and3A_55 = vector.broadcast %and3A_54 : i32 to vector<16xi32>
    %and3A_56 = arith.andi %add3A_53, %and3A_55 : vector<16xi32>
    %add3A_57 = arith.constant 9 : i32
    %add3A_58 = vector.broadcast %add3A_57 : i32 to vector<16xi32>
    %add3A_59 = arith.addi %iota3A, %add3A_58 : vector<16xi32>
    %and3A_60 = arith.constant 15 : i32
    %and3A_61 = vector.broadcast %and3A_60 : i32 to vector<16xi32>
    %and3A_62 = arith.andi %add3A_59, %and3A_61 : vector<16xi32>
    %add3A_63 = arith.constant 10 : i32
    %add3A_64 = vector.broadcast %add3A_63 : i32 to vector<16xi32>
    %add3A_65 = arith.addi %iota3A, %add3A_64 : vector<16xi32>
    %and3A_66 = arith.constant 15 : i32
    %and3A_67 = vector.broadcast %and3A_66 : i32 to vector<16xi32>
    %and3A_68 = arith.andi %add3A_65, %and3A_67 : vector<16xi32>
    %add3A_69 = arith.constant 11 : i32
    %add3A_70 = vector.broadcast %add3A_69 : i32 to vector<16xi32>
    %add3A_71 = arith.addi %iota3A, %add3A_70 : vector<16xi32>
    %and3A_72 = arith.constant 15 : i32
    %and3A_73 = vector.broadcast %and3A_72 : i32 to vector<16xi32>
    %and3A_74 = arith.andi %add3A_71, %and3A_73 : vector<16xi32>
    %add3A_75 = arith.constant 12 : i32
    %add3A_76 = vector.broadcast %add3A_75 : i32 to vector<16xi32>
    %add3A_77 = arith.addi %iota3A, %add3A_76 : vector<16xi32>
    %and3A_78 = arith.constant 15 : i32
    %and3A_79 = vector.broadcast %and3A_78 : i32 to vector<16xi32>
    %and3A_80 = arith.andi %add3A_77, %and3A_79 : vector<16xi32>
    %add3A_81 = arith.constant 13 : i32
    %add3A_82 = vector.broadcast %add3A_81 : i32 to vector<16xi32>
    %add3A_83 = arith.addi %iota3A, %add3A_82 : vector<16xi32>
    %and3A_84 = arith.constant 15 : i32
    %and3A_85 = vector.broadcast %and3A_84 : i32 to vector<16xi32>
    %and3A_86 = arith.andi %add3A_83, %and3A_85 : vector<16xi32>
    %add3A_87 = arith.constant 14 : i32
    %add3A_88 = vector.broadcast %add3A_87 : i32 to vector<16xi32>
    %add3A_89 = arith.addi %iota3A, %add3A_88 : vector<16xi32>
    %and3A_90 = arith.constant 15 : i32
    %and3A_91 = vector.broadcast %and3A_90 : i32 to vector<16xi32>
    %and3A_92 = arith.andi %add3A_89, %and3A_91 : vector<16xi32>
    %add3A_93 = arith.constant 15 : i32
    %add3A_94 = vector.broadcast %add3A_93 : i32 to vector<16xi32>
    %add3A_95 = arith.addi %iota3A, %add3A_94 : vector<16xi32>
    %and3A_96 = arith.constant 15 : i32
    %and3A_97 = vector.broadcast %and3A_96 : i32 to vector<16xi32>
    %and3A_98 = arith.andi %add3A_95, %and3A_97 : vector<16xi32>
    %lt3A = arith.constant 1953 : i32
    %lt3A_99 = arith.cmpi slt, %add3A, %lt3A : i32
    %convert_element_type3A = arith.extui %lt3A_99 : i1 to i32
    %cond3A = arith.constant 0 : i32
    %cond3A_100 = arith.cmpi ne, %convert_element_type3A, %cond3A : i32
    scf.if %cond3A_100 {
      %mul3A_124 = arith.constant 512 : i32
      %mul3A_125 = arith.muli %add3A, %mul3A_124 : i32
      %dma_start3A = arith.constant 0 : i32
      %dma_start3A_126 = tpu.memref_slice %arg2[%dma_start3A, %mul3A_125] : memref<32x1000000xf32, #tpu.memory_space<hbm>> -> memref<32x512xf32, #tpu.memory_space<hbm>>
      %dma_start3A_127 = arith.constant 0 : i32
      %dma_start3A_128 = tpu.memref_slice %arg2[%dma_start3A_127, %mul3A_125] : memref<32x1000000xf32, #tpu.memory_space<hbm>> -> memref<32x512xf32, #tpu.memory_space<hbm>>
      tpu.enqueue_dma source(%dma_start3A_128 : memref<32x512xf32, #tpu.memory_space<hbm>>) target(%arg4 : memref<32x512xf32, #tpu.memory_space<vmem>>) target_semaphore(%arg10 : memref<!tpu.dma_semaphore, #tpu.memory_space<semaphore_mem>>)
    } else {
    }
    %scan3A = arith.constant 0 : i32
    %scan3A_101 = arith.constant 0 : i32
    %scan3A_102 = arith.constant 62 : i32
    %scan3A_103 = arith.addi %scan3A_101, %scan3A_102 : i32
    %scan3A_104 = arith.constant 1 : i32
    scf.for %scan3A_124 = %scan3A_101 to %scan3A_103 step %scan3A_104  : i32 {
      %mul3A_125 = arith.constant 32 : i32
      %mul3A_126 = arith.muli %scan3A_124, %mul3A_125 : i32
      %add3A_127 = arith.addi %add3A, %mul3A_126 : i32
      %rem3A = arith.constant 2 : i32
      %rem3A_128 = arith.remsi %scan3A_124, %rem3A : i32
      %eq3A_129 = arith.constant 0 : i32
      %eq3A_130 = arith.cmpi eq, %rem3A_128, %eq3A_129 : i32
      %convert_element_type3A_131 = arith.extui %eq3A_130 : i1 to i32
      %cond3A_132 = arith.constant 0 : i32
      %cond3A_133 = arith.cmpi ne, %convert_element_type3A_131, %cond3A_132 : i32
      scf.if %cond3A_133 {
        %ge3A = arith.constant 2 : i32
        %ge3A_141 = arith.cmpi sge, %scan3A_124, %ge3A : i32
        %sub3A = arith.constant 64 : i32
        %sub3A_142 = arith.subi %add3A_127, %sub3A : i32
        %lt3A_143 = arith.constant 1953 : i32
        %lt3A_144 = arith.cmpi slt, %sub3A_142, %lt3A_143 : i32
        %and3A_145 = arith.andi %ge3A_141, %lt3A_144 : i1
        %convert_element_type3A_146 = arith.extui %and3A_145 : i1 to i32
        %cond3A_147 = arith.constant 0 : i32
        %cond3A_148 = arith.cmpi ne, %convert_element_type3A_146, %cond3A_147 : i32
        scf.if %cond3A_148 {
          %dma_wait3A = arith.constant 0 : i32
          %dma_wait3A_154 = arith.constant 0 : i32
          %dma_wait3A_155 = tpu.memref_slice %arg3[%dma_wait3A, %dma_wait3A_154] : memref<250000x128xf32, #tpu.memory_space<hbm>> -> memref<128x128xf32, #tpu.memory_space<hbm>>
          %dma_wait3A_156 = arith.constant 0 : i32
          %dma_wait3A_157 = arith.constant 0 : i32
          %dma_wait3A_158 = tpu.memref_slice %arg3[%dma_wait3A_156, %dma_wait3A_157] : memref<250000x128xf32, #tpu.memory_space<hbm>> -> memref<128x128xf32, #tpu.memory_space<hbm>>
          tpu.wait_dma2 semaphore(%arg12 : memref<!tpu.dma_semaphore, #tpu.memory_space<semaphore_mem>>) src(%dma_wait3A_158 : memref<128x128xf32, #tpu.memory_space<hbm>>) dst(%arg6 : memref<128x128xf32, #tpu.memory_space<vmem>>)
        } else {
        }
        %lt3A_149 = arith.constant 1953 : i32
        %lt3A_150 = arith.cmpi slt, %add3A_127, %lt3A_149 : i32
        %convert_element_type3A_151 = arith.extui %lt3A_150 : i1 to i32
        %cond3A_152 = arith.constant 0 : i32
        %cond3A_153 = arith.cmpi ne, %convert_element_type3A_151, %cond3A_152 : i32
        scf.if %cond3A_153 {
          %dma_wait3A = arith.constant 0 : i32
          %dma_wait3A_154 = arith.constant 0 : i32
          %dma_wait3A_155 = tpu.memref_slice %arg2[%dma_wait3A, %dma_wait3A_154] : memref<32x1000000xf32, #tpu.memory_space<hbm>> -> memref<32x512xf32, #tpu.memory_space<hbm>>
          %dma_wait3A_156 = arith.constant 0 : i32
          %dma_wait3A_157 = arith.constant 0 : i32
          %dma_wait3A_158 = tpu.memref_slice %arg2[%dma_wait3A_156, %dma_wait3A_157] : memref<32x1000000xf32, #tpu.memory_space<hbm>> -> memref<32x512xf32, #tpu.memory_space<hbm>>
          tpu.wait_dma2 semaphore(%arg10 : memref<!tpu.dma_semaphore, #tpu.memory_space<semaphore_mem>>) src(%dma_wait3A_158 : memref<32x512xf32, #tpu.memory_space<hbm>>) dst(%arg4 : memref<32x512xf32, #tpu.memory_space<vmem>>)
          %add3A_159 = arith.constant 32 : i32
          %add3A_160 = arith.addi %add3A_127, %add3A_159 : i32
          %lt3A_161 = arith.constant 1953 : i32
          %lt3A_162 = arith.cmpi slt, %add3A_160, %lt3A_161 : i32
          %convert_element_type3A_163 = arith.extui %lt3A_162 : i1 to i32
          %cond3A_164 = arith.constant 0 : i32
          %cond3A_165 = arith.cmpi ne, %convert_element_type3A_163, %cond3A_164 : i32
          scf.if %cond3A_165 {
            %add3A_177 = arith.constant 32 : i32
            %add3A_178 = arith.addi %add3A_127, %add3A_177 : i32
            %mul3A_179 = arith.constant 512 : i32
            %mul3A_180 = arith.muli %add3A_178, %mul3A_179 : i32
            %dma_start3A_181 = arith.constant 0 : i32
            %dma_start3A_182 = tpu.memref_slice %arg2[%dma_start3A_181, %mul3A_180] : memref<32x1000000xf32, #tpu.memory_space<hbm>> -> memref<32x512xf32, #tpu.memory_space<hbm>>
            %dma_start3A_183 = arith.constant 0 : i32
            %dma_start3A_184 = tpu.memref_slice %arg2[%dma_start3A_183, %mul3A_180] : memref<32x1000000xf32, #tpu.memory_space<hbm>> -> memref<32x512xf32, #tpu.memory_space<hbm>>
            tpu.enqueue_dma source(%dma_start3A_184 : memref<32x512xf32, #tpu.memory_space<hbm>>) target(%arg5 : memref<32x512xf32, #tpu.memory_space<vmem>>) target_semaphore(%arg11 : memref<!tpu.dma_semaphore, #tpu.memory_space<semaphore_mem>>)
          } else {
          }
          %scan3A_166 = arith.constant 0 : i32
          %scan3A_167 = arith.constant 0 : i32
          %scan3A_168 = arith.constant 32 : i32
          %scan3A_169 = arith.addi %scan3A_167, %scan3A_168 : i32
          %scan3A_170 = arith.constant 1 : i32
          scf.for %scan3A_177 = %scan3A_167 to %scan3A_169 step %scan3A_170  : i32 {
            %shift_right_logical3A = arith.constant 2 : i32
            %shift_right_logical3A_178 = vector.broadcast %shift_right_logical3A : i32 to vector<16xi32>
            %shift_right_logical3A_179 = arith.shrui %and3A_8, %shift_right_logical3A_178 : vector<16xi32>
            %and3A_180 = arith.constant 3 : i32
            %and3A_181 = vector.broadcast %and3A_180 : i32 to vector<16xi32>
            %and3A_182 = arith.andi %and3A_8, %and3A_181 : vector<16xi32>
            %shift_left3A = arith.constant 5 : i32
            %shift_left3A_183 = vector.broadcast %shift_left3A : i32 to vector<16xi32>
            %shift_left3A_184 = arith.shli %and3A_182, %shift_left3A_183 : vector<16xi32>
            %add3A_185 = arith.addi %shift_left3A_184, %iota3A : vector<16xi32>
            %mul3A_186 = arith.constant 16 : i32
            %mul3A_187 = arith.muli %scan3A_177, %mul3A_186 : i32
            %add3A_188 = vector.broadcast %mul3A_187 : i32 to vector<16xi32>
            %add3A_189 = arith.addi %and3A_8, %add3A_188 : vector<16xi32>
            %mul3A_190 = arith.constant 4 : i32
            %mul3A_191 = arith.muli %scan3A_177, %mul3A_190 : i32
            %add3A_192 = vector.broadcast %mul3A_191 : i32 to vector<16xi32>
            %add3A_193 = arith.addi %shift_right_logical3A_179, %add3A_192 : vector<16xi32>
            %gather3A = tpu.vector_load_idx %arg4[%iota3A, %add3A_189] : memref<32x512xf32, #tpu.memory_space<vmem>>[vector<16xi32>, vector<16xi32>], vector<16xf32>,
            %add3A_194 = arith.constant 0 : i32
            %add3A_195 = vector.broadcast %add3A_194 : i32 to vector<16xi32>
            %add3A_196 = arith.addi %add3A_185, %add3A_195 : vector<16xi32>
            tpu.vector_store_idx %arg6[%add3A_193, %add3A_196], %gather3A : memref<128x128xf32, #tpu.memory_space<vmem>>[vector<16xi32>, vector<16xi32>], vector<16xf32>,
            %gather3A_197 = tpu.vector_load_idx %arg4[%add3A_3, %add3A_189] : memref<32x512xf32, #tpu.memory_space<vmem>>[vector<16xi32>, vector<16xi32>], vector<16xf32>,
            %add3A_198 = arith.constant 16 : i32
            %add3A_199 = vector.broadcast %add3A_198 : i32 to vector<16xi32>
            %add3A_200 = arith.addi %add3A_185, %add3A_199 : vector<16xi32>
            tpu.vector_store_idx %arg6[%add3A_193, %add3A_200], %gather3A_197 : memref<128x128xf32, #tpu.memory_space<vmem>>[vector<16xi32>, vector<16xi32>], vector<16xf32>,
            %shift_right_logical3A_201 = arith.constant 2 : i32
            %shift_right_logical3A_202 = vector.broadcast %shift_right_logical3A_201 : i32 to vector<16xi32>
            %shift_right_logical3A_203 = arith.shrui %and3A_14, %shift_right_logical3A_202 : vector<16xi32>
            %and3A_204 = arith.constant 3 : i32
            %and3A_205 = vector.broadcast %and3A_204 : i32 to vector<16xi32>
            %and3A_206 = arith.andi %and3A_14, %and3A_205 : vector<16xi32>
            %shift_left3A_207 = arith.constant 5 : i32
            %shift_left3A_208 = vector.broadcast %shift_left3A_207 : i32 to vector<16xi32>
            %shift_left3A_209 = arith.shli %and3A_206, %shift_left3A_208 : vector<16xi32>
            %add3A_210 = arith.addi %shift_left3A_209, %iota3A : vector<16xi32>
            %mul3A_211 = arith.constant 16 : i32
            %mul3A_212 = arith.muli %scan3A_177, %mul3A_211 : i32
            %add3A_213 = vector.broadcast %mul3A_212 : i32 to vector<16xi32>
            %add3A_214 = arith.addi %and3A_14, %add3A_213 : vector<16xi32>
            %mul3A_215 = arith.constant 4 : i32
            %mul3A_216 = arith.muli %scan3A_177, %mul3A_215 : i32
            %add3A_217 = vector.broadcast %mul3A_216 : i32 to vector<16xi32>
            %add3A_218 = arith.addi %shift_right_logical3A_203, %add3A_217 : vector<16xi32>
            %gather3A_219 = tpu.vector_load_idx %arg4[%iota3A, %add3A_214] : memref<32x512xf32, #tpu.memory_space<vmem>>[vector<16xi32>, vector<16xi32>], vector<16xf32>,
            %add3A_220 = arith.constant 0 : i32
            %add3A_221 = vector.broadcast %add3A_220 : i32 to vector<16xi32>
            %add3A_222 = arith.addi %add3A_210, %add3A_221 : vector<16xi32>
            tpu.vector_store_idx %arg6[%add3A_218, %add3A_222], %gather3A_219 : memref<128x128xf32, #tpu.memory_space<vmem>>[vector<16xi32>, vector<16xi32>], vector<16xf32>,
            %gather3A_223 = tpu.vector_load_idx %arg4[%add3A_3, %add3A_214] : memref<32x512xf32, #tpu.memory_space<vmem>>[vector<16xi32>, vector<16xi32>], vector<16xf32>,
            %add3A_224 = arith.constant 16 : i32
            %add3A_225 = vector.broadcast %add3A_224 : i32 to vector<16xi32>
            %add3A_226 = arith.addi %add3A_210, %add3A_225 : vector<16xi32>
            tpu.vector_store_idx %arg6[%add3A_218, %add3A_226], %gather3A_223 : memref<128x128xf32, #tpu.memory_space<vmem>>[vector<16xi32>, vector<16xi32>], vector<16xf32>,
            %shift_right_logical3A_227 = arith.constant 2 : i32
            %shift_right_logical3A_228 = vector.broadcast %shift_right_logical3A_227 : i32 to vector<16xi32>
            %shift_right_logical3A_229 = arith.shrui %and3A_20, %shift_right_logical3A_228 : vector<16xi32>
            %and3A_230 = arith.constant 3 : i32
            %and3A_231 = vector.broadcast %and3A_230 : i32 to vector<16xi32>
            %and3A_232 = arith.andi %and3A_20, %and3A_231 : vector<16xi32>
            %shift_left3A_233 = arith.constant 5 : i32
            %shift_left3A_234 = vector.broadcast %shift_left3A_233 : i32 to vector<16xi32>
            %shift_left3A_235 = arith.shli %and3A_232, %shift_left3A_234 : vector<16xi32>
            %add3A_236 = arith.addi %shift_left3A_235, %iota3A : vector<16xi32>
            %mul3A_237 = arith.constant 16 : i32
            %mul3A_238 = arith.muli %scan3A_177, %mul3A_237 : i32
            %add3A_239 = vector.broadcast %mul3A_238 : i32 to vector<16xi32>
            %add3A_240 = arith.addi %and3A_20, %add3A_239 : vector<16xi32>
            %mul3A_241 = arith.constant 4 : i32
            %mul3A_242 = arith.muli %scan3A_177, %mul3A_241 : i32
            %add3A_243 = vector.broadcast %mul3A_242 : i32 to vector<16xi32>
            %add3A_244 = arith.addi %shift_right_logical3A_229, %add3A_243 : vector<16xi32>
            %gather3A_245 = tpu.vector_load_idx %arg4[%iota3A, %add3A_240] : memref<32x512xf32, #tpu.memory_space<vmem>>[vector<16xi32>, vector<16xi32>], vector<16xf32>,
            %add3A_246 = arith.constant 0 : i32
            %add3A_247 = vector.broadcast %add3A_246 : i32 to vector<16xi32>
            %add3A_248 = arith.addi %add3A_236, %add3A_247 : vector<16xi32>
            tpu.vector_store_idx %arg6[%add3A_244, %add3A_248], %gather3A_245 : memref<128x128xf32, #tpu.memory_space<vmem>>[vector<16xi32>, vector<16xi32>], vector<16xf32>,
            %gather3A_249 = tpu.vector_load_idx %arg4[%add3A_3, %add3A_240] : memref<32x512xf32, #tpu.memory_space<vmem>>[vector<16xi32>, vector<16xi32>], vector<16xf32>,
            %add3A_250 = arith.constant 16 : i32
            %add3A_251 = vector.broadcast %add3A_250 : i32 to vector<16xi32>
            %add3A_252 = arith.addi %add3A_236, %add3A_251 : vector<16xi32>
            tpu.vector_store_idx %arg6[%add3A_244, %add3A_252], %gather3A_249 : memref<128x128xf32, #tpu.memory_space<vmem>>[vector<16xi32>, vector<16xi32>], vector<16xf32>,
            %shift_right_logical3A_253 = arith.constant 2 : i32
            %shift_right_logical3A_254 = vector.broadcast %shift_right_logical3A_253 : i32 to vector<16xi32>
            %shift_right_logical3A_255 = arith.shrui %and3A_26, %shift_right_logical3A_254 : vector<16xi32>
            %and3A_256 = arith.constant 3 : i32
            %and3A_257 = vector.broadcast %and3A_256 : i32 to vector<16xi32>
            %and3A_258 = arith.andi %and3A_26, %and3A_257 : vector<16xi32>
            %shift_left3A_259 = arith.constant 5 : i32
            %shift_left3A_260 = vector.broadcast %shift_left3A_259 : i32 to vector<16xi32>
            %shift_left3A_261 = arith.shli %and3A_258, %shift_left3A_260 : vector<16xi32>
            %add3A_262 = arith.addi %shift_left3A_261, %iota3A : vector<16xi32>
            %mul3A_263 = arith.constant 16 : i32
            %mul3A_264 = arith.muli %scan3A_177, %mul3A_263 : i32
            %add3A_265 = vector.broadcast %mul3A_264 : i32 to vector<16xi32>
            %add3A_266 = arith.addi %and3A_26, %add3A_265 : vector<16xi32>
            %mul3A_267 = arith.constant 4 : i32
            %mul3A_268 = arith.muli %scan3A_177, %mul3A_267 : i32
            %add3A_269 = vector.broadcast %mul3A_268 : i32 to vector<16xi32>
            %add3A_270 = arith.addi %shift_right_logical3A_255, %add3A_269 : vector<16xi32>
            %gather3A_271 = tpu.vector_load_idx %arg4[%iota3A, %add3A_266] : memref<32x512xf32, #tpu.memory_space<vmem>>[vector<16xi32>, vector<16xi32>], vector<16xf32>,
            %add3A_272 = arith.constant 0 : i32
            %add3A_273 = vector.broadcast %add3A_272 : i32 to vector<16xi32>
            %add3A_274 = arith.addi %add3A_262, %add3A_273 : vector<16xi32>
            tpu.vector_store_idx %arg6[%add3A_270, %add3A_274], %gather3A_271 : memref<128x128xf32, #tpu.memory_space<vmem>>[vector<16xi32>, vector<16xi32>], vector<16xf32>,
            %gather3A_275 = tpu.vector_load_idx %arg4[%add3A_3, %add3A_266] : memref<32x512xf32, #tpu.memory_space<vmem>>[vector<16xi32>, vector<16xi32>], vector<16xf32>,
            %add3A_276 = arith.constant 16 : i32
            %add3A_277 = vector.broadcast %add3A_276 : i32 to vector<16xi32>
            %add3A_278 = arith.addi %add3A_262, %add3A_277 : vector<16xi32>
            tpu.vector_store_idx %arg6[%add3A_270, %add3A_278], %gather3A_275 : memref<128x128xf32, #tpu.memory_space<vmem>>[vector<16xi32>, vector<16xi32>], vector<16xf32>,
            %shift_right_logical3A_279 = arith.constant 2 : i32
            %shift_right_logical3A_280 = vector.broadcast %shift_right_logical3A_279 : i32 to vector<16xi32>
            %shift_right_logical3A_281 = arith.shrui %and3A_32, %shift_right_logical3A_280 : vector<16xi32>
            %and3A_282 = arith.constant 3 : i32
            %and3A_283 = vector.broadcast %and3A_282 : i32 to vector<16xi32>
            %and3A_284 = arith.andi %and3A_32, %and3A_283 : vector<16xi32>
            %shift_left3A_285 = arith.constant 5 : i32
            %shift_left3A_286 = vector.broadcast %shift_left3A_285 : i32 to vector<16xi32>
            %shift_left3A_287 = arith.shli %and3A_284, %shift_left3A_286 : vector<16xi32>
            %add3A_288 = arith.addi %shift_left3A_287, %iota3A : vector<16xi32>
            %mul3A_289 = arith.constant 16 : i32
            %mul3A_290 = arith.muli %scan3A_177, %mul3A_289 : i32
            %add3A_291 = vector.broadcast %mul3A_290 : i32 to vector<16xi32>
            %add3A_292 = arith.addi %and3A_32, %add3A_291 : vector<16xi32>
            %mul3A_293 = arith.constant 4 : i32
            %mul3A_294 = arith.muli %scan3A_177, %mul3A_293 : i32
            %add3A_295 = vector.broadcast %mul3A_294 : i32 to vector<16xi32>
            %add3A_296 = arith.addi %shift_right_logical3A_281, %add3A_295 : vector<16xi32>
            %gather3A_297 = tpu.vector_load_idx %arg4[%iota3A, %add3A_292] : memref<32x512xf32, #tpu.memory_space<vmem>>[vector<16xi32>, vector<16xi32>], vector<16xf32>,
            %add3A_298 = arith.constant 0 : i32
            %add3A_299 = vector.broadcast %add3A_298 : i32 to vector<16xi32>
            %add3A_300 = arith.addi %add3A_288, %add3A_299 : vector<16xi32>
            tpu.vector_store_idx %arg6[%add3A_296, %add3A_300], %gather3A_297 : memref<128x128xf32, #tpu.memory_space<vmem>>[vector<16xi32>, vector<16xi32>], vector<16xf32>,
            %gather3A_301 = tpu.vector_load_idx %arg4[%add3A_3, %add3A_292] : memref<32x512xf32, #tpu.memory_space<vmem>>[vector<16xi32>, vector<16xi32>], vector<16xf32>,
            %add3A_302 = arith.constant 16 : i32
            %add3A_303 = vector.broadcast %add3A_302 : i32 to vector<16xi32>
            %add3A_304 = arith.addi %add3A_288, %add3A_303 : vector<16xi32>
            tpu.vector_store_idx %arg6[%add3A_296, %add3A_304], %gather3A_301 : memref<128x128xf32, #tpu.memory_space<vmem>>[vector<16xi32>, vector<16xi32>], vector<16xf32>,
            %shift_right_logical3A_305 = arith.constant 2 : i32
            %shift_right_logical3A_306 = vector.broadcast %shift_right_logical3A_305 : i32 to vector<16xi32>
            %shift_right_logical3A_307 = arith.shrui %and3A_38, %shift_right_logical3A_306 : vector<16xi32>
            %and3A_308 = arith.constant 3 : i32
            %and3A_309 = vector.broadcast %and3A_308 : i32 to vector<16xi32>
            %and3A_310 = arith.andi %and3A_38, %and3A_309 : vector<16xi32>
            %shift_left3A_311 = arith.constant 5 : i32
            %shift_left3A_312 = vector.broadcast %shift_left3A_311 : i32 to vector<16xi32>
            %shift_left3A_313 = arith.shli %and3A_310, %shift_left3A_312 : vector<16xi32>
            %add3A_314 = arith.addi %shift_left3A_313, %iota3A : vector<16xi32>
            %mul3A_315 = arith.constant 16 : i32
            %mul3A_316 = arith.muli %scan3A_177, %mul3A_315 : i32
            %add3A_317 = vector.broadcast %mul3A_316 : i32 to vector<16xi32>
            %add3A_318 = arith.addi %and3A_38, %add3A_317 : vector<16xi32>
            %mul3A_319 = arith.constant 4 : i32
            %mul3A_320 = arith.muli %scan3A_177, %mul3A_319 : i32
            %add3A_321 = vector.broadcast %mul3A_320 : i32 to vector<16xi32>
            %add3A_322 = arith.addi %shift_right_logical3A_307, %add3A_321 : vector<16xi32>
            %gather3A_323 = tpu.vector_load_idx %arg4[%iota3A, %add3A_318] : memref<32x512xf32, #tpu.memory_space<vmem>>[vector<16xi32>, vector<16xi32>], vector<16xf32>,
            %add3A_324 = arith.constant 0 : i32
            %add3A_325 = vector.broadcast %add3A_324 : i32 to vector<16xi32>
            %add3A_326 = arith.addi %add3A_314, %add3A_325 : vector<16xi32>
            tpu.vector_store_idx %arg6[%add3A_322, %add3A_326], %gather3A_323 : memref<128x128xf32, #tpu.memory_space<vmem>>[vector<16xi32>, vector<16xi32>], vector<16xf32>,
            %gather3A_327 = tpu.vector_load_idx %arg4[%add3A_3, %add3A_318] : memref<32x512xf32, #tpu.memory_space<vmem>>[vector<16xi32>, vector<16xi32>], vector<16xf32>,
            %add3A_328 = arith.constant 16 : i32
            %add3A_329 = vector.broadcast %add3A_328 : i32 to vector<16xi32>
            %add3A_330 = arith.addi %add3A_314, %add3A_329 : vector<16xi32>
            tpu.vector_store_idx %arg6[%add3A_322, %add3A_330], %gather3A_327 : memref<128x128xf32, #tpu.memory_space<vmem>>[vector<16xi32>, vector<16xi32>], vector<16xf32>,
            %shift_right_logical3A_331 = arith.constant 2 : i32
            %shift_right_logical3A_332 = vector.broadcast %shift_right_logical3A_331 : i32 to vector<16xi32>
            %shift_right_logical3A_333 = arith.shrui %and3A_44, %shift_right_logical3A_332 : vector<16xi32>
            %and3A_334 = arith.constant 3 : i32
            %and3A_335 = vector.broadcast %and3A_334 : i32 to vector<16xi32>
            %and3A_336 = arith.andi %and3A_44, %and3A_335 : vector<16xi32>
            %shift_left3A_337 = arith.constant 5 : i32
            %shift_left3A_338 = vector.broadcast %shift_left3A_337 : i32 to vector<16xi32>
            %shift_left3A_339 = arith.shli %and3A_336, %shift_left3A_338 : vector<16xi32>
            %add3A_340 = arith.addi %shift_left3A_339, %iota3A : vector<16xi32>
            %mul3A_341 = arith.constant 16 : i32
            %mul3A_342 = arith.muli %scan3A_177, %mul3A_341 : i32
            %add3A_343 = vector.broadcast %mul3A_342 : i32 to vector<16xi32>
            %add3A_344 = arith.addi %and3A_44, %add3A_343 : vector<16xi32>
            %mul3A_345 = arith.constant 4 : i32
            %mul3A_346 = arith.muli %scan3A_177, %mul3A_345 : i32
            %add3A_347 = vector.broadcast %mul3A_346 : i32 to vector<16xi32>
            %add3A_348 = arith.addi %shift_right_logical3A_333, %add3A_347 : vector<16xi32>
            %gather3A_349 = tpu.vector_load_idx %arg4[%iota3A, %add3A_344] : memref<32x512xf32, #tpu.memory_space<vmem>>[vector<16xi32>, vector<16xi32>], vector<16xf32>,
            %add3A_350 = arith.constant 0 : i32
            %add3A_351 = vector.broadcast %add3A_350 : i32 to vector<16xi32>
            %add3A_352 = arith.addi %add3A_340, %add3A_351 : vector<16xi32>
            tpu.vector_store_idx %arg6[%add3A_348, %add3A_352], %gather3A_349 : memref<128x128xf32, #tpu.memory_space<vmem>>[vector<16xi32>, vector<16xi32>], vector<16xf32>,
            %gather3A_353 = tpu.vector_load_idx %arg4[%add3A_3, %add3A_344] : memref<32x512xf32, #tpu.memory_space<vmem>>[vector<16xi32>, vector<16xi32>], vector<16xf32>,
            %add3A_354 = arith.constant 16 : i32
            %add3A_355 = vector.broadcast %add3A_354 : i32 to vector<16xi32>
            %add3A_356 = arith.addi %add3A_340, %add3A_355 : vector<16xi32>
            tpu.vector_store_idx %arg6[%add3A_348, %add3A_356], %gather3A_353 : memref<128x128xf32, #tpu.memory_space<vmem>>[vector<16xi32>, vector<16xi32>], vector<16xf32>,
            %shift_right_logical3A_357 = arith.constant 2 : i32
            %shift_right_logical3A_358 = vector.broadcast %shift_right_logical3A_357 : i32 to vector<16xi32>
            %shift_right_logical3A_359 = arith.shrui %and3A_50, %shift_right_logical3A_358 : vector<16xi32>
            %and3A_360 = arith.constant 3 : i32
            %and3A_361 = vector.broadcast %and3A_360 : i32 to vector<16xi32>
            %and3A_362 = arith.andi %and3A_50, %and3A_361 : vector<16xi32>
            %shift_left3A_363 = arith.constant 5 : i32
            %shift_left3A_364 = vector.broadcast %shift_left3A_363 : i32 to vector<16xi32>
            %shift_left3A_365 = arith.shli %and3A_362, %shift_left3A_364 : vector<16xi32>
            %add3A_366 = arith.addi %shift_left3A_365, %iota3A : vector<16xi32>
            %mul3A_367 = arith.constant 16 : i32
            %mul3A_368 = arith.muli %scan3A_177, %mul3A_367 : i32
            %add3A_369 = vector.broadcast %mul3A_368 : i32 to vector<16xi32>
            %add3A_370 = arith.addi %and3A_50, %add3A_369 : vector<16xi32>
            %mul3A_371 = arith.constant 4 : i32
            %mul3A_372 = arith.muli %scan3A_177, %mul3A_371 : i32
            %add3A_373 = vector.broadcast %mul3A_372 : i32 to vector<16xi32>
            %add3A_374 = arith.addi %shift_right_logical3A_359, %add3A_373 : vector<16xi32>
            %gather3A_375 = tpu.vector_load_idx %arg4[%iota3A, %add3A_370] : memref<32x512xf32, #tpu.memory_space<vmem>>[vector<16xi32>, vector<16xi32>], vector<16xf32>,
            %add3A_376 = arith.constant 0 : i32
            %add3A_377 = vector.broadcast %add3A_376 : i32 to vector<16xi32>
            %add3A_378 = arith.addi %add3A_366, %add3A_377 : vector<16xi32>
            tpu.vector_store_idx %arg6[%add3A_374, %add3A_378], %gather3A_375 : memref<128x128xf32, #tpu.memory_space<vmem>>[vector<16xi32>, vector<16xi32>], vector<16xf32>,
            %gather3A_379 = tpu.vector_load_idx %arg4[%add3A_3, %add3A_370] : memref<32x512xf32, #tpu.memory_space<vmem>>[vector<16xi32>, vector<16xi32>], vector<16xf32>,
            %add3A_380 = arith.constant 16 : i32
            %add3A_381 = vector.broadcast %add3A_380 : i32 to vector<16xi32>
            %add3A_382 = arith.addi %add3A_366, %add3A_381 : vector<16xi32>
            tpu.vector_store_idx %arg6[%add3A_374, %add3A_382], %gather3A_379 : memref<128x128xf32, #tpu.memory_space<vmem>>[vector<16xi32>, vector<16xi32>], vector<16xf32>,
            %shift_right_logical3A_383 = arith.constant 2 : i32
            %shift_right_logical3A_384 = vector.broadcast %shift_right_logical3A_383 : i32 to vector<16xi32>
            %shift_right_logical3A_385 = arith.shrui %and3A_56, %shift_right_logical3A_384 : vector<16xi32>
            %and3A_386 = arith.constant 3 : i32
            %and3A_387 = vector.broadcast %and3A_386 : i32 to vector<16xi32>
            %and3A_388 = arith.andi %and3A_56, %and3A_387 : vector<16xi32>
            %shift_left3A_389 = arith.constant 5 : i32
            %shift_left3A_390 = vector.broadcast %shift_left3A_389 : i32 to vector<16xi32>
            %shift_left3A_391 = arith.shli %and3A_388, %shift_left3A_390 : vector<16xi32>
            %add3A_392 = arith.addi %shift_left3A_391, %iota3A : vector<16xi32>
            %mul3A_393 = arith.constant 16 : i32
            %mul3A_394 = arith.muli %scan3A_177, %mul3A_393 : i32
            %add3A_395 = vector.broadcast %mul3A_394 : i32 to vector<16xi32>
            %add3A_396 = arith.addi %and3A_56, %add3A_395 : vector<16xi32>
            %mul3A_397 = arith.constant 4 : i32
            %mul3A_398 = arith.muli %scan3A_177, %mul3A_397 : i32
            %add3A_399 = vector.broadcast %mul3A_398 : i32 to vector<16xi32>
            %add3A_400 = arith.addi %shift_right_logical3A_385, %add3A_399 : vector<16xi32>
            %gather3A_401 = tpu.vector_load_idx %arg4[%iota3A, %add3A_396] : memref<32x512xf32, #tpu.memory_space<vmem>>[vector<16xi32>, vector<16xi32>], vector<16xf32>,
            %add3A_402 = arith.constant 0 : i32
            %add3A_403 = vector.broadcast %add3A_402 : i32 to vector<16xi32>
            %add3A_404 = arith.addi %add3A_392, %add3A_403 : vector<16xi32>
            tpu.vector_store_idx %arg6[%add3A_400, %add3A_404], %gather3A_401 : memref<128x128xf32, #tpu.memory_space<vmem>>[vector<16xi32>, vector<16xi32>], vector<16xf32>,
            %gather3A_405 = tpu.vector_load_idx %arg4[%add3A_3, %add3A_396] : memref<32x512xf32, #tpu.memory_space<vmem>>[vector<16xi32>, vector<16xi32>], vector<16xf32>,
            %add3A_406 = arith.constant 16 : i32
            %add3A_407 = vector.broadcast %add3A_406 : i32 to vector<16xi32>
            %add3A_408 = arith.addi %add3A_392, %add3A_407 : vector<16xi32>
            tpu.vector_store_idx %arg6[%add3A_400, %add3A_408], %gather3A_405 : memref<128x128xf32, #tpu.memory_space<vmem>>[vector<16xi32>, vector<16xi32>], vector<16xf32>,
            %shift_right_logical3A_409 = arith.constant 2 : i32
            %shift_right_logical3A_410 = vector.broadcast %shift_right_logical3A_409 : i32 to vector<16xi32>
            %shift_right_logical3A_411 = arith.shrui %and3A_62, %shift_right_logical3A_410 : vector<16xi32>
            %and3A_412 = arith.constant 3 : i32
            %and3A_413 = vector.broadcast %and3A_412 : i32 to vector<16xi32>
            %and3A_414 = arith.andi %and3A_62, %and3A_413 : vector<16xi32>
            %shift_left3A_415 = arith.constant 5 : i32
            %shift_left3A_416 = vector.broadcast %shift_left3A_415 : i32 to vector<16xi32>
            %shift_left3A_417 = arith.shli %and3A_414, %shift_left3A_416 : vector<16xi32>
            %add3A_418 = arith.addi %shift_left3A_417, %iota3A : vector<16xi32>
            %mul3A_419 = arith.constant 16 : i32
            %mul3A_420 = arith.muli %scan3A_177, %mul3A_419 : i32
            %add3A_421 = vector.broadcast %mul3A_420 : i32 to vector<16xi32>
            %add3A_422 = arith.addi %and3A_62, %add3A_421 : vector<16xi32>
            %mul3A_423 = arith.constant 4 : i32
            %mul3A_424 = arith.muli %scan3A_177, %mul3A_423 : i32
            %add3A_425 = vector.broadcast %mul3A_424 : i32 to vector<16xi32>
            %add3A_426 = arith.addi %shift_right_logical3A_411, %add3A_425 : vector<16xi32>
            %gather3A_427 = tpu.vector_load_idx %arg4[%iota3A, %add3A_422] : memref<32x512xf32, #tpu.memory_space<vmem>>[vector<16xi32>, vector<16xi32>], vector<16xf32>,
            %add3A_428 = arith.constant 0 : i32
            %add3A_429 = vector.broadcast %add3A_428 : i32 to vector<16xi32>
            %add3A_430 = arith.addi %add3A_418, %add3A_429 : vector<16xi32>
            tpu.vector_store_idx %arg6[%add3A_426, %add3A_430], %gather3A_427 : memref<128x128xf32, #tpu.memory_space<vmem>>[vector<16xi32>, vector<16xi32>], vector<16xf32>,
            %gather3A_431 = tpu.vector_load_idx %arg4[%add3A_3, %add3A_422] : memref<32x512xf32, #tpu.memory_space<vmem>>[vector<16xi32>, vector<16xi32>], vector<16xf32>,
            %add3A_432 = arith.constant 16 : i32
            %add3A_433 = vector.broadcast %add3A_432 : i32 to vector<16xi32>
            %add3A_434 = arith.addi %add3A_418, %add3A_433 : vector<16xi32>
            tpu.vector_store_idx %arg6[%add3A_426, %add3A_434], %gather3A_431 : memref<128x128xf32, #tpu.memory_space<vmem>>[vector<16xi32>, vector<16xi32>], vector<16xf32>,
            %shift_right_logical3A_435 = arith.constant 2 : i32
            %shift_right_logical3A_436 = vector.broadcast %shift_right_logical3A_435 : i32 to vector<16xi32>
            %shift_right_logical3A_437 = arith.shrui %and3A_68, %shift_right_logical3A_436 : vector<16xi32>
            %and3A_438 = arith.constant 3 : i32
            %and3A_439 = vector.broadcast %and3A_438 : i32 to vector<16xi32>
            %and3A_440 = arith.andi %and3A_68, %and3A_439 : vector<16xi32>
            %shift_left3A_441 = arith.constant 5 : i32
            %shift_left3A_442 = vector.broadcast %shift_left3A_441 : i32 to vector<16xi32>
            %shift_left3A_443 = arith.shli %and3A_440, %shift_left3A_442 : vector<16xi32>
            %add3A_444 = arith.addi %shift_left3A_443, %iota3A : vector<16xi32>
            %mul3A_445 = arith.constant 16 : i32
            %mul3A_446 = arith.muli %scan3A_177, %mul3A_445 : i32
            %add3A_447 = vector.broadcast %mul3A_446 : i32 to vector<16xi32>
            %add3A_448 = arith.addi %and3A_68, %add3A_447 : vector<16xi32>
            %mul3A_449 = arith.constant 4 : i32
            %mul3A_450 = arith.muli %scan3A_177, %mul3A_449 : i32
            %add3A_451 = vector.broadcast %mul3A_450 : i32 to vector<16xi32>
            %add3A_452 = arith.addi %shift_right_logical3A_437, %add3A_451 : vector<16xi32>
            %gather3A_453 = tpu.vector_load_idx %arg4[%iota3A, %add3A_448] : memref<32x512xf32, #tpu.memory_space<vmem>>[vector<16xi32>, vector<16xi32>], vector<16xf32>,
            %add3A_454 = arith.constant 0 : i32
            %add3A_455 = vector.broadcast %add3A_454 : i32 to vector<16xi32>
            %add3A_456 = arith.addi %add3A_444, %add3A_455 : vector<16xi32>
            tpu.vector_store_idx %arg6[%add3A_452, %add3A_456], %gather3A_453 : memref<128x128xf32, #tpu.memory_space<vmem>>[vector<16xi32>, vector<16xi32>], vector<16xf32>,
            %gather3A_457 = tpu.vector_load_idx %arg4[%add3A_3, %add3A_448] : memref<32x512xf32, #tpu.memory_space<vmem>>[vector<16xi32>, vector<16xi32>], vector<16xf32>,
            %add3A_458 = arith.constant 16 : i32
            %add3A_459 = vector.broadcast %add3A_458 : i32 to vector<16xi32>
            %add3A_460 = arith.addi %add3A_444, %add3A_459 : vector<16xi32>
            tpu.vector_store_idx %arg6[%add3A_452, %add3A_460], %gather3A_457 : memref<128x128xf32, #tpu.memory_space<vmem>>[vector<16xi32>, vector<16xi32>], vector<16xf32>,
            %shift_right_logical3A_461 = arith.constant 2 : i32
            %shift_right_logical3A_462 = vector.broadcast %shift_right_logical3A_461 : i32 to vector<16xi32>
            %shift_right_logical3A_463 = arith.shrui %and3A_74, %shift_right_logical3A_462 : vector<16xi32>
            %and3A_464 = arith.constant 3 : i32
            %and3A_465 = vector.broadcast %and3A_464 : i32 to vector<16xi32>
            %and3A_466 = arith.andi %and3A_74, %and3A_465 : vector<16xi32>
            %shift_left3A_467 = arith.constant 5 : i32
            %shift_left3A_468 = vector.broadcast %shift_left3A_467 : i32 to vector<16xi32>
            %shift_left3A_469 = arith.shli %and3A_466, %shift_left3A_468 : vector<16xi32>
            %add3A_470 = arith.addi %shift_left3A_469, %iota3A : vector<16xi32>
            %mul3A_471 = arith.constant 16 : i32
            %mul3A_472 = arith.muli %scan3A_177, %mul3A_471 : i32
            %add3A_473 = vector.broadcast %mul3A_472 : i32 to vector<16xi32>
            %add3A_474 = arith.addi %and3A_74, %add3A_473 : vector<16xi32>
            %mul3A_475 = arith.constant 4 : i32
            %mul3A_476 = arith.muli %scan3A_177, %mul3A_475 : i32
            %add3A_477 = vector.broadcast %mul3A_476 : i32 to vector<16xi32>
            %add3A_478 = arith.addi %shift_right_logical3A_463, %add3A_477 : vector<16xi32>
            %gather3A_479 = tpu.vector_load_idx %arg4[%iota3A, %add3A_474] : memref<32x512xf32, #tpu.memory_space<vmem>>[vector<16xi32>, vector<16xi32>], vector<16xf32>,
            %add3A_480 = arith.constant 0 : i32
            %add3A_481 = vector.broadcast %add3A_480 : i32 to vector<16xi32>
            %add3A_482 = arith.addi %add3A_470, %add3A_481 : vector<16xi32>
            tpu.vector_store_idx %arg6[%add3A_478, %add3A_482], %gather3A_479 : memref<128x128xf32, #tpu.memory_space<vmem>>[vector<16xi32>, vector<16xi32>], vector<16xf32>,
            %gather3A_483 = tpu.vector_load_idx %arg4[%add3A_3, %add3A_474] : memref<32x512xf32, #tpu.memory_space<vmem>>[vector<16xi32>, vector<16xi32>], vector<16xf32>,
            %add3A_484 = arith.constant 16 : i32
            %add3A_485 = vector.broadcast %add3A_484 : i32 to vector<16xi32>
            %add3A_486 = arith.addi %add3A_470, %add3A_485 : vector<16xi32>
            tpu.vector_store_idx %arg6[%add3A_478, %add3A_486], %gather3A_483 : memref<128x128xf32, #tpu.memory_space<vmem>>[vector<16xi32>, vector<16xi32>], vector<16xf32>,
            %shift_right_logical3A_487 = arith.constant 2 : i32
            %shift_right_logical3A_488 = vector.broadcast %shift_right_logical3A_487 : i32 to vector<16xi32>
            %shift_right_logical3A_489 = arith.shrui %and3A_80, %shift_right_logical3A_488 : vector<16xi32>
            %and3A_490 = arith.constant 3 : i32
            %and3A_491 = vector.broadcast %and3A_490 : i32 to vector<16xi32>
            %and3A_492 = arith.andi %and3A_80, %and3A_491 : vector<16xi32>
            %shift_left3A_493 = arith.constant 5 : i32
            %shift_left3A_494 = vector.broadcast %shift_left3A_493 : i32 to vector<16xi32>
            %shift_left3A_495 = arith.shli %and3A_492, %shift_left3A_494 : vector<16xi32>
            %add3A_496 = arith.addi %shift_left3A_495, %iota3A : vector<16xi32>
            %mul3A_497 = arith.constant 16 : i32
            %mul3A_498 = arith.muli %scan3A_177, %mul3A_497 : i32
            %add3A_499 = vector.broadcast %mul3A_498 : i32 to vector<16xi32>
            %add3A_500 = arith.addi %and3A_80, %add3A_499 : vector<16xi32>
            %mul3A_501 = arith.constant 4 : i32
            %mul3A_502 = arith.muli %scan3A_177, %mul3A_501 : i32
            %add3A_503 = vector.broadcast %mul3A_502 : i32 to vector<16xi32>
            %add3A_504 = arith.addi %shift_right_logical3A_489, %add3A_503 : vector<16xi32>
            %gather3A_505 = tpu.vector_load_idx %arg4[%iota3A, %add3A_500] : memref<32x512xf32, #tpu.memory_space<vmem>>[vector<16xi32>, vector<16xi32>], vector<16xf32>,
            %add3A_506 = arith.constant 0 : i32
            %add3A_507 = vector.broadcast %add3A_506 : i32 to vector<16xi32>
            %add3A_508 = arith.addi %add3A_496, %add3A_507 : vector<16xi32>
            tpu.vector_store_idx %arg6[%add3A_504, %add3A_508], %gather3A_505 : memref<128x128xf32, #tpu.memory_space<vmem>>[vector<16xi32>, vector<16xi32>], vector<16xf32>,
            %gather3A_509 = tpu.vector_load_idx %arg4[%add3A_3, %add3A_500] : memref<32x512xf32, #tpu.memory_space<vmem>>[vector<16xi32>, vector<16xi32>], vector<16xf32>,
            %add3A_510 = arith.constant 16 : i32
            %add3A_511 = vector.broadcast %add3A_510 : i32 to vector<16xi32>
            %add3A_512 = arith.addi %add3A_496, %add3A_511 : vector<16xi32>
            tpu.vector_store_idx %arg6[%add3A_504, %add3A_512], %gather3A_509 : memref<128x128xf32, #tpu.memory_space<vmem>>[vector<16xi32>, vector<16xi32>], vector<16xf32>,
            %shift_right_logical3A_513 = arith.constant 2 : i32
            %shift_right_logical3A_514 = vector.broadcast %shift_right_logical3A_513 : i32 to vector<16xi32>
            %shift_right_logical3A_515 = arith.shrui %and3A_86, %shift_right_logical3A_514 : vector<16xi32>
            %and3A_516 = arith.constant 3 : i32
            %and3A_517 = vector.broadcast %and3A_516 : i32 to vector<16xi32>
            %and3A_518 = arith.andi %and3A_86, %and3A_517 : vector<16xi32>
            %shift_left3A_519 = arith.constant 5 : i32
            %shift_left3A_520 = vector.broadcast %shift_left3A_519 : i32 to vector<16xi32>
            %shift_left3A_521 = arith.shli %and3A_518, %shift_left3A_520 : vector<16xi32>
            %add3A_522 = arith.addi %shift_left3A_521, %iota3A : vector<16xi32>
            %mul3A_523 = arith.constant 16 : i32
            %mul3A_524 = arith.muli %scan3A_177, %mul3A_523 : i32
            %add3A_525 = vector.broadcast %mul3A_524 : i32 to vector<16xi32>
            %add3A_526 = arith.addi %and3A_86, %add3A_525 : vector<16xi32>
            %mul3A_527 = arith.constant 4 : i32
            %mul3A_528 = arith.muli %scan3A_177, %mul3A_527 : i32
            %add3A_529 = vector.broadcast %mul3A_528 : i32 to vector<16xi32>
            %add3A_530 = arith.addi %shift_right_logical3A_515, %add3A_529 : vector<16xi32>
            %gather3A_531 = tpu.vector_load_idx %arg4[%iota3A, %add3A_526] : memref<32x512xf32, #tpu.memory_space<vmem>>[vector<16xi32>, vector<16xi32>], vector<16xf32>,
            %add3A_532 = arith.constant 0 : i32
            %add3A_533 = vector.broadcast %add3A_532 : i32 to vector<16xi32>
            %add3A_534 = arith.addi %add3A_522, %add3A_533 : vector<16xi32>
            tpu.vector_store_idx %arg6[%add3A_530, %add3A_534], %gather3A_531 : memref<128x128xf32, #tpu.memory_space<vmem>>[vector<16xi32>, vector<16xi32>], vector<16xf32>,
            %gather3A_535 = tpu.vector_load_idx %arg4[%add3A_3, %add3A_526] : memref<32x512xf32, #tpu.memory_space<vmem>>[vector<16xi32>, vector<16xi32>], vector<16xf32>,
            %add3A_536 = arith.constant 16 : i32
            %add3A_537 = vector.broadcast %add3A_536 : i32 to vector<16xi32>
            %add3A_538 = arith.addi %add3A_522, %add3A_537 : vector<16xi32>
            tpu.vector_store_idx %arg6[%add3A_530, %add3A_538], %gather3A_535 : memref<128x128xf32, #tpu.memory_space<vmem>>[vector<16xi32>, vector<16xi32>], vector<16xf32>,
            %shift_right_logical3A_539 = arith.constant 2 : i32
            %shift_right_logical3A_540 = vector.broadcast %shift_right_logical3A_539 : i32 to vector<16xi32>
            %shift_right_logical3A_541 = arith.shrui %and3A_92, %shift_right_logical3A_540 : vector<16xi32>
            %and3A_542 = arith.constant 3 : i32
            %and3A_543 = vector.broadcast %and3A_542 : i32 to vector<16xi32>
            %and3A_544 = arith.andi %and3A_92, %and3A_543 : vector<16xi32>
            %shift_left3A_545 = arith.constant 5 : i32
            %shift_left3A_546 = vector.broadcast %shift_left3A_545 : i32 to vector<16xi32>
            %shift_left3A_547 = arith.shli %and3A_544, %shift_left3A_546 : vector<16xi32>
            %add3A_548 = arith.addi %shift_left3A_547, %iota3A : vector<16xi32>
            %mul3A_549 = arith.constant 16 : i32
            %mul3A_550 = arith.muli %scan3A_177, %mul3A_549 : i32
            %add3A_551 = vector.broadcast %mul3A_550 : i32 to vector<16xi32>
            %add3A_552 = arith.addi %and3A_92, %add3A_551 : vector<16xi32>
            %mul3A_553 = arith.constant 4 : i32
            %mul3A_554 = arith.muli %scan3A_177, %mul3A_553 : i32
            %add3A_555 = vector.broadcast %mul3A_554 : i32 to vector<16xi32>
            %add3A_556 = arith.addi %shift_right_logical3A_541, %add3A_555 : vector<16xi32>
            %gather3A_557 = tpu.vector_load_idx %arg4[%iota3A, %add3A_552] : memref<32x512xf32, #tpu.memory_space<vmem>>[vector<16xi32>, vector<16xi32>], vector<16xf32>,
            %add3A_558 = arith.constant 0 : i32
            %add3A_559 = vector.broadcast %add3A_558 : i32 to vector<16xi32>
            %add3A_560 = arith.addi %add3A_548, %add3A_559 : vector<16xi32>
            tpu.vector_store_idx %arg6[%add3A_556, %add3A_560], %gather3A_557 : memref<128x128xf32, #tpu.memory_space<vmem>>[vector<16xi32>, vector<16xi32>], vector<16xf32>,
            %gather3A_561 = tpu.vector_load_idx %arg4[%add3A_3, %add3A_552] : memref<32x512xf32, #tpu.memory_space<vmem>>[vector<16xi32>, vector<16xi32>], vector<16xf32>,
            %add3A_562 = arith.constant 16 : i32
            %add3A_563 = vector.broadcast %add3A_562 : i32 to vector<16xi32>
            %add3A_564 = arith.addi %add3A_548, %add3A_563 : vector<16xi32>
            tpu.vector_store_idx %arg6[%add3A_556, %add3A_564], %gather3A_561 : memref<128x128xf32, #tpu.memory_space<vmem>>[vector<16xi32>, vector<16xi32>], vector<16xf32>,
            %shift_right_logical3A_565 = arith.constant 2 : i32
            %shift_right_logical3A_566 = vector.broadcast %shift_right_logical3A_565 : i32 to vector<16xi32>
            %shift_right_logical3A_567 = arith.shrui %and3A_98, %shift_right_logical3A_566 : vector<16xi32>
            %and3A_568 = arith.constant 3 : i32
            %and3A_569 = vector.broadcast %and3A_568 : i32 to vector<16xi32>
            %and3A_570 = arith.andi %and3A_98, %and3A_569 : vector<16xi32>
            %shift_left3A_571 = arith.constant 5 : i32
            %shift_left3A_572 = vector.broadcast %shift_left3A_571 : i32 to vector<16xi32>
            %shift_left3A_573 = arith.shli %and3A_570, %shift_left3A_572 : vector<16xi32>
            %add3A_574 = arith.addi %shift_left3A_573, %iota3A : vector<16xi32>
            %mul3A_575 = arith.constant 16 : i32
            %mul3A_576 = arith.muli %scan3A_177, %mul3A_575 : i32
            %add3A_577 = vector.broadcast %mul3A_576 : i32 to vector<16xi32>
            %add3A_578 = arith.addi %and3A_98, %add3A_577 : vector<16xi32>
            %mul3A_579 = arith.constant 4 : i32
            %mul3A_580 = arith.muli %scan3A_177, %mul3A_579 : i32
            %add3A_581 = vector.broadcast %mul3A_580 : i32 to vector<16xi32>
            %add3A_582 = arith.addi %shift_right_logical3A_567, %add3A_581 : vector<16xi32>
            %gather3A_583 = tpu.vector_load_idx %arg4[%iota3A, %add3A_578] : memref<32x512xf32, #tpu.memory_space<vmem>>[vector<16xi32>, vector<16xi32>], vector<16xf32>,
            %add3A_584 = arith.constant 0 : i32
            %add3A_585 = vector.broadcast %add3A_584 : i32 to vector<16xi32>
            %add3A_586 = arith.addi %add3A_574, %add3A_585 : vector<16xi32>
            tpu.vector_store_idx %arg6[%add3A_582, %add3A_586], %gather3A_583 : memref<128x128xf32, #tpu.memory_space<vmem>>[vector<16xi32>, vector<16xi32>], vector<16xf32>,
            %gather3A_587 = tpu.vector_load_idx %arg4[%add3A_3, %add3A_578] : memref<32x512xf32, #tpu.memory_space<vmem>>[vector<16xi32>, vector<16xi32>], vector<16xf32>,
            %add3A_588 = arith.constant 16 : i32
            %add3A_589 = vector.broadcast %add3A_588 : i32 to vector<16xi32>
            %add3A_590 = arith.addi %add3A_574, %add3A_589 : vector<16xi32>
            tpu.vector_store_idx %arg6[%add3A_582, %add3A_590], %gather3A_587 : memref<128x128xf32, #tpu.memory_space<vmem>>[vector<16xi32>, vector<16xi32>], vector<16xf32>,
          }
          %scan3A_171 = arith.constant 32 : i32
          %mul3A_172 = arith.constant 128 : i32
          %mul3A_173 = arith.muli %add3A_127, %mul3A_172 : i32
          %dma_start3A = arith.constant 0 : i32
          %dma_start3A_174 = tpu.memref_slice %arg3[%mul3A_173, %dma_start3A] : memref<250000x128xf32, #tpu.memory_space<hbm>> -> memref<128x128xf32, #tpu.memory_space<hbm>>
          %dma_start3A_175 = arith.constant 0 : i32
          %dma_start3A_176 = tpu.memref_slice %arg3[%mul3A_173, %dma_start3A_175] : memref<250000x128xf32, #tpu.memory_space<hbm>> -> memref<128x128xf32, #tpu.memory_space<hbm>>
          tpu.enqueue_dma source(%arg6 : memref<128x128xf32, #tpu.memory_space<vmem>>) target(%dma_start3A_176 : memref<128x128xf32, #tpu.memory_space<hbm>>) target_semaphore(%arg12 : memref<!tpu.dma_semaphore, #tpu.memory_space<semaphore_mem>>)
        } else {
        }
      } else {
      }
      %rem3A_134 = arith.constant 2 : i32
      %rem3A_135 = arith.remsi %scan3A_124, %rem3A_134 : i32
      %eq3A_136 = arith.constant 1 : i32
      %eq3A_137 = arith.cmpi eq, %rem3A_135, %eq3A_136 : i32
      %convert_element_type3A_138 = arith.extui %eq3A_137 : i1 to i32
      %cond3A_139 = arith.constant 0 : i32
      %cond3A_140 = arith.cmpi ne, %convert_element_type3A_138, %cond3A_139 : i32
      scf.if %cond3A_140 {
        %ge3A = arith.constant 2 : i32
        %ge3A_141 = arith.cmpi sge, %scan3A_124, %ge3A : i32
        %sub3A = arith.constant 64 : i32
        %sub3A_142 = arith.subi %add3A_127, %sub3A : i32
        %lt3A_143 = arith.constant 1953 : i32
        %lt3A_144 = arith.cmpi slt, %sub3A_142, %lt3A_143 : i32
        %and3A_145 = arith.andi %ge3A_141, %lt3A_144 : i1
        %convert_element_type3A_146 = arith.extui %and3A_145 : i1 to i32
        %cond3A_147 = arith.constant 0 : i32
        %cond3A_148 = arith.cmpi ne, %convert_element_type3A_146, %cond3A_147 : i32
        scf.if %cond3A_148 {
          %dma_wait3A = arith.constant 0 : i32
          %dma_wait3A_154 = arith.constant 0 : i32
          %dma_wait3A_155 = tpu.memref_slice %arg3[%dma_wait3A, %dma_wait3A_154] : memref<250000x128xf32, #tpu.memory_space<hbm>> -> memref<128x128xf32, #tpu.memory_space<hbm>>
          %dma_wait3A_156 = arith.constant 0 : i32
          %dma_wait3A_157 = arith.constant 0 : i32
          %dma_wait3A_158 = tpu.memref_slice %arg3[%dma_wait3A_156, %dma_wait3A_157] : memref<250000x128xf32, #tpu.memory_space<hbm>> -> memref<128x128xf32, #tpu.memory_space<hbm>>
          tpu.wait_dma2 semaphore(%arg12 : memref<!tpu.dma_semaphore, #tpu.memory_space<semaphore_mem>>) src(%dma_wait3A_158 : memref<128x128xf32, #tpu.memory_space<hbm>>) dst(%arg7 : memref<128x128xf32, #tpu.memory_space<vmem>>)
        } else {
        }
        %lt3A_149 = arith.constant 1953 : i32
        %lt3A_150 = arith.cmpi slt, %add3A_127, %lt3A_149 : i32
        %convert_element_type3A_151 = arith.extui %lt3A_150 : i1 to i32
        %cond3A_152 = arith.constant 0 : i32
        %cond3A_153 = arith.cmpi ne, %convert_element_type3A_151, %cond3A_152 : i32
        scf.if %cond3A_153 {
          %dma_wait3A = arith.constant 0 : i32
          %dma_wait3A_154 = arith.constant 0 : i32
          %dma_wait3A_155 = tpu.memref_slice %arg2[%dma_wait3A, %dma_wait3A_154] : memref<32x1000000xf32, #tpu.memory_space<hbm>> -> memref<32x512xf32, #tpu.memory_space<hbm>>
          %dma_wait3A_156 = arith.constant 0 : i32
          %dma_wait3A_157 = arith.constant 0 : i32
          %dma_wait3A_158 = tpu.memref_slice %arg2[%dma_wait3A_156, %dma_wait3A_157] : memref<32x1000000xf32, #tpu.memory_space<hbm>> -> memref<32x512xf32, #tpu.memory_space<hbm>>
          tpu.wait_dma2 semaphore(%arg11 : memref<!tpu.dma_semaphore, #tpu.memory_space<semaphore_mem>>) src(%dma_wait3A_158 : memref<32x512xf32, #tpu.memory_space<hbm>>) dst(%arg5 : memref<32x512xf32, #tpu.memory_space<vmem>>)
          %add3A_159 = arith.constant 32 : i32
          %add3A_160 = arith.addi %add3A_127, %add3A_159 : i32
          %lt3A_161 = arith.constant 1953 : i32
          %lt3A_162 = arith.cmpi slt, %add3A_160, %lt3A_161 : i32
          %convert_element_type3A_163 = arith.extui %lt3A_162 : i1 to i32
          %cond3A_164 = arith.constant 0 : i32
          %cond3A_165 = arith.cmpi ne, %convert_element_type3A_163, %cond3A_164 : i32
          scf.if %cond3A_165 {
            %add3A_177 = arith.constant 32 : i32
            %add3A_178 = arith.addi %add3A_127, %add3A_177 : i32
            %mul3A_179 = arith.constant 512 : i32
            %mul3A_180 = arith.muli %add3A_178, %mul3A_179 : i32
            %dma_start3A_181 = arith.constant 0 : i32
            %dma_start3A_182 = tpu.memref_slice %arg2[%dma_start3A_181, %mul3A_180] : memref<32x1000000xf32, #tpu.memory_space<hbm>> -> memref<32x512xf32, #tpu.memory_space<hbm>>
            %dma_start3A_183 = arith.constant 0 : i32
            %dma_start3A_184 = tpu.memref_slice %arg2[%dma_start3A_183, %mul3A_180] : memref<32x1000000xf32, #tpu.memory_space<hbm>> -> memref<32x512xf32, #tpu.memory_space<hbm>>
            tpu.enqueue_dma source(%dma_start3A_184 : memref<32x512xf32, #tpu.memory_space<hbm>>) target(%arg4 : memref<32x512xf32, #tpu.memory_space<vmem>>) target_semaphore(%arg10 : memref<!tpu.dma_semaphore, #tpu.memory_space<semaphore_mem>>)
          } else {
          }
          %scan3A_166 = arith.constant 0 : i32
          %scan3A_167 = arith.constant 0 : i32
          %scan3A_168 = arith.constant 32 : i32
          %scan3A_169 = arith.addi %scan3A_167, %scan3A_168 : i32
          %scan3A_170 = arith.constant 1 : i32
          scf.for %scan3A_177 = %scan3A_167 to %scan3A_169 step %scan3A_170  : i32 {
            %shift_right_logical3A = arith.constant 2 : i32
            %shift_right_logical3A_178 = vector.broadcast %shift_right_logical3A : i32 to vector<16xi32>
            %shift_right_logical3A_179 = arith.shrui %and3A_8, %shift_right_logical3A_178 : vector<16xi32>
            %and3A_180 = arith.constant 3 : i32
            %and3A_181 = vector.broadcast %and3A_180 : i32 to vector<16xi32>
            %and3A_182 = arith.andi %and3A_8, %and3A_181 : vector<16xi32>
            %shift_left3A = arith.constant 5 : i32
            %shift_left3A_183 = vector.broadcast %shift_left3A : i32 to vector<16xi32>
            %shift_left3A_184 = arith.shli %and3A_182, %shift_left3A_183 : vector<16xi32>
            %add3A_185 = arith.addi %shift_left3A_184, %iota3A : vector<16xi32>
            %mul3A_186 = arith.constant 16 : i32
            %mul3A_187 = arith.muli %scan3A_177, %mul3A_186 : i32
            %add3A_188 = vector.broadcast %mul3A_187 : i32 to vector<16xi32>
            %add3A_189 = arith.addi %and3A_8, %add3A_188 : vector<16xi32>
            %mul3A_190 = arith.constant 4 : i32
            %mul3A_191 = arith.muli %scan3A_177, %mul3A_190 : i32
            %add3A_192 = vector.broadcast %mul3A_191 : i32 to vector<16xi32>
            %add3A_193 = arith.addi %shift_right_logical3A_179, %add3A_192 : vector<16xi32>
            %gather3A = tpu.vector_load_idx %arg5[%iota3A, %add3A_189] : memref<32x512xf32, #tpu.memory_space<vmem>>[vector<16xi32>, vector<16xi32>], vector<16xf32>,
            %add3A_194 = arith.constant 0 : i32
            %add3A_195 = vector.broadcast %add3A_194 : i32 to vector<16xi32>
            %add3A_196 = arith.addi %add3A_185, %add3A_195 : vector<16xi32>
            tpu.vector_store_idx %arg7[%add3A_193, %add3A_196], %gather3A : memref<128x128xf32, #tpu.memory_space<vmem>>[vector<16xi32>, vector<16xi32>], vector<16xf32>,
            %gather3A_197 = tpu.vector_load_idx %arg5[%add3A_3, %add3A_189] : memref<32x512xf32, #tpu.memory_space<vmem>>[vector<16xi32>, vector<16xi32>], vector<16xf32>,
            %add3A_198 = arith.constant 16 : i32
            %add3A_199 = vector.broadcast %add3A_198 : i32 to vector<16xi32>
            %add3A_200 = arith.addi %add3A_185, %add3A_199 : vector<16xi32>
            tpu.vector_store_idx %arg7[%add3A_193, %add3A_200], %gather3A_197 : memref<128x128xf32, #tpu.memory_space<vmem>>[vector<16xi32>, vector<16xi32>], vector<16xf32>,
            %shift_right_logical3A_201 = arith.constant 2 : i32
            %shift_right_logical3A_202 = vector.broadcast %shift_right_logical3A_201 : i32 to vector<16xi32>
            %shift_right_logical3A_203 = arith.shrui %and3A_14, %shift_right_logical3A_202 : vector<16xi32>
            %and3A_204 = arith.constant 3 : i32
            %and3A_205 = vector.broadcast %and3A_204 : i32 to vector<16xi32>
            %and3A_206 = arith.andi %and3A_14, %and3A_205 : vector<16xi32>
            %shift_left3A_207 = arith.constant 5 : i32
            %shift_left3A_208 = vector.broadcast %shift_left3A_207 : i32 to vector<16xi32>
            %shift_left3A_209 = arith.shli %and3A_206, %shift_left3A_208 : vector<16xi32>
            %add3A_210 = arith.addi %shift_left3A_209, %iota3A : vector<16xi32>
            %mul3A_211 = arith.constant 16 : i32
            %mul3A_212 = arith.muli %scan3A_177, %mul3A_211 : i32
            %add3A_213 = vector.broadcast %mul3A_212 : i32 to vector<16xi32>
            %add3A_214 = arith.addi %and3A_14, %add3A_213 : vector<16xi32>
            %mul3A_215 = arith.constant 4 : i32
            %mul3A_216 = arith.muli %scan3A_177, %mul3A_215 : i32
            %add3A_217 = vector.broadcast %mul3A_216 : i32 to vector<16xi32>
            %add3A_218 = arith.addi %shift_right_logical3A_203, %add3A_217 : vector<16xi32>
            %gather3A_219 = tpu.vector_load_idx %arg5[%iota3A, %add3A_214] : memref<32x512xf32, #tpu.memory_space<vmem>>[vector<16xi32>, vector<16xi32>], vector<16xf32>,
            %add3A_220 = arith.constant 0 : i32
            %add3A_221 = vector.broadcast %add3A_220 : i32 to vector<16xi32>
            %add3A_222 = arith.addi %add3A_210, %add3A_221 : vector<16xi32>
            tpu.vector_store_idx %arg7[%add3A_218, %add3A_222], %gather3A_219 : memref<128x128xf32, #tpu.memory_space<vmem>>[vector<16xi32>, vector<16xi32>], vector<16xf32>,
            %gather3A_223 = tpu.vector_load_idx %arg5[%add3A_3, %add3A_214] : memref<32x512xf32, #tpu.memory_space<vmem>>[vector<16xi32>, vector<16xi32>], vector<16xf32>,
            %add3A_224 = arith.constant 16 : i32
            %add3A_225 = vector.broadcast %add3A_224 : i32 to vector<16xi32>
            %add3A_226 = arith.addi %add3A_210, %add3A_225 : vector<16xi32>
            tpu.vector_store_idx %arg7[%add3A_218, %add3A_226], %gather3A_223 : memref<128x128xf32, #tpu.memory_space<vmem>>[vector<16xi32>, vector<16xi32>], vector<16xf32>,
            %shift_right_logical3A_227 = arith.constant 2 : i32
            %shift_right_logical3A_228 = vector.broadcast %shift_right_logical3A_227 : i32 to vector<16xi32>
            %shift_right_logical3A_229 = arith.shrui %and3A_20, %shift_right_logical3A_228 : vector<16xi32>
            %and3A_230 = arith.constant 3 : i32
            %and3A_231 = vector.broadcast %and3A_230 : i32 to vector<16xi32>
            %and3A_232 = arith.andi %and3A_20, %and3A_231 : vector<16xi32>
            %shift_left3A_233 = arith.constant 5 : i32
            %shift_left3A_234 = vector.broadcast %shift_left3A_233 : i32 to vector<16xi32>
            %shift_left3A_235 = arith.shli %and3A_232, %shift_left3A_234 : vector<16xi32>
            %add3A_236 = arith.addi %shift_left3A_235, %iota3A : vector<16xi32>
            %mul3A_237 = arith.constant 16 : i32
            %mul3A_238 = arith.muli %scan3A_177, %mul3A_237 : i32
            %add3A_239 = vector.broadcast %mul3A_238 : i32 to vector<16xi32>
            %add3A_240 = arith.addi %and3A_20, %add3A_239 : vector<16xi32>
            %mul3A_241 = arith.constant 4 : i32
            %mul3A_242 = arith.muli %scan3A_177, %mul3A_241 : i32
            %add3A_243 = vector.broadcast %mul3A_242 : i32 to vector<16xi32>
            %add3A_244 = arith.addi %shift_right_logical3A_229, %add3A_243 : vector<16xi32>
            %gather3A_245 = tpu.vector_load_idx %arg5[%iota3A, %add3A_240] : memref<32x512xf32, #tpu.memory_space<vmem>>[vector<16xi32>, vector<16xi32>], vector<16xf32>,
            %add3A_246 = arith.constant 0 : i32
            %add3A_247 = vector.broadcast %add3A_246 : i32 to vector<16xi32>
            %add3A_248 = arith.addi %add3A_236, %add3A_247 : vector<16xi32>
            tpu.vector_store_idx %arg7[%add3A_244, %add3A_248], %gather3A_245 : memref<128x128xf32, #tpu.memory_space<vmem>>[vector<16xi32>, vector<16xi32>], vector<16xf32>,
            %gather3A_249 = tpu.vector_load_idx %arg5[%add3A_3, %add3A_240] : memref<32x512xf32, #tpu.memory_space<vmem>>[vector<16xi32>, vector<16xi32>], vector<16xf32>,
            %add3A_250 = arith.constant 16 : i32
            %add3A_251 = vector.broadcast %add3A_250 : i32 to vector<16xi32>
            %add3A_252 = arith.addi %add3A_236, %add3A_251 : vector<16xi32>
            tpu.vector_store_idx %arg7[%add3A_244, %add3A_252], %gather3A_249 : memref<128x128xf32, #tpu.memory_space<vmem>>[vector<16xi32>, vector<16xi32>], vector<16xf32>,
            %shift_right_logical3A_253 = arith.constant 2 : i32
            %shift_right_logical3A_254 = vector.broadcast %shift_right_logical3A_253 : i32 to vector<16xi32>
            %shift_right_logical3A_255 = arith.shrui %and3A_26, %shift_right_logical3A_254 : vector<16xi32>
            %and3A_256 = arith.constant 3 : i32
            %and3A_257 = vector.broadcast %and3A_256 : i32 to vector<16xi32>
            %and3A_258 = arith.andi %and3A_26, %and3A_257 : vector<16xi32>
            %shift_left3A_259 = arith.constant 5 : i32
            %shift_left3A_260 = vector.broadcast %shift_left3A_259 : i32 to vector<16xi32>
            %shift_left3A_261 = arith.shli %and3A_258, %shift_left3A_260 : vector<16xi32>
            %add3A_262 = arith.addi %shift_left3A_261, %iota3A : vector<16xi32>
            %mul3A_263 = arith.constant 16 : i32
            %mul3A_264 = arith.muli %scan3A_177, %mul3A_263 : i32
            %add3A_265 = vector.broadcast %mul3A_264 : i32 to vector<16xi32>
            %add3A_266 = arith.addi %and3A_26, %add3A_265 : vector<16xi32>
            %mul3A_267 = arith.constant 4 : i32
            %mul3A_268 = arith.muli %scan3A_177, %mul3A_267 : i32
            %add3A_269 = vector.broadcast %mul3A_268 : i32 to vector<16xi32>
            %add3A_270 = arith.addi %shift_right_logical3A_255, %add3A_269 : vector<16xi32>
            %gather3A_271 = tpu.vector_load_idx %arg5[%iota3A, %add3A_266] : memref<32x512xf32, #tpu.memory_space<vmem>>[vector<16xi32>, vector<16xi32>], vector<16xf32>,
            %add3A_272 = arith.constant 0 : i32
            %add3A_273 = vector.broadcast %add3A_272 : i32 to vector<16xi32>
            %add3A_274 = arith.addi %add3A_262, %add3A_273 : vector<16xi32>
            tpu.vector_store_idx %arg7[%add3A_270, %add3A_274], %gather3A_271 : memref<128x128xf32, #tpu.memory_space<vmem>>[vector<16xi32>, vector<16xi32>], vector<16xf32>,
            %gather3A_275 = tpu.vector_load_idx %arg5[%add3A_3, %add3A_266] : memref<32x512xf32, #tpu.memory_space<vmem>>[vector<16xi32>, vector<16xi32>], vector<16xf32>,
            %add3A_276 = arith.constant 16 : i32
            %add3A_277 = vector.broadcast %add3A_276 : i32 to vector<16xi32>
            %add3A_278 = arith.addi %add3A_262, %add3A_277 : vector<16xi32>
            tpu.vector_store_idx %arg7[%add3A_270, %add3A_278], %gather3A_275 : memref<128x128xf32, #tpu.memory_space<vmem>>[vector<16xi32>, vector<16xi32>], vector<16xf32>,
            %shift_right_logical3A_279 = arith.constant 2 : i32
            %shift_right_logical3A_280 = vector.broadcast %shift_right_logical3A_279 : i32 to vector<16xi32>
            %shift_right_logical3A_281 = arith.shrui %and3A_32, %shift_right_logical3A_280 : vector<16xi32>
            %and3A_282 = arith.constant 3 : i32
            %and3A_283 = vector.broadcast %and3A_282 : i32 to vector<16xi32>
            %and3A_284 = arith.andi %and3A_32, %and3A_283 : vector<16xi32>
            %shift_left3A_285 = arith.constant 5 : i32
            %shift_left3A_286 = vector.broadcast %shift_left3A_285 : i32 to vector<16xi32>
            %shift_left3A_287 = arith.shli %and3A_284, %shift_left3A_286 : vector<16xi32>
            %add3A_288 = arith.addi %shift_left3A_287, %iota3A : vector<16xi32>
            %mul3A_289 = arith.constant 16 : i32
            %mul3A_290 = arith.muli %scan3A_177, %mul3A_289 : i32
            %add3A_291 = vector.broadcast %mul3A_290 : i32 to vector<16xi32>
            %add3A_292 = arith.addi %and3A_32, %add3A_291 : vector<16xi32>
            %mul3A_293 = arith.constant 4 : i32
            %mul3A_294 = arith.muli %scan3A_177, %mul3A_293 : i32
            %add3A_295 = vector.broadcast %mul3A_294 : i32 to vector<16xi32>
            %add3A_296 = arith.addi %shift_right_logical3A_281, %add3A_295 : vector<16xi32>
            %gather3A_297 = tpu.vector_load_idx %arg5[%iota3A, %add3A_292] : memref<32x512xf32, #tpu.memory_space<vmem>>[vector<16xi32>, vector<16xi32>], vector<16xf32>,
            %add3A_298 = arith.constant 0 : i32
            %add3A_299 = vector.broadcast %add3A_298 : i32 to vector<16xi32>
            %add3A_300 = arith.addi %add3A_288, %add3A_299 : vector<16xi32>
            tpu.vector_store_idx %arg7[%add3A_296, %add3A_300], %gather3A_297 : memref<128x128xf32, #tpu.memory_space<vmem>>[vector<16xi32>, vector<16xi32>], vector<16xf32>,
            %gather3A_301 = tpu.vector_load_idx %arg5[%add3A_3, %add3A_292] : memref<32x512xf32, #tpu.memory_space<vmem>>[vector<16xi32>, vector<16xi32>], vector<16xf32>,
            %add3A_302 = arith.constant 16 : i32
            %add3A_303 = vector.broadcast %add3A_302 : i32 to vector<16xi32>
            %add3A_304 = arith.addi %add3A_288, %add3A_303 : vector<16xi32>
            tpu.vector_store_idx %arg7[%add3A_296, %add3A_304], %gather3A_301 : memref<128x128xf32, #tpu.memory_space<vmem>>[vector<16xi32>, vector<16xi32>], vector<16xf32>,
            %shift_right_logical3A_305 = arith.constant 2 : i32
            %shift_right_logical3A_306 = vector.broadcast %shift_right_logical3A_305 : i32 to vector<16xi32>
            %shift_right_logical3A_307 = arith.shrui %and3A_38, %shift_right_logical3A_306 : vector<16xi32>
            %and3A_308 = arith.constant 3 : i32
            %and3A_309 = vector.broadcast %and3A_308 : i32 to vector<16xi32>
            %and3A_310 = arith.andi %and3A_38, %and3A_309 : vector<16xi32>
            %shift_left3A_311 = arith.constant 5 : i32
            %shift_left3A_312 = vector.broadcast %shift_left3A_311 : i32 to vector<16xi32>
            %shift_left3A_313 = arith.shli %and3A_310, %shift_left3A_312 : vector<16xi32>
            %add3A_314 = arith.addi %shift_left3A_313, %iota3A : vector<16xi32>
            %mul3A_315 = arith.constant 16 : i32
            %mul3A_316 = arith.muli %scan3A_177, %mul3A_315 : i32
            %add3A_317 = vector.broadcast %mul3A_316 : i32 to vector<16xi32>
            %add3A_318 = arith.addi %and3A_38, %add3A_317 : vector<16xi32>
            %mul3A_319 = arith.constant 4 : i32
            %mul3A_320 = arith.muli %scan3A_177, %mul3A_319 : i32
            %add3A_321 = vector.broadcast %mul3A_320 : i32 to vector<16xi32>
            %add3A_322 = arith.addi %shift_right_logical3A_307, %add3A_321 : vector<16xi32>
            %gather3A_323 = tpu.vector_load_idx %arg5[%iota3A, %add3A_318] : memref<32x512xf32, #tpu.memory_space<vmem>>[vector<16xi32>, vector<16xi32>], vector<16xf32>,
            %add3A_324 = arith.constant 0 : i32
            %add3A_325 = vector.broadcast %add3A_324 : i32 to vector<16xi32>
            %add3A_326 = arith.addi %add3A_314, %add3A_325 : vector<16xi32>
            tpu.vector_store_idx %arg7[%add3A_322, %add3A_326], %gather3A_323 : memref<128x128xf32, #tpu.memory_space<vmem>>[vector<16xi32>, vector<16xi32>], vector<16xf32>,
            %gather3A_327 = tpu.vector_load_idx %arg5[%add3A_3, %add3A_318] : memref<32x512xf32, #tpu.memory_space<vmem>>[vector<16xi32>, vector<16xi32>], vector<16xf32>,
            %add3A_328 = arith.constant 16 : i32
            %add3A_329 = vector.broadcast %add3A_328 : i32 to vector<16xi32>
            %add3A_330 = arith.addi %add3A_314, %add3A_329 : vector<16xi32>
            tpu.vector_store_idx %arg7[%add3A_322, %add3A_330], %gather3A_327 : memref<128x128xf32, #tpu.memory_space<vmem>>[vector<16xi32>, vector<16xi32>], vector<16xf32>,
            %shift_right_logical3A_331 = arith.constant 2 : i32
            %shift_right_logical3A_332 = vector.broadcast %shift_right_logical3A_331 : i32 to vector<16xi32>
            %shift_right_logical3A_333 = arith.shrui %and3A_44, %shift_right_logical3A_332 : vector<16xi32>
            %and3A_334 = arith.constant 3 : i32
            %and3A_335 = vector.broadcast %and3A_334 : i32 to vector<16xi32>
            %and3A_336 = arith.andi %and3A_44, %and3A_335 : vector<16xi32>
            %shift_left3A_337 = arith.constant 5 : i32
            %shift_left3A_338 = vector.broadcast %shift_left3A_337 : i32 to vector<16xi32>
            %shift_left3A_339 = arith.shli %and3A_336, %shift_left3A_338 : vector<16xi32>
            %add3A_340 = arith.addi %shift_left3A_339, %iota3A : vector<16xi32>
            %mul3A_341 = arith.constant 16 : i32
            %mul3A_342 = arith.muli %scan3A_177, %mul3A_341 : i32
            %add3A_343 = vector.broadcast %mul3A_342 : i32 to vector<16xi32>
            %add3A_344 = arith.addi %and3A_44, %add3A_343 : vector<16xi32>
            %mul3A_345 = arith.constant 4 : i32
            %mul3A_346 = arith.muli %scan3A_177, %mul3A_345 : i32
            %add3A_347 = vector.broadcast %mul3A_346 : i32 to vector<16xi32>
            %add3A_348 = arith.addi %shift_right_logical3A_333, %add3A_347 : vector<16xi32>
            %gather3A_349 = tpu.vector_load_idx %arg5[%iota3A, %add3A_344] : memref<32x512xf32, #tpu.memory_space<vmem>>[vector<16xi32>, vector<16xi32>], vector<16xf32>,
            %add3A_350 = arith.constant 0 : i32
            %add3A_351 = vector.broadcast %add3A_350 : i32 to vector<16xi32>
            %add3A_352 = arith.addi %add3A_340, %add3A_351 : vector<16xi32>
            tpu.vector_store_idx %arg7[%add3A_348, %add3A_352], %gather3A_349 : memref<128x128xf32, #tpu.memory_space<vmem>>[vector<16xi32>, vector<16xi32>], vector<16xf32>,
            %gather3A_353 = tpu.vector_load_idx %arg5[%add3A_3, %add3A_344] : memref<32x512xf32, #tpu.memory_space<vmem>>[vector<16xi32>, vector<16xi32>], vector<16xf32>,
            %add3A_354 = arith.constant 16 : i32
            %add3A_355 = vector.broadcast %add3A_354 : i32 to vector<16xi32>
            %add3A_356 = arith.addi %add3A_340, %add3A_355 : vector<16xi32>
            tpu.vector_store_idx %arg7[%add3A_348, %add3A_356], %gather3A_353 : memref<128x128xf32, #tpu.memory_space<vmem>>[vector<16xi32>, vector<16xi32>], vector<16xf32>,
            %shift_right_logical3A_357 = arith.constant 2 : i32
            %shift_right_logical3A_358 = vector.broadcast %shift_right_logical3A_357 : i32 to vector<16xi32>
            %shift_right_logical3A_359 = arith.shrui %and3A_50, %shift_right_logical3A_358 : vector<16xi32>
            %and3A_360 = arith.constant 3 : i32
            %and3A_361 = vector.broadcast %and3A_360 : i32 to vector<16xi32>
            %and3A_362 = arith.andi %and3A_50, %and3A_361 : vector<16xi32>
            %shift_left3A_363 = arith.constant 5 : i32
            %shift_left3A_364 = vector.broadcast %shift_left3A_363 : i32 to vector<16xi32>
            %shift_left3A_365 = arith.shli %and3A_362, %shift_left3A_364 : vector<16xi32>
            %add3A_366 = arith.addi %shift_left3A_365, %iota3A : vector<16xi32>
            %mul3A_367 = arith.constant 16 : i32
            %mul3A_368 = arith.muli %scan3A_177, %mul3A_367 : i32
            %add3A_369 = vector.broadcast %mul3A_368 : i32 to vector<16xi32>
            %add3A_370 = arith.addi %and3A_50, %add3A_369 : vector<16xi32>
            %mul3A_371 = arith.constant 4 : i32
            %mul3A_372 = arith.muli %scan3A_177, %mul3A_371 : i32
            %add3A_373 = vector.broadcast %mul3A_372 : i32 to vector<16xi32>
            %add3A_374 = arith.addi %shift_right_logical3A_359, %add3A_373 : vector<16xi32>
            %gather3A_375 = tpu.vector_load_idx %arg5[%iota3A, %add3A_370] : memref<32x512xf32, #tpu.memory_space<vmem>>[vector<16xi32>, vector<16xi32>], vector<16xf32>,
            %add3A_376 = arith.constant 0 : i32
            %add3A_377 = vector.broadcast %add3A_376 : i32 to vector<16xi32>
            %add3A_378 = arith.addi %add3A_366, %add3A_377 : vector<16xi32>
            tpu.vector_store_idx %arg7[%add3A_374, %add3A_378], %gather3A_375 : memref<128x128xf32, #tpu.memory_space<vmem>>[vector<16xi32>, vector<16xi32>], vector<16xf32>,
            %gather3A_379 = tpu.vector_load_idx %arg5[%add3A_3, %add3A_370] : memref<32x512xf32, #tpu.memory_space<vmem>>[vector<16xi32>, vector<16xi32>], vector<16xf32>,
            %add3A_380 = arith.constant 16 : i32
            %add3A_381 = vector.broadcast %add3A_380 : i32 to vector<16xi32>
            %add3A_382 = arith.addi %add3A_366, %add3A_381 : vector<16xi32>
            tpu.vector_store_idx %arg7[%add3A_374, %add3A_382], %gather3A_379 : memref<128x128xf32, #tpu.memory_space<vmem>>[vector<16xi32>, vector<16xi32>], vector<16xf32>,
            %shift_right_logical3A_383 = arith.constant 2 : i32
            %shift_right_logical3A_384 = vector.broadcast %shift_right_logical3A_383 : i32 to vector<16xi32>
            %shift_right_logical3A_385 = arith.shrui %and3A_56, %shift_right_logical3A_384 : vector<16xi32>
            %and3A_386 = arith.constant 3 : i32
            %and3A_387 = vector.broadcast %and3A_386 : i32 to vector<16xi32>
            %and3A_388 = arith.andi %and3A_56, %and3A_387 : vector<16xi32>
            %shift_left3A_389 = arith.constant 5 : i32
            %shift_left3A_390 = vector.broadcast %shift_left3A_389 : i32 to vector<16xi32>
            %shift_left3A_391 = arith.shli %and3A_388, %shift_left3A_390 : vector<16xi32>
            %add3A_392 = arith.addi %shift_left3A_391, %iota3A : vector<16xi32>
            %mul3A_393 = arith.constant 16 : i32
            %mul3A_394 = arith.muli %scan3A_177, %mul3A_393 : i32
            %add3A_395 = vector.broadcast %mul3A_394 : i32 to vector<16xi32>
            %add3A_396 = arith.addi %and3A_56, %add3A_395 : vector<16xi32>
            %mul3A_397 = arith.constant 4 : i32
            %mul3A_398 = arith.muli %scan3A_177, %mul3A_397 : i32
            %add3A_399 = vector.broadcast %mul3A_398 : i32 to vector<16xi32>
            %add3A_400 = arith.addi %shift_right_logical3A_385, %add3A_399 : vector<16xi32>
            %gather3A_401 = tpu.vector_load_idx %arg5[%iota3A, %add3A_396] : memref<32x512xf32, #tpu.memory_space<vmem>>[vector<16xi32>, vector<16xi32>], vector<16xf32>,
            %add3A_402 = arith.constant 0 : i32
            %add3A_403 = vector.broadcast %add3A_402 : i32 to vector<16xi32>
            %add3A_404 = arith.addi %add3A_392, %add3A_403 : vector<16xi32>
            tpu.vector_store_idx %arg7[%add3A_400, %add3A_404], %gather3A_401 : memref<128x128xf32, #tpu.memory_space<vmem>>[vector<16xi32>, vector<16xi32>], vector<16xf32>,
            %gather3A_405 = tpu.vector_load_idx %arg5[%add3A_3, %add3A_396] : memref<32x512xf32, #tpu.memory_space<vmem>>[vector<16xi32>, vector<16xi32>], vector<16xf32>,
            %add3A_406 = arith.constant 16 : i32
            %add3A_407 = vector.broadcast %add3A_406 : i32 to vector<16xi32>
            %add3A_408 = arith.addi %add3A_392, %add3A_407 : vector<16xi32>
            tpu.vector_store_idx %arg7[%add3A_400, %add3A_408], %gather3A_405 : memref<128x128xf32, #tpu.memory_space<vmem>>[vector<16xi32>, vector<16xi32>], vector<16xf32>,
            %shift_right_logical3A_409 = arith.constant 2 : i32
            %shift_right_logical3A_410 = vector.broadcast %shift_right_logical3A_409 : i32 to vector<16xi32>
            %shift_right_logical3A_411 = arith.shrui %and3A_62, %shift_right_logical3A_410 : vector<16xi32>
            %and3A_412 = arith.constant 3 : i32
            %and3A_413 = vector.broadcast %and3A_412 : i32 to vector<16xi32>
            %and3A_414 = arith.andi %and3A_62, %and3A_413 : vector<16xi32>
            %shift_left3A_415 = arith.constant 5 : i32
            %shift_left3A_416 = vector.broadcast %shift_left3A_415 : i32 to vector<16xi32>
            %shift_left3A_417 = arith.shli %and3A_414, %shift_left3A_416 : vector<16xi32>
            %add3A_418 = arith.addi %shift_left3A_417, %iota3A : vector<16xi32>
            %mul3A_419 = arith.constant 16 : i32
            %mul3A_420 = arith.muli %scan3A_177, %mul3A_419 : i32
            %add3A_421 = vector.broadcast %mul3A_420 : i32 to vector<16xi32>
            %add3A_422 = arith.addi %and3A_62, %add3A_421 : vector<16xi32>
            %mul3A_423 = arith.constant 4 : i32
            %mul3A_424 = arith.muli %scan3A_177, %mul3A_423 : i32
            %add3A_425 = vector.broadcast %mul3A_424 : i32 to vector<16xi32>
            %add3A_426 = arith.addi %shift_right_logical3A_411, %add3A_425 : vector<16xi32>
            %gather3A_427 = tpu.vector_load_idx %arg5[%iota3A, %add3A_422] : memref<32x512xf32, #tpu.memory_space<vmem>>[vector<16xi32>, vector<16xi32>], vector<16xf32>,
            %add3A_428 = arith.constant 0 : i32
            %add3A_429 = vector.broadcast %add3A_428 : i32 to vector<16xi32>
            %add3A_430 = arith.addi %add3A_418, %add3A_429 : vector<16xi32>
            tpu.vector_store_idx %arg7[%add3A_426, %add3A_430], %gather3A_427 : memref<128x128xf32, #tpu.memory_space<vmem>>[vector<16xi32>, vector<16xi32>], vector<16xf32>,
            %gather3A_431 = tpu.vector_load_idx %arg5[%add3A_3, %add3A_422] : memref<32x512xf32, #tpu.memory_space<vmem>>[vector<16xi32>, vector<16xi32>], vector<16xf32>,
            %add3A_432 = arith.constant 16 : i32
            %add3A_433 = vector.broadcast %add3A_432 : i32 to vector<16xi32>
            %add3A_434 = arith.addi %add3A_418, %add3A_433 : vector<16xi32>
            tpu.vector_store_idx %arg7[%add3A_426, %add3A_434], %gather3A_431 : memref<128x128xf32, #tpu.memory_space<vmem>>[vector<16xi32>, vector<16xi32>], vector<16xf32>,
            %shift_right_logical3A_435 = arith.constant 2 : i32
            %shift_right_logical3A_436 = vector.broadcast %shift_right_logical3A_435 : i32 to vector<16xi32>
            %shift_right_logical3A_437 = arith.shrui %and3A_68, %shift_right_logical3A_436 : vector<16xi32>
            %and3A_438 = arith.constant 3 : i32
            %and3A_439 = vector.broadcast %and3A_438 : i32 to vector<16xi32>
            %and3A_440 = arith.andi %and3A_68, %and3A_439 : vector<16xi32>
            %shift_left3A_441 = arith.constant 5 : i32
            %shift_left3A_442 = vector.broadcast %shift_left3A_441 : i32 to vector<16xi32>
            %shift_left3A_443 = arith.shli %and3A_440, %shift_left3A_442 : vector<16xi32>
            %add3A_444 = arith.addi %shift_left3A_443, %iota3A : vector<16xi32>
            %mul3A_445 = arith.constant 16 : i32
            %mul3A_446 = arith.muli %scan3A_177, %mul3A_445 : i32
            %add3A_447 = vector.broadcast %mul3A_446 : i32 to vector<16xi32>
            %add3A_448 = arith.addi %and3A_68, %add3A_447 : vector<16xi32>
            %mul3A_449 = arith.constant 4 : i32
            %mul3A_450 = arith.muli %scan3A_177, %mul3A_449 : i32
            %add3A_451 = vector.broadcast %mul3A_450 : i32 to vector<16xi32>
            %add3A_452 = arith.addi %shift_right_logical3A_437, %add3A_451 : vector<16xi32>
            %gather3A_453 = tpu.vector_load_idx %arg5[%iota3A, %add3A_448] : memref<32x512xf32, #tpu.memory_space<vmem>>[vector<16xi32>, vector<16xi32>], vector<16xf32>,
            %add3A_454 = arith.constant 0 : i32
            %add3A_455 = vector.broadcast %add3A_454 : i32 to vector<16xi32>
            %add3A_456 = arith.addi %add3A_444, %add3A_455 : vector<16xi32>
            tpu.vector_store_idx %arg7[%add3A_452, %add3A_456], %gather3A_453 : memref<128x128xf32, #tpu.memory_space<vmem>>[vector<16xi32>, vector<16xi32>], vector<16xf32>,
            %gather3A_457 = tpu.vector_load_idx %arg5[%add3A_3, %add3A_448] : memref<32x512xf32, #tpu.memory_space<vmem>>[vector<16xi32>, vector<16xi32>], vector<16xf32>,
            %add3A_458 = arith.constant 16 : i32
            %add3A_459 = vector.broadcast %add3A_458 : i32 to vector<16xi32>
            %add3A_460 = arith.addi %add3A_444, %add3A_459 : vector<16xi32>
            tpu.vector_store_idx %arg7[%add3A_452, %add3A_460], %gather3A_457 : memref<128x128xf32, #tpu.memory_space<vmem>>[vector<16xi32>, vector<16xi32>], vector<16xf32>,
            %shift_right_logical3A_461 = arith.constant 2 : i32
            %shift_right_logical3A_462 = vector.broadcast %shift_right_logical3A_461 : i32 to vector<16xi32>
            %shift_right_logical3A_463 = arith.shrui %and3A_74, %shift_right_logical3A_462 : vector<16xi32>
            %and3A_464 = arith.constant 3 : i32
            %and3A_465 = vector.broadcast %and3A_464 : i32 to vector<16xi32>
            %and3A_466 = arith.andi %and3A_74, %and3A_465 : vector<16xi32>
            %shift_left3A_467 = arith.constant 5 : i32
            %shift_left3A_468 = vector.broadcast %shift_left3A_467 : i32 to vector<16xi32>
            %shift_left3A_469 = arith.shli %and3A_466, %shift_left3A_468 : vector<16xi32>
            %add3A_470 = arith.addi %shift_left3A_469, %iota3A : vector<16xi32>
            %mul3A_471 = arith.constant 16 : i32
            %mul3A_472 = arith.muli %scan3A_177, %mul3A_471 : i32
            %add3A_473 = vector.broadcast %mul3A_472 : i32 to vector<16xi32>
            %add3A_474 = arith.addi %and3A_74, %add3A_473 : vector<16xi32>
            %mul3A_475 = arith.constant 4 : i32
            %mul3A_476 = arith.muli %scan3A_177, %mul3A_475 : i32
            %add3A_477 = vector.broadcast %mul3A_476 : i32 to vector<16xi32>
            %add3A_478 = arith.addi %shift_right_logical3A_463, %add3A_477 : vector<16xi32>
            %gather3A_479 = tpu.vector_load_idx %arg5[%iota3A, %add3A_474] : memref<32x512xf32, #tpu.memory_space<vmem>>[vector<16xi32>, vector<16xi32>], vector<16xf32>,
            %add3A_480 = arith.constant 0 : i32
            %add3A_481 = vector.broadcast %add3A_480 : i32 to vector<16xi32>
            %add3A_482 = arith.addi %add3A_470, %add3A_481 : vector<16xi32>
            tpu.vector_store_idx %arg7[%add3A_478, %add3A_482], %gather3A_479 : memref<128x128xf32, #tpu.memory_space<vmem>>[vector<16xi32>, vector<16xi32>], vector<16xf32>,
            %gather3A_483 = tpu.vector_load_idx %arg5[%add3A_3, %add3A_474] : memref<32x512xf32, #tpu.memory_space<vmem>>[vector<16xi32>, vector<16xi32>], vector<16xf32>,
            %add3A_484 = arith.constant 16 : i32
            %add3A_485 = vector.broadcast %add3A_484 : i32 to vector<16xi32>
            %add3A_486 = arith.addi %add3A_470, %add3A_485 : vector<16xi32>
            tpu.vector_store_idx %arg7[%add3A_478, %add3A_486], %gather3A_483 : memref<128x128xf32, #tpu.memory_space<vmem>>[vector<16xi32>, vector<16xi32>], vector<16xf32>,
            %shift_right_logical3A_487 = arith.constant 2 : i32
            %shift_right_logical3A_488 = vector.broadcast %shift_right_logical3A_487 : i32 to vector<16xi32>
            %shift_right_logical3A_489 = arith.shrui %and3A_80, %shift_right_logical3A_488 : vector<16xi32>
            %and3A_490 = arith.constant 3 : i32
            %and3A_491 = vector.broadcast %and3A_490 : i32 to vector<16xi32>
            %and3A_492 = arith.andi %and3A_80, %and3A_491 : vector<16xi32>
            %shift_left3A_493 = arith.constant 5 : i32
            %shift_left3A_494 = vector.broadcast %shift_left3A_493 : i32 to vector<16xi32>
            %shift_left3A_495 = arith.shli %and3A_492, %shift_left3A_494 : vector<16xi32>
            %add3A_496 = arith.addi %shift_left3A_495, %iota3A : vector<16xi32>
            %mul3A_497 = arith.constant 16 : i32
            %mul3A_498 = arith.muli %scan3A_177, %mul3A_497 : i32
            %add3A_499 = vector.broadcast %mul3A_498 : i32 to vector<16xi32>
            %add3A_500 = arith.addi %and3A_80, %add3A_499 : vector<16xi32>
            %mul3A_501 = arith.constant 4 : i32
            %mul3A_502 = arith.muli %scan3A_177, %mul3A_501 : i32
            %add3A_503 = vector.broadcast %mul3A_502 : i32 to vector<16xi32>
            %add3A_504 = arith.addi %shift_right_logical3A_489, %add3A_503 : vector<16xi32>
            %gather3A_505 = tpu.vector_load_idx %arg5[%iota3A, %add3A_500] : memref<32x512xf32, #tpu.memory_space<vmem>>[vector<16xi32>, vector<16xi32>], vector<16xf32>,
            %add3A_506 = arith.constant 0 : i32
            %add3A_507 = vector.broadcast %add3A_506 : i32 to vector<16xi32>
            %add3A_508 = arith.addi %add3A_496, %add3A_507 : vector<16xi32>
            tpu.vector_store_idx %arg7[%add3A_504, %add3A_508], %gather3A_505 : memref<128x128xf32, #tpu.memory_space<vmem>>[vector<16xi32>, vector<16xi32>], vector<16xf32>,
            %gather3A_509 = tpu.vector_load_idx %arg5[%add3A_3, %add3A_500] : memref<32x512xf32, #tpu.memory_space<vmem>>[vector<16xi32>, vector<16xi32>], vector<16xf32>,
            %add3A_510 = arith.constant 16 : i32
            %add3A_511 = vector.broadcast %add3A_510 : i32 to vector<16xi32>
            %add3A_512 = arith.addi %add3A_496, %add3A_511 : vector<16xi32>
            tpu.vector_store_idx %arg7[%add3A_504, %add3A_512], %gather3A_509 : memref<128x128xf32, #tpu.memory_space<vmem>>[vector<16xi32>, vector<16xi32>], vector<16xf32>,
            %shift_right_logical3A_513 = arith.constant 2 : i32
            %shift_right_logical3A_514 = vector.broadcast %shift_right_logical3A_513 : i32 to vector<16xi32>
            %shift_right_logical3A_515 = arith.shrui %and3A_86, %shift_right_logical3A_514 : vector<16xi32>
            %and3A_516 = arith.constant 3 : i32
            %and3A_517 = vector.broadcast %and3A_516 : i32 to vector<16xi32>
            %and3A_518 = arith.andi %and3A_86, %and3A_517 : vector<16xi32>
            %shift_left3A_519 = arith.constant 5 : i32
            %shift_left3A_520 = vector.broadcast %shift_left3A_519 : i32 to vector<16xi32>
            %shift_left3A_521 = arith.shli %and3A_518, %shift_left3A_520 : vector<16xi32>
            %add3A_522 = arith.addi %shift_left3A_521, %iota3A : vector<16xi32>
            %mul3A_523 = arith.constant 16 : i32
            %mul3A_524 = arith.muli %scan3A_177, %mul3A_523 : i32
            %add3A_525 = vector.broadcast %mul3A_524 : i32 to vector<16xi32>
            %add3A_526 = arith.addi %and3A_86, %add3A_525 : vector<16xi32>
            %mul3A_527 = arith.constant 4 : i32
            %mul3A_528 = arith.muli %scan3A_177, %mul3A_527 : i32
            %add3A_529 = vector.broadcast %mul3A_528 : i32 to vector<16xi32>
            %add3A_530 = arith.addi %shift_right_logical3A_515, %add3A_529 : vector<16xi32>
            %gather3A_531 = tpu.vector_load_idx %arg5[%iota3A, %add3A_526] : memref<32x512xf32, #tpu.memory_space<vmem>>[vector<16xi32>, vector<16xi32>], vector<16xf32>,
            %add3A_532 = arith.constant 0 : i32
            %add3A_533 = vector.broadcast %add3A_532 : i32 to vector<16xi32>
            %add3A_534 = arith.addi %add3A_522, %add3A_533 : vector<16xi32>
            tpu.vector_store_idx %arg7[%add3A_530, %add3A_534], %gather3A_531 : memref<128x128xf32, #tpu.memory_space<vmem>>[vector<16xi32>, vector<16xi32>], vector<16xf32>,
            %gather3A_535 = tpu.vector_load_idx %arg5[%add3A_3, %add3A_526] : memref<32x512xf32, #tpu.memory_space<vmem>>[vector<16xi32>, vector<16xi32>], vector<16xf32>,
            %add3A_536 = arith.constant 16 : i32
            %add3A_537 = vector.broadcast %add3A_536 : i32 to vector<16xi32>
            %add3A_538 = arith.addi %add3A_522, %add3A_537 : vector<16xi32>
            tpu.vector_store_idx %arg7[%add3A_530, %add3A_538], %gather3A_535 : memref<128x128xf32, #tpu.memory_space<vmem>>[vector<16xi32>, vector<16xi32>], vector<16xf32>,
            %shift_right_logical3A_539 = arith.constant 2 : i32
            %shift_right_logical3A_540 = vector.broadcast %shift_right_logical3A_539 : i32 to vector<16xi32>
            %shift_right_logical3A_541 = arith.shrui %and3A_92, %shift_right_logical3A_540 : vector<16xi32>
            %and3A_542 = arith.constant 3 : i32
            %and3A_543 = vector.broadcast %and3A_542 : i32 to vector<16xi32>
            %and3A_544 = arith.andi %and3A_92, %and3A_543 : vector<16xi32>
            %shift_left3A_545 = arith.constant 5 : i32
            %shift_left3A_546 = vector.broadcast %shift_left3A_545 : i32 to vector<16xi32>
            %shift_left3A_547 = arith.shli %and3A_544, %shift_left3A_546 : vector<16xi32>
            %add3A_548 = arith.addi %shift_left3A_547, %iota3A : vector<16xi32>
            %mul3A_549 = arith.constant 16 : i32
            %mul3A_550 = arith.muli %scan3A_177, %mul3A_549 : i32
            %add3A_551 = vector.broadcast %mul3A_550 : i32 to vector<16xi32>
            %add3A_552 = arith.addi %and3A_92, %add3A_551 : vector<16xi32>
            %mul3A_553 = arith.constant 4 : i32
            %mul3A_554 = arith.muli %scan3A_177, %mul3A_553 : i32
            %add3A_555 = vector.broadcast %mul3A_554 : i32 to vector<16xi32>
            %add3A_556 = arith.addi %shift_right_logical3A_541, %add3A_555 : vector<16xi32>
            %gather3A_557 = tpu.vector_load_idx %arg5[%iota3A, %add3A_552] : memref<32x512xf32, #tpu.memory_space<vmem>>[vector<16xi32>, vector<16xi32>], vector<16xf32>,
            %add3A_558 = arith.constant 0 : i32
            %add3A_559 = vector.broadcast %add3A_558 : i32 to vector<16xi32>
            %add3A_560 = arith.addi %add3A_548, %add3A_559 : vector<16xi32>
            tpu.vector_store_idx %arg7[%add3A_556, %add3A_560], %gather3A_557 : memref<128x128xf32, #tpu.memory_space<vmem>>[vector<16xi32>, vector<16xi32>], vector<16xf32>,
            %gather3A_561 = tpu.vector_load_idx %arg5[%add3A_3, %add3A_552] : memref<32x512xf32, #tpu.memory_space<vmem>>[vector<16xi32>, vector<16xi32>], vector<16xf32>,
            %add3A_562 = arith.constant 16 : i32
            %add3A_563 = vector.broadcast %add3A_562 : i32 to vector<16xi32>
            %add3A_564 = arith.addi %add3A_548, %add3A_563 : vector<16xi32>
            tpu.vector_store_idx %arg7[%add3A_556, %add3A_564], %gather3A_561 : memref<128x128xf32, #tpu.memory_space<vmem>>[vector<16xi32>, vector<16xi32>], vector<16xf32>,
            %shift_right_logical3A_565 = arith.constant 2 : i32
            %shift_right_logical3A_566 = vector.broadcast %shift_right_logical3A_565 : i32 to vector<16xi32>
            %shift_right_logical3A_567 = arith.shrui %and3A_98, %shift_right_logical3A_566 : vector<16xi32>
            %and3A_568 = arith.constant 3 : i32
            %and3A_569 = vector.broadcast %and3A_568 : i32 to vector<16xi32>
            %and3A_570 = arith.andi %and3A_98, %and3A_569 : vector<16xi32>
            %shift_left3A_571 = arith.constant 5 : i32
            %shift_left3A_572 = vector.broadcast %shift_left3A_571 : i32 to vector<16xi32>
            %shift_left3A_573 = arith.shli %and3A_570, %shift_left3A_572 : vector<16xi32>
            %add3A_574 = arith.addi %shift_left3A_573, %iota3A : vector<16xi32>
            %mul3A_575 = arith.constant 16 : i32
            %mul3A_576 = arith.muli %scan3A_177, %mul3A_575 : i32
            %add3A_577 = vector.broadcast %mul3A_576 : i32 to vector<16xi32>
            %add3A_578 = arith.addi %and3A_98, %add3A_577 : vector<16xi32>
            %mul3A_579 = arith.constant 4 : i32
            %mul3A_580 = arith.muli %scan3A_177, %mul3A_579 : i32
            %add3A_581 = vector.broadcast %mul3A_580 : i32 to vector<16xi32>
            %add3A_582 = arith.addi %shift_right_logical3A_567, %add3A_581 : vector<16xi32>
            %gather3A_583 = tpu.vector_load_idx %arg5[%iota3A, %add3A_578] : memref<32x512xf32, #tpu.memory_space<vmem>>[vector<16xi32>, vector<16xi32>], vector<16xf32>,
            %add3A_584 = arith.constant 0 : i32
            %add3A_585 = vector.broadcast %add3A_584 : i32 to vector<16xi32>
            %add3A_586 = arith.addi %add3A_574, %add3A_585 : vector<16xi32>
            tpu.vector_store_idx %arg7[%add3A_582, %add3A_586], %gather3A_583 : memref<128x128xf32, #tpu.memory_space<vmem>>[vector<16xi32>, vector<16xi32>], vector<16xf32>,
            %gather3A_587 = tpu.vector_load_idx %arg5[%add3A_3, %add3A_578] : memref<32x512xf32, #tpu.memory_space<vmem>>[vector<16xi32>, vector<16xi32>], vector<16xf32>,
            %add3A_588 = arith.constant 16 : i32
            %add3A_589 = vector.broadcast %add3A_588 : i32 to vector<16xi32>
            %add3A_590 = arith.addi %add3A_574, %add3A_589 : vector<16xi32>
            tpu.vector_store_idx %arg7[%add3A_582, %add3A_590], %gather3A_587 : memref<128x128xf32, #tpu.memory_space<vmem>>[vector<16xi32>, vector<16xi32>], vector<16xf32>,
          }
          %scan3A_171 = arith.constant 32 : i32
          %mul3A_172 = arith.constant 128 : i32
          %mul3A_173 = arith.muli %add3A_127, %mul3A_172 : i32
          %dma_start3A = arith.constant 0 : i32
          %dma_start3A_174 = tpu.memref_slice %arg3[%mul3A_173, %dma_start3A] : memref<250000x128xf32, #tpu.memory_space<hbm>> -> memref<128x128xf32, #tpu.memory_space<hbm>>
          %dma_start3A_175 = arith.constant 0 : i32
          %dma_start3A_176 = tpu.memref_slice %arg3[%mul3A_173, %dma_start3A_175] : memref<250000x128xf32, #tpu.memory_space<hbm>> -> memref<128x128xf32, #tpu.memory_space<hbm>>
          tpu.enqueue_dma source(%arg7 : memref<128x128xf32, #tpu.memory_space<vmem>>) target(%dma_start3A_176 : memref<128x128xf32, #tpu.memory_space<hbm>>) target_semaphore(%arg12 : memref<!tpu.dma_semaphore, #tpu.memory_space<semaphore_mem>>)
        } else {
        }
      } else {
      }
    }
    %scan3A_105 = arith.constant 62 : i32
    %add3A_106 = arith.constant 1920 : i32
    %add3A_107 = arith.addi %add3A, %add3A_106 : i32
    %lt3A_108 = arith.constant 1953 : i32
    %lt3A_109 = arith.cmpi slt, %add3A_107, %lt3A_108 : i32
    %convert_element_type3A_110 = arith.extui %lt3A_109 : i1 to i32
    %cond3A_111 = arith.constant 0 : i32
    %cond3A_112 = arith.cmpi ne, %convert_element_type3A_110, %cond3A_111 : i32
    scf.if %cond3A_112 {
      %dma_wait3A = arith.constant 0 : i32
      %dma_wait3A_124 = arith.constant 0 : i32
      %dma_wait3A_125 = tpu.memref_slice %arg3[%dma_wait3A, %dma_wait3A_124] : memref<250000x128xf32, #tpu.memory_space<hbm>> -> memref<128x128xf32, #tpu.memory_space<hbm>>
      %dma_wait3A_126 = arith.constant 0 : i32
      %dma_wait3A_127 = arith.constant 0 : i32
      %dma_wait3A_128 = tpu.memref_slice %arg3[%dma_wait3A_126, %dma_wait3A_127] : memref<250000x128xf32, #tpu.memory_space<hbm>> -> memref<128x128xf32, #tpu.memory_space<hbm>>
      tpu.wait_dma2 semaphore(%arg12 : memref<!tpu.dma_semaphore, #tpu.memory_space<semaphore_mem>>) src(%dma_wait3A_128 : memref<128x128xf32, #tpu.memory_space<hbm>>) dst(%arg6 : memref<128x128xf32, #tpu.memory_space<vmem>>)
    } else {
    }
    %add3A_113 = arith.constant 1952 : i32
    %add3A_114 = arith.addi %add3A, %add3A_113 : i32
    %lt3A_115 = arith.constant 1953 : i32
    %lt3A_116 = arith.cmpi slt, %add3A_114, %lt3A_115 : i32
    %convert_element_type3A_117 = arith.extui %lt3A_116 : i1 to i32
    %cond3A_118 = arith.constant 0 : i32
    %cond3A_119 = arith.cmpi ne, %convert_element_type3A_117, %cond3A_118 : i32
    scf.if %cond3A_119 {
      %dma_wait3A = arith.constant 0 : i32
      %dma_wait3A_124 = arith.constant 0 : i32
      %dma_wait3A_125 = tpu.memref_slice %arg3[%dma_wait3A, %dma_wait3A_124] : memref<250000x128xf32, #tpu.memory_space<hbm>> -> memref<128x128xf32, #tpu.memory_space<hbm>>
      %dma_wait3A_126 = arith.constant 0 : i32
      %dma_wait3A_127 = arith.constant 0 : i32
      %dma_wait3A_128 = tpu.memref_slice %arg3[%dma_wait3A_126, %dma_wait3A_127] : memref<250000x128xf32, #tpu.memory_space<hbm>> -> memref<128x128xf32, #tpu.memory_space<hbm>>
      tpu.wait_dma2 semaphore(%arg12 : memref<!tpu.dma_semaphore, #tpu.memory_space<semaphore_mem>>) src(%dma_wait3A_128 : memref<128x128xf32, #tpu.memory_space<hbm>>) dst(%arg7 : memref<128x128xf32, #tpu.memory_space<vmem>>)
    } else {
    }
    %eq3A = arith.constant 1 : i32
    %eq3A_120 = arith.cmpi eq, %add3A, %eq3A : i32
    %convert_element_type3A_121 = arith.extui %eq3A_120 : i1 to i32
    %cond3A_122 = arith.constant 0 : i32
    %cond3A_123 = arith.cmpi ne, %convert_element_type3A_121, %cond3A_122 : i32
    scf.if %cond3A_123 {
      "tpu.region"() ({
        %run_scoped3A = tpu.sem_alloc : memref<!tpu.dma_semaphore, #tpu.memory_space<semaphore_mem>>
        %dma_start3A = arith.constant 0 : i32
        %dma_start3A_130 = arith.constant 999936 : i32
        %dma_start3A_131 = tpu.memref_slice %arg2[%dma_start3A, %dma_start3A_130] : memref<32x1000000xf32, #tpu.memory_space<hbm>> -> memref<32x64xf32, #tpu.memory_space<hbm>>
        %dma_start3A_132 = arith.constant 0 : i32
        %dma_start3A_133 = arith.constant 999936 : i32
        %dma_start3A_134 = tpu.memref_slice %arg2[%dma_start3A_132, %dma_start3A_133] : memref<32x1000000xf32, #tpu.memory_space<hbm>> -> memref<32x64xf32, #tpu.memory_space<hbm>>
        tpu.enqueue_dma source(%dma_start3A_134 : memref<32x64xf32, #tpu.memory_space<hbm>>) target(%arg8 : memref<32x64xf32, #tpu.memory_space<vmem>>) target_semaphore(%run_scoped3A : memref<!tpu.dma_semaphore, #tpu.memory_space<semaphore_mem>>)
        %dma_wait3A = arith.constant 0 : i32
        %dma_wait3A_135 = arith.constant 999936 : i32
        %dma_wait3A_136 = tpu.memref_slice %arg2[%dma_wait3A, %dma_wait3A_135] : memref<32x1000000xf32, #tpu.memory_space<hbm>> -> memref<32x64xf32, #tpu.memory_space<hbm>>
        %dma_wait3A_137 = arith.constant 0 : i32
        %dma_wait3A_138 = arith.constant 999936 : i32
        %dma_wait3A_139 = tpu.memref_slice %arg2[%dma_wait3A_137, %dma_wait3A_138] : memref<32x1000000xf32, #tpu.memory_space<hbm>> -> memref<32x64xf32, #tpu.memory_space<hbm>>
        tpu.wait_dma2 semaphore(%run_scoped3A : memref<!tpu.dma_semaphore, #tpu.memory_space<semaphore_mem>>) src(%dma_wait3A_139 : memref<32x64xf32, #tpu.memory_space<hbm>>) dst(%arg8 : memref<32x64xf32, #tpu.memory_space<vmem>>)
        tpu.yield
      }) : () -> ()
      %scan3A_124 = arith.constant 0 : i32
      %scan3A_125 = arith.constant 0 : i32
      %scan3A_126 = arith.constant 4 : i32
      %scan3A_127 = arith.addi %scan3A_125, %scan3A_126 : i32
      %scan3A_128 = arith.constant 1 : i32
      scf.for %scan3A_130 = %scan3A_125 to %scan3A_127 step %scan3A_128  : i32 {
        %shift_right_logical3A = arith.constant 2 : i32
        %shift_right_logical3A_131 = vector.broadcast %shift_right_logical3A : i32 to vector<16xi32>
        %shift_right_logical3A_132 = arith.shrui %and3A_8, %shift_right_logical3A_131 : vector<16xi32>
        %and3A_133 = arith.constant 3 : i32
        %and3A_134 = vector.broadcast %and3A_133 : i32 to vector<16xi32>
        %and3A_135 = arith.andi %and3A_8, %and3A_134 : vector<16xi32>
        %shift_left3A = arith.constant 5 : i32
        %shift_left3A_136 = vector.broadcast %shift_left3A : i32 to vector<16xi32>
        %shift_left3A_137 = arith.shli %and3A_135, %shift_left3A_136 : vector<16xi32>
        %add3A_138 = arith.addi %shift_left3A_137, %iota3A : vector<16xi32>
        %mul3A_139 = arith.constant 16 : i32
        %mul3A_140 = arith.muli %scan3A_130, %mul3A_139 : i32
        %add3A_141 = vector.broadcast %mul3A_140 : i32 to vector<16xi32>
        %add3A_142 = arith.addi %and3A_8, %add3A_141 : vector<16xi32>
        %mul3A_143 = arith.constant 4 : i32
        %mul3A_144 = arith.muli %scan3A_130, %mul3A_143 : i32
        %add3A_145 = vector.broadcast %mul3A_144 : i32 to vector<16xi32>
        %add3A_146 = arith.addi %shift_right_logical3A_132, %add3A_145 : vector<16xi32>
        %gather3A = tpu.vector_load_idx %arg8[%iota3A, %add3A_142] : memref<32x64xf32, #tpu.memory_space<vmem>>[vector<16xi32>, vector<16xi32>], vector<16xf32>,
        %add3A_147 = arith.constant 0 : i32
        %add3A_148 = vector.broadcast %add3A_147 : i32 to vector<16xi32>
        %add3A_149 = arith.addi %add3A_138, %add3A_148 : vector<16xi32>
        tpu.vector_store_idx %arg9[%add3A_146, %add3A_149], %gather3A : memref<16x128xf32, #tpu.memory_space<vmem>>[vector<16xi32>, vector<16xi32>], vector<16xf32>,
        %gather3A_150 = tpu.vector_load_idx %arg8[%add3A_3, %add3A_142] : memref<32x64xf32, #tpu.memory_space<vmem>>[vector<16xi32>, vector<16xi32>], vector<16xf32>,
        %add3A_151 = arith.constant 16 : i32
        %add3A_152 = vector.broadcast %add3A_151 : i32 to vector<16xi32>
        %add3A_153 = arith.addi %add3A_138, %add3A_152 : vector<16xi32>
        tpu.vector_store_idx %arg9[%add3A_146, %add3A_153], %gather3A_150 : memref<16x128xf32, #tpu.memory_space<vmem>>[vector<16xi32>, vector<16xi32>], vector<16xf32>,
        %shift_right_logical3A_154 = arith.constant 2 : i32
        %shift_right_logical3A_155 = vector.broadcast %shift_right_logical3A_154 : i32 to vector<16xi32>
        %shift_right_logical3A_156 = arith.shrui %and3A_14, %shift_right_logical3A_155 : vector<16xi32>
        %and3A_157 = arith.constant 3 : i32
        %and3A_158 = vector.broadcast %and3A_157 : i32 to vector<16xi32>
        %and3A_159 = arith.andi %and3A_14, %and3A_158 : vector<16xi32>
        %shift_left3A_160 = arith.constant 5 : i32
        %shift_left3A_161 = vector.broadcast %shift_left3A_160 : i32 to vector<16xi32>
        %shift_left3A_162 = arith.shli %and3A_159, %shift_left3A_161 : vector<16xi32>
        %add3A_163 = arith.addi %shift_left3A_162, %iota3A : vector<16xi32>
        %mul3A_164 = arith.constant 16 : i32
        %mul3A_165 = arith.muli %scan3A_130, %mul3A_164 : i32
        %add3A_166 = vector.broadcast %mul3A_165 : i32 to vector<16xi32>
        %add3A_167 = arith.addi %and3A_14, %add3A_166 : vector<16xi32>
        %mul3A_168 = arith.constant 4 : i32
        %mul3A_169 = arith.muli %scan3A_130, %mul3A_168 : i32
        %add3A_170 = vector.broadcast %mul3A_169 : i32 to vector<16xi32>
        %add3A_171 = arith.addi %shift_right_logical3A_156, %add3A_170 : vector<16xi32>
        %gather3A_172 = tpu.vector_load_idx %arg8[%iota3A, %add3A_167] : memref<32x64xf32, #tpu.memory_space<vmem>>[vector<16xi32>, vector<16xi32>], vector<16xf32>,
        %add3A_173 = arith.constant 0 : i32
        %add3A_174 = vector.broadcast %add3A_173 : i32 to vector<16xi32>
        %add3A_175 = arith.addi %add3A_163, %add3A_174 : vector<16xi32>
        tpu.vector_store_idx %arg9[%add3A_171, %add3A_175], %gather3A_172 : memref<16x128xf32, #tpu.memory_space<vmem>>[vector<16xi32>, vector<16xi32>], vector<16xf32>,
        %gather3A_176 = tpu.vector_load_idx %arg8[%add3A_3, %add3A_167] : memref<32x64xf32, #tpu.memory_space<vmem>>[vector<16xi32>, vector<16xi32>], vector<16xf32>,
        %add3A_177 = arith.constant 16 : i32
        %add3A_178 = vector.broadcast %add3A_177 : i32 to vector<16xi32>
        %add3A_179 = arith.addi %add3A_163, %add3A_178 : vector<16xi32>
        tpu.vector_store_idx %arg9[%add3A_171, %add3A_179], %gather3A_176 : memref<16x128xf32, #tpu.memory_space<vmem>>[vector<16xi32>, vector<16xi32>], vector<16xf32>,
        %shift_right_logical3A_180 = arith.constant 2 : i32
        %shift_right_logical3A_181 = vector.broadcast %shift_right_logical3A_180 : i32 to vector<16xi32>
        %shift_right_logical3A_182 = arith.shrui %and3A_20, %shift_right_logical3A_181 : vector<16xi32>
        %and3A_183 = arith.constant 3 : i32
        %and3A_184 = vector.broadcast %and3A_183 : i32 to vector<16xi32>
        %and3A_185 = arith.andi %and3A_20, %and3A_184 : vector<16xi32>
        %shift_left3A_186 = arith.constant 5 : i32
        %shift_left3A_187 = vector.broadcast %shift_left3A_186 : i32 to vector<16xi32>
        %shift_left3A_188 = arith.shli %and3A_185, %shift_left3A_187 : vector<16xi32>
        %add3A_189 = arith.addi %shift_left3A_188, %iota3A : vector<16xi32>
        %mul3A_190 = arith.constant 16 : i32
        %mul3A_191 = arith.muli %scan3A_130, %mul3A_190 : i32
        %add3A_192 = vector.broadcast %mul3A_191 : i32 to vector<16xi32>
        %add3A_193 = arith.addi %and3A_20, %add3A_192 : vector<16xi32>
        %mul3A_194 = arith.constant 4 : i32
        %mul3A_195 = arith.muli %scan3A_130, %mul3A_194 : i32
        %add3A_196 = vector.broadcast %mul3A_195 : i32 to vector<16xi32>
        %add3A_197 = arith.addi %shift_right_logical3A_182, %add3A_196 : vector<16xi32>
        %gather3A_198 = tpu.vector_load_idx %arg8[%iota3A, %add3A_193] : memref<32x64xf32, #tpu.memory_space<vmem>>[vector<16xi32>, vector<16xi32>], vector<16xf32>,
        %add3A_199 = arith.constant 0 : i32
        %add3A_200 = vector.broadcast %add3A_199 : i32 to vector<16xi32>
        %add3A_201 = arith.addi %add3A_189, %add3A_200 : vector<16xi32>
        tpu.vector_store_idx %arg9[%add3A_197, %add3A_201], %gather3A_198 : memref<16x128xf32, #tpu.memory_space<vmem>>[vector<16xi32>, vector<16xi32>], vector<16xf32>,
        %gather3A_202 = tpu.vector_load_idx %arg8[%add3A_3, %add3A_193] : memref<32x64xf32, #tpu.memory_space<vmem>>[vector<16xi32>, vector<16xi32>], vector<16xf32>,
        %add3A_203 = arith.constant 16 : i32
        %add3A_204 = vector.broadcast %add3A_203 : i32 to vector<16xi32>
        %add3A_205 = arith.addi %add3A_189, %add3A_204 : vector<16xi32>
        tpu.vector_store_idx %arg9[%add3A_197, %add3A_205], %gather3A_202 : memref<16x128xf32, #tpu.memory_space<vmem>>[vector<16xi32>, vector<16xi32>], vector<16xf32>,
        %shift_right_logical3A_206 = arith.constant 2 : i32
        %shift_right_logical3A_207 = vector.broadcast %shift_right_logical3A_206 : i32 to vector<16xi32>
        %shift_right_logical3A_208 = arith.shrui %and3A_26, %shift_right_logical3A_207 : vector<16xi32>
        %and3A_209 = arith.constant 3 : i32
        %and3A_210 = vector.broadcast %and3A_209 : i32 to vector<16xi32>
        %and3A_211 = arith.andi %and3A_26, %and3A_210 : vector<16xi32>
        %shift_left3A_212 = arith.constant 5 : i32
        %shift_left3A_213 = vector.broadcast %shift_left3A_212 : i32 to vector<16xi32>
        %shift_left3A_214 = arith.shli %and3A_211, %shift_left3A_213 : vector<16xi32>
        %add3A_215 = arith.addi %shift_left3A_214, %iota3A : vector<16xi32>
        %mul3A_216 = arith.constant 16 : i32
        %mul3A_217 = arith.muli %scan3A_130, %mul3A_216 : i32
        %add3A_218 = vector.broadcast %mul3A_217 : i32 to vector<16xi32>
        %add3A_219 = arith.addi %and3A_26, %add3A_218 : vector<16xi32>
        %mul3A_220 = arith.constant 4 : i32
        %mul3A_221 = arith.muli %scan3A_130, %mul3A_220 : i32
        %add3A_222 = vector.broadcast %mul3A_221 : i32 to vector<16xi32>
        %add3A_223 = arith.addi %shift_right_logical3A_208, %add3A_222 : vector<16xi32>
        %gather3A_224 = tpu.vector_load_idx %arg8[%iota3A, %add3A_219] : memref<32x64xf32, #tpu.memory_space<vmem>>[vector<16xi32>, vector<16xi32>], vector<16xf32>,
        %add3A_225 = arith.constant 0 : i32
        %add3A_226 = vector.broadcast %add3A_225 : i32 to vector<16xi32>
        %add3A_227 = arith.addi %add3A_215, %add3A_226 : vector<16xi32>
        tpu.vector_store_idx %arg9[%add3A_223, %add3A_227], %gather3A_224 : memref<16x128xf32, #tpu.memory_space<vmem>>[vector<16xi32>, vector<16xi32>], vector<16xf32>,
        %gather3A_228 = tpu.vector_load_idx %arg8[%add3A_3, %add3A_219] : memref<32x64xf32, #tpu.memory_space<vmem>>[vector<16xi32>, vector<16xi32>], vector<16xf32>,
        %add3A_229 = arith.constant 16 : i32
        %add3A_230 = vector.broadcast %add3A_229 : i32 to vector<16xi32>
        %add3A_231 = arith.addi %add3A_215, %add3A_230 : vector<16xi32>
        tpu.vector_store_idx %arg9[%add3A_223, %add3A_231], %gather3A_228 : memref<16x128xf32, #tpu.memory_space<vmem>>[vector<16xi32>, vector<16xi32>], vector<16xf32>,
        %shift_right_logical3A_232 = arith.constant 2 : i32
        %shift_right_logical3A_233 = vector.broadcast %shift_right_logical3A_232 : i32 to vector<16xi32>
        %shift_right_logical3A_234 = arith.shrui %and3A_32, %shift_right_logical3A_233 : vector<16xi32>
        %and3A_235 = arith.constant 3 : i32
        %and3A_236 = vector.broadcast %and3A_235 : i32 to vector<16xi32>
        %and3A_237 = arith.andi %and3A_32, %and3A_236 : vector<16xi32>
        %shift_left3A_238 = arith.constant 5 : i32
        %shift_left3A_239 = vector.broadcast %shift_left3A_238 : i32 to vector<16xi32>
        %shift_left3A_240 = arith.shli %and3A_237, %shift_left3A_239 : vector<16xi32>
        %add3A_241 = arith.addi %shift_left3A_240, %iota3A : vector<16xi32>
        %mul3A_242 = arith.constant 16 : i32
        %mul3A_243 = arith.muli %scan3A_130, %mul3A_242 : i32
        %add3A_244 = vector.broadcast %mul3A_243 : i32 to vector<16xi32>
        %add3A_245 = arith.addi %and3A_32, %add3A_244 : vector<16xi32>
        %mul3A_246 = arith.constant 4 : i32
        %mul3A_247 = arith.muli %scan3A_130, %mul3A_246 : i32
        %add3A_248 = vector.broadcast %mul3A_247 : i32 to vector<16xi32>
        %add3A_249 = arith.addi %shift_right_logical3A_234, %add3A_248 : vector<16xi32>
        %gather3A_250 = tpu.vector_load_idx %arg8[%iota3A, %add3A_245] : memref<32x64xf32, #tpu.memory_space<vmem>>[vector<16xi32>, vector<16xi32>], vector<16xf32>,
        %add3A_251 = arith.constant 0 : i32
        %add3A_252 = vector.broadcast %add3A_251 : i32 to vector<16xi32>
        %add3A_253 = arith.addi %add3A_241, %add3A_252 : vector<16xi32>
        tpu.vector_store_idx %arg9[%add3A_249, %add3A_253], %gather3A_250 : memref<16x128xf32, #tpu.memory_space<vmem>>[vector<16xi32>, vector<16xi32>], vector<16xf32>,
        %gather3A_254 = tpu.vector_load_idx %arg8[%add3A_3, %add3A_245] : memref<32x64xf32, #tpu.memory_space<vmem>>[vector<16xi32>, vector<16xi32>], vector<16xf32>,
        %add3A_255 = arith.constant 16 : i32
        %add3A_256 = vector.broadcast %add3A_255 : i32 to vector<16xi32>
        %add3A_257 = arith.addi %add3A_241, %add3A_256 : vector<16xi32>
        tpu.vector_store_idx %arg9[%add3A_249, %add3A_257], %gather3A_254 : memref<16x128xf32, #tpu.memory_space<vmem>>[vector<16xi32>, vector<16xi32>], vector<16xf32>,
        %shift_right_logical3A_258 = arith.constant 2 : i32
        %shift_right_logical3A_259 = vector.broadcast %shift_right_logical3A_258 : i32 to vector<16xi32>
        %shift_right_logical3A_260 = arith.shrui %and3A_38, %shift_right_logical3A_259 : vector<16xi32>
        %and3A_261 = arith.constant 3 : i32
        %and3A_262 = vector.broadcast %and3A_261 : i32 to vector<16xi32>
        %and3A_263 = arith.andi %and3A_38, %and3A_262 : vector<16xi32>
        %shift_left3A_264 = arith.constant 5 : i32
        %shift_left3A_265 = vector.broadcast %shift_left3A_264 : i32 to vector<16xi32>
        %shift_left3A_266 = arith.shli %and3A_263, %shift_left3A_265 : vector<16xi32>
        %add3A_267 = arith.addi %shift_left3A_266, %iota3A : vector<16xi32>
        %mul3A_268 = arith.constant 16 : i32
        %mul3A_269 = arith.muli %scan3A_130, %mul3A_268 : i32
        %add3A_270 = vector.broadcast %mul3A_269 : i32 to vector<16xi32>
        %add3A_271 = arith.addi %and3A_38, %add3A_270 : vector<16xi32>
        %mul3A_272 = arith.constant 4 : i32
        %mul3A_273 = arith.muli %scan3A_130, %mul3A_272 : i32
        %add3A_274 = vector.broadcast %mul3A_273 : i32 to vector<16xi32>
        %add3A_275 = arith.addi %shift_right_logical3A_260, %add3A_274 : vector<16xi32>
        %gather3A_276 = tpu.vector_load_idx %arg8[%iota3A, %add3A_271] : memref<32x64xf32, #tpu.memory_space<vmem>>[vector<16xi32>, vector<16xi32>], vector<16xf32>,
        %add3A_277 = arith.constant 0 : i32
        %add3A_278 = vector.broadcast %add3A_277 : i32 to vector<16xi32>
        %add3A_279 = arith.addi %add3A_267, %add3A_278 : vector<16xi32>
        tpu.vector_store_idx %arg9[%add3A_275, %add3A_279], %gather3A_276 : memref<16x128xf32, #tpu.memory_space<vmem>>[vector<16xi32>, vector<16xi32>], vector<16xf32>,
        %gather3A_280 = tpu.vector_load_idx %arg8[%add3A_3, %add3A_271] : memref<32x64xf32, #tpu.memory_space<vmem>>[vector<16xi32>, vector<16xi32>], vector<16xf32>,
        %add3A_281 = arith.constant 16 : i32
        %add3A_282 = vector.broadcast %add3A_281 : i32 to vector<16xi32>
        %add3A_283 = arith.addi %add3A_267, %add3A_282 : vector<16xi32>
        tpu.vector_store_idx %arg9[%add3A_275, %add3A_283], %gather3A_280 : memref<16x128xf32, #tpu.memory_space<vmem>>[vector<16xi32>, vector<16xi32>], vector<16xf32>,
        %shift_right_logical3A_284 = arith.constant 2 : i32
        %shift_right_logical3A_285 = vector.broadcast %shift_right_logical3A_284 : i32 to vector<16xi32>
        %shift_right_logical3A_286 = arith.shrui %and3A_44, %shift_right_logical3A_285 : vector<16xi32>
        %and3A_287 = arith.constant 3 : i32
        %and3A_288 = vector.broadcast %and3A_287 : i32 to vector<16xi32>
        %and3A_289 = arith.andi %and3A_44, %and3A_288 : vector<16xi32>
        %shift_left3A_290 = arith.constant 5 : i32
        %shift_left3A_291 = vector.broadcast %shift_left3A_290 : i32 to vector<16xi32>
        %shift_left3A_292 = arith.shli %and3A_289, %shift_left3A_291 : vector<16xi32>
        %add3A_293 = arith.addi %shift_left3A_292, %iota3A : vector<16xi32>
        %mul3A_294 = arith.constant 16 : i32
        %mul3A_295 = arith.muli %scan3A_130, %mul3A_294 : i32
        %add3A_296 = vector.broadcast %mul3A_295 : i32 to vector<16xi32>
        %add3A_297 = arith.addi %and3A_44, %add3A_296 : vector<16xi32>
        %mul3A_298 = arith.constant 4 : i32
        %mul3A_299 = arith.muli %scan3A_130, %mul3A_298 : i32
        %add3A_300 = vector.broadcast %mul3A_299 : i32 to vector<16xi32>
        %add3A_301 = arith.addi %shift_right_logical3A_286, %add3A_300 : vector<16xi32>
        %gather3A_302 = tpu.vector_load_idx %arg8[%iota3A, %add3A_297] : memref<32x64xf32, #tpu.memory_space<vmem>>[vector<16xi32>, vector<16xi32>], vector<16xf32>,
        %add3A_303 = arith.constant 0 : i32
        %add3A_304 = vector.broadcast %add3A_303 : i32 to vector<16xi32>
        %add3A_305 = arith.addi %add3A_293, %add3A_304 : vector<16xi32>
        tpu.vector_store_idx %arg9[%add3A_301, %add3A_305], %gather3A_302 : memref<16x128xf32, #tpu.memory_space<vmem>>[vector<16xi32>, vector<16xi32>], vector<16xf32>,
        %gather3A_306 = tpu.vector_load_idx %arg8[%add3A_3, %add3A_297] : memref<32x64xf32, #tpu.memory_space<vmem>>[vector<16xi32>, vector<16xi32>], vector<16xf32>,
        %add3A_307 = arith.constant 16 : i32
        %add3A_308 = vector.broadcast %add3A_307 : i32 to vector<16xi32>
        %add3A_309 = arith.addi %add3A_293, %add3A_308 : vector<16xi32>
        tpu.vector_store_idx %arg9[%add3A_301, %add3A_309], %gather3A_306 : memref<16x128xf32, #tpu.memory_space<vmem>>[vector<16xi32>, vector<16xi32>], vector<16xf32>,
        %shift_right_logical3A_310 = arith.constant 2 : i32
        %shift_right_logical3A_311 = vector.broadcast %shift_right_logical3A_310 : i32 to vector<16xi32>
        %shift_right_logical3A_312 = arith.shrui %and3A_50, %shift_right_logical3A_311 : vector<16xi32>
        %and3A_313 = arith.constant 3 : i32
        %and3A_314 = vector.broadcast %and3A_313 : i32 to vector<16xi32>
        %and3A_315 = arith.andi %and3A_50, %and3A_314 : vector<16xi32>
        %shift_left3A_316 = arith.constant 5 : i32
        %shift_left3A_317 = vector.broadcast %shift_left3A_316 : i32 to vector<16xi32>
        %shift_left3A_318 = arith.shli %and3A_315, %shift_left3A_317 : vector<16xi32>
        %add3A_319 = arith.addi %shift_left3A_318, %iota3A : vector<16xi32>
        %mul3A_320 = arith.constant 16 : i32
        %mul3A_321 = arith.muli %scan3A_130, %mul3A_320 : i32
        %add3A_322 = vector.broadcast %mul3A_321 : i32 to vector<16xi32>
        %add3A_323 = arith.addi %and3A_50, %add3A_322 : vector<16xi32>
        %mul3A_324 = arith.constant 4 : i32
        %mul3A_325 = arith.muli %scan3A_130, %mul3A_324 : i32
        %add3A_326 = vector.broadcast %mul3A_325 : i32 to vector<16xi32>
        %add3A_327 = arith.addi %shift_right_logical3A_312, %add3A_326 : vector<16xi32>
        %gather3A_328 = tpu.vector_load_idx %arg8[%iota3A, %add3A_323] : memref<32x64xf32, #tpu.memory_space<vmem>>[vector<16xi32>, vector<16xi32>], vector<16xf32>,
        %add3A_329 = arith.constant 0 : i32
        %add3A_330 = vector.broadcast %add3A_329 : i32 to vector<16xi32>
        %add3A_331 = arith.addi %add3A_319, %add3A_330 : vector<16xi32>
        tpu.vector_store_idx %arg9[%add3A_327, %add3A_331], %gather3A_328 : memref<16x128xf32, #tpu.memory_space<vmem>>[vector<16xi32>, vector<16xi32>], vector<16xf32>,
        %gather3A_332 = tpu.vector_load_idx %arg8[%add3A_3, %add3A_323] : memref<32x64xf32, #tpu.memory_space<vmem>>[vector<16xi32>, vector<16xi32>], vector<16xf32>,
        %add3A_333 = arith.constant 16 : i32
        %add3A_334 = vector.broadcast %add3A_333 : i32 to vector<16xi32>
        %add3A_335 = arith.addi %add3A_319, %add3A_334 : vector<16xi32>
        tpu.vector_store_idx %arg9[%add3A_327, %add3A_335], %gather3A_332 : memref<16x128xf32, #tpu.memory_space<vmem>>[vector<16xi32>, vector<16xi32>], vector<16xf32>,
        %shift_right_logical3A_336 = arith.constant 2 : i32
        %shift_right_logical3A_337 = vector.broadcast %shift_right_logical3A_336 : i32 to vector<16xi32>
        %shift_right_logical3A_338 = arith.shrui %and3A_56, %shift_right_logical3A_337 : vector<16xi32>
        %and3A_339 = arith.constant 3 : i32
        %and3A_340 = vector.broadcast %and3A_339 : i32 to vector<16xi32>
        %and3A_341 = arith.andi %and3A_56, %and3A_340 : vector<16xi32>
        %shift_left3A_342 = arith.constant 5 : i32
        %shift_left3A_343 = vector.broadcast %shift_left3A_342 : i32 to vector<16xi32>
        %shift_left3A_344 = arith.shli %and3A_341, %shift_left3A_343 : vector<16xi32>
        %add3A_345 = arith.addi %shift_left3A_344, %iota3A : vector<16xi32>
        %mul3A_346 = arith.constant 16 : i32
        %mul3A_347 = arith.muli %scan3A_130, %mul3A_346 : i32
        %add3A_348 = vector.broadcast %mul3A_347 : i32 to vector<16xi32>
        %add3A_349 = arith.addi %and3A_56, %add3A_348 : vector<16xi32>
        %mul3A_350 = arith.constant 4 : i32
        %mul3A_351 = arith.muli %scan3A_130, %mul3A_350 : i32
        %add3A_352 = vector.broadcast %mul3A_351 : i32 to vector<16xi32>
        %add3A_353 = arith.addi %shift_right_logical3A_338, %add3A_352 : vector<16xi32>
        %gather3A_354 = tpu.vector_load_idx %arg8[%iota3A, %add3A_349] : memref<32x64xf32, #tpu.memory_space<vmem>>[vector<16xi32>, vector<16xi32>], vector<16xf32>,
        %add3A_355 = arith.constant 0 : i32
        %add3A_356 = vector.broadcast %add3A_355 : i32 to vector<16xi32>
        %add3A_357 = arith.addi %add3A_345, %add3A_356 : vector<16xi32>
        tpu.vector_store_idx %arg9[%add3A_353, %add3A_357], %gather3A_354 : memref<16x128xf32, #tpu.memory_space<vmem>>[vector<16xi32>, vector<16xi32>], vector<16xf32>,
        %gather3A_358 = tpu.vector_load_idx %arg8[%add3A_3, %add3A_349] : memref<32x64xf32, #tpu.memory_space<vmem>>[vector<16xi32>, vector<16xi32>], vector<16xf32>,
        %add3A_359 = arith.constant 16 : i32
        %add3A_360 = vector.broadcast %add3A_359 : i32 to vector<16xi32>
        %add3A_361 = arith.addi %add3A_345, %add3A_360 : vector<16xi32>
        tpu.vector_store_idx %arg9[%add3A_353, %add3A_361], %gather3A_358 : memref<16x128xf32, #tpu.memory_space<vmem>>[vector<16xi32>, vector<16xi32>], vector<16xf32>,
        %shift_right_logical3A_362 = arith.constant 2 : i32
        %shift_right_logical3A_363 = vector.broadcast %shift_right_logical3A_362 : i32 to vector<16xi32>
        %shift_right_logical3A_364 = arith.shrui %and3A_62, %shift_right_logical3A_363 : vector<16xi32>
        %and3A_365 = arith.constant 3 : i32
        %and3A_366 = vector.broadcast %and3A_365 : i32 to vector<16xi32>
        %and3A_367 = arith.andi %and3A_62, %and3A_366 : vector<16xi32>
        %shift_left3A_368 = arith.constant 5 : i32
        %shift_left3A_369 = vector.broadcast %shift_left3A_368 : i32 to vector<16xi32>
        %shift_left3A_370 = arith.shli %and3A_367, %shift_left3A_369 : vector<16xi32>
        %add3A_371 = arith.addi %shift_left3A_370, %iota3A : vector<16xi32>
        %mul3A_372 = arith.constant 16 : i32
        %mul3A_373 = arith.muli %scan3A_130, %mul3A_372 : i32
        %add3A_374 = vector.broadcast %mul3A_373 : i32 to vector<16xi32>
        %add3A_375 = arith.addi %and3A_62, %add3A_374 : vector<16xi32>
        %mul3A_376 = arith.constant 4 : i32
        %mul3A_377 = arith.muli %scan3A_130, %mul3A_376 : i32
        %add3A_378 = vector.broadcast %mul3A_377 : i32 to vector<16xi32>
        %add3A_379 = arith.addi %shift_right_logical3A_364, %add3A_378 : vector<16xi32>
        %gather3A_380 = tpu.vector_load_idx %arg8[%iota3A, %add3A_375] : memref<32x64xf32, #tpu.memory_space<vmem>>[vector<16xi32>, vector<16xi32>], vector<16xf32>,
        %add3A_381 = arith.constant 0 : i32
        %add3A_382 = vector.broadcast %add3A_381 : i32 to vector<16xi32>
        %add3A_383 = arith.addi %add3A_371, %add3A_382 : vector<16xi32>
        tpu.vector_store_idx %arg9[%add3A_379, %add3A_383], %gather3A_380 : memref<16x128xf32, #tpu.memory_space<vmem>>[vector<16xi32>, vector<16xi32>], vector<16xf32>,
        %gather3A_384 = tpu.vector_load_idx %arg8[%add3A_3, %add3A_375] : memref<32x64xf32, #tpu.memory_space<vmem>>[vector<16xi32>, vector<16xi32>], vector<16xf32>,
        %add3A_385 = arith.constant 16 : i32
        %add3A_386 = vector.broadcast %add3A_385 : i32 to vector<16xi32>
        %add3A_387 = arith.addi %add3A_371, %add3A_386 : vector<16xi32>
        tpu.vector_store_idx %arg9[%add3A_379, %add3A_387], %gather3A_384 : memref<16x128xf32, #tpu.memory_space<vmem>>[vector<16xi32>, vector<16xi32>], vector<16xf32>,
        %shift_right_logical3A_388 = arith.constant 2 : i32
        %shift_right_logical3A_389 = vector.broadcast %shift_right_logical3A_388 : i32 to vector<16xi32>
        %shift_right_logical3A_390 = arith.shrui %and3A_68, %shift_right_logical3A_389 : vector<16xi32>
        %and3A_391 = arith.constant 3 : i32
        %and3A_392 = vector.broadcast %and3A_391 : i32 to vector<16xi32>
        %and3A_393 = arith.andi %and3A_68, %and3A_392 : vector<16xi32>
        %shift_left3A_394 = arith.constant 5 : i32
        %shift_left3A_395 = vector.broadcast %shift_left3A_394 : i32 to vector<16xi32>
        %shift_left3A_396 = arith.shli %and3A_393, %shift_left3A_395 : vector<16xi32>
        %add3A_397 = arith.addi %shift_left3A_396, %iota3A : vector<16xi32>
        %mul3A_398 = arith.constant 16 : i32
        %mul3A_399 = arith.muli %scan3A_130, %mul3A_398 : i32
        %add3A_400 = vector.broadcast %mul3A_399 : i32 to vector<16xi32>
        %add3A_401 = arith.addi %and3A_68, %add3A_400 : vector<16xi32>
        %mul3A_402 = arith.constant 4 : i32
        %mul3A_403 = arith.muli %scan3A_130, %mul3A_402 : i32
        %add3A_404 = vector.broadcast %mul3A_403 : i32 to vector<16xi32>
        %add3A_405 = arith.addi %shift_right_logical3A_390, %add3A_404 : vector<16xi32>
        %gather3A_406 = tpu.vector_load_idx %arg8[%iota3A, %add3A_401] : memref<32x64xf32, #tpu.memory_space<vmem>>[vector<16xi32>, vector<16xi32>], vector<16xf32>,
        %add3A_407 = arith.constant 0 : i32
        %add3A_408 = vector.broadcast %add3A_407 : i32 to vector<16xi32>
        %add3A_409 = arith.addi %add3A_397, %add3A_408 : vector<16xi32>
        tpu.vector_store_idx %arg9[%add3A_405, %add3A_409], %gather3A_406 : memref<16x128xf32, #tpu.memory_space<vmem>>[vector<16xi32>, vector<16xi32>], vector<16xf32>,
        %gather3A_410 = tpu.vector_load_idx %arg8[%add3A_3, %add3A_401] : memref<32x64xf32, #tpu.memory_space<vmem>>[vector<16xi32>, vector<16xi32>], vector<16xf32>,
        %add3A_411 = arith.constant 16 : i32
        %add3A_412 = vector.broadcast %add3A_411 : i32 to vector<16xi32>
        %add3A_413 = arith.addi %add3A_397, %add3A_412 : vector<16xi32>
        tpu.vector_store_idx %arg9[%add3A_405, %add3A_413], %gather3A_410 : memref<16x128xf32, #tpu.memory_space<vmem>>[vector<16xi32>, vector<16xi32>], vector<16xf32>,
        %shift_right_logical3A_414 = arith.constant 2 : i32
        %shift_right_logical3A_415 = vector.broadcast %shift_right_logical3A_414 : i32 to vector<16xi32>
        %shift_right_logical3A_416 = arith.shrui %and3A_74, %shift_right_logical3A_415 : vector<16xi32>
        %and3A_417 = arith.constant 3 : i32
        %and3A_418 = vector.broadcast %and3A_417 : i32 to vector<16xi32>
        %and3A_419 = arith.andi %and3A_74, %and3A_418 : vector<16xi32>
        %shift_left3A_420 = arith.constant 5 : i32
        %shift_left3A_421 = vector.broadcast %shift_left3A_420 : i32 to vector<16xi32>
        %shift_left3A_422 = arith.shli %and3A_419, %shift_left3A_421 : vector<16xi32>
        %add3A_423 = arith.addi %shift_left3A_422, %iota3A : vector<16xi32>
        %mul3A_424 = arith.constant 16 : i32
        %mul3A_425 = arith.muli %scan3A_130, %mul3A_424 : i32
        %add3A_426 = vector.broadcast %mul3A_425 : i32 to vector<16xi32>
        %add3A_427 = arith.addi %and3A_74, %add3A_426 : vector<16xi32>
        %mul3A_428 = arith.constant 4 : i32
        %mul3A_429 = arith.muli %scan3A_130, %mul3A_428 : i32
        %add3A_430 = vector.broadcast %mul3A_429 : i32 to vector<16xi32>
        %add3A_431 = arith.addi %shift_right_logical3A_416, %add3A_430 : vector<16xi32>
        %gather3A_432 = tpu.vector_load_idx %arg8[%iota3A, %add3A_427] : memref<32x64xf32, #tpu.memory_space<vmem>>[vector<16xi32>, vector<16xi32>], vector<16xf32>,
        %add3A_433 = arith.constant 0 : i32
        %add3A_434 = vector.broadcast %add3A_433 : i32 to vector<16xi32>
        %add3A_435 = arith.addi %add3A_423, %add3A_434 : vector<16xi32>
        tpu.vector_store_idx %arg9[%add3A_431, %add3A_435], %gather3A_432 : memref<16x128xf32, #tpu.memory_space<vmem>>[vector<16xi32>, vector<16xi32>], vector<16xf32>,
        %gather3A_436 = tpu.vector_load_idx %arg8[%add3A_3, %add3A_427] : memref<32x64xf32, #tpu.memory_space<vmem>>[vector<16xi32>, vector<16xi32>], vector<16xf32>,
        %add3A_437 = arith.constant 16 : i32
        %add3A_438 = vector.broadcast %add3A_437 : i32 to vector<16xi32>
        %add3A_439 = arith.addi %add3A_423, %add3A_438 : vector<16xi32>
        tpu.vector_store_idx %arg9[%add3A_431, %add3A_439], %gather3A_436 : memref<16x128xf32, #tpu.memory_space<vmem>>[vector<16xi32>, vector<16xi32>], vector<16xf32>,
        %shift_right_logical3A_440 = arith.constant 2 : i32
        %shift_right_logical3A_441 = vector.broadcast %shift_right_logical3A_440 : i32 to vector<16xi32>
        %shift_right_logical3A_442 = arith.shrui %and3A_80, %shift_right_logical3A_441 : vector<16xi32>
        %and3A_443 = arith.constant 3 : i32
        %and3A_444 = vector.broadcast %and3A_443 : i32 to vector<16xi32>
        %and3A_445 = arith.andi %and3A_80, %and3A_444 : vector<16xi32>
        %shift_left3A_446 = arith.constant 5 : i32
        %shift_left3A_447 = vector.broadcast %shift_left3A_446 : i32 to vector<16xi32>
        %shift_left3A_448 = arith.shli %and3A_445, %shift_left3A_447 : vector<16xi32>
        %add3A_449 = arith.addi %shift_left3A_448, %iota3A : vector<16xi32>
        %mul3A_450 = arith.constant 16 : i32
        %mul3A_451 = arith.muli %scan3A_130, %mul3A_450 : i32
        %add3A_452 = vector.broadcast %mul3A_451 : i32 to vector<16xi32>
        %add3A_453 = arith.addi %and3A_80, %add3A_452 : vector<16xi32>
        %mul3A_454 = arith.constant 4 : i32
        %mul3A_455 = arith.muli %scan3A_130, %mul3A_454 : i32
        %add3A_456 = vector.broadcast %mul3A_455 : i32 to vector<16xi32>
        %add3A_457 = arith.addi %shift_right_logical3A_442, %add3A_456 : vector<16xi32>
        %gather3A_458 = tpu.vector_load_idx %arg8[%iota3A, %add3A_453] : memref<32x64xf32, #tpu.memory_space<vmem>>[vector<16xi32>, vector<16xi32>], vector<16xf32>,
        %add3A_459 = arith.constant 0 : i32
        %add3A_460 = vector.broadcast %add3A_459 : i32 to vector<16xi32>
        %add3A_461 = arith.addi %add3A_449, %add3A_460 : vector<16xi32>
        tpu.vector_store_idx %arg9[%add3A_457, %add3A_461], %gather3A_458 : memref<16x128xf32, #tpu.memory_space<vmem>>[vector<16xi32>, vector<16xi32>], vector<16xf32>,
        %gather3A_462 = tpu.vector_load_idx %arg8[%add3A_3, %add3A_453] : memref<32x64xf32, #tpu.memory_space<vmem>>[vector<16xi32>, vector<16xi32>], vector<16xf32>,
        %add3A_463 = arith.constant 16 : i32
        %add3A_464 = vector.broadcast %add3A_463 : i32 to vector<16xi32>
        %add3A_465 = arith.addi %add3A_449, %add3A_464 : vector<16xi32>
        tpu.vector_store_idx %arg9[%add3A_457, %add3A_465], %gather3A_462 : memref<16x128xf32, #tpu.memory_space<vmem>>[vector<16xi32>, vector<16xi32>], vector<16xf32>,
        %shift_right_logical3A_466 = arith.constant 2 : i32
        %shift_right_logical3A_467 = vector.broadcast %shift_right_logical3A_466 : i32 to vector<16xi32>
        %shift_right_logical3A_468 = arith.shrui %and3A_86, %shift_right_logical3A_467 : vector<16xi32>
        %and3A_469 = arith.constant 3 : i32
        %and3A_470 = vector.broadcast %and3A_469 : i32 to vector<16xi32>
        %and3A_471 = arith.andi %and3A_86, %and3A_470 : vector<16xi32>
        %shift_left3A_472 = arith.constant 5 : i32
        %shift_left3A_473 = vector.broadcast %shift_left3A_472 : i32 to vector<16xi32>
        %shift_left3A_474 = arith.shli %and3A_471, %shift_left3A_473 : vector<16xi32>
        %add3A_475 = arith.addi %shift_left3A_474, %iota3A : vector<16xi32>
        %mul3A_476 = arith.constant 16 : i32
        %mul3A_477 = arith.muli %scan3A_130, %mul3A_476 : i32
        %add3A_478 = vector.broadcast %mul3A_477 : i32 to vector<16xi32>
        %add3A_479 = arith.addi %and3A_86, %add3A_478 : vector<16xi32>
        %mul3A_480 = arith.constant 4 : i32
        %mul3A_481 = arith.muli %scan3A_130, %mul3A_480 : i32
        %add3A_482 = vector.broadcast %mul3A_481 : i32 to vector<16xi32>
        %add3A_483 = arith.addi %shift_right_logical3A_468, %add3A_482 : vector<16xi32>
        %gather3A_484 = tpu.vector_load_idx %arg8[%iota3A, %add3A_479] : memref<32x64xf32, #tpu.memory_space<vmem>>[vector<16xi32>, vector<16xi32>], vector<16xf32>,
        %add3A_485 = arith.constant 0 : i32
        %add3A_486 = vector.broadcast %add3A_485 : i32 to vector<16xi32>
        %add3A_487 = arith.addi %add3A_475, %add3A_486 : vector<16xi32>
        tpu.vector_store_idx %arg9[%add3A_483, %add3A_487], %gather3A_484 : memref<16x128xf32, #tpu.memory_space<vmem>>[vector<16xi32>, vector<16xi32>], vector<16xf32>,
        %gather3A_488 = tpu.vector_load_idx %arg8[%add3A_3, %add3A_479] : memref<32x64xf32, #tpu.memory_space<vmem>>[vector<16xi32>, vector<16xi32>], vector<16xf32>,
        %add3A_489 = arith.constant 16 : i32
        %add3A_490 = vector.broadcast %add3A_489 : i32 to vector<16xi32>
        %add3A_491 = arith.addi %add3A_475, %add3A_490 : vector<16xi32>
        tpu.vector_store_idx %arg9[%add3A_483, %add3A_491], %gather3A_488 : memref<16x128xf32, #tpu.memory_space<vmem>>[vector<16xi32>, vector<16xi32>], vector<16xf32>,
        %shift_right_logical3A_492 = arith.constant 2 : i32
        %shift_right_logical3A_493 = vector.broadcast %shift_right_logical3A_492 : i32 to vector<16xi32>
        %shift_right_logical3A_494 = arith.shrui %and3A_92, %shift_right_logical3A_493 : vector<16xi32>
        %and3A_495 = arith.constant 3 : i32
        %and3A_496 = vector.broadcast %and3A_495 : i32 to vector<16xi32>
        %and3A_497 = arith.andi %and3A_92, %and3A_496 : vector<16xi32>
        %shift_left3A_498 = arith.constant 5 : i32
        %shift_left3A_499 = vector.broadcast %shift_left3A_498 : i32 to vector<16xi32>
        %shift_left3A_500 = arith.shli %and3A_497, %shift_left3A_499 : vector<16xi32>
        %add3A_501 = arith.addi %shift_left3A_500, %iota3A : vector<16xi32>
        %mul3A_502 = arith.constant 16 : i32
        %mul3A_503 = arith.muli %scan3A_130, %mul3A_502 : i32
        %add3A_504 = vector.broadcast %mul3A_503 : i32 to vector<16xi32>
        %add3A_505 = arith.addi %and3A_92, %add3A_504 : vector<16xi32>
        %mul3A_506 = arith.constant 4 : i32
        %mul3A_507 = arith.muli %scan3A_130, %mul3A_506 : i32
        %add3A_508 = vector.broadcast %mul3A_507 : i32 to vector<16xi32>
        %add3A_509 = arith.addi %shift_right_logical3A_494, %add3A_508 : vector<16xi32>
        %gather3A_510 = tpu.vector_load_idx %arg8[%iota3A, %add3A_505] : memref<32x64xf32, #tpu.memory_space<vmem>>[vector<16xi32>, vector<16xi32>], vector<16xf32>,
        %add3A_511 = arith.constant 0 : i32
        %add3A_512 = vector.broadcast %add3A_511 : i32 to vector<16xi32>
        %add3A_513 = arith.addi %add3A_501, %add3A_512 : vector<16xi32>
        tpu.vector_store_idx %arg9[%add3A_509, %add3A_513], %gather3A_510 : memref<16x128xf32, #tpu.memory_space<vmem>>[vector<16xi32>, vector<16xi32>], vector<16xf32>,
        %gather3A_514 = tpu.vector_load_idx %arg8[%add3A_3, %add3A_505] : memref<32x64xf32, #tpu.memory_space<vmem>>[vector<16xi32>, vector<16xi32>], vector<16xf32>,
        %add3A_515 = arith.constant 16 : i32
        %add3A_516 = vector.broadcast %add3A_515 : i32 to vector<16xi32>
        %add3A_517 = arith.addi %add3A_501, %add3A_516 : vector<16xi32>
        tpu.vector_store_idx %arg9[%add3A_509, %add3A_517], %gather3A_514 : memref<16x128xf32, #tpu.memory_space<vmem>>[vector<16xi32>, vector<16xi32>], vector<16xf32>,
        %shift_right_logical3A_518 = arith.constant 2 : i32
        %shift_right_logical3A_519 = vector.broadcast %shift_right_logical3A_518 : i32 to vector<16xi32>
        %shift_right_logical3A_520 = arith.shrui %and3A_98, %shift_right_logical3A_519 : vector<16xi32>
        %and3A_521 = arith.constant 3 : i32
        %and3A_522 = vector.broadcast %and3A_521 : i32 to vector<16xi32>
        %and3A_523 = arith.andi %and3A_98, %and3A_522 : vector<16xi32>
        %shift_left3A_524 = arith.constant 5 : i32
        %shift_left3A_525 = vector.broadcast %shift_left3A_524 : i32 to vector<16xi32>
        %shift_left3A_526 = arith.shli %and3A_523, %shift_left3A_525 : vector<16xi32>
        %add3A_527 = arith.addi %shift_left3A_526, %iota3A : vector<16xi32>
        %mul3A_528 = arith.constant 16 : i32
        %mul3A_529 = arith.muli %scan3A_130, %mul3A_528 : i32
        %add3A_530 = vector.broadcast %mul3A_529 : i32 to vector<16xi32>
        %add3A_531 = arith.addi %and3A_98, %add3A_530 : vector<16xi32>
        %mul3A_532 = arith.constant 4 : i32
        %mul3A_533 = arith.muli %scan3A_130, %mul3A_532 : i32
        %add3A_534 = vector.broadcast %mul3A_533 : i32 to vector<16xi32>
        %add3A_535 = arith.addi %shift_right_logical3A_520, %add3A_534 : vector<16xi32>
        %gather3A_536 = tpu.vector_load_idx %arg8[%iota3A, %add3A_531] : memref<32x64xf32, #tpu.memory_space<vmem>>[vector<16xi32>, vector<16xi32>], vector<16xf32>,
        %add3A_537 = arith.constant 0 : i32
        %add3A_538 = vector.broadcast %add3A_537 : i32 to vector<16xi32>
        %add3A_539 = arith.addi %add3A_527, %add3A_538 : vector<16xi32>
        tpu.vector_store_idx %arg9[%add3A_535, %add3A_539], %gather3A_536 : memref<16x128xf32, #tpu.memory_space<vmem>>[vector<16xi32>, vector<16xi32>], vector<16xf32>,
        %gather3A_540 = tpu.vector_load_idx %arg8[%add3A_3, %add3A_531] : memref<32x64xf32, #tpu.memory_space<vmem>>[vector<16xi32>, vector<16xi32>], vector<16xf32>,
        %add3A_541 = arith.constant 16 : i32
        %add3A_542 = vector.broadcast %add3A_541 : i32 to vector<16xi32>
        %add3A_543 = arith.addi %add3A_527, %add3A_542 : vector<16xi32>
        tpu.vector_store_idx %arg9[%add3A_535, %add3A_543], %gather3A_540 : memref<16x128xf32, #tpu.memory_space<vmem>>[vector<16xi32>, vector<16xi32>], vector<16xf32>,
      }
      %scan3A_129 = arith.constant 4 : i32
      "tpu.region"() ({
        %run_scoped3A = tpu.sem_alloc : memref<!tpu.dma_semaphore, #tpu.memory_space<semaphore_mem>>
        %dma_start3A = arith.constant 249984 : i32
        %dma_start3A_130 = arith.constant 0 : i32
        %dma_start3A_131 = tpu.memref_slice %arg3[%dma_start3A, %dma_start3A_130] : memref<250000x128xf32, #tpu.memory_space<hbm>> -> memref<16x128xf32, #tpu.memory_space<hbm>>
        %dma_start3A_132 = arith.constant 249984 : i32
        %dma_start3A_133 = arith.constant 0 : i32
        %dma_start3A_134 = tpu.memref_slice %arg3[%dma_start3A_132, %dma_start3A_133] : memref<250000x128xf32, #tpu.memory_space<hbm>> -> memref<16x128xf32, #tpu.memory_space<hbm>>
        tpu.enqueue_dma source(%arg9 : memref<16x128xf32, #tpu.memory_space<vmem>>) target(%dma_start3A_134 : memref<16x128xf32, #tpu.memory_space<hbm>>) target_semaphore(%run_scoped3A : memref<!tpu.dma_semaphore, #tpu.memory_space<semaphore_mem>>)
        %dma_wait3A = arith.constant 249984 : i32
        %dma_wait3A_135 = arith.constant 0 : i32
        %dma_wait3A_136 = tpu.memref_slice %arg3[%dma_wait3A, %dma_wait3A_135] : memref<250000x128xf32, #tpu.memory_space<hbm>> -> memref<16x128xf32, #tpu.memory_space<hbm>>
        %dma_wait3A_137 = arith.constant 249984 : i32
        %dma_wait3A_138 = arith.constant 0 : i32
        %dma_wait3A_139 = tpu.memref_slice %arg3[%dma_wait3A_137, %dma_wait3A_138] : memref<250000x128xf32, #tpu.memory_space<hbm>> -> memref<16x128xf32, #tpu.memory_space<hbm>>
        tpu.wait_dma2 semaphore(%run_scoped3A : memref<!tpu.dma_semaphore, #tpu.memory_space<semaphore_mem>>) src(%arg9 : memref<16x128xf32, #tpu.memory_space<vmem>>) dst(%dma_wait3A_139 : memref<16x128xf32, #tpu.memory_space<hbm>>)
        tpu.yield
      }) : () -> ()
    } else {
    }
    return
  }
}

</mosaic_0001>

<sc_bundles>
// kernel: kernel.4.cloned.1.call-start
scs
__scs_entry_jumppad:
0x0: {  	(pc) =	sbr.rel $0x88, $3  }
0x1: {  	(tag) =	ssettag $0x0;
	lr =	simm.s32 $0x1  }
0x2: {  	[smem:$0x3F9E] =	sst lr;
	_ =	strace $0xD0000000  }
0x3: {  	_ = 	snop  }
0x4: {  	_ = 	snop  }
0x5: {  	_ = 	snop  }
0x6: {  	_ = 	snop  }
0x7: {  	_ = 	snop  }
__scs_overlays_trampoline_lowered:
0x8: {  	[smem:$0x3FAD] =	sst s0  }
0x9: {  	[smem:$0x3FAE] =	sst s1  }
0xa: {  	[smem:$0x3FAF] =	sst s2  }
0xb: {  	[smem:$0x3FB0] =	sst s3  }
0xc: {  	[smem:$0x3FB1] =	sst s4  }
0xd: {  	[smem:$0x3FB2] =	sst s5  }
0xe: {  	[smem:$0x3FB3] =	sst s6  }
0xf: {  	[smem:$0x3FB4] =	sst s7  }
0x10: {  	[smem:$0x3FB5] =	sst s8  }
0x11: {  	[smem:$0x3FB6] =	sst s9;
	s0 =	simm.s32 @!p0 $0x0  }
0x12: {  	s1 =	sld [smem:$0x3F9C];
	s0 =	simm.s32 @p0 $0x1  }
0x13: {  	[smem:$0x3FB7] =	sst s0;
	s0 =	simm.s32 @!p1 $0x0  }
0x14: {  	s2 =	sld [smem:$0x3F9B];
	s0 =	simm.s32 @p1 $0x1  }
0x15: {  	[smem:$0x3FB8] =	sst s0;
	s0 =	simm.s32 @!p2 $0x0  }
0x16: {  	s3 =	sld [smem:$0x3FDB];
	s0 =	simm.s32 @p2 $0x1  }
0x17: {  	s4 =	simm.s32 $0x1BF5;
	[smem:$0x3FBA] =	sst s0  }
0x18: {  	s0 =	sld [smem:$0x3F9D];
	_ =	swait.ge [sflag:s4], $0x0  }
0x19: {  	s7 =	sld [smem:$0x3F9E]  }
0x1a: {  	s8 =	sadd.s32 $0xFFFFE003, lr  }
0x1b: {  	s9 =	sadd.s32 $0xFFFFFEF7, lr;
	s5 =	simm.s32 $0xFFFFFFFF;
	p2 =	slt.u32 s8, $0xFFFFF086  }
0x1c: {  	p1 =	slt.u32 s9, $0xF7A;
	s5 =	simm.s32 @!p2 $0x0  }
0x1d: {  	s5 =	simm.s32 @p1 $0x1;
	p0 =	seq.s32 s7, s2  }
0x1e: {  	s7 =	smul.u32 @!p0 $0xF7A, s2;
	p2 =	seq.s32 @!p0 s5, $0x0  }
0x1f: {  	s9 =	smul.u32 $0xF7A, s1;
	s8 =	simm.s32 @!p0 $0x1BF5;
	p2 =	por !p2, p0  }
0x20: {  	[sflag:s8] =	ssyncset.s32 @!p0 $0xFFFFF086;
	s6 =	sadd.s32 @!p0 s3, s7;
	s7 =	simm.s32 @!p0 $0x108  }
0x21: {  	s3 =	sadd.s32 s3, s9;
	s6 =	sadd.s32 @!p0 $0x88, s6;
	s7 =	simm.s32 @p2 $0x1082  }
0x22: {  	[simem:s7], [sflag:s8] =	dma.local @!p0 [hbm:s6], $0xF7A  }
0x23: {  	s9 =	sor.u32 $0xD0000000, s2;
	s6 =	simm.s32 $0x108;
	_ =	swait.ge @!p0 [sflag:s8], $0x0  }
0x24: {  	s3 =	sadd.s32 $0x88, s3;
	s6 =	simm.s32 @!p1 $0x1082;
	[sflag:s4] =	ssyncset.s32 $0xFFFFF086  }
0x25: {  	[simem:s6], [sflag:s4] =	dma.local [hbm:s3], $0xF7A  }
0x26: {  	[smem:$0x3F9E] =	sst s1;
	(tag) =	ssettag s2;
	_ =	strace s9  }
0x27: {  	s1 =	sld [smem:$0x3FAE]  }
0x28: {  	s2 =	sld [smem:$0x3FAF]  }
0x29: {  	s4 =	sld [smem:$0x3FB1]  }
0x2a: {  	p0 =	seq.s32 s5, $0x0;
	s5 =	sld [smem:$0x3FB2]  }
0x2b: {  	s6 =	sld [smem:$0x3FB3]  }
0x2c: {  	s7 =	sld [smem:$0x3FB4]  }
0x2d: {  	s3 =	simm.s32 $0x108;
	s8 =	sld [smem:$0x3FB5]  }
0x2e: {  	s3 =	simm.s32 @!p0 $0x1082;
	s9 =	sld [smem:$0x3FB6]  }
0x2f: {  	lr =	sadd.s32 s0, s3;
	s0 =	sld [smem:$0x3FAD]  }
0x30: {  	s3 =	sld [smem:$0x3FB0]  }
0x31: {  	[smem:$0x3FB9] =	sst s10  }
0x32: {  	s10 =	sld [smem:$0x3FB7];
	_ =	sdelay $0x3  }
0x33: {  	p0 =	seq.s32 s10, $0x1;
	s10 =	sld [smem:$0x3FB9];
	_ =	sdelay $0x3  }
0x34: {  	[smem:$0x3FB9] =	sst s10  }
0x35: {  	s10 =	sld [smem:$0x3FB8];
	_ =	sdelay $0x3  }
0x36: {  	p1 =	seq.s32 s10, $0x1;
	s10 =	sld [smem:$0x3FB9];
	_ =	sdelay $0x3  }
0x37: {  	[smem:$0x3FB9] =	sst s10  }
0x38: {  	s10 =	sld [smem:$0x3FBA]  }
0x39: {  	_ = 	snop;
	(pc) =	sbr.ind lr, $3  }
0x3a: {  	_ = 	snop  }
0x3b: {  	_ = 	snop  }
0x3c: {  	p2 =	seq.s32 s10, $0x1;
	s10 =	sld [smem:$0x3FB9]  }
0x3d: {  	_ =	shalt  }
0x3e: {  	_ =	shalt  }
0x3f: {  	_ =	shalt  }
0x40: {  	_ =	shalt  }
0x41: {  	_ =	shalt  }
0x42: {  	_ =	shalt  }
0x43: {  	_ =	shalt  }
0x44: {  	_ =	shalt  }
0x45: {  	_ =	shalt  }
0x46: {  	_ =	shalt  }
0x47: {  	_ =	shalt  }
0x48: {  	_ =	shalt  }
0x49: {  	_ =	shalt  }
0x4a: {  	_ =	shalt  }
0x4b: {  	_ =	shalt  }
0x4c: {  	_ =	shalt  }
0x4d: {  	_ =	shalt  }
0x4e: {  	_ =	shalt  }
0x4f: {  	_ =	shalt  }
0x50: {  	_ =	shalt  }
0x51: {  	_ =	shalt  }
0x52: {  	_ =	shalt  }
0x53: {  	_ =	shalt  }
0x54: {  	_ =	shalt  }
0x55: {  	_ =	shalt  }
0x56: {  	_ =	shalt  }
0x57: {  	_ =	shalt  }
0x58: {  	_ =	shalt  }
0x59: {  	_ =	shalt  }
0x5a: {  	_ =	shalt  }
0x5b: {  	_ =	shalt  }
0x5c: {  	_ =	shalt  }
0x5d: {  	_ =	shalt  }
0x5e: {  	_ =	shalt  }
0x5f: {  	_ =	shalt  }
0x60: {  	_ =	shalt  }
0x61: {  	_ =	shalt  }
0x62: {  	_ =	shalt  }
0x63: {  	_ =	shalt  }
0x64: {  	_ =	shalt  }
0x65: {  	_ =	shalt  }
0x66: {  	_ =	shalt  }
0x67: {  	_ =	shalt  }
0x68: {  	_ =	shalt  }
0x69: {  	_ =	shalt  }
0x6a: {  	_ =	shalt  }
0x6b: {  	_ =	shalt  }
0x6c: {  	_ =	shalt  }
0x6d: {  	_ =	shalt  }
0x6e: {  	_ =	shalt  }
0x6f: {  	_ =	shalt  }
0x70: {  	_ =	shalt  }
0x71: {  	_ =	shalt  }
0x72: {  	_ =	shalt  }
0x73: {  	_ =	shalt  }
0x74: {  	_ =	shalt  }
0x75: {  	_ =	shalt  }
0x76: {  	_ =	shalt  }
0x77: {  	_ =	shalt  }
0x78: {  	_ =	shalt  }
0x79: {  	_ =	shalt  }
0x7a: {  	_ =	shalt  }
0x7b: {  	_ =	shalt  }
0x7c: {  	_ =	shalt  }
0x7d: {  	_ =	shalt  }
0x7e: {  	_ =	shalt  }
0x7f: {  	_ =	shalt  }
0x80: {  	_ =	shalt  }
0x81: {  	_ =	shalt  }
0x82: {  	_ =	shalt  }
0x83: {  	_ =	shalt  }
0x84: {  	_ =	shalt  }
0x85: {  	_ =	shalt  }
0x86: {  	_ =	shalt  }
0x87: {  	_ =	shalt  }
.Lfunc_end0:
.L_simem_size_0:
called_computation_lowered:
.L_overlay_start_0:
0x88: {  	s2 =	sld [smem:$0x3FD9]  }
0x89: {  	s3 =	sld [smem:$0x3FFE];
	_ =	sdelay $0x1  }
0x8a: {  	s1 =	srdreg.scid  }
0x8b: {  	s0 =	sand.u32 $0x1, s1  }
0x8c: {  	s17 =	sshll.u32 s0, $0xA;
	s2 =	sadd.s32 s3, s2  }
0x8d: {  	s2 =	sadd.s32 s2, s17  }
0x8e: {  	[smem:$0x3FC5] =	sst s2  }
0x8f: {  	_ = 	snop  }
0x90: {  	s2 =	sld [smem:$0x3FC7];
	(tm) =	ssettm $0x1  }
0x91: {  	s18 =	sld [smem:$0x3FFB];
	_ =	sdelay $0x3  }
0x92: {  	_ =	strace s18  }
0x93: {  	s3 =	sld [smem:$0x3FFC];
	_ =	sdelay $0x3  }
0x94: {  	_ =	strace s3  }
0x95: {  	s3 =	sld [smem:$0x3FFD];
	_ =	sdelay $0x3  }
0x96: {  	_ =	strace s3  }
0x97: {  	_ =	strace $0x8FFFFFFF  }
0x98: {  	s19 =	sld [smem:$0x3FDB];
	_ =	sdelay $0x1  }
0x99: {  	s4 =	simm.s32 $_scs_section_size  }
0x9a: {  	s5 =	simm.s32 $_size__tile_overlayer_lowered;
	s6 =	simm.s32 $_tile_overlayer_lowered  }
0x9b: {  	s22 =	simm.s32 $0x1BFF;
	s21 =	sshll.u32 s6, $0x1;
	s3 =	sadd.s32 s4, s19  }
0x9c: {  	s7 =	simm.s32 $0x0;
	s20 =	sshll.u32 s5, $0x1;
	s5 =	sadd.s32 s21, s3  }
0x9d: {  	[timem:s7], [sflag:s22] =	dma.local [hbm:s5], s20  }
0x9e: {  	_ =	swait.ge [sflag:s22], s20  }
0x9f: {  	s4 =	ssub.s32 $0x0, s20;
	[sflag:s22] =	ssyncset.done $0x0  }
0xa0: {  	[sflag:s22] =	ssyncadd.s32 s4;
	_ =	sdelay $0x1  }
0xa1: {  	s23 =	simm.s32 $0x1B8B  }
0xa2: {  	_ =	swait.ge [sflag:s23], $0x1  }
0xa3: {  	[sflag:s23] =	ssyncset.done $0x0  }
0xa4: {  	s25 =	simm.s32 $0x1B8E;
	s24 =	sld [smem:$0x3FFE];
	[sflag:s23] =	ssyncadd.s32 $0xFFFFFFFF  }
0xa5: {  	s26 =	simm.s32 $execute0_lowered;
	[smem:$0x3FD2] =	sst s25  }
0xa6: {  	s5 =	sshll.u32 s26, $0x1;
	_ =	strace $0x80000046;
	[dreg:$0x1] =	wrdreg $0xFFFFFFFF  }
0xa7: {  	s28 =	simm.s32 $_size_execute0_lowered;
	s3 =	sadd.s32 s3, s5;
	[dreg:$0x0] =	wrdreg $0x0  }
0xa8: {  	s5 =	sshll.u32 s28, $0x1;
	[dreg:$0x2] =	wrdreg s3  }
0xa9: {  	[dreg:$0x3] =	wrdreg s5  }
0xaa: {  	[dreg:$0x4] =	wrdreg $0xC0  }
0xab: {  	_ =	task [dreg:s7], $0x5FFFF  }
0xac: {  	[dreg:$0x1] =	wrdreg $0xFFFFFFFF  }
0xad: {  	[dreg:$0x0] =	wrdreg $0x60  }
0xae: {  	[dreg:$0x2] =	wrdreg s2  }
0xaf: {  	[dreg:$0x3] =	wrdreg s24  }
0xb0: {  	[dreg:$0x4] =	wrdreg $0x9  }
0xb1: {  	_ =	task.clear_ibuf [dreg:s7], $0x5FFFF;
	_ =	strace $0x90000046  }
0xb2: {  	s29 =	simm.s32 $0x9;
	_ =	strace $0x80000048  }
0xb3: {  	_ =	swait.ge [sflag:s29], $0x1  }
0xb4: {  	[sflag:s29] =	ssyncadd.s32 $0xFFFFFFFF  }
0xb5: {  	_ =	strace $0x90000048  }
0xb6: {  	_ =	sfence  }
0xb7: {  	s30 =	sld [smem:$0x0];
	_ =	sdelay $0x2  }
0xb8: {  	s31 =	sshll.u32 s1, $0xD;
	s1 =	sshrl.u32 s1, $0x2  }
0xb9: {  	s3 =	sand.u32 $0x4000, s31;
	s1 =	sadd.s32 s1, s30  }
0xba: {  	s0 =	sor.u32 s3, s0;
	s1 =	sshll.u32 s1, $0x11  }
0xbb: {  	s0 =	sor.u32 s1, s0  }
0xbc: {  	s0 =	sadd.s32 $0x8F2B, s0  }
0xbd: {  	[sflag:s0] =	ssyncadd.remote.s32 $0x1  }
0xbe: {  	_ =	sfence.sel $0xFFFF  }
0xbf: {  	[dreg:$0x0] =	wrdreg $0xFFFFFFFF;
	(pc) =	sbr.abs _section_cstart, $3  }
0xc0: {  	[dreg:$0x1] =	wrdreg $0xFFFFFFFF  }
0xc1: {  	_ =	task.clear_ibuf [dreg:s7], $0x2FFFF;
	_ =	strace $0x9FFFFFFF  }
0xc2: {  	(tm) =	ssettm $0x7FFFFFFF  }
0xc3: {  	_ =	shalt  }
tec
execute0_lowered:
.L_overlay_start_1:
0x0: {  	(tag) =	ssettag $0x1  }
0x1: {  	v8 =	vimm.s32 $0x180  }
0x2: {  	vm2 =	vcmask $0x1304;
	vm3 =	vcmask $0x2314;
	vm0 =	vcmask $0x1708  }
0x3: {  	v11 =	vimm.s32 $0x100;
	vm4 =	vcmask $0xF00;
	vm5 =	vcmask $0x3324  }
0x4: {  	vm1 =	vcmask $0x1F10;
	v12 =	vimm.s32 $0x80;
	v13 =	vimm.s32 $0x0  }
0x5: {  	vm15 =	vcmask $0x2F20;
	vm8 =	vcmask $0x2718;
	vm9 =	vcmask $0x3728  }
0x6: {  	vm10 =	vcmask $0x1B0C;
	vm11 =	vcmask $0x2B1C;
	vm12 =	vcmask $0x3B2C  }
0x7: {  	v18 =	vimm.s32 $0x1380;
	vm13 =	vcmask $0x300;
	v19 =	vimm.s32 $0x67462504  }
0x8: {  	v20 =	vimm.s32 $0x7B5A3918;
	v21 =	vimm.s32 $0x7F5E3D1C;
	v22 =	vimm.s32 $0x73523110  }
0x9: {  	v23 =	vimm.s32 $0x77563514;
	v24 =	vimm.s32 $0xFEDCBA9;
	v25 =	vimm.s32 $0x87654321  }
0xa: {  	v27 =	vimm.s32 $0x13725130;
	v28 =	vimm.s32 $0x17765534;
	v30 =	vimm.s32 $0x3F1E7D5C  }
0xb: {  	v31 =	vimm.s32 $0x33127150;
	v32 =	vimm.s32 $0x37167554;
	v42 =	vimm.s32 $0x4F2E0D6C  }
0xc: {  	v33 =	vimm.s32 $0x43220160;
	v34 =	vimm.s32 $0x47260564;
	v35 =	vimm.s32 $0x5B3A1978  }
0xd: {  	v36 =	vimm.s32 $0x5F3E1D7C;
	v37 =	vimm.s32 $0x53321170;
	v38 =	vimm.s32 $0x57361574  }
0xe: {  	vm14 =	vcmask $0x704;
	v45 =	vimm.s32 $0x43210FED;
	v47 =	vimm.s32 $0xCBA98765  }
0xf: {  	v51 =	vimm.s32 $0xDCBA9876;
	v52 =	vimm.s32 $0x6543210F;
	v53 =	vimm.s32 $0xEDCBA987  }
0x10: {  	v54 =	vimm.s32 $0xFEDCBA98;
	v40 =	vimm.s32 $0x76543210;
	v55 =	vimm.s32 $0xF80  }
0x11: {  	v56 =	vimm.s32 $0x781;
	v57 =	vimm.s32 $0xF81;
	v58 =	vimm.s32 $0x782  }
0x12: {  	v59 =	vimm.s32 $0xF82;
	vm6 =	vcmask $0x1714;
	vm7 =	vcmask $0x1B18  }
0x13: {  	v0 =	vsel vm2, $0x0, v8;
	v4 =	vsel vm0, $0x0, v8;
	v1 =	vsel vm4, $0x100, v12  }
0x14: {  	v2 =	vsel vm4, $0x80, v13;
	v5 =	vsel vm2, $0x180, v11;
	v6 =	vsel vm2, $0x100, v12  }
0x15: {  	v7 =	vsel vm2, $0x80, v13;
	v10 =	vsel vm0, $0x100, v12;
	v14 =	vsel vm0, $0x80, v13  }
0x16: {  	v15 =	vsel vm10, $0x0, v8;
	v12 =	vsel vm10, $0x100, v12;
	v13 =	vsel vm10, $0x80, v13  }
0x17: {  	v19 =	vunpack.c.0.s8.s32 v19;
	v20 =	vunpack.c.0.s8.s32 v20;
	v21 =	vunpack.c.0.s8.s32 v21  }
0x18: {  	v22 =	vunpack.c.0.s8.s32 v22;
	v23 =	vunpack.c.0.s8.s32 v23;
	v24 =	vunpack.c.l.s4.s8 v24  }
0x19: {  	v25 =	vunpack.c.l.s4.s8 v25;
	v30 =	vunpack.c.0.s8.s32 v30;
	v31 =	vunpack.c.0.s8.s32 v31  }
0x1a: {  	v32 =	vunpack.c.0.s8.s32 v32;
	v33 =	vunpack.c.0.s8.s32 v33;
	v34 =	vunpack.c.0.s8.s32 v34  }
0x1b: {  	v35 =	vunpack.c.0.s8.s32 v35;
	v36 =	vunpack.c.0.s8.s32 v36;
	v37 =	vunpack.c.0.s8.s32 v37  }
0x1c: {  	v38 =	vunpack.c.0.s8.s32 v38;
	v3 =	vsel vm3, $0x80, v0;
	v0 =	vsel vm4, $0x180, v11  }
0x1d: {  	v1 =	vsel vm1, $0x180, v1;
	v2 =	vsel vm1, $0x100, v2;
	v9 =	vsel vm8, $0x80, v4  }
0x1e: {  	v4 =	vsel vm3, $0x0, v5;
	v5 =	vsel vm3, $0x180, v6;
	v6 =	vsel vm3, $0x100, v7  }
0x1f: {  	v16 =	vsel vm11, $0x180, v12;
	v17 =	vsel vm11, $0x100, v13;
	vm4 =	vcmask $0xF0C  }
0x20: {  	v0 =	vsel vm1, $0x0, v0;
	v1 =	vsel vm15, $0x0, v1;
	v2 =	vsel vm15, $0x180, v2  }
0x21: {  	v3 =	vsel vm5, $0x100, v3;
	v4 =	vsel vm5, $0x80, v4;
	v5 =	vsel vm5, $0x0, v5  }
0x22: {  	v6 =	vsel vm5, $0x180, v6;
	v7 =	vsel vm9, $0x100, v9;
	v9 =	vsel vm0, $0x180, v11  }
0x23: {  	v11 =	vsel vm10, $0x180, v11;
	v13 =	vsel vm12, $0x0, v16;
	v16 =	vimm.s32 $0x6F4E2D0C  }
0x24: {  	v24 =	vunpack.c.0.s8.s32 v24;
	v25 =	vunpack.c.0.s8.s32 v25;
	v43 =	vsel vm1, v36, v35  }
0x25: {  	v44 =	vsel vm1, v38, v37;
	v36 =	vunpack.c.l.s4.s8 v52;
	v37 =	vunpack.c.l.s4.s8 v53  }
0x26: {  	v38 =	vunpack.c.l.s4.s8 v54;
	v35 =	vsel vm13, $0x801, v55;
	v52 =	vimm.s32 $0xF88  }
0x27: {  	v53 =	vimm.s32 $0x789;
	v54 =	vimm.s32 $0xF89;
	v55 =	vimm.s32 $0x78A  }
0x28: {  	vm5 =	vcmask $0x1310;
	vm10 =	vcmask $0x2724;
	v0 =	vsel vm15, $0x80, v0  }
0x29: {  	v8 =	vsel vm8, $0x0, v9;
	v9 =	vsel vm8, $0x180, v10;
	v10 =	vsel vm8, $0x100, v14  }
0x2a: {  	v14 =	vsel vm11, $0x80, v15;
	v15 =	vsel vm11, $0x0, v11;
	v16 =	vunpack.c.0.s8.s32 v16  }
0x2b: {  	v52 =	vsel vm13, $0x809, v52;
	v53 =	vsel vm13, $0xA, v53;
	v54 =	vsel vm13, $0x80A, v54  }
0x2c: {  	v55 =	vsel vm13, $0xB, v55;
	vm15 =	vcmask $0xB08;
	v35 =	vsel vm14, $0x882, v35  }
0x2d: {  	vm8 =	vcmask $0x1F1C;
	vm11 =	vcmask $0x2B28;
	v8 =	vsel vm9, $0x80, v8  }
0x2e: {  	v9 =	vsel vm9, $0x0, v9;
	v10 =	vsel vm9, $0x180, v10;
	v11 =	vsel vm12, $0x100, v14  }
0x2f: {  	v12 =	vsel vm12, $0x80, v15;
	v15 =	vimm.s32 $0x6B4A2908;
	v14 =	vsel vm12, $0x180, v17  }
0x30: {  	v17 =	vimm.s32 $0x63422100;
	v36 =	vunpack.c.0.s8.s32 v36;
	v37 =	vunpack.c.0.s8.s32 v37  }
0x31: {  	v38 =	vunpack.c.0.s8.s32 v38;
	v52 =	vsel vm14, $0x88A, v52;
	v53 =	vsel vm14, $0x8B, v53  }
0x32: {  	v54 =	vsel vm14, $0x88B, v54;
	v55 =	vsel vm14, $0x8C, v55;
	v35 =	vsel vm15, $0x903, v35  }
0x33: {  	vm9 =	vcmask $0x2320;
	vm12 =	vcmask $0x2F2C;
	v15 =	vunpack.c.0.s8.s32 v15  }
0x34: {  	v17 =	vunpack.c.0.s8.s32 v17;
	v52 =	vsel vm15, $0x90B, v52;
	v53 =	vsel vm15, $0x10C, v53  }
0x35: {  	v54 =	vsel vm15, $0x90C, v54;
	v55 =	vsel vm15, $0x10D, v55;
	v35 =	vsel vm4, $0x984, v35  }
0x36: {  	v38 =	vand.u32 $0xF, v38;
	v52 =	vsel vm4, $0x98C, v52;
	v53 =	vsel vm4, $0x18D, v53  }
0x37: {  	v54 =	vsel vm4, $0x98D, v54;
	v55 =	vsel vm4, $0x18E, v55;
	v35 =	vsel vm5, $0xA05, v35  }
0x38: {  	v15 =	vsel vm1, v16, v15;
	v16 =	vsel vm1, v19, v17;
	v17 =	vsel vm1, v21, v20  }
0x39: {  	v19 =	vsel vm1, v23, v22;
	v23 =	vsel vm13, $0x0, v18;
	v18 =	vimm.s32 $0xF6E4D2C  }
0x3a: {  	v20 =	vimm.s32 $0x7664524;
	v21 =	vimm.s32 $0x1B7A5938;
	v22 =	vimm.s32 $0x1F7E5D3C  }
0x3b: {  	v52 =	vsel vm5, $0xA0D, v52;
	v53 =	vsel vm5, $0x20E, v53;
	v54 =	vsel vm5, $0xA0E, v54  }
0x3c: {  	v55 =	vsel vm5, $0x20F, v55;
	v35 =	vsel vm6, $0xA86, v35;
	v15 =	vcombine.low v16, v15  }
0x3d: {  	v16 =	vcombine.low v19, v17;
	v17 =	vcombine.low v25, v24;
	v18 =	vunpack.c.0.s8.s32 v18  }
0x3e: {  	v19 =	vimm.s32 $0x3624120;
	v20 =	vunpack.c.0.s8.s32 v20;
	v21 =	vunpack.c.0.s8.s32 v21  }
0x3f: {  	v22 =	vunpack.c.0.s8.s32 v22;
	v24 =	vcombine.low v24, v25;
	v52 =	vsel vm6, $0xA8E, v52  }
0x40: {  	v53 =	vsel vm6, $0x28F, v53;
	v54 =	vsel vm6, $0xA8F, v54;
	v55 =	vsel vm6, $0x280, v55  }
0x41: {  	v35 =	vsel vm7, $0xB07, v35;
	v19 =	vunpack.c.0.s8.s32 v19;
	v52 =	vsel vm7, $0xB0F, v52  }
0x42: {  	v53 =	vsel vm7, $0x300, v53;
	v54 =	vsel vm7, $0xB00, v54;
	v55 =	vsel vm7, $0x301, v55;
	[tilespmem:$0x1FE40] =	vst v17  }
0x43: {  	v35 =	vsel vm8, $0xB88, v35;
	v17 =	vimm.s32 $0xB6A4928;
	[tilespmem:$0x1FE70] =	vst v24;
	v24 =	vimm.s32 $0x3380  }
0x44: {  	v52 =	vsel vm8, $0xB80, v52;
	v53 =	vsel vm8, $0x381, v53;
	v54 =	vsel vm8, $0xB81, v54  }
0x45: {  	v55 =	vsel vm8, $0x382, v55;
	v35 =	vsel vm9, $0xC09, v35;
	v17 =	vunpack.c.0.s8.s32 v17  }
0x46: {  	v19 =	vsel vm1, v20, v19;
	v20 =	vsel vm1, v22, v21;
	v21 =	vimm.s32 $0x10FEDCBA  }
0x47: {  	v22 =	vimm.s32 $0x98765432;
	v52 =	vsel vm9, $0xC01, v52;
	v53 =	vsel vm9, $0x402, v53  }
0x48: {  	v54 =	vsel vm9, $0xC02, v54;
	v55 =	vsel vm9, $0x403, v55;
	v35 =	vsel vm10, $0xC8A, v35  }
0x49: {  	v21 =	vunpack.c.l.s4.s8 v21;
	v52 =	vsel vm10, $0xC82, v52;
	v53 =	vsel vm10, $0x483, v53  }
0x4a: {  	v54 =	vsel vm10, $0xC83, v54;
	v55 =	vsel vm10, $0x484, v55;
	v35 =	vsel vm11, $0xD0B, v35  }
0x4b: {  	v17 =	vsel vm1, v18, v17;
	v18 =	vunpack.c.0.s8.s32 v27;
	v27 =	vunpack.c.0.s8.s32 v28  }
0x4c: {  	v52 =	vsel vm11, $0xD03, v52;
	v53 =	vsel vm11, $0x504, v53;
	v54 =	vsel vm11, $0xD04, v54  }
0x4d: {  	v55 =	vsel vm11, $0x505, v55;
	v35 =	vsel vm12, $0xD8C, v35;
	v17 =	vcombine.low v19, v17  }
0x4e: {  	v19 =	vunpack.c.l.s4.s8 v22;
	v28 =	vunpack.c.0.s8.s32 v21;
	v21 =	vimm.s32 $0x2F0E6D4C  }
0x4f: {  	v22 =	vimm.s32 $0x27066544;
	v52 =	vsel vm12, $0xD84, v52;
	v53 =	vsel vm12, $0x585, v53  }
0x50: {  	v54 =	vsel vm12, $0xD85, v54;
	v55 =	vsel vm12, $0x586, v55;
	v18 =	vsel vm1, v27, v18  }
0x51: {  	v18 =	vcombine.low v18, v20;
	v20 =	vimm.s32 $0x2B0A6948;
	v29 =	vunpack.c.0.s8.s32 v19  }
0x52: {  	v19 =	vunpack.c.0.s8.s32 v20;
	v20 =	vunpack.c.0.s8.s32 v21;
	v21 =	vimm.s32 $0x23026140  }
0x53: {  	v27 =	vimm.s32 $0x3B1A7958;
	v22 =	vunpack.c.0.s8.s32 v22;
	v21 =	vunpack.c.0.s8.s32 v21  }
0x54: {  	v27 =	vunpack.c.0.s8.s32 v27;
	v26 =	vcombine.low v29, v28;
	v25 =	vcombine.low v28, v29  }
0x55: {  	v19 =	vsel vm1, v20, v19;
	v20 =	vsel vm1, v22, v21;
	v21 =	vimm.s32 $0x210FEDCB  }
0x56: {  	v22 =	vsel vm1, v30, v27;
	v27 =	vsel vm1, v32, v31;
	v30 =	vimm.s32 $0xA9876543  }
0x57: {  	v31 =	vimm.s32 $0x4B2A0968;
	v32 =	vunpack.c.0.s8.s32 v42;
	[tilespmem:$0x1FE50] =	vst v26;
	v26 =	vcombine.low v37, v36  }
0x58: {  	v21 =	vunpack.c.l.s4.s8 v21;
	v30 =	vunpack.c.l.s4.s8 v30;
	v31 =	vunpack.c.0.s8.s32 v31  }
0x59: {  	v19 =	vcombine.low v20, v19;
	v20 =	vcombine.low v27, v22;
	v22 =	vimm.s32 $0x3210FEDC  }
0x5a: {  	v27 =	vunpack.c.l.s4.s8 v22;
	v22 =	vimm.s32 $0xBA987654;
	[tilespmem:$0x1FE60] =	vst v26;
	v26 =	vimm.s32 $0x78C  }
0x5b: {  	v39 =	vunpack.c.0.s8.s32 v21;
	v30 =	vunpack.c.0.s8.s32 v30;
	v21 =	vsel vm1, v32, v31  }
0x5c: {  	v31 =	vsel vm1, v34, v33;
	v46 =	vunpack.c.l.s4.s8 v22;
	v34 =	vunpack.c.l.s4.s8 v45  }
0x5d: {  	v22 =	vcombine.low v44, v43;
	v32 =	vimm.s32 $0x783;
	v43 =	vimm.s32 $0x784  }
0x5e: {  	v44 =	vimm.s32 $0xF84;
	v45 =	vimm.s32 $0x785;
	v28 =	vsel vm13, $0xD, v26  }
0x5f: {  	v21 =	vcombine.low v31, v21;
	v31 =	vunpack.c.l.s4.s8 v47;
	v48 =	vunpack.c.0.s8.s32 v27  }
0x60: {  	v27 =	vimm.s32 $0x543210FE;
	v43 =	vsel vm13, $0x5, v43;
	v44 =	vsel vm13, $0x805, v44  }
0x61: {  	v45 =	vsel vm13, $0x6, v45;
	v47 =	vimm.s32 $0x786;
	v28 =	vsel vm14, $0x8E, v28  }
0x62: {  	v60 =	vcombine.low v30, v39;
	v49 =	vunpack.c.0.s8.s32 v46;
	v50 =	vunpack.c.0.s8.s32 v34  }
0x63: {  	[tilespmem:$0x1FE80] =	vst v25;
	v27 =	vunpack.c.l.s4.s8 v27;
	v34 =	vunpack.c.l.s4.s8 v51;
	v25 =	vcombine.low v39, v30  }
0x64: {  	v30 =	vsel vm13, $0x2000, v24;
	v39 =	vsel vm13, $0x803, v59;
	v46 =	vimm.s32 $0xF85  }
0x65: {  	v47 =	vsel vm13, $0x7, v47;
	v51 =	vimm.s32 $0x788;
	v59 =	vimm.s32 $0xF8D  }
0x66: {  	v43 =	vsel vm14, $0x86, v43;
	v44 =	vsel vm14, $0x886, v44;
	v45 =	vsel vm14, $0x87, v45  }
0x67: {  	v28 =	vsel vm15, $0x10F, v28;
	v31 =	vunpack.c.0.s8.s32 v31;
	v46 =	vsel vm13, $0x806, v46  }
0x68: {  	v51 =	vsel vm13, $0x9, v51;
	v59 =	vsel vm13, $0x80E, v59;
	v30 =	vsel vm14, $0x2080, v30  }
0x69: {  	v39 =	vsel vm14, $0x884, v39;
	v47 =	vsel vm14, $0x88, v47;
	v43 =	vsel vm15, $0x107, v43  }
0x6a: {  	v44 =	vsel vm15, $0x907, v44;
	v45 =	vsel vm15, $0x108, v45;
	v28 =	vsel vm4, $0x180, v28  }
0x6b: {  	v41 =	vunpack.c.0.s8.s32 v27;
	v42 =	vunpack.c.0.s8.s32 v34;
	v27 =	vunpack.c.l.s4.s8 v40  }
0x6c: {  	v61 =	vcombine.low v49, v48;
	v40 =	vsel vm14, $0x80, v23;
	v24 =	vcombine.low v48, v49  }
0x6d: {  	[tilespmem:$0x1FE90] =	vst v25;
	v25 =	vimm.s32 $0x780;
	v34 =	vimm.s32 $0xF83;
	v48 =	vimm.s32 $0xF86  }
0x6e: {  	v49 =	vimm.s32 $0x787;
	v46 =	vsel vm14, $0x887, v46;
	v51 =	vsel vm14, $0x8A, v51  }
0x6f: {  	v59 =	vsel vm14, $0x88F, v59;
	v30 =	vsel vm15, $0x2100, v30;
	v39 =	vsel vm15, $0x905, v39  }
0x70: {  	v47 =	vsel vm15, $0x109, v47;
	v43 =	vsel vm4, $0x188, v43;
	v44 =	vsel vm4, $0x988, v44  }
0x71: {  	v45 =	vsel vm4, $0x189, v45;
	v28 =	vsel vm5, $0x201, v28;
	v62 =	vcombine.low v31, v50  }
0x72: {  	v33 =	vcombine.low v50, v31;
	v29 =	vsel vm13, $0x1, v25;
	v48 =	vsel vm13, $0x807, v48  }
0x73: {  	v49 =	vsel vm13, $0x8, v49;
	v50 =	vimm.s32 $0xF87;
	v25 =	vimm.s32 $0x78D  }
0x74: {  	v40 =	vsel vm15, $0x100, v40;
	v46 =	vsel vm15, $0x908, v46;
	v51 =	vsel vm15, $0x10B, v51  }
0x75: {  	v59 =	vsel vm15, $0x900, v59;
	v30 =	vsel vm4, $0x2180, v30;
	v39 =	vsel vm4, $0x986, v39  }
0x76: {  	v47 =	vsel vm4, $0x18A, v47;
	v43 =	vsel vm5, $0x209, v43;
	v44 =	vsel vm5, $0xA09, v44  }
0x77: {  	v45 =	vsel vm5, $0x20A, v45;
	v28 =	vsel vm6, $0x282, v28;
	v27 =	vunpack.c.0.s8.s32 v27  }
0x78: {  	v63 =	vcombine.low v42, v41;
	[tilespmem:$0x1FEA0] =	vst v24;
	v24 =	vcombine.low v41, v42;
	v41 =	vsel vm13, $0x4, v32  }
0x79: {  	v42 =	vsel vm13, $0x804, v34;
	v50 =	vsel vm13, $0x808, v50;
	v29 =	vsel vm14, $0x82, v29  }
0x7a: {  	v48 =	vsel vm14, $0x888, v48;
	v49 =	vsel vm14, $0x89, v49;
	v40 =	vsel vm4, $0x180, v40  }
0x7b: {  	v46 =	vsel vm4, $0x989, v46;
	v51 =	vsel vm4, $0x18C, v51;
	v59 =	vsel vm4, $0x981, v59  }
0x7c: {  	v30 =	vsel vm5, $0x2200, v30;
	v39 =	vsel vm5, $0xA07, v39;
	v47 =	vsel vm5, $0x20B, v47  }
0x7d: {  	v43 =	vsel vm6, $0x28A, v43;
	v44 =	vsel vm6, $0xA8A, v44;
	v45 =	vsel vm6, $0x28B, v45  }
0x7e: {  	v28 =	vsel vm7, $0x303, v28;
	v41 =	vsel vm14, $0x85, v41;
	v42 =	vsel vm14, $0x885, v42  }
0x7f: {  	v50 =	vsel vm14, $0x889, v50;
	v29 =	vsel vm15, $0x103, v29;
	v48 =	vsel vm15, $0x909, v48  }
0x80: {  	v49 =	vsel vm15, $0x10A, v49;
	v40 =	vsel vm5, $0x200, v40;
	v46 =	vsel vm5, $0xA0A, v46  }
0x81: {  	v51 =	vsel vm5, $0x20D, v51;
	v59 =	vsel vm5, $0xA02, v59;
	v30 =	vsel vm6, $0x2280, v30  }
0x82: {  	v39 =	vsel vm6, $0xA88, v39;
	v47 =	vsel vm6, $0x28C, v47;
	v43 =	vsel vm7, $0x30B, v43  }
0x83: {  	v44 =	vsel vm7, $0xB0B, v44;
	v45 =	vsel vm7, $0x30C, v45;
	v28 =	vsel vm8, $0x384, v28  }
0x84: {  	v23 =	vcombine.low v38, v27;
	[tilespmem:$0x1FEB0] =	vst v24;
	v24 =	vcombine.low v36, v37;
	v36 =	vsel vm13, $0x2, v56  }
0x85: {  	v37 =	vsel vm13, $0x802, v57;
	v38 =	vsel vm13, $0x3, v58;
	v56 =	vimm.s32 $0xF8A  }
0x86: {  	v57 =	vimm.s32 $0x78B;
	v58 =	vimm.s32 $0xF8B;
	v27 =	vsel vm13, $0xE, v25  }
0x87: {  	v25 =	vimm.s32 $0xF8E;
	v41 =	vsel vm15, $0x106, v41;
	v42 =	vsel vm15, $0x906, v42  }
0x88: {  	v50 =	vsel vm15, $0x90A, v50;
	v29 =	vsel vm4, $0x184, v29;
	v48 =	vsel vm4, $0x98A, v48  }
0x89: {  	v49 =	vsel vm4, $0x18B, v49;
	v40 =	vsel vm6, $0x280, v40;
	v46 =	vsel vm6, $0xA8B, v46  }
0x8a: {  	v51 =	vsel vm6, $0x28E, v51;
	v59 =	vsel vm6, $0xA83, v59;
	v30 =	vsel vm7, $0x2300, v30  }
0x8b: {  	v39 =	vsel vm7, $0xB09, v39;
	v47 =	vsel vm7, $0x30D, v47;
	v43 =	vsel vm8, $0x38C, v43  }
0x8c: {  	v44 =	vsel vm8, $0xB8C, v44;
	v45 =	vsel vm8, $0x38D, v45;
	v28 =	vsel vm9, $0x405, v28  }
0x8d: {  	v56 =	vsel vm13, $0x80B, v56;
	v57 =	vsel vm13, $0xC, v57;
	v58 =	vsel vm13, $0x80C, v58  }
0x8e: {  	v25 =	vsel vm13, $0x80F, v25;
	v36 =	vsel vm14, $0x83, v36;
	v37 =	vsel vm14, $0x883, v37  }
0x8f: {  	v38 =	vsel vm14, $0x84, v38;
	v27 =	vsel vm14, $0x8F, v27;
	v41 =	vsel vm4, $0x187, v41  }
0x90: {  	v42 =	vsel vm4, $0x987, v42;
	v50 =	vsel vm4, $0x98B, v50;
	v29 =	vsel vm5, $0x205, v29  }
0x91: {  	v48 =	vsel vm5, $0xA0B, v48;
	v49 =	vsel vm5, $0x20C, v49;
	v40 =	vsel vm7, $0x300, v40  }
0x92: {  	v46 =	vsel vm7, $0xB0C, v46;
	v51 =	vsel vm7, $0x30F, v51;
	v59 =	vsel vm7, $0xB04, v59  }
0x93: {  	v30 =	vsel vm8, $0x2380, v30;
	v39 =	vsel vm8, $0xB8A, v39;
	v47 =	vsel vm8, $0x38E, v47  }
0x94: {  	v43 =	vsel vm9, $0x40D, v43;
	v44 =	vsel vm9, $0xC0D, v44;
	v45 =	vsel vm9, $0x40E, v45  }
0x95: {  	v28 =	vsel vm10, $0x486, v28;
	[tilespmem:$0x1FEC0] =	vst v24;
	v24 =	vimm.s32 $0xF8C;
	v56 =	vsel vm14, $0x88C, v56  }
0x96: {  	v57 =	vsel vm14, $0x8D, v57;
	v58 =	vsel vm14, $0x88D, v58;
	v25 =	vsel vm14, $0x880, v25  }
0x97: {  	v36 =	vsel vm15, $0x104, v36;
	v37 =	vsel vm15, $0x904, v37;
	v38 =	vsel vm15, $0x105, v38  }
0x98: {  	v27 =	vsel vm15, $0x100, v27;
	v41 =	vsel vm5, $0x208, v41;
	v42 =	vsel vm5, $0xA08, v42  }
0x99: {  	v50 =	vsel vm5, $0xA0C, v50;
	v29 =	vsel vm6, $0x286, v29;
	v48 =	vsel vm6, $0xA8C, v48  }
0x9a: {  	v49 =	vsel vm6, $0x28D, v49;
	v40 =	vsel vm8, $0x380, v40;
	v46 =	vsel vm8, $0xB8D, v46  }
0x9b: {  	v51 =	vsel vm8, $0x380, v51;
	v59 =	vsel vm8, $0xB85, v59;
	v30 =	vsel vm9, $0x3000, v30  }
0x9c: {  	v39 =	vsel vm9, $0xC0B, v39;
	v47 =	vsel vm9, $0x40F, v47;
	v43 =	vsel vm10, $0x48E, v43  }
0x9d: {  	v44 =	vsel vm10, $0xC8E, v44;
	v45 =	vsel vm10, $0x48F, v45;
	v28 =	vsel vm11, $0x507, v28  }
0x9e: {  	v26 =	vsel vm13, $0x80D, v24;
	v24 =	vimm.s32 $0x78E;
	v56 =	vsel vm15, $0x90D, v56  }
0x9f: {  	v57 =	vsel vm15, $0x10E, v57;
	v58 =	vsel vm15, $0x90E, v58;
	v25 =	vsel vm15, $0x901, v25  }
0xa0: {  	v36 =	vsel vm4, $0x185, v36;
	v37 =	vsel vm4, $0x985, v37;
	v38 =	vsel vm4, $0x186, v38  }
0xa1: {  	v27 =	vsel vm4, $0x181, v27;
	v41 =	vsel vm6, $0x289, v41;
	v42 =	vsel vm6, $0xA89, v42  }
0xa2: {  	v50 =	vsel vm6, $0xA8D, v50;
	v29 =	vsel vm7, $0x307, v29;
	v48 =	vsel vm7, $0xB0D, v48  }
0xa3: {  	v49 =	vsel vm7, $0x30E, v49;
	v40 =	vsel vm9, $0x1000, v40;
	v46 =	vsel vm9, $0xC0E, v46  }
0xa4: {  	v51 =	vsel vm9, $0x401, v51;
	v59 =	vsel vm9, $0xC06, v59;
	v30 =	vsel vm10, $0x3080, v30  }
0xa5: {  	v39 =	vsel vm10, $0xC8C, v39;
	v47 =	vsel vm10, $0x480, v47;
	v43 =	vsel vm11, $0x50F, v43  }
0xa6: {  	v44 =	vsel vm11, $0xD0F, v44;
	v45 =	vsel vm11, $0x500, v45;
	v28 =	vsel vm12, $0x588, v28  }
0xa7: {  	v24 =	vsel vm13, $0xF, v24;
	v26 =	vsel vm14, $0x88E, v26;
	v56 =	vsel vm4, $0x98E, v56  }
0xa8: {  	v57 =	vsel vm4, $0x18F, v57;
	v58 =	vsel vm4, $0x98F, v58;
	v25 =	vsel vm4, $0x982, v25  }
0xa9: {  	v36 =	vsel vm5, $0x206, v36;
	v37 =	vsel vm5, $0xA06, v37;
	v38 =	vsel vm5, $0x207, v38  }
0xaa: {  	v27 =	vsel vm5, $0x202, v27;
	v41 =	vsel vm7, $0x30A, v41;
	v42 =	vsel vm7, $0xB0A, v42  }
0xab: {  	v50 =	vsel vm7, $0xB0E, v50;
	v29 =	vsel vm8, $0x388, v29;
	v48 =	vsel vm8, $0xB8E, v48  }
0xac: {  	v49 =	vsel vm8, $0x38F, v49;
	v40 =	vsel vm10, $0x1080, v40;
	v46 =	vsel vm10, $0xC8F, v46  }
0xad: {  	v51 =	vsel vm10, $0x482, v51;
	v59 =	vsel vm10, $0xC87, v59;
	v30 =	vsel vm11, $0x3100, v30  }
0xae: {  	v39 =	vsel vm11, $0xD0D, v39;
	v47 =	vsel vm11, $0x501, v47;
	vm13 =	vcmask $0x3330  }
0xaf: {  	v43 =	vsel vm12, $0x580, v43;
	v44 =	vsel vm12, $0xD80, v44;
	v45 =	vsel vm12, $0x581, v45  }
0xb0: {  	v24 =	vsel vm14, $0x80, v24;
	v26 =	vsel vm15, $0x90F, v26;
	v57 =	vsel vm5, $0x200, v57  }
0xb1: {  	v25 =	vsel vm5, $0xA03, v25;
	v36 =	vsel vm6, $0x287, v36;
	v37 =	vsel vm6, $0xA87, v37  }
0xb2: {  	v38 =	vsel vm6, $0x288, v38;
	v27 =	vsel vm6, $0x283, v27;
	v41 =	vsel vm8, $0x38B, v41  }
0xb3: {  	v42 =	vsel vm8, $0xB8B, v42;
	v50 =	vsel vm8, $0xB8F, v50;
	v29 =	vsel vm9, $0x409, v29  }
0xb4: {  	v48 =	vsel vm9, $0xC0F, v48;
	v49 =	vsel vm9, $0x400, v49;
	v40 =	vsel vm11, $0x1100, v40  }
0xb5: {  	v46 =	vsel vm11, $0xD00, v46;
	v59 =	vsel vm11, $0xD08, v59;
	v30 =	vsel vm12, $0x3180, v30  }
0xb6: {  	v39 =	vsel vm12, $0xD8E, v39;
	v47 =	vsel vm12, $0x582, v47;
	vm14 =	vcmask $0x3734  }
0xb7: {  	v35 =	vsel vm13, $0xE0D, v35;
	v43 =	vsel vm13, $0x601, v43;
	v44 =	vsel vm13, $0xE01, v44  }
0xb8: {  	v45 =	vsel vm13, $0x602, v45;
	v53 =	vsel vm13, $0x606, v53;
	v54 =	vsel vm13, $0xE06, v54  }
0xb9: {  	v55 =	vsel vm13, $0x607, v55;
	v24 =	vsel vm15, $0x101, v24;
	v26 =	vsel vm4, $0x980, v26  }
0xba: {  	v57 =	vsel vm6, $0x281, v57;
	v25 =	vsel vm6, $0xA84, v25;
	v36 =	vsel vm7, $0x308, v36  }
0xbb: {  	v37 =	vsel vm7, $0xB08, v37;
	v38 =	vsel vm7, $0x309, v38;
	v27 =	vsel vm7, $0x304, v27  }
0xbc: {  	v41 =	vsel vm9, $0x40C, v41;
	v42 =	vsel vm9, $0xC0C, v42;
	v50 =	vsel vm9, $0xC00, v50  }
0xbd: {  	v29 =	vsel vm10, $0x48A, v29;
	v48 =	vsel vm10, $0xC80, v48;
	v49 =	vsel vm10, $0x481, v49  }
0xbe: {  	v40 =	vsel vm12, $0x1180, v40;
	v46 =	vsel vm12, $0xD81, v46;
	v59 =	vsel vm12, $0xD89, v59  }
0xbf: {  	v30 =	vsel vm13, $0x3200, v30;
	v39 =	vsel vm13, $0xE0F, v39;
	v47 =	vsel vm13, $0x603, v47  }
0xc0: {  	vm15 =	vcmask $0x3B38;
	v35 =	vsel vm14, $0xE8E, v35;
	v43 =	vsel vm14, $0x682, v43  }
0xc1: {  	v44 =	vsel vm14, $0xE82, v44;
	v45 =	vsel vm14, $0x683, v45;
	v53 =	vsel vm14, $0x687, v53  }
0xc2: {  	v54 =	vsel vm14, $0xE87, v54;
	v55 =	vsel vm14, $0x688, v55;
	v24 =	vsel vm4, $0x182, v24  }
0xc3: {  	v26 =	vsel vm5, $0xA01, v26;
	v57 =	vsel vm7, $0x302, v57;
	v25 =	vsel vm7, $0xB05, v25  }
0xc4: {  	v36 =	vsel vm8, $0x389, v36;
	v37 =	vsel vm8, $0xB89, v37;
	v38 =	vsel vm8, $0x38A, v38  }
0xc5: {  	v27 =	vsel vm8, $0x385, v27;
	v41 =	vsel vm10, $0x48D, v41;
	v42 =	vsel vm10, $0xC8D, v42  }
0xc6: {  	v50 =	vsel vm10, $0xC81, v50;
	v29 =	vsel vm11, $0x50B, v29;
	v48 =	vsel vm11, $0xD01, v48  }
0xc7: {  	v49 =	vsel vm11, $0x502, v49;
	v40 =	vsel vm13, $0x1200, v40;
	v46 =	vsel vm13, $0xE02, v46  }
0xc8: {  	v59 =	vsel vm13, $0xE0A, v59;
	v30 =	vsel vm14, $0x3280, v30;
	v39 =	vsel vm14, $0xE80, v39  }
0xc9: {  	v47 =	vsel vm14, $0x684, v47;
	v24 =	vsel vm5, $0x203, v24;
	v26 =	vsel vm6, $0xA82, v26  }
0xca: {  	v57 =	vsel vm8, $0x383, v57;
	v25 =	vsel vm8, $0xB86, v25;
	v36 =	vsel vm9, $0x40A, v36  }
0xcb: {  	v37 =	vsel vm9, $0xC0A, v37;
	v38 =	vsel vm9, $0x40B, v38;
	v27 =	vsel vm9, $0x406, v27  }
0xcc: {  	v41 =	vsel vm11, $0x50E, v41;
	v42 =	vsel vm11, $0xD0E, v42;
	v50 =	vsel vm11, $0xD02, v50  }
0xcd: {  	v29 =	vsel vm12, $0x58C, v29;
	v48 =	vsel vm12, $0xD82, v48;
	v49 =	vsel vm12, $0x583, v49  }
0xce: {  	v40 =	vsel vm14, $0x1280, v40;
	v46 =	vsel vm14, $0xE83, v46;
	v59 =	vsel vm14, $0xE8B, v59  }
0xcf: {  	v24 =	vsel vm6, $0x284, v24;
	v26 =	vsel vm7, $0xB03, v26;
	v57 =	vsel vm9, $0x404, v57  }
0xd0: {  	v25 =	vsel vm9, $0xC07, v25;
	v36 =	vsel vm10, $0x48B, v36;
	v37 =	vsel vm10, $0xC8B, v37  }
0xd1: {  	v38 =	vsel vm10, $0x48C, v38;
	v27 =	vsel vm10, $0x487, v27;
	v41 =	vsel vm12, $0x58F, v41  }
0xd2: {  	v42 =	vsel vm12, $0xD8F, v42;
	v50 =	vsel vm12, $0xD83, v50;
	v29 =	vsel vm13, $0x60D, v29  }
0xd3: {  	v48 =	vsel vm13, $0xE03, v48;
	v49 =	vsel vm13, $0x604, v49;
	v24 =	vsel vm7, $0x305, v24  }
0xd4: {  	v26 =	vsel vm8, $0xB84, v26;
	v57 =	vsel vm10, $0x485, v57;
	v25 =	vsel vm10, $0xC88, v25  }
0xd5: {  	v36 =	vsel vm11, $0x50C, v36;
	v37 =	vsel vm11, $0xD0C, v37;
	v38 =	vsel vm11, $0x50D, v38  }
0xd6: {  	v27 =	vsel vm11, $0x508, v27;
	v41 =	vsel vm13, $0x600, v41;
	v42 =	vsel vm13, $0xE00, v42  }
0xd7: {  	v50 =	vsel vm13, $0xE04, v50;
	v29 =	vsel vm14, $0x68E, v29;
	v48 =	vsel vm14, $0xE84, v48  }
0xd8: {  	v49 =	vsel vm14, $0x685, v49;
	v24 =	vsel vm8, $0x386, v24;
	v26 =	vsel vm9, $0xC05, v26  }
0xd9: {  	v57 =	vsel vm11, $0x506, v57;
	v25 =	vsel vm11, $0xD09, v25;
	v36 =	vsel vm12, $0x58D, v36  }
0xda: {  	v37 =	vsel vm12, $0xD8D, v37;
	v38 =	vsel vm12, $0x58E, v38;
	v27 =	vsel vm12, $0x589, v27  }
0xdb: {  	v41 =	vsel vm14, $0x681, v41;
	v42 =	vsel vm14, $0xE81, v42;
	v50 =	vsel vm14, $0xE85, v50  }
0xdc: {  	v34 =	vsel vm15, $0x70F, v29;
	v29 =	vsel vm15, $0x703, v43;
	v24 =	vsel vm9, $0x407, v24  }
0xdd: {  	v26 =	vsel vm10, $0xC86, v26;
	v57 =	vsel vm12, $0x587, v57;
	v25 =	vsel vm12, $0xD8A, v25  }
0xde: {  	v36 =	vsel vm13, $0x60E, v36;
	v37 =	vsel vm13, $0xE0E, v37;
	v38 =	vsel vm13, $0x60F, v38  }
0xdf: {  	v27 =	vsel vm13, $0x60A, v27;
	[tilespmem:$0x1FD80] =	vst v29;
	v29 =	vsel vm15, $0xF03, v44;
	v43 =	vsel vm15, $0xF06, v50  }
0xe0: {  	v50 =	vsel vm15, $0xF08, v54;
	v24 =	vsel vm10, $0x488, v24;
	v26 =	vsel vm11, $0xD07, v26  }
0xe1: {  	v57 =	vsel vm13, $0x608, v57;
	v25 =	vsel vm13, $0xE0B, v25;
	v36 =	vsel vm14, $0x68F, v36  }
0xe2: {  	v37 =	vsel vm14, $0xE8F, v37;
	v38 =	vsel vm14, $0x680, v38;
	v27 =	vsel vm14, $0x68B, v27  }
0xe3: {  	[tilespmem:$0x1FD90] =	vst v29;
	v29 =	vsel vm15, $0x704, v45;
	v24 =	vsel vm11, $0x509, v24;
	v26 =	vsel vm12, $0xD88, v26  }
0xe4: {  	v57 =	vsel vm14, $0x689, v57;
	v32 =	vsel vm14, $0xE8C, v25;
	v25 =	vsel vm15, $0x3300, v30  }
0xe5: {  	v30 =	vsel vm15, $0xF0F, v35;
	v35 =	vsel vm15, $0xF00, v37;
	[tilespmem:$0x1FDA0] =	vst v29;
	v29 =	vsel vm15, $0xF04, v46  }
0xe6: {  	v37 =	vsel vm15, $0xF01, v39;
	v39 =	vsel vm15, $0xF02, v42;
	[tilespmem:$0x1FDB0] =	vst v29;
	v29 =	vsel vm15, $0x705, v47  }
0xe7: {  	v24 =	vsel vm12, $0x58A, v24;
	v26 =	vsel vm13, $0xE09, v26;
	[tilespmem:$0x1FDC0] =	vst v29;
	v29 =	vsel vm15, $0xF05, v48  }
0xe8: {  	v24 =	vsel vm13, $0x60B, v24;
	v26 =	vsel vm14, $0xE8A, v26;
	[tilespmem:$0x1FDD0] =	vst v29;
	v29 =	vsel vm15, $0x706, v49  }
0xe9: {  	s7 =	rddreg [dreg:$0x0];
	v31 =	vsel vm14, $0x68C, v24;
	[tilespmem:$0x1FDE0] =	vst v29;
	v29 =	vsel vm15, $0x708, v53;
	v53 =	vmovc v30;
	v30 =	vsel vm15, $0x709, v55  }
0xea: {  	s8 =	rddreg [dreg:$0x1];
	s2 =	simm.s32 $0x0;
	v24 =	vsel vm15, $0x1300, v40;
	v40 =	vsel vm15, $0x700, v36;
	[tilespmem:$0x1FDF0] =	vst v30;
	v54 =	vmovc v29;
	v29 =	vsel vm15, $0x70A, v57  }
0xeb: {  	[smem:$0x7FF] =	sst s2;
	v36 =	vsel vm15, $0x701, v38;
	v42 =	vsel vm15, $0xF0B, v26;
	v26 =	vsel vm15, $0xF0C, v59;
	[tilespmem:$0x1FE00] =	vst v29  }
0xec: {  	s0 =	rddreg [dreg:$0x2];
	v38 =	vsel vm15, $0x702, v41;
	v41 =	vsel vm15, $0x70C, v27;
	v27 =	vsel vm15, $0x70D, v31;
	_ =	strace $0x80000047;
	[tilespmem:$0x1FE10] =	vst v26  }
0xed: {  	v56 =	vsel vm5, $0xA0F, v56;
	v58 =	vsel vm5, $0xA00, v58;
	v51 =	vsel vm11, $0x503, v51;
	[tilespmem:$0x1FE20] =	vst v27  }
0xee: {  	v52 =	vsel vm13, $0xE05, v52;
	v28 =	vsel vm13, $0x609, v28;
	v58 =	vsel vm6, $0xA81, v58;
	[tilespmem:$0x1FED0] =	vst v34  }
0xef: {  	v56 =	vsel vm6, $0xA80, v56;
	v52 =	vsel vm14, $0xE86, v52;
	v58 =	vsel vm7, $0xB02, v58;
	[tilespmem:$0x1FEE0] =	vst v53  }
0xf0: {  	v58 =	vsel vm8, $0xB83, v58;
	v49 =	vsel vm15, $0xF07, v52;
	v52 =	vlaneseq.u32;
	[tilespmem:$0x1FEF0] =	vst v40  }
0xf1: {  	v51 =	vsel vm12, $0x584, v51;
	v58 =	vsel vm9, $0xC04, v58;
	v26 =	vshrl.u32 v52, $0x2;
	[tilespmem:$0x1FF00] =	vst v35  }
0xf2: {  	v56 =	vsel vm7, $0xB01, v56;
	v58 =	vsel vm10, $0xC85, v58;
	[tilespmem:$0x1FF10] =	vst v36;
	v57 =	vmul.u32 $0x80, v26;
	v26 =	vld [tilespmem:$0x1FE40]  }
0xf3: {  	v28 =	vsel vm14, $0x68A, v28;
	v56 =	vsel vm8, $0xB82, v56;
	v58 =	vsel vm11, $0xD06, v58;
	[tilespmem:$0x1FF20] =	vst v37  }
0xf4: {  	v56 =	vsel vm9, $0xC03, v56;
	v58 =	vsel vm12, $0xD87, v58;
	v27 =	vsel vm15, $0xF0D, v32;
	[tilespmem:$0x1FF30] =	vst v38  }
0xf5: {  	v51 =	vsel vm13, $0x605, v51;
	v56 =	vsel vm10, $0xC84, v56;
	v58 =	vsel vm13, $0xE08, v58;
	[tilespmem:$0x1FE30] =	vst v27;
	v27 =	vld [tilespmem:$0x1FE70]  }
0xf6: {  	v56 =	vsel vm11, $0xD05, v56;
	v58 =	vsel vm14, $0xE89, v58;
	v47 =	vsel vm15, $0x70B, v28;
	[tilespmem:$0x1FF40] =	vst v39;
	v28 =	vld [tilespmem:$0x1FE80]  }
0xf7: {  	v56 =	vsel vm12, $0xD86, v56;
	v55 =	vsel vm15, $0xF0A, v58;
	[tilespmem:$0x1FF50] =	vst v49;
	v58 =	vand.u32 $0xF, v26;
	v26 =	vld [tilespmem:$0x1FE50]  }
0xf8: {  	s3 =	srdreg.scid;
	s10 =	simm.s32 $0x1000;
	v51 =	vsel vm14, $0x686, v51;
	v56 =	vsel vm13, $0xE07, v56;
	[tilespmem:$0x1FF60] =	vst v42;
	v29 =	vld [tilespmem:$0x1FE90]  }
0xf9: {  	s1 =	stileid.u32;
	s11 =	simm.s32 $0x7A1400;
	s12 =	simm.s32 $0x2;
	v56 =	vsel vm14, $0xE88, v56;
	v46 =	vsel vm15, $0x707, v51;
	[tilespmem:$0x1FF70] =	vst v41;
	v30 =	vld [tilespmem:$0x1FEA0]  }
0xfa: {  	s13 =	simm.s32 $0x4000;
	s14 =	simm.s32 $0x3;
	s15 =	simm.s32 $0x400;
	v44 =	vsel vm15, $0xF09, v56;
	v45 =	vmul.u32 $0x81, v52;
	[tilespmem:$0x1FF80] =	vst v46;
	v48 =	vld [tilespmem:$0x1FEB0]  }
0xfb: {  	s16 =	simm.s32 $0x10000;
	s17 =	simm.s32 $0x4;
	s18 =	simm.s32 $0x11000;
	[tilespmem:$0x1FF90] =	vst v44;
	v51 =	vld [tilespmem:$0x1FEC0]  }
0xfc: {  	s19 =	simm.s32 $0x1;
	s20 =	simm.s32 $0x0;
	s3 =	sand.u32 $0x1, s3;
	[tilespmem:$0x1FFA0] =	vst v45;
	v59 =	vand.u32 $0xF, v26;
	v26 =	vld [tilespmem:$0x1FE60]  }
.Ltmp0:
0xfd: {  	s4 =	sshll.u32 s1, $0x1;
	s5 =	ssub.s32 $0x2, s3;
	[tilespmem:$0x1FFB0] =	vst v47;
	(pc) =	sbr.rel .LBB2_1-.Ltmp0, $4  }
0xfe: {  	s3 =	sor.u32 s3, s4;
	s4 =	sadd.s32 $0xC00, s8;
	s8 =	sadd.s32 $0x3D1400, s8;
	v60 =	vand.u32 $0xF, v60;
	v61 =	vand.u32 $0xF, v61;
	v62 =	vand.u32 $0xF, v62;
	[tilespmem:$0x1FFC0] =	vst v55  }
0xff: {  	s6 =	sshrl.u32 s5, $0x1;
	s31 =	sshll.u32 s3, $0x9;
	p0 =	seq.s32 s3, $0x1;
	v63 =	vand.u32 $0xF, v63;
	v31 =	vand.u32 $0xF, v33;
	[tilespmem:$0x1FFD0] =	vst v50;
	v27 =	vand.u32 $0xF, v27  }
0x100: {  	p1 =	sne.s32 s3, $0x0;
	s9 =	ssub.s32 s5, s6;
	s5 =	sadd.s32 s7, s31;
	[tilespmem:$0x1FFE0] =	vst v54;
	v28 =	vand.u32 $0xF, v28;
	v29 =	vand.u32 $0xF, v29;
	v30 =	vand.u32 $0xF, v30  }
0x101: {  	s6 =	sadd.s32 $0x4000, s7;
	s7 =	sadd.s32 $0xF4200, s7;
	s9 =	smax.u32 s9, $0x1;
	[tilespmem:$0x1FFF0] =	vst v43;
	v32 =	vand.u32 $0xF, v48;
	v33 =	vand.u32 $0xF, v51;
	v26 =	vand.u32 $0xF, v26  }
.LBB2_13:
.Ltmp1:
0x102: {  	(pc) =	sbr.rel @p0 .LBB2_15-.Ltmp1, $4  }
0x103: {  	_ = 	snop  }
0x104: {  	_ =	swait.ge [sflag:s14], $0x4000  }
0x105: {  	[sflag:s14] =	ssyncset.done $0x0  }
0x106: {  	[sflag:s14] =	ssyncadd.s32 $0xFFFFC000  }
0x107: {  	s21 =	simm.s32 @!p1 $0x3  }
0x108: {  	_ =	swait.ge @!p1 [sflag:s21], $0x4000  }
0x109: {  	[sflag:s21] =	ssyncset.done @!p1 $0x0  }
0x10a: {  	[sflag:s21] =	ssyncadd.s32 @!p1 $0xFFFFC000  }
.LBB2_18:
0x10b: {  	s20 =	sadd.s32 $0x1, s20  }
0x10c: {  	p2 =	sne.s32 s20, s9  }
.Ltmp2:
0x10d: {  	_ = 	snop;
	(pc) =	sbr.rel @!p2 .LBB2_19-.Ltmp2, $1  }
0x10e: {  	_ =	sdelay $0x3  }
.LBB2_1:
.Ltmp3:
0x10f: {  	(pc) =	sbr.rel .LBB2_2-.Ltmp3, $3  }
0x110: {  	_ =	sdelay $0x1  }
0x111: {  	[tilespmem:s2], [sflag:$0x1] =	stream.strided.gather [hbm4b:s5+s10], $0x4000, s11, s10, $0x38;
	[tilespmem:$0x11800] =	vst v63  }
0x112: {  	s21 =	simm.s32 $0x0  }
.LBB2_6:
0x113: {  	_ =	sdelay $0x2  }
0x114: {  	v39 =	vshll.u32 v39, $0x3  }
0x115: {  	[tilespmem:v38+s25+$0x0] =	vst.idx.msk $0xffff, v35;
	v53 =	vor.u32 s24, v52;
	v54 =	vand.u32 $0xC00, v39  }
0x116: {  	v40 =	vor.u32 v22, v36;
	v37 =	vld.idx.msk [tilespmem:v37+s2+$0x0], $0xffff;
	v55 =	vand.u32 $0x7F, v53;
	v35 =	vor.u32 v24, v54  }
0x117: {  	v41 =	vor.u32 v55, v35  }
0x118: {  	s23 =	sadd.s32 $0x4, s23  }
0x119: {  	v56 =	vmov s23  }
0x11a: {  	v36 =	vshll.u32 v56, $0x7  }
0x11b: {  	v34 =	vor.u32 v57, v36;
	[tilespmem:v40+s25+$0x0] =	vst.idx.msk $0xffff, v37  }
0x11c: {  	v42 =	vor.u32 v15, v34;
	v37 =	vor.u32 v25, v54;
	v41 =	vld.idx.msk [tilespmem:v41+s2+$0x0], $0xffff  }
0x11d: {  	v38 =	vor.u32 v55, v37;
	_ =	sdelay $0x2  }
0x11e: {  	s23 =	simm.s32 $0x8000  }
0x11f: {  	v46 =	vor.u32 s24, v58;
	[tilespmem:v42+s23+$0x0] =	vst.idx.msk $0xffff, v41  }
0x120: {  	v39 =	vand.u32 $0x7F, v46;
	v40 =	vor.u32 v16, v34;
	v38 =	vld.idx.msk [tilespmem:v38+s2+$0x0], $0xffff  }
0x121: {  	v47 =	vor.u32 v39, v35;
	_ =	sdelay $0x3  }
0x122: {  	v48 =	vor.u32 v14, v36;
	[tilespmem:v40+s23+$0x0] =	vst.idx.msk $0xffff, v38  }
0x123: {  	v49 =	vor.u32 v17, v48;
	v40 =	vld.idx.msk [tilespmem:v47+s2+$0x0], $0xffff  }
0x124: {  	v39 =	vor.u32 v39, v37;
	_ =	sdelay $0x3  }
0x125: {  	v50 =	vor.u32 s24, v59;
	[tilespmem:v49+s23+$0x0] =	vst.idx.msk $0xffff, v40  }
0x126: {  	v38 =	vor.u32 v18, v48;
	v40 =	vand.u32 $0x7F, v50;
	v39 =	vld.idx.msk [tilespmem:v39+s2+$0x0], $0xffff  }
0x127: {  	v51 =	vor.u32 v40, v35;
	_ =	sdelay $0x3  }
0x128: {  	v53 =	vor.u32 v10, v36;
	[tilespmem:v38+s23+$0x0] =	vst.idx.msk $0xffff, v39  }
0x129: {  	v54 =	vor.u32 v19, v53;
	v39 =	vld.idx.msk [tilespmem:v51+s2+$0x0], $0xffff  }
0x12a: {  	v40 =	vor.u32 v40, v37;
	_ =	sdelay $0x3  }
0x12b: {  	v55 =	vor.u32 s24, v60;
	[tilespmem:v54+s23+$0x0] =	vst.idx.msk $0xffff, v39  }
0x12c: {  	v38 =	vor.u32 v20, v53;
	v39 =	vand.u32 $0x7F, v55;
	v40 =	vld.idx.msk [tilespmem:v40+s2+$0x0], $0xffff  }
0x12d: {  	v56 =	vor.u32 v39, v35;
	_ =	sdelay $0x3  }
0x12e: {  	v34 =	vor.u32 v6, v36;
	[tilespmem:v38+s23+$0x0] =	vst.idx.msk $0xffff, v40  }
0x12f: {  	v44 =	vor.u32 v21, v34;
	v40 =	vld.idx.msk [tilespmem:v56+s2+$0x0], $0xffff  }
0x130: {  	v39 =	vor.u32 v39, v37;
	_ =	sdelay $0x3  }
0x131: {  	v46 =	vor.u32 s24, v61;
	[tilespmem:v44+s23+$0x0] =	vst.idx.msk $0xffff, v40  }
0x132: {  	v38 =	vor.u32 v22, v34;
	v40 =	vand.u32 $0x7F, v46;
	v39 =	vld.idx.msk [tilespmem:v39+s2+$0x0], $0xffff  }
0x133: {  	v47 =	vor.u32 v40, v35;
	_ =	sdelay $0x3  }
0x134: {  	v48 =	vor.u32 v2, v36;
	[tilespmem:v38+s23+$0x0] =	vst.idx.msk $0xffff, v39  }
0x135: {  	v49 =	vor.u32 v15, v48;
	v39 =	vld.idx.msk [tilespmem:v47+s2+$0x0], $0xffff  }
0x136: {  	v40 =	vor.u32 v40, v37;
	_ =	sdelay $0x3  }
0x137: {  	v50 =	vor.u32 s24, v62;
	[tilespmem:v49+s23+$0x0] =	vst.idx.msk $0xffff, v39  }
0x138: {  	v38 =	vor.u32 v16, v48;
	v39 =	vand.u32 $0x7F, v50;
	v40 =	vld.idx.msk [tilespmem:v40+s2+$0x0], $0xffff  }
0x139: {  	v51 =	vor.u32 v39, v35;
	_ =	sdelay $0x3  }
0x13a: {  	v53 =	vor.u32 v13, v36;
	[tilespmem:v38+s23+$0x0] =	vst.idx.msk $0xffff, v40  }
0x13b: {  	v54 =	vor.u32 v17, v53;
	v40 =	vld.idx.msk [tilespmem:v51+s2+$0x0], $0xffff  }
0x13c: {  	v39 =	vor.u32 v39, v37;
	_ =	sdelay $0x3  }
0x13d: {  	v55 =	vor.u32 s24, v63;
	[tilespmem:v54+s23+$0x0] =	vst.idx.msk $0xffff, v40  }
0x13e: {  	v38 =	vor.u32 v18, v53;
	v40 =	vand.u32 $0x7F, v55;
	v39 =	vld.idx.msk [tilespmem:v39+s2+$0x0], $0xffff  }
0x13f: {  	v56 =	vor.u32 v40, v35;
	_ =	sdelay $0x3  }
0x140: {  	v34 =	vor.u32 v9, v36;
	[tilespmem:v38+s23+$0x0] =	vst.idx.msk $0xffff, v39  }
0x141: {  	v44 =	vor.u32 v19, v34;
	v39 =	vld.idx.msk [tilespmem:v56+s2+$0x0], $0xffff  }
0x142: {  	v40 =	vor.u32 v40, v37;
	_ =	sdelay $0x3  }
0x143: {  	v46 =	vor.u32 s24, v26;
	[tilespmem:v44+s23+$0x0] =	vst.idx.msk $0xffff, v39  }
0x144: {  	v38 =	vor.u32 v20, v34;
	v39 =	vand.u32 $0x7F, v46;
	v40 =	vld.idx.msk [tilespmem:v40+s2+$0x0], $0xffff  }
0x145: {  	v47 =	vor.u32 v39, v35;
	_ =	sdelay $0x3  }
0x146: {  	v48 =	vor.u32 v5, v36;
	[tilespmem:v38+s23+$0x0] =	vst.idx.msk $0xffff, v40  }
0x147: {  	v49 =	vor.u32 v21, v48;
	v40 =	vld.idx.msk [tilespmem:v47+s2+$0x0], $0xffff  }
0x148: {  	v39 =	vor.u32 v39, v37;
	_ =	sdelay $0x3  }
0x149: {  	v50 =	vor.u32 s24, v23;
	[tilespmem:v49+s23+$0x0] =	vst.idx.msk $0xffff, v40  }
0x14a: {  	v38 =	vor.u32 v22, v48;
	v40 =	vand.u32 $0x7F, v50;
	v39 =	vld.idx.msk [tilespmem:v39+s2+$0x0], $0xffff  }
0x14b: {  	v51 =	vor.u32 v40, v35;
	_ =	sdelay $0x3  }
0x14c: {  	v53 =	vor.u32 v1, v36;
	[tilespmem:v38+s23+$0x0] =	vst.idx.msk $0xffff, v39  }
0x14d: {  	v54 =	vor.u32 v15, v53;
	v39 =	vld.idx.msk [tilespmem:v51+s2+$0x0], $0xffff  }
0x14e: {  	v40 =	vor.u32 v40, v37;
	_ =	sdelay $0x3  }
0x14f: {  	v55 =	vor.u32 s24, v27;
	[tilespmem:v54+s23+$0x0] =	vst.idx.msk $0xffff, v39  }
0x150: {  	v38 =	vor.u32 v16, v53;
	v39 =	vand.u32 $0x7F, v55;
	v40 =	vld.idx.msk [tilespmem:v40+s2+$0x0], $0xffff  }
0x151: {  	v56 =	vor.u32 v39, v35;
	_ =	sdelay $0x3  }
0x152: {  	v34 =	vor.u32 v12, v36;
	[tilespmem:v38+s23+$0x0] =	vst.idx.msk $0xffff, v40  }
0x153: {  	v44 =	vor.u32 v17, v34;
	v40 =	vld.idx.msk [tilespmem:v56+s2+$0x0], $0xffff  }
0x154: {  	v39 =	vor.u32 v39, v37;
	_ =	sdelay $0x3  }
0x155: {  	v46 =	vor.u32 s24, v28;
	[tilespmem:v44+s23+$0x0] =	vst.idx.msk $0xffff, v40  }
0x156: {  	v38 =	vor.u32 v18, v34;
	v40 =	vand.u32 $0x7F, v46;
	v39 =	vld.idx.msk [tilespmem:v39+s2+$0x0], $0xffff  }
0x157: {  	v47 =	vor.u32 v40, v35;
	_ =	sdelay $0x3  }
0x158: {  	v48 =	vor.u32 v8, v36;
	[tilespmem:v38+s23+$0x0] =	vst.idx.msk $0xffff, v39  }
0x159: {  	v49 =	vor.u32 v19, v48;
	v39 =	vld.idx.msk [tilespmem:v47+s2+$0x0], $0xffff  }
0x15a: {  	v40 =	vor.u32 v40, v37;
	_ =	sdelay $0x3  }
0x15b: {  	v50 =	vor.u32 s24, v29;
	[tilespmem:v49+s23+$0x0] =	vst.idx.msk $0xffff, v39  }
0x15c: {  	v38 =	vor.u32 v20, v48;
	v39 =	vand.u32 $0x7F, v50;
	v40 =	vld.idx.msk [tilespmem:v40+s2+$0x0], $0xffff  }
0x15d: {  	v51 =	vor.u32 v39, v35;
	_ =	sdelay $0x3  }
0x15e: {  	v53 =	vor.u32 v4, v36;
	[tilespmem:v38+s23+$0x0] =	vst.idx.msk $0xffff, v40  }
0x15f: {  	v54 =	vor.u32 v21, v53;
	v40 =	vld.idx.msk [tilespmem:v51+s2+$0x0], $0xffff  }
0x160: {  	v39 =	vor.u32 v39, v37;
	_ =	sdelay $0x3  }
0x161: {  	v55 =	vor.u32 s24, v30;
	[tilespmem:v54+s23+$0x0] =	vst.idx.msk $0xffff, v40  }
0x162: {  	v38 =	vor.u32 v22, v53;
	v40 =	vand.u32 $0x7F, v55;
	v39 =	vld.idx.msk [tilespmem:v39+s2+$0x0], $0xffff  }
0x163: {  	v56 =	vor.u32 v40, v35;
	_ =	sdelay $0x3  }
0x164: {  	v34 =	vor.u32 v0, v36;
	[tilespmem:v38+s23+$0x0] =	vst.idx.msk $0xffff, v39  }
0x165: {  	v44 =	vor.u32 v15, v34;
	v39 =	vld.idx.msk [tilespmem:v56+s2+$0x0], $0xffff  }
0x166: {  	v40 =	vor.u32 v40, v37;
	_ =	sdelay $0x3  }
0x167: {  	v46 =	vor.u32 s24, v31;
	[tilespmem:v44+s23+$0x0] =	vst.idx.msk $0xffff, v39  }
0x168: {  	v38 =	vor.u32 v16, v34;
	v39 =	vand.u32 $0x7F, v46;
	v40 =	vld.idx.msk [tilespmem:v40+s2+$0x0], $0xffff  }
0x169: {  	v47 =	vor.u32 v39, v35;
	_ =	sdelay $0x3  }
0x16a: {  	v48 =	vor.u32 v11, v36;
	[tilespmem:v38+s23+$0x0] =	vst.idx.msk $0xffff, v40  }
0x16b: {  	v49 =	vor.u32 v17, v48;
	v40 =	vld.idx.msk [tilespmem:v47+s2+$0x0], $0xffff  }
0x16c: {  	v39 =	vor.u32 v39, v37;
	_ =	sdelay $0x3  }
0x16d: {  	v50 =	vor.u32 s24, v32;
	[tilespmem:v49+s23+$0x0] =	vst.idx.msk $0xffff, v40  }
0x16e: {  	v38 =	vor.u32 v18, v48;
	v40 =	vand.u32 $0x7F, v50;
	v39 =	vld.idx.msk [tilespmem:v39+s2+$0x0], $0xffff  }
0x16f: {  	v51 =	vor.u32 v40, v35;
	_ =	sdelay $0x3  }
0x170: {  	v53 =	vor.u32 v7, v36;
	[tilespmem:v38+s23+$0x0] =	vst.idx.msk $0xffff, v39  }
0x171: {  	v54 =	vor.u32 v19, v53;
	v39 =	vld.idx.msk [tilespmem:v51+s2+$0x0], $0xffff  }
0x172: {  	v40 =	vor.u32 v40, v37;
	_ =	sdelay $0x3  }
0x173: {  	v55 =	vor.u32 s24, v33;
	[tilespmem:v54+s23+$0x0] =	vst.idx.msk $0xffff, v39  }
0x174: {  	v38 =	vor.u32 v20, v53;
	v39 =	vand.u32 $0x7F, v55;
	v40 =	vld.idx.msk [tilespmem:v40+s2+$0x0], $0xffff  }
0x175: {  	v35 =	vor.u32 v39, v35;
	_ =	sdelay $0x3  }
0x176: {  	v36 =	vor.u32 v3, v36;
	[tilespmem:v38+s23+$0x0] =	vst.idx.msk $0xffff, v40  }
0x177: {  	v56 =	vor.u32 v21, v36;
	v35 =	vld.idx.msk [tilespmem:v35+s2+$0x0], $0xffff  }
0x178: {  	v37 =	vor.u32 v39, v37;
	_ =	sdelay $0x3  }
0x179: {  	[tilespmem:v56+s23+$0x0] =	vst.idx.msk $0xffff, v35  }
0x17a: {  	v36 =	vor.u32 v22, v36;
	v35 =	vld.idx.msk [tilespmem:v37+s2+$0x0], $0xffff;
	_ =	sdelay $0x4  }
0x17b: {  	[tilespmem:v36+s23+$0x0] =	vst.idx.msk $0xffff, v35  }
.LBB2_11:
0x17c: {  	v34 =	vld [tilespmem:$0x1FED0]  }
0x17d: {  	v53 =	vld [tilespmem:$0x1FEE0]  }
0x17e: {  	v40 =	vld [tilespmem:$0x1FEF0]  }
0x17f: {  	v35 =	vld [tilespmem:$0x1FF00]  }
0x180: {  	v36 =	vld [tilespmem:$0x1FF10]  }
0x181: {  	s22 =	sshll.u32 s22, $0xB;
	v37 =	vld [tilespmem:$0x1FF20]  }
0x182: {  	v38 =	vld [tilespmem:$0x1FF30];
	s22 =	sadd.s32 s4, s22  }
0x183: {  	v39 =	vld [tilespmem:$0x1FF40];
	[hbm4b:s22+s2] =	stream.linear.scatter [tilespmem:s23], [sflag:$0x3], $0x4000, $0x38  }
.LBB2_12:
0x184: {  	s21 =	sadd.s32 $0x1, s21  }
0x185: {  	p2 =	sne.s32 s21, $0x3E  }
.Ltmp4:
0x186: {  	_ = 	snop;
	(pc) =	sbr.rel @!p2 .LBB2_13-.Ltmp4, $1  }
0x187: {  	_ =	sdelay $0x3  }
.LBB2_2:
0x188: {  	s22 =	sand.u32 $0x1, s21  }
0x189: {  	p3 =	seq.s32 s22, $0x1  }
.Ltmp5:
0x18a: {  	_ = 	snop;
	(pc) =	sbr.rel @!p3 .LBB2_3-.Ltmp5, $3  }
0x18b: {  	_ =	sdelay $0x1  }
0x18c: {  	s23 =	sshll.u32 s21, $0x5  }
0x18d: {  	p2 =	slt.u32 s21, $0x2;
	s22 =	sor.u32 s3, s23  }
0x18e: {  	p3 =	sgt.u32 s22, $0x7A0  }
.Ltmp6:
0x18f: {  	_ = 	snop;
	(pc) =	sbr.rel @p3 .LBB2_12-.Ltmp6, $4  }
0x190: {  	s23 =	simm.s32 @!p2 $0x3  }
0x191: {  	_ =	swait.ge @!p2 [sflag:s23], $0x4000  }
0x192: {  	[sflag:s23] =	ssyncset.done @!p2 $0x0  }
0x193: {  	[sflag:s23] =	ssyncadd.s32 @!p2 $0xFFFFC000  }
0x194: {  	s23 =	simm.s32 $0x0  }
0x195: {  	v35 =	vmov s23  }
0x196: {  	v35 =	vshll.u32 v35, $0x3  }
0x197: {  	v36 =	vor.u32 s23, v52;
	v37 =	vand.u32 $0xC00, v35  }
0x198: {  	v38 =	vand.u32 $0x7F, v36;
	v35 =	vor.u32 v24, v37  }
0x199: {  	_ =	swait.ge [sflag:s12], $0x4000;
	v39 =	vor.u32 v38, v35  }
0x19a: {  	p2 =	sgt.u32 s22, $0x780;
	[sflag:s12] =	ssyncset.done $0x0  }
0x19b: {  	s24 =	sshll.u32 @!p2 s22, $0x9;
	v46 =	vmov s23;
	s25 =	simm.s32 @!p2 $0x1000;
	s26 =	simm.s32 @!p2 $0x7A1400  }
0x19c: {  	s28 =	simm.s32 @!p2 $0x0;
	[sflag:s12] =	ssyncadd.s32 $0xFFFFC000;
	s24 =	sadd.s32 @!p2 s24, s6;
	v36 =	vshll.u32 v46, $0x7  }
0x19d: {  	[tilespmem:s28], [sflag:$0x1] =	stream.strided.gather @!p2 [hbm4b:s24+s25], $0x4000, s26, s25, $0x38;
	v40 =	vor.u32 v57, v36;
	[tilespmem:$0x11800] =	vst v63  }
0x19e: {  	v41 =	vor.u32 v15, v40;
	v37 =	vor.u32 v25, v37;
	v39 =	vld.idx.msk [tilespmem:v39+s13+$0x0], $0xffff  }
0x19f: {  	v38 =	vor.u32 v38, v37;
	_ =	sdelay $0x2  }
0x1a0: {  	s25 =	simm.s32 $0xC000  }
0x1a1: {  	v47 =	vor.u32 s23, v58;
	[tilespmem:v41+s25+$0x0] =	vst.idx.msk $0xffff, v39  }
0x1a2: {  	v40 =	vor.u32 v16, v40;
	v39 =	vand.u32 $0x7F, v47;
	v38 =	vld.idx.msk [tilespmem:v38+s13+$0x0], $0xffff  }
0x1a3: {  	v48 =	vor.u32 v39, v35;
	_ =	sdelay $0x3  }
0x1a4: {  	v49 =	vor.u32 v14, v36;
	[tilespmem:v40+s25+$0x0] =	vst.idx.msk $0xffff, v38  }
0x1a5: {  	v50 =	vor.u32 v17, v49;
	v40 =	vld.idx.msk [tilespmem:v48+s13+$0x0], $0xffff  }
0x1a6: {  	v39 =	vor.u32 v39, v37;
	_ =	sdelay $0x3  }
0x1a7: {  	v51 =	vor.u32 s23, v59;
	[tilespmem:v50+s25+$0x0] =	vst.idx.msk $0xffff, v40  }
0x1a8: {  	v38 =	vor.u32 v18, v49;
	v40 =	vand.u32 $0x7F, v51;
	v39 =	vld.idx.msk [tilespmem:v39+s13+$0x0], $0xffff  }
0x1a9: {  	v53 =	vor.u32 v40, v35;
	_ =	sdelay $0x3  }
0x1aa: {  	v54 =	vor.u32 v10, v36;
	[tilespmem:v38+s25+$0x0] =	vst.idx.msk $0xffff, v39  }
0x1ab: {  	v55 =	vor.u32 v19, v54;
	v39 =	vld.idx.msk [tilespmem:v53+s13+$0x0], $0xffff  }
0x1ac: {  	v40 =	vor.u32 v40, v37;
	_ =	sdelay $0x3  }
0x1ad: {  	v56 =	vor.u32 s23, v60;
	[tilespmem:v55+s25+$0x0] =	vst.idx.msk $0xffff, v39  }
0x1ae: {  	v38 =	vor.u32 v20, v54;
	v39 =	vand.u32 $0x7F, v56;
	v40 =	vld.idx.msk [tilespmem:v40+s13+$0x0], $0xffff  }
0x1af: {  	v34 =	vor.u32 v39, v35;
	_ =	sdelay $0x3  }
0x1b0: {  	v44 =	vor.u32 v6, v36;
	[tilespmem:v38+s25+$0x0] =	vst.idx.msk $0xffff, v40  }
0x1b1: {  	v46 =	vor.u32 v21, v44;
	v40 =	vld.idx.msk [tilespmem:v34+s13+$0x0], $0xffff  }
0x1b2: {  	v39 =	vor.u32 v39, v37;
	_ =	sdelay $0x3  }
0x1b3: {  	v47 =	vor.u32 s23, v61;
	[tilespmem:v46+s25+$0x0] =	vst.idx.msk $0xffff, v40  }
0x1b4: {  	v38 =	vor.u32 v22, v44;
	v40 =	vand.u32 $0x7F, v47;
	v39 =	vld.idx.msk [tilespmem:v39+s13+$0x0], $0xffff  }
0x1b5: {  	v48 =	vor.u32 v40, v35;
	_ =	sdelay $0x3  }
0x1b6: {  	v49 =	vor.u32 v2, v36;
	[tilespmem:v38+s25+$0x0] =	vst.idx.msk $0xffff, v39  }
0x1b7: {  	v50 =	vor.u32 v15, v49;
	v39 =	vld.idx.msk [tilespmem:v48+s13+$0x0], $0xffff  }
0x1b8: {  	v40 =	vor.u32 v40, v37;
	_ =	sdelay $0x3  }
0x1b9: {  	v51 =	vor.u32 s23, v62;
	[tilespmem:v50+s25+$0x0] =	vst.idx.msk $0xffff, v39  }
0x1ba: {  	v38 =	vor.u32 v16, v49;
	v39 =	vand.u32 $0x7F, v51;
	v40 =	vld.idx.msk [tilespmem:v40+s13+$0x0], $0xffff  }
0x1bb: {  	v53 =	vor.u32 v39, v35;
	_ =	sdelay $0x3  }
0x1bc: {  	v54 =	vor.u32 v13, v36;
	[tilespmem:v38+s25+$0x0] =	vst.idx.msk $0xffff, v40  }
0x1bd: {  	v55 =	vor.u32 v17, v54;
	v40 =	vld.idx.msk [tilespmem:v53+s13+$0x0], $0xffff  }
0x1be: {  	v39 =	vor.u32 v39, v37;
	_ =	sdelay $0x3  }
0x1bf: {  	v56 =	vor.u32 s23, v63;
	[tilespmem:v55+s25+$0x0] =	vst.idx.msk $0xffff, v40  }
0x1c0: {  	v38 =	vor.u32 v18, v54;
	v40 =	vand.u32 $0x7F, v56;
	v39 =	vld.idx.msk [tilespmem:v39+s13+$0x0], $0xffff  }
0x1c1: {  	v34 =	vor.u32 v40, v35;
	_ =	sdelay $0x3  }
0x1c2: {  	v44 =	vor.u32 v9, v36;
	[tilespmem:v38+s25+$0x0] =	vst.idx.msk $0xffff, v39  }
0x1c3: {  	v46 =	vor.u32 v19, v44;
	v39 =	vld.idx.msk [tilespmem:v34+s13+$0x0], $0xffff  }
0x1c4: {  	v40 =	vor.u32 v40, v37;
	_ =	sdelay $0x3  }
0x1c5: {  	v47 =	vor.u32 s23, v26;
	[tilespmem:v46+s25+$0x0] =	vst.idx.msk $0xffff, v39  }
0x1c6: {  	v38 =	vor.u32 v20, v44;
	v39 =	vand.u32 $0x7F, v47;
	v40 =	vld.idx.msk [tilespmem:v40+s13+$0x0], $0xffff  }
0x1c7: {  	v48 =	vor.u32 v39, v35;
	_ =	sdelay $0x3  }
0x1c8: {  	v49 =	vor.u32 v5, v36;
	[tilespmem:v38+s25+$0x0] =	vst.idx.msk $0xffff, v40  }
0x1c9: {  	v50 =	vor.u32 v21, v49;
	v40 =	vld.idx.msk [tilespmem:v48+s13+$0x0], $0xffff  }
0x1ca: {  	v39 =	vor.u32 v39, v37;
	_ =	sdelay $0x3  }
0x1cb: {  	v51 =	vor.u32 s23, v23;
	[tilespmem:v50+s25+$0x0] =	vst.idx.msk $0xffff, v40  }
0x1cc: {  	v38 =	vor.u32 v22, v49;
	v40 =	vand.u32 $0x7F, v51;
	v39 =	vld.idx.msk [tilespmem:v39+s13+$0x0], $0xffff  }
0x1cd: {  	v53 =	vor.u32 v40, v35;
	_ =	sdelay $0x3  }
0x1ce: {  	v54 =	vor.u32 v1, v36;
	[tilespmem:v38+s25+$0x0] =	vst.idx.msk $0xffff, v39  }
0x1cf: {  	v55 =	vor.u32 v15, v54;
	v39 =	vld.idx.msk [tilespmem:v53+s13+$0x0], $0xffff  }
0x1d0: {  	v40 =	vor.u32 v40, v37;
	_ =	sdelay $0x3  }
0x1d1: {  	v56 =	vor.u32 s23, v27;
	[tilespmem:v55+s25+$0x0] =	vst.idx.msk $0xffff, v39  }
0x1d2: {  	v38 =	vor.u32 v16, v54;
	v39 =	vand.u32 $0x7F, v56;
	v40 =	vld.idx.msk [tilespmem:v40+s13+$0x0], $0xffff  }
0x1d3: {  	v34 =	vor.u32 v39, v35;
	_ =	sdelay $0x3  }
0x1d4: {  	v44 =	vor.u32 v12, v36;
	[tilespmem:v38+s25+$0x0] =	vst.idx.msk $0xffff, v40  }
0x1d5: {  	v46 =	vor.u32 v17, v44;
	v40 =	vld.idx.msk [tilespmem:v34+s13+$0x0], $0xffff  }
0x1d6: {  	v39 =	vor.u32 v39, v37;
	_ =	sdelay $0x3  }
0x1d7: {  	v47 =	vor.u32 s23, v28;
	[tilespmem:v46+s25+$0x0] =	vst.idx.msk $0xffff, v40  }
0x1d8: {  	v38 =	vor.u32 v18, v44;
	v40 =	vand.u32 $0x7F, v47;
	v39 =	vld.idx.msk [tilespmem:v39+s13+$0x0], $0xffff  }
0x1d9: {  	v48 =	vor.u32 v40, v35;
	_ =	sdelay $0x3  }
0x1da: {  	v49 =	vor.u32 v8, v36;
	[tilespmem:v38+s25+$0x0] =	vst.idx.msk $0xffff, v39  }
0x1db: {  	v50 =	vor.u32 v19, v49;
	v39 =	vld.idx.msk [tilespmem:v48+s13+$0x0], $0xffff  }
0x1dc: {  	v40 =	vor.u32 v40, v37;
	_ =	sdelay $0x3  }
0x1dd: {  	v51 =	vor.u32 s23, v29;
	[tilespmem:v50+s25+$0x0] =	vst.idx.msk $0xffff, v39  }
0x1de: {  	v38 =	vor.u32 v20, v49;
	v39 =	vand.u32 $0x7F, v51;
	v40 =	vld.idx.msk [tilespmem:v40+s13+$0x0], $0xffff  }
0x1df: {  	v53 =	vor.u32 v39, v35;
	_ =	sdelay $0x3  }
0x1e0: {  	v54 =	vor.u32 v4, v36;
	[tilespmem:v38+s25+$0x0] =	vst.idx.msk $0xffff, v40  }
0x1e1: {  	v55 =	vor.u32 v21, v54;
	v40 =	vld.idx.msk [tilespmem:v53+s13+$0x0], $0xffff  }
0x1e2: {  	v39 =	vor.u32 v39, v37;
	_ =	sdelay $0x3  }
0x1e3: {  	v56 =	vor.u32 s23, v30;
	[tilespmem:v55+s25+$0x0] =	vst.idx.msk $0xffff, v40  }
0x1e4: {  	v38 =	vor.u32 v22, v54;
	v40 =	vand.u32 $0x7F, v56;
	v39 =	vld.idx.msk [tilespmem:v39+s13+$0x0], $0xffff  }
0x1e5: {  	v34 =	vor.u32 v40, v35;
	_ =	sdelay $0x3  }
0x1e6: {  	v44 =	vor.u32 v0, v36;
	[tilespmem:v38+s25+$0x0] =	vst.idx.msk $0xffff, v39  }
0x1e7: {  	v46 =	vor.u32 v15, v44;
	v39 =	vld.idx.msk [tilespmem:v34+s13+$0x0], $0xffff  }
0x1e8: {  	v40 =	vor.u32 v40, v37;
	_ =	sdelay $0x3  }
0x1e9: {  	v47 =	vor.u32 s23, v31;
	[tilespmem:v46+s25+$0x0] =	vst.idx.msk $0xffff, v39  }
0x1ea: {  	v38 =	vor.u32 v16, v44;
	v39 =	vand.u32 $0x7F, v47;
	v40 =	vld.idx.msk [tilespmem:v40+s13+$0x0], $0xffff  }
0x1eb: {  	v48 =	vor.u32 v39, v35;
	_ =	sdelay $0x3  }
0x1ec: {  	v49 =	vor.u32 v11, v36;
	[tilespmem:v38+s25+$0x0] =	vst.idx.msk $0xffff, v40  }
0x1ed: {  	v50 =	vor.u32 v17, v49;
	v40 =	vld.idx.msk [tilespmem:v48+s13+$0x0], $0xffff  }
0x1ee: {  	v39 =	vor.u32 v39, v37;
	_ =	sdelay $0x3  }
0x1ef: {  	v51 =	vor.u32 s23, v32;
	[tilespmem:v50+s25+$0x0] =	vst.idx.msk $0xffff, v40  }
0x1f0: {  	v38 =	vor.u32 v18, v49;
	v40 =	vand.u32 $0x7F, v51;
	v39 =	vld.idx.msk [tilespmem:v39+s13+$0x0], $0xffff  }
0x1f1: {  	v53 =	vor.u32 v40, v35;
	_ =	sdelay $0x3  }
0x1f2: {  	v54 =	vor.u32 v7, v36;
	[tilespmem:v38+s25+$0x0] =	vst.idx.msk $0xffff, v39  }
0x1f3: {  	v55 =	vor.u32 v19, v54;
	v39 =	vld.idx.msk [tilespmem:v53+s13+$0x0], $0xffff  }
0x1f4: {  	v40 =	vor.u32 v40, v37;
	_ =	sdelay $0x3  }
0x1f5: {  	v56 =	vor.u32 s23, v33;
	[tilespmem:v55+s25+$0x0] =	vst.idx.msk $0xffff, v39  }
0x1f6: {  	v38 =	vor.u32 v20, v54;
	v39 =	vand.u32 $0x7F, v56;
	v40 =	vld.idx.msk [tilespmem:v40+s13+$0x0], $0xffff  }
0x1f7: {  	v35 =	vor.u32 v39, v35;
	_ =	sdelay $0x3  }
0x1f8: {  	v36 =	vor.u32 v3, v36;
	[tilespmem:v38+s25+$0x0] =	vst.idx.msk $0xffff, v40  }
0x1f9: {  	v38 =	vor.u32 v21, v36;
	v35 =	vld.idx.msk [tilespmem:v35+s13+$0x0], $0xffff  }
0x1fa: {  	v37 =	vor.u32 v39, v37;
	_ =	sdelay $0x1  }
0x1fb: {  	s24 =	simm.s32 $0x10  }
0x1fc: {  	s26 =	simm.s32 $0x20;
	v39 =	vmov s24  }
.LBB2_9:
0x1fd: {  	p2 =	sne.s32 s26, $0x1F0;
	v39 =	vshll.u32 v39, $0x3;
	[tilespmem:v38+s25+$0x0] =	vst.idx.msk $0xffff, v35  }
0x1fe: {  	v35 =	vor.u32 s24, v52;
	v38 =	vand.u32 $0xC00, v39;
	v37 =	vld.idx.msk [tilespmem:v37+s13+$0x0], $0xffff  }
0x1ff: {  	v40 =	vor.u32 v22, v36;
	v39 =	vand.u32 $0x7F, v35;
	v35 =	vor.u32 v24, v38  }
0x200: {  	v41 =	vor.u32 v39, v35;
	_ =	sdelay $0x1  }
0x201: {  	s23 =	sadd.s32 $0x4, s23  }
0x202: {  	v36 =	vmov s23  }
0x203: {  	v36 =	vshll.u32 v36, $0x7;
	[tilespmem:v40+s25+$0x0] =	vst.idx.msk $0xffff, v37  }
0x204: {  	v40 =	vld.idx.msk [tilespmem:v41+s13+$0x0], $0xffff;
	v41 =	vor.u32 v57, v36  }
0x205: {  	v37 =	vor.u32 v25, v38;
	v42 =	vor.u32 v15, v41  }
0x206: {  	v38 =	vor.u32 v39, v37;
	_ =	sdelay $0x3  }
0x207: {  	[tilespmem:v42+s25+$0x0] =	vst.idx.msk $0xffff, v40  }
0x208: {  	v39 =	vor.u32 s24, v58;
	v38 =	vld.idx.msk [tilespmem:v38+s13+$0x0], $0xffff  }
0x209: {  	v39 =	vand.u32 $0x7F, v39;
	v40 =	vor.u32 v16, v41  }
0x20a: {  	v41 =	vor.u32 v39, v35;
	_ =	sdelay $0x3  }
0x20b: {  	[tilespmem:v40+s25+$0x0] =	vst.idx.msk $0xffff, v38  }
0x20c: {  	v40 =	vor.u32 v14, v36;
	v38 =	vld.idx.msk [tilespmem:v41+s13+$0x0], $0xffff  }
0x20d: {  	v41 =	vor.u32 v17, v40  }
0x20e: {  	v39 =	vor.u32 v39, v37;
	_ =	sdelay $0x3  }
0x20f: {  	[tilespmem:v41+s25+$0x0] =	vst.idx.msk $0xffff, v38  }
0x210: {  	v38 =	vld.idx.msk [tilespmem:v39+s13+$0x0], $0xffff;
	v39 =	vor.u32 s24, v59  }
0x211: {  	v40 =	vor.u32 v18, v40;
	v39 =	vand.u32 $0x7F, v39  }
0x212: {  	v41 =	vor.u32 v39, v35;
	_ =	sdelay $0x3  }
0x213: {  	[tilespmem:v40+s25+$0x0] =	vst.idx.msk $0xffff, v38  }
0x214: {  	v40 =	vor.u32 v10, v36;
	v38 =	vld.idx.msk [tilespmem:v41+s13+$0x0], $0xffff  }
0x215: {  	v41 =	vor.u32 v19, v40  }
0x216: {  	v39 =	vor.u32 v39, v37;
	_ =	sdelay $0x3  }
0x217: {  	[tilespmem:v41+s25+$0x0] =	vst.idx.msk $0xffff, v38  }
0x218: {  	v38 =	vld.idx.msk [tilespmem:v39+s13+$0x0], $0xffff;
	v39 =	vor.u32 s24, v60  }
0x219: {  	v40 =	vor.u32 v20, v40;
	v39 =	vand.u32 $0x7F, v39  }
0x21a: {  	v41 =	vor.u32 v39, v35;
	_ =	sdelay $0x3  }
0x21b: {  	[tilespmem:v40+s25+$0x0] =	vst.idx.msk $0xffff, v38  }
0x21c: {  	v40 =	vor.u32 v6, v36;
	v38 =	vld.idx.msk [tilespmem:v41+s13+$0x0], $0xffff  }
0x21d: {  	v41 =	vor.u32 v21, v40  }
0x21e: {  	v39 =	vor.u32 v39, v37;
	_ =	sdelay $0x3  }
0x21f: {  	[tilespmem:v41+s25+$0x0] =	vst.idx.msk $0xffff, v38  }
0x220: {  	v38 =	vld.idx.msk [tilespmem:v39+s13+$0x0], $0xffff;
	v39 =	vor.u32 s24, v61  }
0x221: {  	v40 =	vor.u32 v22, v40;
	v39 =	vand.u32 $0x7F, v39  }
0x222: {  	v41 =	vor.u32 v39, v35;
	_ =	sdelay $0x3  }
0x223: {  	[tilespmem:v40+s25+$0x0] =	vst.idx.msk $0xffff, v38  }
0x224: {  	v40 =	vor.u32 v2, v36;
	v38 =	vld.idx.msk [tilespmem:v41+s13+$0x0], $0xffff  }
0x225: {  	v41 =	vor.u32 v15, v40  }
0x226: {  	v39 =	vor.u32 v39, v37;
	_ =	sdelay $0x3  }
0x227: {  	[tilespmem:v41+s25+$0x0] =	vst.idx.msk $0xffff, v38  }
0x228: {  	v38 =	vld.idx.msk [tilespmem:v39+s13+$0x0], $0xffff;
	v39 =	vor.u32 s24, v62  }
0x229: {  	v40 =	vor.u32 v16, v40;
	v39 =	vand.u32 $0x7F, v39  }
0x22a: {  	v41 =	vor.u32 v39, v35;
	_ =	sdelay $0x3  }
0x22b: {  	[tilespmem:v40+s25+$0x0] =	vst.idx.msk $0xffff, v38  }
0x22c: {  	v40 =	vor.u32 v13, v36;
	v38 =	vld.idx.msk [tilespmem:v41+s13+$0x0], $0xffff  }
0x22d: {  	v41 =	vor.u32 v17, v40  }
0x22e: {  	v39 =	vor.u32 v39, v37;
	_ =	sdelay $0x3  }
0x22f: {  	[tilespmem:v41+s25+$0x0] =	vst.idx.msk $0xffff, v38  }
0x230: {  	v38 =	vld.idx.msk [tilespmem:v39+s13+$0x0], $0xffff;
	v39 =	vor.u32 s24, v63  }
0x231: {  	v40 =	vor.u32 v18, v40;
	v39 =	vand.u32 $0x7F, v39  }
0x232: {  	v41 =	vor.u32 v39, v35;
	_ =	sdelay $0x3  }
0x233: {  	[tilespmem:v40+s25+$0x0] =	vst.idx.msk $0xffff, v38  }
0x234: {  	v40 =	vor.u32 v9, v36;
	v38 =	vld.idx.msk [tilespmem:v41+s13+$0x0], $0xffff  }
0x235: {  	v41 =	vor.u32 v19, v40  }
0x236: {  	v39 =	vor.u32 v39, v37;
	_ =	sdelay $0x3  }
0x237: {  	[tilespmem:v41+s25+$0x0] =	vst.idx.msk $0xffff, v38  }
0x238: {  	v38 =	vld.idx.msk [tilespmem:v39+s13+$0x0], $0xffff;
	v39 =	vor.u32 s24, v26  }
0x239: {  	v40 =	vor.u32 v20, v40;
	v39 =	vand.u32 $0x7F, v39  }
0x23a: {  	v41 =	vor.u32 v39, v35;
	_ =	sdelay $0x3  }
0x23b: {  	[tilespmem:v40+s25+$0x0] =	vst.idx.msk $0xffff, v38  }
0x23c: {  	v40 =	vor.u32 v5, v36;
	v38 =	vld.idx.msk [tilespmem:v41+s13+$0x0], $0xffff  }
0x23d: {  	v41 =	vor.u32 v21, v40  }
0x23e: {  	v39 =	vor.u32 v39, v37;
	_ =	sdelay $0x3  }
0x23f: {  	[tilespmem:v41+s25+$0x0] =	vst.idx.msk $0xffff, v38  }
0x240: {  	v38 =	vld.idx.msk [tilespmem:v39+s13+$0x0], $0xffff;
	v39 =	vor.u32 s24, v23  }
0x241: {  	v40 =	vor.u32 v22, v40;
	v39 =	vand.u32 $0x7F, v39  }
0x242: {  	v41 =	vor.u32 v39, v35;
	_ =	sdelay $0x3  }
0x243: {  	[tilespmem:v40+s25+$0x0] =	vst.idx.msk $0xffff, v38  }
0x244: {  	v40 =	vor.u32 v1, v36;
	v38 =	vld.idx.msk [tilespmem:v41+s13+$0x0], $0xffff  }
0x245: {  	v41 =	vor.u32 v15, v40  }
0x246: {  	v39 =	vor.u32 v39, v37;
	_ =	sdelay $0x3  }
0x247: {  	[tilespmem:v41+s25+$0x0] =	vst.idx.msk $0xffff, v38  }
0x248: {  	v38 =	vld.idx.msk [tilespmem:v39+s13+$0x0], $0xffff;
	v39 =	vor.u32 s24, v27  }
0x249: {  	v40 =	vor.u32 v16, v40;
	v39 =	vand.u32 $0x7F, v39  }
0x24a: {  	v41 =	vor.u32 v39, v35;
	_ =	sdelay $0x3  }
0x24b: {  	[tilespmem:v40+s25+$0x0] =	vst.idx.msk $0xffff, v38  }
0x24c: {  	v40 =	vor.u32 v12, v36;
	v38 =	vld.idx.msk [tilespmem:v41+s13+$0x0], $0xffff  }
0x24d: {  	v41 =	vor.u32 v17, v40  }
0x24e: {  	v39 =	vor.u32 v39, v37;
	_ =	sdelay $0x3  }
0x24f: {  	[tilespmem:v41+s25+$0x0] =	vst.idx.msk $0xffff, v38  }
0x250: {  	v38 =	vld.idx.msk [tilespmem:v39+s13+$0x0], $0xffff;
	v39 =	vor.u32 s24, v28  }
0x251: {  	v40 =	vor.u32 v18, v40;
	v39 =	vand.u32 $0x7F, v39  }
0x252: {  	v41 =	vor.u32 v39, v35;
	_ =	sdelay $0x3  }
0x253: {  	[tilespmem:v40+s25+$0x0] =	vst.idx.msk $0xffff, v38  }
0x254: {  	v40 =	vor.u32 v8, v36;
	v38 =	vld.idx.msk [tilespmem:v41+s13+$0x0], $0xffff  }
0x255: {  	v41 =	vor.u32 v19, v40  }
0x256: {  	v39 =	vor.u32 v39, v37;
	_ =	sdelay $0x3  }
0x257: {  	[tilespmem:v41+s25+$0x0] =	vst.idx.msk $0xffff, v38  }
0x258: {  	v38 =	vld.idx.msk [tilespmem:v39+s13+$0x0], $0xffff;
	v39 =	vor.u32 s24, v29  }
0x259: {  	v40 =	vor.u32 v20, v40;
	v39 =	vand.u32 $0x7F, v39  }
0x25a: {  	v41 =	vor.u32 v39, v35;
	_ =	sdelay $0x3  }
0x25b: {  	[tilespmem:v40+s25+$0x0] =	vst.idx.msk $0xffff, v38  }
0x25c: {  	v40 =	vor.u32 v4, v36;
	v38 =	vld.idx.msk [tilespmem:v41+s13+$0x0], $0xffff  }
0x25d: {  	v41 =	vor.u32 v21, v40  }
0x25e: {  	v39 =	vor.u32 v39, v37;
	_ =	sdelay $0x3  }
0x25f: {  	[tilespmem:v41+s25+$0x0] =	vst.idx.msk $0xffff, v38  }
0x260: {  	v38 =	vld.idx.msk [tilespmem:v39+s13+$0x0], $0xffff;
	v39 =	vor.u32 s24, v30  }
0x261: {  	v40 =	vor.u32 v22, v40;
	v39 =	vand.u32 $0x7F, v39  }
0x262: {  	v41 =	vor.u32 v39, v35;
	_ =	sdelay $0x3  }
0x263: {  	[tilespmem:v40+s25+$0x0] =	vst.idx.msk $0xffff, v38  }
0x264: {  	v40 =	vor.u32 v0, v36;
	v38 =	vld.idx.msk [tilespmem:v41+s13+$0x0], $0xffff  }
0x265: {  	v41 =	vor.u32 v15, v40  }
0x266: {  	v39 =	vor.u32 v39, v37;
	_ =	sdelay $0x3  }
0x267: {  	[tilespmem:v41+s25+$0x0] =	vst.idx.msk $0xffff, v38  }
0x268: {  	v38 =	vld.idx.msk [tilespmem:v39+s13+$0x0], $0xffff;
	v39 =	vor.u32 s24, v31  }
0x269: {  	v40 =	vor.u32 v16, v40;
	v39 =	vand.u32 $0x7F, v39  }
0x26a: {  	v41 =	vor.u32 v39, v35;
	_ =	sdelay $0x3  }
0x26b: {  	[tilespmem:v40+s25+$0x0] =	vst.idx.msk $0xffff, v38  }
0x26c: {  	v40 =	vor.u32 v11, v36;
	v38 =	vld.idx.msk [tilespmem:v41+s13+$0x0], $0xffff  }
0x26d: {  	v41 =	vor.u32 v17, v40  }
0x26e: {  	v39 =	vor.u32 v39, v37;
	_ =	sdelay $0x3  }
0x26f: {  	[tilespmem:v41+s25+$0x0] =	vst.idx.msk $0xffff, v38  }
0x270: {  	v38 =	vld.idx.msk [tilespmem:v39+s13+$0x0], $0xffff;
	v39 =	vor.u32 s24, v32  }
0x271: {  	v40 =	vor.u32 v18, v40;
	v39 =	vand.u32 $0x7F, v39  }
0x272: {  	v41 =	vor.u32 v39, v35;
	_ =	sdelay $0x3  }
0x273: {  	[tilespmem:v40+s25+$0x0] =	vst.idx.msk $0xffff, v38  }
0x274: {  	v40 =	vor.u32 v7, v36;
	v38 =	vld.idx.msk [tilespmem:v41+s13+$0x0], $0xffff  }
0x275: {  	v41 =	vor.u32 v19, v40  }
0x276: {  	v39 =	vor.u32 v39, v37;
	_ =	sdelay $0x3  }
0x277: {  	[tilespmem:v41+s25+$0x0] =	vst.idx.msk $0xffff, v38  }
0x278: {  	v38 =	vld.idx.msk [tilespmem:v39+s13+$0x0], $0xffff;
	v39 =	vor.u32 s24, v33;
	s24 =	smov.u32 s26  }
0x279: {  	v40 =	vor.u32 v20, v40;
	v39 =	vand.u32 $0x7F, v39  }
0x27a: {  	v35 =	vor.u32 v39, v35;
	_ =	sdelay $0x3  }
0x27b: {  	[tilespmem:v40+s25+$0x0] =	vst.idx.msk $0xffff, v38  }
0x27c: {  	v36 =	vor.u32 v3, v36;
	v35 =	vld.idx.msk [tilespmem:v35+s13+$0x0], $0xffff  }
.Ltmp7:
0x27d: {  	v38 =	vor.u32 v21, v36;
	(pc) =	sbr.rel @p2 .LBB2_9-.Ltmp7, $2  }
0x27e: {  	v37 =	vor.u32 v39, v37;
	_ =	sdelay $0x2  }
0x27f: {  	s26 =	sadd.s32 $0x10, s26;
	v39 =	vmov s24  }
0x280: {  	_ =	sdelay $0x2  }
0x281: {  	v39 =	vshll.u32 v39, $0x3  }
0x282: {  	[tilespmem:v38+s25+$0x0] =	vst.idx.msk $0xffff, v35;
	v53 =	vor.u32 s24, v52;
	v54 =	vand.u32 $0xC00, v39  }
0x283: {  	v40 =	vor.u32 v22, v36;
	v37 =	vld.idx.msk [tilespmem:v37+s13+$0x0], $0xffff;
	v55 =	vand.u32 $0x7F, v53;
	v35 =	vor.u32 v24, v54  }
0x284: {  	v41 =	vor.u32 v55, v35  }
0x285: {  	s23 =	sadd.s32 $0x4, s23  }
0x286: {  	v56 =	vmov s23  }
0x287: {  	v36 =	vshll.u32 v56, $0x7  }
0x288: {  	v34 =	vor.u32 v57, v36;
	[tilespmem:v40+s25+$0x0] =	vst.idx.msk $0xffff, v37  }
0x289: {  	v42 =	vor.u32 v15, v34;
	v37 =	vor.u32 v25, v54;
	v41 =	vld.idx.msk [tilespmem:v41+s13+$0x0], $0xffff  }
0x28a: {  	v38 =	vor.u32 v55, v37;
	_ =	sdelay $0x2  }
0x28b: {  	s23 =	simm.s32 $0xC000  }
0x28c: {  	v46 =	vor.u32 s24, v58;
	[tilespmem:v42+s23+$0x0] =	vst.idx.msk $0xffff, v41  }
0x28d: {  	v39 =	vand.u32 $0x7F, v46;
	v40 =	vor.u32 v16, v34;
	v38 =	vld.idx.msk [tilespmem:v38+s13+$0x0], $0xffff  }
0x28e: {  	v47 =	vor.u32 v39, v35;
	_ =	sdelay $0x3  }
0x28f: {  	v48 =	vor.u32 v14, v36;
	[tilespmem:v40+s23+$0x0] =	vst.idx.msk $0xffff, v38  }
0x290: {  	v49 =	vor.u32 v17, v48;
	v40 =	vld.idx.msk [tilespmem:v47+s13+$0x0], $0xffff  }
0x291: {  	v39 =	vor.u32 v39, v37;
	_ =	sdelay $0x3  }
0x292: {  	v50 =	vor.u32 s24, v59;
	[tilespmem:v49+s23+$0x0] =	vst.idx.msk $0xffff, v40  }
0x293: {  	v38 =	vor.u32 v18, v48;
	v40 =	vand.u32 $0x7F, v50;
	v39 =	vld.idx.msk [tilespmem:v39+s13+$0x0], $0xffff  }
0x294: {  	v51 =	vor.u32 v40, v35;
	_ =	sdelay $0x3  }
0x295: {  	v53 =	vor.u32 v10, v36;
	[tilespmem:v38+s23+$0x0] =	vst.idx.msk $0xffff, v39  }
0x296: {  	v54 =	vor.u32 v19, v53;
	v39 =	vld.idx.msk [tilespmem:v51+s13+$0x0], $0xffff  }
0x297: {  	v40 =	vor.u32 v40, v37;
	_ =	sdelay $0x3  }
0x298: {  	v55 =	vor.u32 s24, v60;
	[tilespmem:v54+s23+$0x0] =	vst.idx.msk $0xffff, v39  }
0x299: {  	v38 =	vor.u32 v20, v53;
	v39 =	vand.u32 $0x7F, v55;
	v40 =	vld.idx.msk [tilespmem:v40+s13+$0x0], $0xffff  }
0x29a: {  	v56 =	vor.u32 v39, v35;
	_ =	sdelay $0x3  }
0x29b: {  	v34 =	vor.u32 v6, v36;
	[tilespmem:v38+s23+$0x0] =	vst.idx.msk $0xffff, v40  }
0x29c: {  	v44 =	vor.u32 v21, v34;
	v40 =	vld.idx.msk [tilespmem:v56+s13+$0x0], $0xffff  }
0x29d: {  	v39 =	vor.u32 v39, v37;
	_ =	sdelay $0x3  }
0x29e: {  	v46 =	vor.u32 s24, v61;
	[tilespmem:v44+s23+$0x0] =	vst.idx.msk $0xffff, v40  }
0x29f: {  	v38 =	vor.u32 v22, v34;
	v40 =	vand.u32 $0x7F, v46;
	v39 =	vld.idx.msk [tilespmem:v39+s13+$0x0], $0xffff  }
0x2a0: {  	v47 =	vor.u32 v40, v35;
	_ =	sdelay $0x3  }
0x2a1: {  	v48 =	vor.u32 v2, v36;
	[tilespmem:v38+s23+$0x0] =	vst.idx.msk $0xffff, v39  }
0x2a2: {  	v49 =	vor.u32 v15, v48;
	v39 =	vld.idx.msk [tilespmem:v47+s13+$0x0], $0xffff  }
0x2a3: {  	v40 =	vor.u32 v40, v37;
	_ =	sdelay $0x3  }
0x2a4: {  	v50 =	vor.u32 s24, v62;
	[tilespmem:v49+s23+$0x0] =	vst.idx.msk $0xffff, v39  }
0x2a5: {  	v38 =	vor.u32 v16, v48;
	v39 =	vand.u32 $0x7F, v50;
	v40 =	vld.idx.msk [tilespmem:v40+s13+$0x0], $0xffff  }
0x2a6: {  	v51 =	vor.u32 v39, v35;
	_ =	sdelay $0x3  }
0x2a7: {  	v53 =	vor.u32 v13, v36;
	[tilespmem:v38+s23+$0x0] =	vst.idx.msk $0xffff, v40  }
0x2a8: {  	v54 =	vor.u32 v17, v53;
	v40 =	vld.idx.msk [tilespmem:v51+s13+$0x0], $0xffff  }
0x2a9: {  	v39 =	vor.u32 v39, v37;
	_ =	sdelay $0x3  }
0x2aa: {  	v55 =	vor.u32 s24, v63;
	[tilespmem:v54+s23+$0x0] =	vst.idx.msk $0xffff, v40  }
0x2ab: {  	v38 =	vor.u32 v18, v53;
	v40 =	vand.u32 $0x7F, v55;
	v39 =	vld.idx.msk [tilespmem:v39+s13+$0x0], $0xffff  }
0x2ac: {  	v56 =	vor.u32 v40, v35;
	_ =	sdelay $0x3  }
0x2ad: {  	v34 =	vor.u32 v9, v36;
	[tilespmem:v38+s23+$0x0] =	vst.idx.msk $0xffff, v39  }
0x2ae: {  	v44 =	vor.u32 v19, v34;
	v39 =	vld.idx.msk [tilespmem:v56+s13+$0x0], $0xffff  }
0x2af: {  	v40 =	vor.u32 v40, v37;
	_ =	sdelay $0x3  }
0x2b0: {  	v46 =	vor.u32 s24, v26;
	[tilespmem:v44+s23+$0x0] =	vst.idx.msk $0xffff, v39  }
0x2b1: {  	v38 =	vor.u32 v20, v34;
	v39 =	vand.u32 $0x7F, v46;
	v40 =	vld.idx.msk [tilespmem:v40+s13+$0x0], $0xffff  }
0x2b2: {  	v47 =	vor.u32 v39, v35;
	_ =	sdelay $0x3  }
0x2b3: {  	v48 =	vor.u32 v5, v36;
	[tilespmem:v38+s23+$0x0] =	vst.idx.msk $0xffff, v40  }
0x2b4: {  	v49 =	vor.u32 v21, v48;
	v40 =	vld.idx.msk [tilespmem:v47+s13+$0x0], $0xffff  }
0x2b5: {  	v39 =	vor.u32 v39, v37;
	_ =	sdelay $0x3  }
0x2b6: {  	v50 =	vor.u32 s24, v23;
	[tilespmem:v49+s23+$0x0] =	vst.idx.msk $0xffff, v40  }
0x2b7: {  	v38 =	vor.u32 v22, v48;
	v40 =	vand.u32 $0x7F, v50;
	v39 =	vld.idx.msk [tilespmem:v39+s13+$0x0], $0xffff  }
0x2b8: {  	v51 =	vor.u32 v40, v35;
	_ =	sdelay $0x3  }
0x2b9: {  	v53 =	vor.u32 v1, v36;
	[tilespmem:v38+s23+$0x0] =	vst.idx.msk $0xffff, v39  }
0x2ba: {  	v54 =	vor.u32 v15, v53;
	v39 =	vld.idx.msk [tilespmem:v51+s13+$0x0], $0xffff  }
0x2bb: {  	v40 =	vor.u32 v40, v37;
	_ =	sdelay $0x3  }
0x2bc: {  	v55 =	vor.u32 s24, v27;
	[tilespmem:v54+s23+$0x0] =	vst.idx.msk $0xffff, v39  }
0x2bd: {  	v38 =	vor.u32 v16, v53;
	v39 =	vand.u32 $0x7F, v55;
	v40 =	vld.idx.msk [tilespmem:v40+s13+$0x0], $0xffff  }
0x2be: {  	v56 =	vor.u32 v39, v35;
	_ =	sdelay $0x3  }
0x2bf: {  	v34 =	vor.u32 v12, v36;
	[tilespmem:v38+s23+$0x0] =	vst.idx.msk $0xffff, v40  }
0x2c0: {  	v44 =	vor.u32 v17, v34;
	v40 =	vld.idx.msk [tilespmem:v56+s13+$0x0], $0xffff  }
0x2c1: {  	v39 =	vor.u32 v39, v37;
	_ =	sdelay $0x3  }
0x2c2: {  	v46 =	vor.u32 s24, v28;
	[tilespmem:v44+s23+$0x0] =	vst.idx.msk $0xffff, v40  }
0x2c3: {  	v38 =	vor.u32 v18, v34;
	v40 =	vand.u32 $0x7F, v46;
	v39 =	vld.idx.msk [tilespmem:v39+s13+$0x0], $0xffff  }
0x2c4: {  	v47 =	vor.u32 v40, v35;
	_ =	sdelay $0x3  }
0x2c5: {  	v48 =	vor.u32 v8, v36;
	[tilespmem:v38+s23+$0x0] =	vst.idx.msk $0xffff, v39  }
0x2c6: {  	v49 =	vor.u32 v19, v48;
	v39 =	vld.idx.msk [tilespmem:v47+s13+$0x0], $0xffff  }
0x2c7: {  	v40 =	vor.u32 v40, v37;
	_ =	sdelay $0x3  }
0x2c8: {  	v50 =	vor.u32 s24, v29;
	[tilespmem:v49+s23+$0x0] =	vst.idx.msk $0xffff, v39  }
0x2c9: {  	v38 =	vor.u32 v20, v48;
	v39 =	vand.u32 $0x7F, v50;
	v40 =	vld.idx.msk [tilespmem:v40+s13+$0x0], $0xffff  }
0x2ca: {  	v51 =	vor.u32 v39, v35;
	_ =	sdelay $0x3  }
0x2cb: {  	v53 =	vor.u32 v4, v36;
	[tilespmem:v38+s23+$0x0] =	vst.idx.msk $0xffff, v40  }
0x2cc: {  	v54 =	vor.u32 v21, v53;
	v40 =	vld.idx.msk [tilespmem:v51+s13+$0x0], $0xffff  }
0x2cd: {  	v39 =	vor.u32 v39, v37;
	_ =	sdelay $0x3  }
0x2ce: {  	v55 =	vor.u32 s24, v30;
	[tilespmem:v54+s23+$0x0] =	vst.idx.msk $0xffff, v40  }
0x2cf: {  	v38 =	vor.u32 v22, v53;
	v40 =	vand.u32 $0x7F, v55;
	v39 =	vld.idx.msk [tilespmem:v39+s13+$0x0], $0xffff  }
0x2d0: {  	v56 =	vor.u32 v40, v35;
	_ =	sdelay $0x3  }
0x2d1: {  	v34 =	vor.u32 v0, v36;
	[tilespmem:v38+s23+$0x0] =	vst.idx.msk $0xffff, v39  }
0x2d2: {  	v44 =	vor.u32 v15, v34;
	v39 =	vld.idx.msk [tilespmem:v56+s13+$0x0], $0xffff  }
0x2d3: {  	v40 =	vor.u32 v40, v37;
	_ =	sdelay $0x3  }
0x2d4: {  	v46 =	vor.u32 s24, v31;
	[tilespmem:v44+s23+$0x0] =	vst.idx.msk $0xffff, v39  }
0x2d5: {  	v38 =	vor.u32 v16, v34;
	v39 =	vand.u32 $0x7F, v46;
	v40 =	vld.idx.msk [tilespmem:v40+s13+$0x0], $0xffff  }
0x2d6: {  	v47 =	vor.u32 v39, v35;
	_ =	sdelay $0x3  }
0x2d7: {  	v48 =	vor.u32 v11, v36;
	[tilespmem:v38+s23+$0x0] =	vst.idx.msk $0xffff, v40  }
0x2d8: {  	v49 =	vor.u32 v17, v48;
	v40 =	vld.idx.msk [tilespmem:v47+s13+$0x0], $0xffff  }
0x2d9: {  	v39 =	vor.u32 v39, v37;
	_ =	sdelay $0x3  }
0x2da: {  	v50 =	vor.u32 s24, v32;
	[tilespmem:v49+s23+$0x0] =	vst.idx.msk $0xffff, v40  }
0x2db: {  	v38 =	vor.u32 v18, v48;
	v40 =	vand.u32 $0x7F, v50;
	v39 =	vld.idx.msk [tilespmem:v39+s13+$0x0], $0xffff  }
0x2dc: {  	v51 =	vor.u32 v40, v35;
	_ =	sdelay $0x3  }
0x2dd: {  	v53 =	vor.u32 v7, v36;
	[tilespmem:v38+s23+$0x0] =	vst.idx.msk $0xffff, v39  }
0x2de: {  	v54 =	vor.u32 v19, v53;
	v39 =	vld.idx.msk [tilespmem:v51+s13+$0x0], $0xffff  }
0x2df: {  	v40 =	vor.u32 v40, v37;
	_ =	sdelay $0x3  }
0x2e0: {  	v55 =	vor.u32 s24, v33;
	[tilespmem:v54+s23+$0x0] =	vst.idx.msk $0xffff, v39  }
0x2e1: {  	v38 =	vor.u32 v20, v53;
	v39 =	vand.u32 $0x7F, v55;
	v40 =	vld.idx.msk [tilespmem:v40+s13+$0x0], $0xffff  }
0x2e2: {  	v35 =	vor.u32 v39, v35;
	_ =	sdelay $0x3  }
0x2e3: {  	v36 =	vor.u32 v3, v36;
	[tilespmem:v38+s23+$0x0] =	vst.idx.msk $0xffff, v40  }
0x2e4: {  	v56 =	vor.u32 v21, v36;
	v35 =	vld.idx.msk [tilespmem:v35+s13+$0x0], $0xffff  }
0x2e5: {  	v37 =	vor.u32 v39, v37;
	_ =	sdelay $0x3  }
0x2e6: {  	[tilespmem:v56+s23+$0x0] =	vst.idx.msk $0xffff, v35  }
0x2e7: {  	v36 =	vor.u32 v22, v36;
	v35 =	vld.idx.msk [tilespmem:v37+s13+$0x0], $0xffff  }
.Ltmp8:
0x2e8: {  	_ = 	snop;
	(pc) =	sbr.rel .LBB2_11-.Ltmp8, $2  }
0x2e9: {  	_ =	sdelay $0x2  }
0x2ea: {  	[tilespmem:v36+s23+$0x0] =	vst.idx.msk $0xffff, v35  }
.LBB2_3:
0x2eb: {  	p3 =	sgt.u32 s22, $0x7A0  }
.Ltmp9:
0x2ec: {  	_ = 	snop;
	(pc) =	sbr.rel @p3 .LBB2_12-.Ltmp9, $4  }
0x2ed: {  	s23 =	simm.s32 @!p2 $0x3  }
0x2ee: {  	_ =	swait.ge @!p2 [sflag:s23], $0x4000  }
0x2ef: {  	[sflag:s23] =	ssyncset.done @!p2 $0x0  }
0x2f0: {  	[sflag:s23] =	ssyncadd.s32 @!p2 $0xFFFFC000  }
0x2f1: {  	s23 =	simm.s32 $0x0  }
0x2f2: {  	v35 =	vmov s23  }
0x2f3: {  	v35 =	vshll.u32 v35, $0x3  }
0x2f4: {  	v36 =	vor.u32 s23, v52;
	v37 =	vand.u32 $0xC00, v35  }
0x2f5: {  	v38 =	vand.u32 $0x7F, v36;
	v35 =	vor.u32 v24, v37  }
0x2f6: {  	_ =	swait.ge [sflag:s19], $0x4000;
	v39 =	vor.u32 v38, v35  }
0x2f7: {  	p2 =	sgt.u32 s22, $0x780;
	[sflag:s19] =	ssyncset.done $0x0  }
0x2f8: {  	s24 =	sshll.u32 @!p2 s22, $0x9;
	v46 =	vmov s23;
	s25 =	simm.s32 @!p2 $0x1000;
	s26 =	simm.s32 @!p2 $0x7A1400  }
0x2f9: {  	s28 =	simm.s32 @!p2 $0x4000;
	[sflag:s19] =	ssyncadd.s32 $0xFFFFC000;
	s24 =	sadd.s32 @!p2 s24, s6;
	v36 =	vshll.u32 v46, $0x7  }
0x2fa: {  	[tilespmem:s28], [sflag:$0x2] =	stream.strided.gather @!p2 [hbm4b:s24+s25], $0x4000, s26, s25, $0x38;
	v40 =	vor.u32 v57, v36;
	[tilespmem:$0x11800] =	vst v63  }
0x2fb: {  	v41 =	vor.u32 v15, v40;
	v37 =	vor.u32 v25, v37;
	v39 =	vld.idx.msk [tilespmem:v39+s2+$0x0], $0xffff  }
0x2fc: {  	v38 =	vor.u32 v38, v37;
	_ =	sdelay $0x2  }
0x2fd: {  	s25 =	simm.s32 $0x8000  }
0x2fe: {  	v47 =	vor.u32 s23, v58;
	[tilespmem:v41+s25+$0x0] =	vst.idx.msk $0xffff, v39  }
0x2ff: {  	v40 =	vor.u32 v16, v40;
	v39 =	vand.u32 $0x7F, v47;
	v38 =	vld.idx.msk [tilespmem:v38+s2+$0x0], $0xffff  }
0x300: {  	v48 =	vor.u32 v39, v35;
	_ =	sdelay $0x3  }
0x301: {  	v49 =	vor.u32 v14, v36;
	[tilespmem:v40+s25+$0x0] =	vst.idx.msk $0xffff, v38  }
0x302: {  	v50 =	vor.u32 v17, v49;
	v40 =	vld.idx.msk [tilespmem:v48+s2+$0x0], $0xffff  }
0x303: {  	v39 =	vor.u32 v39, v37;
	_ =	sdelay $0x3  }
0x304: {  	v51 =	vor.u32 s23, v59;
	[tilespmem:v50+s25+$0x0] =	vst.idx.msk $0xffff, v40  }
0x305: {  	v38 =	vor.u32 v18, v49;
	v40 =	vand.u32 $0x7F, v51;
	v39 =	vld.idx.msk [tilespmem:v39+s2+$0x0], $0xffff  }
0x306: {  	v53 =	vor.u32 v40, v35;
	_ =	sdelay $0x3  }
0x307: {  	v54 =	vor.u32 v10, v36;
	[tilespmem:v38+s25+$0x0] =	vst.idx.msk $0xffff, v39  }
0x308: {  	v55 =	vor.u32 v19, v54;
	v39 =	vld.idx.msk [tilespmem:v53+s2+$0x0], $0xffff  }
0x309: {  	v40 =	vor.u32 v40, v37;
	_ =	sdelay $0x3  }
0x30a: {  	v56 =	vor.u32 s23, v60;
	[tilespmem:v55+s25+$0x0] =	vst.idx.msk $0xffff, v39  }
0x30b: {  	v38 =	vor.u32 v20, v54;
	v39 =	vand.u32 $0x7F, v56;
	v40 =	vld.idx.msk [tilespmem:v40+s2+$0x0], $0xffff  }
0x30c: {  	v34 =	vor.u32 v39, v35;
	_ =	sdelay $0x3  }
0x30d: {  	v44 =	vor.u32 v6, v36;
	[tilespmem:v38+s25+$0x0] =	vst.idx.msk $0xffff, v40  }
0x30e: {  	v46 =	vor.u32 v21, v44;
	v40 =	vld.idx.msk [tilespmem:v34+s2+$0x0], $0xffff  }
0x30f: {  	v39 =	vor.u32 v39, v37;
	_ =	sdelay $0x3  }
0x310: {  	v47 =	vor.u32 s23, v61;
	[tilespmem:v46+s25+$0x0] =	vst.idx.msk $0xffff, v40  }
0x311: {  	v38 =	vor.u32 v22, v44;
	v40 =	vand.u32 $0x7F, v47;
	v39 =	vld.idx.msk [tilespmem:v39+s2+$0x0], $0xffff  }
0x312: {  	v48 =	vor.u32 v40, v35;
	_ =	sdelay $0x3  }
0x313: {  	v49 =	vor.u32 v2, v36;
	[tilespmem:v38+s25+$0x0] =	vst.idx.msk $0xffff, v39  }
0x314: {  	v50 =	vor.u32 v15, v49;
	v39 =	vld.idx.msk [tilespmem:v48+s2+$0x0], $0xffff  }
0x315: {  	v40 =	vor.u32 v40, v37;
	_ =	sdelay $0x3  }
0x316: {  	v51 =	vor.u32 s23, v62;
	[tilespmem:v50+s25+$0x0] =	vst.idx.msk $0xffff, v39  }
0x317: {  	v38 =	vor.u32 v16, v49;
	v39 =	vand.u32 $0x7F, v51;
	v40 =	vld.idx.msk [tilespmem:v40+s2+$0x0], $0xffff  }
0x318: {  	v53 =	vor.u32 v39, v35;
	_ =	sdelay $0x3  }
0x319: {  	v54 =	vor.u32 v13, v36;
	[tilespmem:v38+s25+$0x0] =	vst.idx.msk $0xffff, v40  }
0x31a: {  	v55 =	vor.u32 v17, v54;
	v40 =	vld.idx.msk [tilespmem:v53+s2+$0x0], $0xffff  }
0x31b: {  	v39 =	vor.u32 v39, v37;
	_ =	sdelay $0x3  }
0x31c: {  	v56 =	vor.u32 s23, v63;
	[tilespmem:v55+s25+$0x0] =	vst.idx.msk $0xffff, v40  }
0x31d: {  	v38 =	vor.u32 v18, v54;
	v40 =	vand.u32 $0x7F, v56;
	v39 =	vld.idx.msk [tilespmem:v39+s2+$0x0], $0xffff  }
0x31e: {  	v34 =	vor.u32 v40, v35;
	_ =	sdelay $0x3  }
0x31f: {  	v44 =	vor.u32 v9, v36;
	[tilespmem:v38+s25+$0x0] =	vst.idx.msk $0xffff, v39  }
0x320: {  	v46 =	vor.u32 v19, v44;
	v39 =	vld.idx.msk [tilespmem:v34+s2+$0x0], $0xffff  }
0x321: {  	v40 =	vor.u32 v40, v37;
	_ =	sdelay $0x3  }
0x322: {  	v47 =	vor.u32 s23, v26;
	[tilespmem:v46+s25+$0x0] =	vst.idx.msk $0xffff, v39  }
0x323: {  	v38 =	vor.u32 v20, v44;
	v39 =	vand.u32 $0x7F, v47;
	v40 =	vld.idx.msk [tilespmem:v40+s2+$0x0], $0xffff  }
0x324: {  	v48 =	vor.u32 v39, v35;
	_ =	sdelay $0x3  }
0x325: {  	v49 =	vor.u32 v5, v36;
	[tilespmem:v38+s25+$0x0] =	vst.idx.msk $0xffff, v40  }
0x326: {  	v50 =	vor.u32 v21, v49;
	v40 =	vld.idx.msk [tilespmem:v48+s2+$0x0], $0xffff  }
0x327: {  	v39 =	vor.u32 v39, v37;
	_ =	sdelay $0x3  }
0x328: {  	v51 =	vor.u32 s23, v23;
	[tilespmem:v50+s25+$0x0] =	vst.idx.msk $0xffff, v40  }
0x329: {  	v38 =	vor.u32 v22, v49;
	v40 =	vand.u32 $0x7F, v51;
	v39 =	vld.idx.msk [tilespmem:v39+s2+$0x0], $0xffff  }
0x32a: {  	v53 =	vor.u32 v40, v35;
	_ =	sdelay $0x3  }
0x32b: {  	v54 =	vor.u32 v1, v36;
	[tilespmem:v38+s25+$0x0] =	vst.idx.msk $0xffff, v39  }
0x32c: {  	v55 =	vor.u32 v15, v54;
	v39 =	vld.idx.msk [tilespmem:v53+s2+$0x0], $0xffff  }
0x32d: {  	v40 =	vor.u32 v40, v37;
	_ =	sdelay $0x3  }
0x32e: {  	v56 =	vor.u32 s23, v27;
	[tilespmem:v55+s25+$0x0] =	vst.idx.msk $0xffff, v39  }
0x32f: {  	v38 =	vor.u32 v16, v54;
	v39 =	vand.u32 $0x7F, v56;
	v40 =	vld.idx.msk [tilespmem:v40+s2+$0x0], $0xffff  }
0x330: {  	v34 =	vor.u32 v39, v35;
	_ =	sdelay $0x3  }
0x331: {  	v44 =	vor.u32 v12, v36;
	[tilespmem:v38+s25+$0x0] =	vst.idx.msk $0xffff, v40  }
0x332: {  	v46 =	vor.u32 v17, v44;
	v40 =	vld.idx.msk [tilespmem:v34+s2+$0x0], $0xffff  }
0x333: {  	v39 =	vor.u32 v39, v37;
	_ =	sdelay $0x3  }
0x334: {  	v47 =	vor.u32 s23, v28;
	[tilespmem:v46+s25+$0x0] =	vst.idx.msk $0xffff, v40  }
0x335: {  	v38 =	vor.u32 v18, v44;
	v40 =	vand.u32 $0x7F, v47;
	v39 =	vld.idx.msk [tilespmem:v39+s2+$0x0], $0xffff  }
0x336: {  	v48 =	vor.u32 v40, v35;
	_ =	sdelay $0x3  }
0x337: {  	v49 =	vor.u32 v8, v36;
	[tilespmem:v38+s25+$0x0] =	vst.idx.msk $0xffff, v39  }
0x338: {  	v50 =	vor.u32 v19, v49;
	v39 =	vld.idx.msk [tilespmem:v48+s2+$0x0], $0xffff  }
0x339: {  	v40 =	vor.u32 v40, v37;
	_ =	sdelay $0x3  }
0x33a: {  	v51 =	vor.u32 s23, v29;
	[tilespmem:v50+s25+$0x0] =	vst.idx.msk $0xffff, v39  }
0x33b: {  	v38 =	vor.u32 v20, v49;
	v39 =	vand.u32 $0x7F, v51;
	v40 =	vld.idx.msk [tilespmem:v40+s2+$0x0], $0xffff  }
0x33c: {  	v53 =	vor.u32 v39, v35;
	_ =	sdelay $0x3  }
0x33d: {  	v54 =	vor.u32 v4, v36;
	[tilespmem:v38+s25+$0x0] =	vst.idx.msk $0xffff, v40  }
0x33e: {  	v55 =	vor.u32 v21, v54;
	v40 =	vld.idx.msk [tilespmem:v53+s2+$0x0], $0xffff  }
0x33f: {  	v39 =	vor.u32 v39, v37;
	_ =	sdelay $0x3  }
0x340: {  	v56 =	vor.u32 s23, v30;
	[tilespmem:v55+s25+$0x0] =	vst.idx.msk $0xffff, v40  }
0x341: {  	v38 =	vor.u32 v22, v54;
	v40 =	vand.u32 $0x7F, v56;
	v39 =	vld.idx.msk [tilespmem:v39+s2+$0x0], $0xffff  }
0x342: {  	v34 =	vor.u32 v40, v35;
	_ =	sdelay $0x3  }
0x343: {  	v44 =	vor.u32 v0, v36;
	[tilespmem:v38+s25+$0x0] =	vst.idx.msk $0xffff, v39  }
0x344: {  	v46 =	vor.u32 v15, v44;
	v39 =	vld.idx.msk [tilespmem:v34+s2+$0x0], $0xffff  }
0x345: {  	v40 =	vor.u32 v40, v37;
	_ =	sdelay $0x3  }
0x346: {  	v47 =	vor.u32 s23, v31;
	[tilespmem:v46+s25+$0x0] =	vst.idx.msk $0xffff, v39  }
0x347: {  	v38 =	vor.u32 v16, v44;
	v39 =	vand.u32 $0x7F, v47;
	v40 =	vld.idx.msk [tilespmem:v40+s2+$0x0], $0xffff  }
0x348: {  	v48 =	vor.u32 v39, v35;
	_ =	sdelay $0x3  }
0x349: {  	v49 =	vor.u32 v11, v36;
	[tilespmem:v38+s25+$0x0] =	vst.idx.msk $0xffff, v40  }
0x34a: {  	v50 =	vor.u32 v17, v49;
	v40 =	vld.idx.msk [tilespmem:v48+s2+$0x0], $0xffff  }
0x34b: {  	v39 =	vor.u32 v39, v37;
	_ =	sdelay $0x3  }
0x34c: {  	v51 =	vor.u32 s23, v32;
	[tilespmem:v50+s25+$0x0] =	vst.idx.msk $0xffff, v40  }
0x34d: {  	v38 =	vor.u32 v18, v49;
	v40 =	vand.u32 $0x7F, v51;
	v39 =	vld.idx.msk [tilespmem:v39+s2+$0x0], $0xffff  }
0x34e: {  	v53 =	vor.u32 v40, v35;
	_ =	sdelay $0x3  }
0x34f: {  	v54 =	vor.u32 v7, v36;
	[tilespmem:v38+s25+$0x0] =	vst.idx.msk $0xffff, v39  }
0x350: {  	v55 =	vor.u32 v19, v54;
	v39 =	vld.idx.msk [tilespmem:v53+s2+$0x0], $0xffff  }
0x351: {  	v40 =	vor.u32 v40, v37;
	_ =	sdelay $0x3  }
0x352: {  	v56 =	vor.u32 s23, v33;
	[tilespmem:v55+s25+$0x0] =	vst.idx.msk $0xffff, v39  }
0x353: {  	v38 =	vor.u32 v20, v54;
	v39 =	vand.u32 $0x7F, v56;
	v40 =	vld.idx.msk [tilespmem:v40+s2+$0x0], $0xffff  }
0x354: {  	v35 =	vor.u32 v39, v35;
	_ =	sdelay $0x3  }
0x355: {  	v36 =	vor.u32 v3, v36;
	[tilespmem:v38+s25+$0x0] =	vst.idx.msk $0xffff, v40  }
0x356: {  	v38 =	vor.u32 v21, v36;
	v35 =	vld.idx.msk [tilespmem:v35+s2+$0x0], $0xffff  }
0x357: {  	v37 =	vor.u32 v39, v37;
	_ =	sdelay $0x1  }
0x358: {  	s24 =	simm.s32 $0x10  }
0x359: {  	s26 =	simm.s32 $0x20;
	v39 =	vmov s24  }
.LBB2_5:
0x35a: {  	p2 =	seq.s32 s26, $0x1F0;
	v39 =	vshll.u32 v39, $0x3;
	[tilespmem:v38+s25+$0x0] =	vst.idx.msk $0xffff, v35  }
0x35b: {  	v35 =	vor.u32 s24, v52;
	v38 =	vand.u32 $0xC00, v39;
	v37 =	vld.idx.msk [tilespmem:v37+s2+$0x0], $0xffff  }
0x35c: {  	v40 =	vor.u32 v22, v36;
	v39 =	vand.u32 $0x7F, v35;
	v35 =	vor.u32 v24, v38  }
0x35d: {  	v41 =	vor.u32 v39, v35;
	_ =	sdelay $0x1  }
0x35e: {  	s23 =	sadd.s32 $0x4, s23  }
0x35f: {  	v36 =	vmov s23  }
0x360: {  	v36 =	vshll.u32 v36, $0x7;
	[tilespmem:v40+s25+$0x0] =	vst.idx.msk $0xffff, v37  }
0x361: {  	v40 =	vld.idx.msk [tilespmem:v41+s2+$0x0], $0xffff;
	v41 =	vor.u32 v57, v36  }
0x362: {  	v37 =	vor.u32 v25, v38;
	v42 =	vor.u32 v15, v41  }
0x363: {  	v38 =	vor.u32 v39, v37;
	_ =	sdelay $0x3  }
0x364: {  	[tilespmem:v42+s25+$0x0] =	vst.idx.msk $0xffff, v40  }
0x365: {  	v39 =	vor.u32 s24, v58;
	v38 =	vld.idx.msk [tilespmem:v38+s2+$0x0], $0xffff  }
0x366: {  	v39 =	vand.u32 $0x7F, v39;
	v40 =	vor.u32 v16, v41  }
0x367: {  	v41 =	vor.u32 v39, v35;
	_ =	sdelay $0x3  }
0x368: {  	[tilespmem:v40+s25+$0x0] =	vst.idx.msk $0xffff, v38  }
0x369: {  	v40 =	vor.u32 v14, v36;
	v38 =	vld.idx.msk [tilespmem:v41+s2+$0x0], $0xffff  }
0x36a: {  	v41 =	vor.u32 v17, v40  }
0x36b: {  	v39 =	vor.u32 v39, v37;
	_ =	sdelay $0x3  }
0x36c: {  	[tilespmem:v41+s25+$0x0] =	vst.idx.msk $0xffff, v38  }
0x36d: {  	v38 =	vld.idx.msk [tilespmem:v39+s2+$0x0], $0xffff;
	v39 =	vor.u32 s24, v59  }
0x36e: {  	v40 =	vor.u32 v18, v40;
	v39 =	vand.u32 $0x7F, v39  }
0x36f: {  	v41 =	vor.u32 v39, v35;
	_ =	sdelay $0x3  }
0x370: {  	[tilespmem:v40+s25+$0x0] =	vst.idx.msk $0xffff, v38  }
0x371: {  	v40 =	vor.u32 v10, v36;
	v38 =	vld.idx.msk [tilespmem:v41+s2+$0x0], $0xffff  }
0x372: {  	v41 =	vor.u32 v19, v40  }
0x373: {  	v39 =	vor.u32 v39, v37;
	_ =	sdelay $0x3  }
0x374: {  	[tilespmem:v41+s25+$0x0] =	vst.idx.msk $0xffff, v38  }
0x375: {  	v38 =	vld.idx.msk [tilespmem:v39+s2+$0x0], $0xffff;
	v39 =	vor.u32 s24, v60  }
0x376: {  	v40 =	vor.u32 v20, v40;
	v39 =	vand.u32 $0x7F, v39  }
0x377: {  	v41 =	vor.u32 v39, v35;
	_ =	sdelay $0x3  }
0x378: {  	[tilespmem:v40+s25+$0x0] =	vst.idx.msk $0xffff, v38  }
0x379: {  	v40 =	vor.u32 v6, v36;
	v38 =	vld.idx.msk [tilespmem:v41+s2+$0x0], $0xffff  }
0x37a: {  	v41 =	vor.u32 v21, v40  }
0x37b: {  	v39 =	vor.u32 v39, v37;
	_ =	sdelay $0x3  }
0x37c: {  	[tilespmem:v41+s25+$0x0] =	vst.idx.msk $0xffff, v38  }
0x37d: {  	v38 =	vld.idx.msk [tilespmem:v39+s2+$0x0], $0xffff;
	v39 =	vor.u32 s24, v61  }
0x37e: {  	v40 =	vor.u32 v22, v40;
	v39 =	vand.u32 $0x7F, v39  }
0x37f: {  	v41 =	vor.u32 v39, v35;
	_ =	sdelay $0x3  }
0x380: {  	[tilespmem:v40+s25+$0x0] =	vst.idx.msk $0xffff, v38  }
0x381: {  	v40 =	vor.u32 v2, v36;
	v38 =	vld.idx.msk [tilespmem:v41+s2+$0x0], $0xffff  }
0x382: {  	v41 =	vor.u32 v15, v40  }
0x383: {  	v39 =	vor.u32 v39, v37;
	_ =	sdelay $0x3  }
0x384: {  	[tilespmem:v41+s25+$0x0] =	vst.idx.msk $0xffff, v38  }
0x385: {  	v38 =	vld.idx.msk [tilespmem:v39+s2+$0x0], $0xffff;
	v39 =	vor.u32 s24, v62  }
0x386: {  	v40 =	vor.u32 v16, v40;
	v39 =	vand.u32 $0x7F, v39  }
0x387: {  	v41 =	vor.u32 v39, v35;
	_ =	sdelay $0x3  }
0x388: {  	[tilespmem:v40+s25+$0x0] =	vst.idx.msk $0xffff, v38  }
0x389: {  	v40 =	vor.u32 v13, v36;
	v38 =	vld.idx.msk [tilespmem:v41+s2+$0x0], $0xffff  }
0x38a: {  	v41 =	vor.u32 v17, v40  }
0x38b: {  	v39 =	vor.u32 v39, v37;
	_ =	sdelay $0x3  }
0x38c: {  	[tilespmem:v41+s25+$0x0] =	vst.idx.msk $0xffff, v38  }
0x38d: {  	v38 =	vld.idx.msk [tilespmem:v39+s2+$0x0], $0xffff;
	v39 =	vor.u32 s24, v63  }
0x38e: {  	v40 =	vor.u32 v18, v40;
	v39 =	vand.u32 $0x7F, v39  }
0x38f: {  	v41 =	vor.u32 v39, v35;
	_ =	sdelay $0x3  }
0x390: {  	[tilespmem:v40+s25+$0x0] =	vst.idx.msk $0xffff, v38  }
0x391: {  	v40 =	vor.u32 v9, v36;
	v38 =	vld.idx.msk [tilespmem:v41+s2+$0x0], $0xffff  }
0x392: {  	v41 =	vor.u32 v19, v40  }
0x393: {  	v39 =	vor.u32 v39, v37;
	_ =	sdelay $0x3  }
0x394: {  	[tilespmem:v41+s25+$0x0] =	vst.idx.msk $0xffff, v38  }
0x395: {  	v38 =	vld.idx.msk [tilespmem:v39+s2+$0x0], $0xffff;
	v39 =	vor.u32 s24, v26  }
0x396: {  	v40 =	vor.u32 v20, v40;
	v39 =	vand.u32 $0x7F, v39  }
0x397: {  	v41 =	vor.u32 v39, v35;
	_ =	sdelay $0x3  }
0x398: {  	[tilespmem:v40+s25+$0x0] =	vst.idx.msk $0xffff, v38  }
0x399: {  	v40 =	vor.u32 v5, v36;
	v38 =	vld.idx.msk [tilespmem:v41+s2+$0x0], $0xffff  }
0x39a: {  	v41 =	vor.u32 v21, v40  }
0x39b: {  	v39 =	vor.u32 v39, v37;
	_ =	sdelay $0x3  }
0x39c: {  	[tilespmem:v41+s25+$0x0] =	vst.idx.msk $0xffff, v38  }
0x39d: {  	v38 =	vld.idx.msk [tilespmem:v39+s2+$0x0], $0xffff;
	v39 =	vor.u32 s24, v23  }
0x39e: {  	v40 =	vor.u32 v22, v40;
	v39 =	vand.u32 $0x7F, v39  }
0x39f: {  	v41 =	vor.u32 v39, v35;
	_ =	sdelay $0x3  }
0x3a0: {  	[tilespmem:v40+s25+$0x0] =	vst.idx.msk $0xffff, v38  }
0x3a1: {  	v40 =	vor.u32 v1, v36;
	v38 =	vld.idx.msk [tilespmem:v41+s2+$0x0], $0xffff  }
0x3a2: {  	v41 =	vor.u32 v15, v40  }
0x3a3: {  	v39 =	vor.u32 v39, v37;
	_ =	sdelay $0x3  }
0x3a4: {  	[tilespmem:v41+s25+$0x0] =	vst.idx.msk $0xffff, v38  }
0x3a5: {  	v38 =	vld.idx.msk [tilespmem:v39+s2+$0x0], $0xffff;
	v39 =	vor.u32 s24, v27  }
0x3a6: {  	v40 =	vor.u32 v16, v40;
	v39 =	vand.u32 $0x7F, v39  }
0x3a7: {  	v41 =	vor.u32 v39, v35;
	_ =	sdelay $0x3  }
0x3a8: {  	[tilespmem:v40+s25+$0x0] =	vst.idx.msk $0xffff, v38  }
0x3a9: {  	v40 =	vor.u32 v12, v36;
	v38 =	vld.idx.msk [tilespmem:v41+s2+$0x0], $0xffff  }
0x3aa: {  	v41 =	vor.u32 v17, v40  }
0x3ab: {  	v39 =	vor.u32 v39, v37;
	_ =	sdelay $0x3  }
0x3ac: {  	[tilespmem:v41+s25+$0x0] =	vst.idx.msk $0xffff, v38  }
0x3ad: {  	v38 =	vld.idx.msk [tilespmem:v39+s2+$0x0], $0xffff;
	v39 =	vor.u32 s24, v28  }
0x3ae: {  	v40 =	vor.u32 v18, v40;
	v39 =	vand.u32 $0x7F, v39  }
0x3af: {  	v41 =	vor.u32 v39, v35;
	_ =	sdelay $0x3  }
0x3b0: {  	[tilespmem:v40+s25+$0x0] =	vst.idx.msk $0xffff, v38  }
0x3b1: {  	v40 =	vor.u32 v8, v36;
	v38 =	vld.idx.msk [tilespmem:v41+s2+$0x0], $0xffff  }
0x3b2: {  	v41 =	vor.u32 v19, v40  }
0x3b3: {  	v39 =	vor.u32 v39, v37;
	_ =	sdelay $0x3  }
0x3b4: {  	[tilespmem:v41+s25+$0x0] =	vst.idx.msk $0xffff, v38  }
0x3b5: {  	v38 =	vld.idx.msk [tilespmem:v39+s2+$0x0], $0xffff;
	v39 =	vor.u32 s24, v29  }
0x3b6: {  	v40 =	vor.u32 v20, v40;
	v39 =	vand.u32 $0x7F, v39  }
0x3b7: {  	v41 =	vor.u32 v39, v35;
	_ =	sdelay $0x3  }
0x3b8: {  	[tilespmem:v40+s25+$0x0] =	vst.idx.msk $0xffff, v38  }
0x3b9: {  	v40 =	vor.u32 v4, v36;
	v38 =	vld.idx.msk [tilespmem:v41+s2+$0x0], $0xffff  }
0x3ba: {  	v41 =	vor.u32 v21, v40  }
0x3bb: {  	v39 =	vor.u32 v39, v37;
	_ =	sdelay $0x3  }
0x3bc: {  	[tilespmem:v41+s25+$0x0] =	vst.idx.msk $0xffff, v38  }
0x3bd: {  	v38 =	vld.idx.msk [tilespmem:v39+s2+$0x0], $0xffff;
	v39 =	vor.u32 s24, v30  }
0x3be: {  	v40 =	vor.u32 v22, v40;
	v39 =	vand.u32 $0x7F, v39  }
0x3bf: {  	v41 =	vor.u32 v39, v35;
	_ =	sdelay $0x3  }
0x3c0: {  	[tilespmem:v40+s25+$0x0] =	vst.idx.msk $0xffff, v38  }
0x3c1: {  	v40 =	vor.u32 v0, v36;
	v38 =	vld.idx.msk [tilespmem:v41+s2+$0x0], $0xffff  }
0x3c2: {  	v41 =	vor.u32 v15, v40  }
0x3c3: {  	v39 =	vor.u32 v39, v37;
	_ =	sdelay $0x3  }
0x3c4: {  	[tilespmem:v41+s25+$0x0] =	vst.idx.msk $0xffff, v38  }
0x3c5: {  	v38 =	vld.idx.msk [tilespmem:v39+s2+$0x0], $0xffff;
	v39 =	vor.u32 s24, v31  }
0x3c6: {  	v40 =	vor.u32 v16, v40;
	v39 =	vand.u32 $0x7F, v39  }
0x3c7: {  	v41 =	vor.u32 v39, v35;
	_ =	sdelay $0x3  }
0x3c8: {  	[tilespmem:v40+s25+$0x0] =	vst.idx.msk $0xffff, v38  }
0x3c9: {  	v40 =	vor.u32 v11, v36;
	v38 =	vld.idx.msk [tilespmem:v41+s2+$0x0], $0xffff  }
0x3ca: {  	v41 =	vor.u32 v17, v40  }
0x3cb: {  	v39 =	vor.u32 v39, v37;
	_ =	sdelay $0x3  }
0x3cc: {  	[tilespmem:v41+s25+$0x0] =	vst.idx.msk $0xffff, v38  }
0x3cd: {  	v38 =	vld.idx.msk [tilespmem:v39+s2+$0x0], $0xffff;
	v39 =	vor.u32 s24, v32  }
0x3ce: {  	v40 =	vor.u32 v18, v40;
	v39 =	vand.u32 $0x7F, v39  }
0x3cf: {  	v41 =	vor.u32 v39, v35;
	_ =	sdelay $0x3  }
0x3d0: {  	[tilespmem:v40+s25+$0x0] =	vst.idx.msk $0xffff, v38  }
0x3d1: {  	v40 =	vor.u32 v7, v36;
	v38 =	vld.idx.msk [tilespmem:v41+s2+$0x0], $0xffff  }
0x3d2: {  	v41 =	vor.u32 v19, v40  }
0x3d3: {  	v39 =	vor.u32 v39, v37;
	_ =	sdelay $0x3  }
0x3d4: {  	[tilespmem:v41+s25+$0x0] =	vst.idx.msk $0xffff, v38  }
0x3d5: {  	v38 =	vld.idx.msk [tilespmem:v39+s2+$0x0], $0xffff;
	v39 =	vor.u32 s24, v33;
	s24 =	smov.u32 s26  }
0x3d6: {  	v40 =	vor.u32 v20, v40;
	v39 =	vand.u32 $0x7F, v39  }
0x3d7: {  	v35 =	vor.u32 v39, v35;
	_ =	sdelay $0x3  }
0x3d8: {  	[tilespmem:v40+s25+$0x0] =	vst.idx.msk $0xffff, v38  }
0x3d9: {  	v36 =	vor.u32 v3, v36;
	v35 =	vld.idx.msk [tilespmem:v35+s2+$0x0], $0xffff  }
.Ltmp10:
0x3da: {  	v38 =	vor.u32 v21, v36;
	(pc) =	sbr.rel @!p2 .LBB2_5-.Ltmp10, $2  }
0x3db: {  	v37 =	vor.u32 v39, v37;
	_ =	sdelay $0x2  }
0x3dc: {  	s26 =	sadd.s32 $0x10, s26;
	v39 =	vmov s24  }
.Ltmp11:
0x3dd: {  	_ = 	snop;
	(pc) =	sbr.rel .LBB2_6-.Ltmp11, $1  }
0x3de: {  	_ =	sdelay $0x3  }
.LBB2_15:
0x3df: {  	s21 =	simm.s32 $0x0  }
0x3e0: {  	v41 =	vmov v35;
	v35 =	vor.u32 s21, v45  }
0x3e1: {  	[tilespmem:s16], [sflag:$0x4] =	stream.strided.gather [hbm4b:s7+s15], $0x1000, s11, s15, $0x38;
	v44 =	vmov s21;
	[tilespmem:$0x11800] =	vst v63  }
0x3e2: {  	_ =	swait.ge [sflag:s17], $0x1000  }
0x3e3: {  	v46 =	vmov v36;
	[sflag:s17] =	ssyncset.done $0x0;
	v36 =	vshll.u32 v44, $0x7  }
0x3e4: {  	[sflag:s17] =	ssyncadd.s32 $0xFFFFF000;
	v44 =	vmov v37;
	v37 =	vor.u32 v57, v36  }
0x3e5: {  	v42 =	vmovc v38;
	v47 =	vmov v39;
	v45 =	vor.u32 $0x800, v45;
	v39 =	vor.u32 v15, v37;
	v38 =	vld.idx.msk [tilespmem:v35+s16+$0x0], $0xffff  }
0x3e6: {  	v35 =	vor.u32 s21, v45;
	_ =	sdelay $0x3  }
0x3e7: {  	[tilespmem:v39+s18+$0x0] =	vst.idx.msk $0xffff, v38  }
0x3e8: {  	v54 =	vmov v34;
	v37 =	vor.u32 v16, v37;
	v38 =	vld.idx.msk [tilespmem:v35+s16+$0x0], $0xffff  }
0x3e9: {  	v43 =	vor.u32 s21, v54;
	_ =	sdelay $0x3  }
0x3ea: {  	v51 =	vor.u32 v14, v36;
	[tilespmem:v37+s18+$0x0] =	vst.idx.msk $0xffff, v38  }
0x3eb: {  	v34 =	vmov v45;
	v45 =	vmov v54;
	v54 =	vor.u32 v17, v51;
	v38 =	vld.idx.msk [tilespmem:v43+s16+$0x0], $0xffff  }
0x3ec: {  	v35 =	vor.u32 s21, v53;
	_ =	sdelay $0x3  }
0x3ed: {  	[tilespmem:v54+s18+$0x0] =	vst.idx.msk $0xffff, v38  }
0x3ee: {  	v48 =	vmov v40;
	v37 =	vor.u32 v18, v51;
	v38 =	vld.idx.msk [tilespmem:v35+s16+$0x0], $0xffff  }
0x3ef: {  	v51 =	vor.u32 s21, v48;
	_ =	sdelay $0x3  }
0x3f0: {  	[tilespmem:v37+s18+$0x0] =	vst.idx.msk $0xffff, v38;
	v37 =	vor.u32 v10, v36  }
0x3f1: {  	v38 =	vld.idx.msk [tilespmem:v51+s16+$0x0], $0xffff;
	v39 =	vor.u32 v19, v37  }
0x3f2: {  	v54 =	vor.u32 s21, v41;
	_ =	sdelay $0x3  }
0x3f3: {  	[tilespmem:v39+s18+$0x0] =	vst.idx.msk $0xffff, v38  }
0x3f4: {  	v37 =	vor.u32 v20, v37;
	v38 =	vld.idx.msk [tilespmem:v54+s16+$0x0], $0xffff  }
0x3f5: {  	v43 =	vor.u32 s21, v46;
	_ =	sdelay $0x3  }
0x3f6: {  	[tilespmem:v37+s18+$0x0] =	vst.idx.msk $0xffff, v38;
	v37 =	vor.u32 v6, v36  }
0x3f7: {  	v35 =	vmov v48;
	v48 =	vmov v46;
	v38 =	vld.idx.msk [tilespmem:v43+s16+$0x0], $0xffff;
	v46 =	vor.u32 v21, v37  }
0x3f8: {  	v54 =	vor.u32 s21, v44;
	_ =	sdelay $0x3  }
0x3f9: {  	[tilespmem:v46+s18+$0x0] =	vst.idx.msk $0xffff, v38  }
0x3fa: {  	v37 =	vor.u32 v22, v37;
	v38 =	vld.idx.msk [tilespmem:v54+s16+$0x0], $0xffff  }
0x3fb: {  	v43 =	vor.u32 s21, v42;
	_ =	sdelay $0x3  }
0x3fc: {  	v44 =	vor.u32 v2, v36;
	[tilespmem:v37+s18+$0x0] =	vst.idx.msk $0xffff, v38  }
0x3fd: {  	v46 =	vor.u32 v15, v44;
	v38 =	vld.idx.msk [tilespmem:v43+s16+$0x0], $0xffff  }
0x3fe: {  	v54 =	vor.u32 s21, v47  }
0x3ff: {  	v56 =	vld [tilespmem:$0x1FD80];
	_ =	sdelay $0x2  }
0x400: {  	[tilespmem:v46+s18+$0x0] =	vst.idx.msk $0xffff, v38  }
0x401: {  	v37 =	vor.u32 v16, v44;
	v38 =	vld.idx.msk [tilespmem:v54+s16+$0x0], $0xffff  }
0x402: {  	v43 =	vor.u32 s21, v56  }
0x403: {  	v47 =	vld [tilespmem:$0x1FD90];
	_ =	sdelay $0x2  }
0x404: {  	v44 =	vor.u32 v13, v36;
	[tilespmem:v37+s18+$0x0] =	vst.idx.msk $0xffff, v38  }
0x405: {  	v46 =	vor.u32 v17, v44;
	v38 =	vld.idx.msk [tilespmem:v43+s16+$0x0], $0xffff  }
0x406: {  	v40 =	vor.u32 s21, v47  }
0x407: {  	v54 =	vld [tilespmem:$0x1FDA0];
	_ =	sdelay $0x2  }
0x408: {  	[tilespmem:v46+s18+$0x0] =	vst.idx.msk $0xffff, v38  }
0x409: {  	v37 =	vor.u32 v18, v44;
	v38 =	vld.idx.msk [tilespmem:v40+s16+$0x0], $0xffff  }
0x40a: {  	v39 =	vor.u32 s21, v54  }
0x40b: {  	v49 =	vld [tilespmem:$0x1FDB0];
	_ =	sdelay $0x2  }
0x40c: {  	v56 =	vor.u32 v9, v36;
	[tilespmem:v37+s18+$0x0] =	vst.idx.msk $0xffff, v38  }
0x40d: {  	v46 =	vor.u32 v19, v56;
	v38 =	vld.idx.msk [tilespmem:v39+s16+$0x0], $0xffff  }
0x40e: {  	v51 =	vmov v41;
	v41 =	vmov v47;
	v47 =	vor.u32 s21, v49  }
0x40f: {  	v50 =	vld [tilespmem:$0x1FDC0];
	_ =	sdelay $0x2  }
0x410: {  	[tilespmem:v46+s18+$0x0] =	vst.idx.msk $0xffff, v38  }
0x411: {  	v37 =	vor.u32 v20, v56;
	v38 =	vld.idx.msk [tilespmem:v47+s16+$0x0], $0xffff  }
0x412: {  	v43 =	vmov v49;
	v49 =	vor.u32 s21, v50  }
0x413: {  	v56 =	vld [tilespmem:$0x1FDD0];
	_ =	sdelay $0x2  }
0x414: {  	v50 =	vor.u32 v5, v36;
	[tilespmem:v37+s18+$0x0] =	vst.idx.msk $0xffff, v38  }
0x415: {  	v44 =	vmov v54;
	v54 =	vor.u32 v21, v50;
	v38 =	vld.idx.msk [tilespmem:v49+s16+$0x0], $0xffff  }
0x416: {  	v40 =	vor.u32 s21, v56  }
0x417: {  	v55 =	vld [tilespmem:$0x1FDE0];
	_ =	sdelay $0x2  }
0x418: {  	[tilespmem:v54+s18+$0x0] =	vst.idx.msk $0xffff, v38  }
0x419: {  	v37 =	vor.u32 v22, v50;
	v38 =	vld.idx.msk [tilespmem:v40+s16+$0x0], $0xffff  }
0x41a: {  	v46 =	vor.u32 s21, v55  }
0x41b: {  	v50 =	vld [tilespmem:$0x1FFF0];
	_ =	sdelay $0x2  }
0x41c: {  	v47 =	vor.u32 v1, v36;
	[tilespmem:v37+s18+$0x0] =	vst.idx.msk $0xffff, v38  }
0x41d: {  	v49 =	vor.u32 v15, v47;
	v38 =	vld.idx.msk [tilespmem:v46+s16+$0x0], $0xffff  }
0x41e: {  	v40 =	vor.u32 s21, v50  }
0x41f: {  	v42 =	vld [tilespmem:$0x1FF80];
	_ =	sdelay $0x2  }
0x420: {  	[tilespmem:v49+s18+$0x0] =	vst.idx.msk $0xffff, v38  }
0x421: {  	v37 =	vor.u32 v16, v47;
	v38 =	vld.idx.msk [tilespmem:v40+s16+$0x0], $0xffff  }
0x422: {  	v39 =	vor.u32 s21, v42  }
0x423: {  	v49 =	vld [tilespmem:$0x1FF50];
	_ =	sdelay $0x2  }
0x424: {  	v46 =	vor.u32 v12, v36;
	[tilespmem:v37+s18+$0x0] =	vst.idx.msk $0xffff, v38  }
0x425: {  	v47 =	vor.u32 v17, v46;
	v38 =	vld.idx.msk [tilespmem:v39+s16+$0x0], $0xffff  }
0x426: {  	v40 =	vor.u32 s21, v49  }
0x427: {  	v54 =	vmov v50;
	v50 =	vld [tilespmem:$0x1FFE0];
	_ =	sdelay $0x2  }
0x428: {  	[tilespmem:v47+s18+$0x0] =	vst.idx.msk $0xffff, v38  }
0x429: {  	v37 =	vor.u32 v18, v46;
	v38 =	vld.idx.msk [tilespmem:v40+s16+$0x0], $0xffff  }
0x42a: {  	v39 =	vor.u32 s21, v50  }
0x42b: {  	v47 =	vld [tilespmem:$0x1FFD0];
	_ =	sdelay $0x2  }
0x42c: {  	v55 =	vor.u32 v8, v36;
	[tilespmem:v37+s18+$0x0] =	vst.idx.msk $0xffff, v38  }
0x42d: {  	v56 =	vor.u32 v19, v55;
	v38 =	vld.idx.msk [tilespmem:v39+s16+$0x0], $0xffff  }
0x42e: {  	v40 =	vor.u32 s21, v47  }
0x42f: {  	v46 =	vmov v50;
	v50 =	vld [tilespmem:$0x1FDF0];
	_ =	sdelay $0x2  }
0x430: {  	[tilespmem:v56+s18+$0x0] =	vst.idx.msk $0xffff, v38  }
0x431: {  	v37 =	vor.u32 v20, v55;
	v38 =	vld.idx.msk [tilespmem:v40+s16+$0x0], $0xffff  }
0x432: {  	v39 =	vor.u32 s21, v50  }
0x433: {  	v42 =	vmov v49;
	v49 =	vmov v47;
	v47 =	vmov v50;
	v50 =	vld [tilespmem:$0x1FF90];
	_ =	sdelay $0x2  }
0x434: {  	v55 =	vor.u32 v4, v36;
	[tilespmem:v37+s18+$0x0] =	vst.idx.msk $0xffff, v38  }
0x435: {  	v56 =	vor.u32 v21, v55;
	v38 =	vld.idx.msk [tilespmem:v39+s16+$0x0], $0xffff  }
0x436: {  	v40 =	vor.u32 s21, v50  }
0x437: {  	v37 =	vor.u32 v22, v55;
	v55 =	vld [tilespmem:$0x1FE00];
	_ =	sdelay $0x2  }
0x438: {  	[tilespmem:v56+s18+$0x0] =	vst.idx.msk $0xffff, v38  }
0x439: {  	v38 =	vld.idx.msk [tilespmem:v40+s16+$0x0], $0xffff  }
0x43a: {  	v39 =	vor.u32 s21, v55  }
0x43b: {  	v55 =	vld [tilespmem:$0x1FFC0];
	_ =	sdelay $0x2  }
0x43c: {  	v56 =	vor.u32 v0, v36;
	[tilespmem:v37+s18+$0x0] =	vst.idx.msk $0xffff, v38  }
0x43d: {  	v50 =	vor.u32 v15, v56;
	v38 =	vld.idx.msk [tilespmem:v39+s16+$0x0], $0xffff  }
0x43e: {  	v40 =	vor.u32 s21, v55  }
0x43f: {  	v37 =	vor.u32 v16, v56;
	v56 =	vld [tilespmem:$0x1FFB0];
	_ =	sdelay $0x2  }
0x440: {  	[tilespmem:v50+s18+$0x0] =	vst.idx.msk $0xffff, v38  }
0x441: {  	v38 =	vld.idx.msk [tilespmem:v40+s16+$0x0], $0xffff  }
0x442: {  	v39 =	vor.u32 s21, v56  }
0x443: {  	v56 =	vld [tilespmem:$0x1FF60];
	_ =	sdelay $0x2  }
0x444: {  	v50 =	vor.u32 v11, v36;
	[tilespmem:v37+s18+$0x0] =	vst.idx.msk $0xffff, v38  }
0x445: {  	v55 =	vor.u32 v17, v50;
	v38 =	vld.idx.msk [tilespmem:v39+s16+$0x0], $0xffff  }
0x446: {  	v40 =	vor.u32 s21, v56  }
0x447: {  	v37 =	vor.u32 v18, v50;
	v50 =	vld [tilespmem:$0x1FF70];
	_ =	sdelay $0x2  }
0x448: {  	[tilespmem:v55+s18+$0x0] =	vst.idx.msk $0xffff, v38  }
0x449: {  	v38 =	vld.idx.msk [tilespmem:v40+s16+$0x0], $0xffff  }
0x44a: {  	v39 =	vor.u32 s21, v50  }
0x44b: {  	v55 =	vld [tilespmem:$0x1FE10];
	_ =	sdelay $0x2  }
0x44c: {  	[tilespmem:v37+s18+$0x0] =	vst.idx.msk $0xffff, v38;
	v37 =	vor.u32 v7, v36  }
0x44d: {  	v38 =	vld.idx.msk [tilespmem:v39+s16+$0x0], $0xffff;
	v39 =	vor.u32 v19, v37  }
0x44e: {  	v56 =	vmov v50;
	v50 =	vor.u32 s21, v55;
	_ =	sdelay $0x3  }
0x44f: {  	[tilespmem:v39+s18+$0x0] =	vst.idx.msk $0xffff, v38  }
0x450: {  	v38 =	vld.idx.msk [tilespmem:v50+s16+$0x0], $0xffff  }
0x451: {  	v50 =	vld [tilespmem:$0x1FE20];
	_ =	sdelay $0x3  }
0x452: {  	v37 =	vor.u32 v20, v37  }
0x453: {  	v39 =	vor.u32 s21, v50  }
0x454: {  	v50 =	vld [tilespmem:$0x1FE30];
	_ =	sdelay $0x2  }
0x455: {  	v36 =	vor.u32 v3, v36;
	[tilespmem:v37+s18+$0x0] =	vst.idx.msk $0xffff, v38  }
0x456: {  	v38 =	vor.u32 v21, v36;
	v37 =	vld.idx.msk [tilespmem:v39+s16+$0x0], $0xffff  }
0x457: {  	v39 =	vor.u32 s21, v50  }
0x458: {  	v40 =	vld [tilespmem:$0x1FFA0];
	_ =	sdelay $0x2  }
0x459: {  	[tilespmem:v38+s18+$0x0] =	vst.idx.msk $0xffff, v37  }
0x45a: {  	s22 =	simm.s32 $0x10;
	v37 =	vld.idx.msk [tilespmem:v39+s16+$0x0], $0xffff;
	v39 =	vor.u32 v22, v36  }
0x45b: {  	s23 =	simm.s32 $0x20;
	v38 =	vor.u32 s22, v40  }
.LBB2_16:
0x45c: {  	_ = 	snop  }
0x45d: {  	s21 =	sadd.s32 $0x4, s21  }
0x45e: {  	v36 =	vmov s21  }
0x45f: {  	[tilespmem:v39+s18+$0x0] =	vst.idx.msk $0xffff, v37;
	v36 =	vshll.u32 v36, $0x7  }
0x460: {  	v37 =	vld.idx.msk [tilespmem:v38+s16+$0x0], $0xffff;
	v38 =	vor.u32 v57, v36  }
0x461: {  	v39 =	vor.u32 v15, v38  }
0x462: {  	v40 =	vor.u32 s22, v34;
	_ =	sdelay $0x3  }
0x463: {  	[tilespmem:v39+s18+$0x0] =	vst.idx.msk $0xffff, v37  }
0x464: {  	v38 =	vor.u32 v16, v38;
	v37 =	vld.idx.msk [tilespmem:v40+s16+$0x0], $0xffff  }
0x465: {  	v39 =	vor.u32 s22, v45;
	_ =	sdelay $0x3  }
0x466: {  	[tilespmem:v38+s18+$0x0] =	vst.idx.msk $0xffff, v37;
	v38 =	vor.u32 v14, v36  }
0x467: {  	v37 =	vld.idx.msk [tilespmem:v39+s16+$0x0], $0xffff;
	v39 =	vor.u32 v17, v38  }
0x468: {  	v40 =	vor.u32 s22, v53;
	_ =	sdelay $0x3  }
0x469: {  	[tilespmem:v39+s18+$0x0] =	vst.idx.msk $0xffff, v37  }
0x46a: {  	v38 =	vor.u32 v18, v38;
	v37 =	vld.idx.msk [tilespmem:v40+s16+$0x0], $0xffff  }
0x46b: {  	v39 =	vor.u32 s22, v35;
	_ =	sdelay $0x3  }
0x46c: {  	[tilespmem:v38+s18+$0x0] =	vst.idx.msk $0xffff, v37;
	v38 =	vor.u32 v10, v36  }
0x46d: {  	v37 =	vld.idx.msk [tilespmem:v39+s16+$0x0], $0xffff;
	v39 =	vor.u32 v19, v38  }
0x46e: {  	v40 =	vor.u32 s22, v51;
	_ =	sdelay $0x3  }
0x46f: {  	[tilespmem:v39+s18+$0x0] =	vst.idx.msk $0xffff, v37  }
0x470: {  	v38 =	vor.u32 v20, v38;
	v37 =	vld.idx.msk [tilespmem:v40+s16+$0x0], $0xffff  }
0x471: {  	v39 =	vor.u32 s22, v48;
	_ =	sdelay $0x3  }
0x472: {  	v40 =	vld [tilespmem:$0x1FF20];
	[tilespmem:v38+s18+$0x0] =	vst.idx.msk $0xffff, v37;
	v38 =	vor.u32 v6, v36  }
0x473: {  	v37 =	vld.idx.msk [tilespmem:v39+s16+$0x0], $0xffff;
	v39 =	vor.u32 v21, v38;
	_ =	sdelay $0x3  }
0x474: {  	v40 =	vor.u32 s22, v40  }
0x475: {  	[tilespmem:v39+s18+$0x0] =	vst.idx.msk $0xffff, v37;
	v39 =	vld [tilespmem:$0x1FF30];
	_ =	sdelay $0x3  }
0x476: {  	v38 =	vor.u32 v22, v38;
	v37 =	vld.idx.msk [tilespmem:v40+s16+$0x0], $0xffff  }
0x477: {  	v39 =	vor.u32 s22, v39;
	_ =	sdelay $0x3  }
0x478: {  	v40 =	vld [tilespmem:$0x1FF40];
	[tilespmem:v38+s18+$0x0] =	vst.idx.msk $0xffff, v37;
	v38 =	vor.u32 v2, v36  }
0x479: {  	v37 =	vld.idx.msk [tilespmem:v39+s16+$0x0], $0xffff;
	v39 =	vor.u32 v15, v38;
	_ =	sdelay $0x3  }
0x47a: {  	v40 =	vor.u32 s22, v40  }
0x47b: {  	[tilespmem:v39+s18+$0x0] =	vst.idx.msk $0xffff, v37;
	v39 =	vld [tilespmem:$0x1FD80];
	_ =	sdelay $0x3  }
0x47c: {  	v38 =	vor.u32 v16, v38;
	v37 =	vld.idx.msk [tilespmem:v40+s16+$0x0], $0xffff  }
0x47d: {  	v39 =	vor.u32 s22, v39;
	_ =	sdelay $0x3  }
0x47e: {  	[tilespmem:v38+s18+$0x0] =	vst.idx.msk $0xffff, v37;
	v38 =	vor.u32 v13, v36  }
0x47f: {  	v37 =	vld.idx.msk [tilespmem:v39+s16+$0x0], $0xffff;
	v39 =	vor.u32 v17, v38  }
0x480: {  	v40 =	vor.u32 s22, v41;
	_ =	sdelay $0x3  }
0x481: {  	[tilespmem:v39+s18+$0x0] =	vst.idx.msk $0xffff, v37  }
0x482: {  	v38 =	vor.u32 v18, v38;
	v37 =	vld.idx.msk [tilespmem:v40+s16+$0x0], $0xffff  }
0x483: {  	v39 =	vor.u32 s22, v44;
	_ =	sdelay $0x3  }
0x484: {  	[tilespmem:v38+s18+$0x0] =	vst.idx.msk $0xffff, v37;
	v38 =	vor.u32 v9, v36  }
0x485: {  	v37 =	vld.idx.msk [tilespmem:v39+s16+$0x0], $0xffff;
	v39 =	vor.u32 v19, v38;
	_ =	sdelay $0x3  }
0x486: {  	v40 =	vor.u32 s22, v43  }
0x487: {  	[tilespmem:v39+s18+$0x0] =	vst.idx.msk $0xffff, v37;
	v39 =	vld [tilespmem:$0x1FDC0];
	_ =	sdelay $0x3  }
0x488: {  	v38 =	vor.u32 v20, v38;
	v37 =	vld.idx.msk [tilespmem:v40+s16+$0x0], $0xffff  }
0x489: {  	v39 =	vor.u32 s22, v39;
	_ =	sdelay $0x3  }
0x48a: {  	v40 =	vld [tilespmem:$0x1FDD0];
	[tilespmem:v38+s18+$0x0] =	vst.idx.msk $0xffff, v37;
	v38 =	vor.u32 v5, v36  }
0x48b: {  	v37 =	vld.idx.msk [tilespmem:v39+s16+$0x0], $0xffff;
	v39 =	vor.u32 v21, v38;
	_ =	sdelay $0x3  }
0x48c: {  	v40 =	vor.u32 s22, v40  }
0x48d: {  	[tilespmem:v39+s18+$0x0] =	vst.idx.msk $0xffff, v37;
	v39 =	vld [tilespmem:$0x1FDE0];
	_ =	sdelay $0x3  }
0x48e: {  	v38 =	vor.u32 v22, v38;
	v37 =	vld.idx.msk [tilespmem:v40+s16+$0x0], $0xffff  }
0x48f: {  	v39 =	vor.u32 s22, v39;
	_ =	sdelay $0x3  }
0x490: {  	[tilespmem:v38+s18+$0x0] =	vst.idx.msk $0xffff, v37;
	v38 =	vor.u32 v1, v36  }
0x491: {  	v37 =	vld.idx.msk [tilespmem:v39+s16+$0x0], $0xffff;
	v39 =	vor.u32 v15, v38;
	_ =	sdelay $0x3  }
0x492: {  	v40 =	vor.u32 s22, v54  }
0x493: {  	[tilespmem:v39+s18+$0x0] =	vst.idx.msk $0xffff, v37;
	v39 =	vld [tilespmem:$0x1FF80];
	_ =	sdelay $0x3  }
0x494: {  	v38 =	vor.u32 v16, v38;
	v37 =	vld.idx.msk [tilespmem:v40+s16+$0x0], $0xffff  }
0x495: {  	v39 =	vor.u32 s22, v39;
	_ =	sdelay $0x3  }
0x496: {  	[tilespmem:v38+s18+$0x0] =	vst.idx.msk $0xffff, v37;
	v38 =	vor.u32 v12, v36  }
0x497: {  	v37 =	vld.idx.msk [tilespmem:v39+s16+$0x0], $0xffff;
	v39 =	vor.u32 v17, v38  }
0x498: {  	v40 =	vor.u32 s22, v42;
	_ =	sdelay $0x3  }
0x499: {  	[tilespmem:v39+s18+$0x0] =	vst.idx.msk $0xffff, v37  }
0x49a: {  	v38 =	vor.u32 v18, v38;
	v37 =	vld.idx.msk [tilespmem:v40+s16+$0x0], $0xffff  }
0x49b: {  	v39 =	vor.u32 s22, v46;
	_ =	sdelay $0x3  }
0x49c: {  	[tilespmem:v38+s18+$0x0] =	vst.idx.msk $0xffff, v37;
	v38 =	vor.u32 v8, v36  }
0x49d: {  	v37 =	vld.idx.msk [tilespmem:v39+s16+$0x0], $0xffff;
	v39 =	vor.u32 v19, v38  }
0x49e: {  	v40 =	vor.u32 s22, v49;
	_ =	sdelay $0x3  }
0x49f: {  	[tilespmem:v39+s18+$0x0] =	vst.idx.msk $0xffff, v37  }
0x4a0: {  	v38 =	vor.u32 v20, v38;
	v37 =	vld.idx.msk [tilespmem:v40+s16+$0x0], $0xffff  }
0x4a1: {  	v39 =	vor.u32 s22, v47;
	_ =	sdelay $0x3  }
0x4a2: {  	v40 =	vld [tilespmem:$0x1FF90];
	[tilespmem:v38+s18+$0x0] =	vst.idx.msk $0xffff, v37;
	v38 =	vor.u32 v4, v36  }
0x4a3: {  	v37 =	vld.idx.msk [tilespmem:v39+s16+$0x0], $0xffff;
	v39 =	vor.u32 v21, v38;
	_ =	sdelay $0x3  }
0x4a4: {  	v40 =	vor.u32 s22, v40  }
0x4a5: {  	[tilespmem:v39+s18+$0x0] =	vst.idx.msk $0xffff, v37;
	v39 =	vld [tilespmem:$0x1FE00];
	_ =	sdelay $0x3  }
0x4a6: {  	v38 =	vor.u32 v22, v38;
	v37 =	vld.idx.msk [tilespmem:v40+s16+$0x0], $0xffff  }
0x4a7: {  	v39 =	vor.u32 s22, v39;
	_ =	sdelay $0x3  }
0x4a8: {  	v40 =	vld [tilespmem:$0x1FFC0];
	[tilespmem:v38+s18+$0x0] =	vst.idx.msk $0xffff, v37;
	v38 =	vor.u32 v0, v36  }
0x4a9: {  	v37 =	vld.idx.msk [tilespmem:v39+s16+$0x0], $0xffff;
	v39 =	vor.u32 v15, v38;
	_ =	sdelay $0x3  }
0x4aa: {  	v40 =	vor.u32 s22, v40  }
0x4ab: {  	[tilespmem:v39+s18+$0x0] =	vst.idx.msk $0xffff, v37;
	v39 =	vld [tilespmem:$0x1FFB0];
	_ =	sdelay $0x3  }
0x4ac: {  	v38 =	vor.u32 v16, v38;
	v37 =	vld.idx.msk [tilespmem:v40+s16+$0x0], $0xffff  }
0x4ad: {  	v39 =	vor.u32 s22, v39  }
0x4ae: {  	v40 =	vld [tilespmem:$0x1FF60];
	_ =	sdelay $0x2  }
0x4af: {  	[tilespmem:v38+s18+$0x0] =	vst.idx.msk $0xffff, v37;
	v38 =	vor.u32 v11, v36  }
0x4b0: {  	v37 =	vld.idx.msk [tilespmem:v39+s16+$0x0], $0xffff;
	v39 =	vor.u32 v17, v38  }
0x4b1: {  	v40 =	vor.u32 s22, v40;
	_ =	sdelay $0x3  }
0x4b2: {  	[tilespmem:v39+s18+$0x0] =	vst.idx.msk $0xffff, v37  }
0x4b3: {  	v38 =	vor.u32 v18, v38;
	v37 =	vld.idx.msk [tilespmem:v40+s16+$0x0], $0xffff  }
0x4b4: {  	v39 =	vor.u32 s22, v56;
	_ =	sdelay $0x3  }
0x4b5: {  	[tilespmem:v38+s18+$0x0] =	vst.idx.msk $0xffff, v37;
	v38 =	vor.u32 v7, v36  }
0x4b6: {  	v37 =	vld.idx.msk [tilespmem:v39+s16+$0x0], $0xffff;
	v39 =	vor.u32 v19, v38  }
0x4b7: {  	v40 =	vor.u32 s22, v55;
	_ =	sdelay $0x3  }
0x4b8: {  	[tilespmem:v39+s18+$0x0] =	vst.idx.msk $0xffff, v37  }
0x4b9: {  	v37 =	vld.idx.msk [tilespmem:v40+s16+$0x0], $0xffff  }
0x4ba: {  	v40 =	vld [tilespmem:$0x1FE20];
	_ =	sdelay $0x3  }
0x4bb: {  	v38 =	vor.u32 v20, v38  }
0x4bc: {  	v39 =	vor.u32 s22, v40;
	_ =	sdelay $0x3  }
0x4bd: {  	v36 =	vor.u32 v3, v36;
	[tilespmem:v38+s18+$0x0] =	vst.idx.msk $0xffff, v37  }
0x4be: {  	v38 =	vor.u32 v21, v36;
	v37 =	vld.idx.msk [tilespmem:v39+s16+$0x0], $0xffff  }
0x4bf: {  	v39 =	vor.u32 s22, v50;
	_ =	sdelay $0x3  }
0x4c0: {  	[tilespmem:v38+s18+$0x0] =	vst.idx.msk $0xffff, v37  }
0x4c1: {  	v37 =	vld.idx.msk [tilespmem:v39+s16+$0x0], $0xffff  }
0x4c2: {  	p2 =	sne.s32 s23, $0x30;
	v39 =	vor.u32 v22, v36;
	v36 =	vld [tilespmem:$0x1FFA0]  }
.Ltmp12:
0x4c3: {  	_ = 	snop;
	(pc) =	sbr.rel @p2 .LBB2_16-.Ltmp12, $3  }
0x4c4: {  	_ =	sdelay $0x1  }
0x4c5: {  	s22 =	smov.u32 s23  }
0x4c6: {  	s23 =	sadd.s32 $0x10, s23;
	v38 =	vor.u32 s22, v36  }
0x4c7: {  	_ =	sdelay $0x3  }
0x4c8: {  	[tilespmem:v39+s18+$0x0] =	vst.idx.msk $0xffff, v37  }
0x4c9: {  	v38 =	vld.idx.msk [tilespmem:v38+s16+$0x0], $0xffff;
	_ =	sdelay $0x1  }
0x4ca: {  	s21 =	sadd.s32 $0x4, s21  }
0x4cb: {  	v36 =	vmov s21  }
0x4cc: {  	v36 =	vshll.u32 v36, $0x7  }
0x4cd: {  	v37 =	vor.u32 v57, v36;
	[tilespmem:$0x1FD70] =	vst v38  }
0x4ce: {  	v39 =	vor.u32 v15, v37;
	v38 =	vor.u32 s22, v34;
	v34 =	vld [tilespmem:$0x1FD70];
	_ =	sdelay $0x4  }
0x4cf: {  	[tilespmem:v39+s18+$0x0] =	vst.idx.msk $0xffff, v34  }
0x4d0: {  	v37 =	vor.u32 v16, v37;
	v39 =	vld.idx.msk [tilespmem:v38+s16+$0x0], $0xffff  }
0x4d1: {  	v34 =	vor.u32 s22, v45;
	_ =	sdelay $0x3  }
0x4d2: {  	v45 =	vor.u32 v14, v36;
	[tilespmem:v37+s18+$0x0] =	vst.idx.msk $0xffff, v39  }
0x4d3: {  	v37 =	vld.idx.msk [tilespmem:v34+s16+$0x0], $0xffff;
	v34 =	vor.u32 v17, v45  }
0x4d4: {  	v53 =	vor.u32 s22, v53;
	_ =	sdelay $0x3  }
0x4d5: {  	[tilespmem:v34+s18+$0x0] =	vst.idx.msk $0xffff, v37  }
0x4d6: {  	v34 =	vor.u32 v18, v45;
	v37 =	vld.idx.msk [tilespmem:v53+s16+$0x0], $0xffff  }
0x4d7: {  	v35 =	vor.u32 s22, v35;
	_ =	sdelay $0x3  }
0x4d8: {  	v53 =	vor.u32 v10, v36;
	[tilespmem:v34+s18+$0x0] =	vst.idx.msk $0xffff, v37  }
0x4d9: {  	v34 =	vor.u32 v19, v53;
	v37 =	vld.idx.msk [tilespmem:v35+s16+$0x0], $0xffff  }
0x4da: {  	v35 =	vor.u32 s22, v51;
	_ =	sdelay $0x3  }
0x4db: {  	[tilespmem:v34+s18+$0x0] =	vst.idx.msk $0xffff, v37  }
0x4dc: {  	v45 =	vor.u32 v20, v53;
	v37 =	vld.idx.msk [tilespmem:v35+s16+$0x0], $0xffff  }
0x4dd: {  	v51 =	vor.u32 s22, v48;
	_ =	sdelay $0x3  }
0x4de: {  	v48 =	vld [tilespmem:$0x1FF20];
	[tilespmem:v45+s18+$0x0] =	vst.idx.msk $0xffff, v37;
	v45 =	vor.u32 v6, v36  }
0x4df: {  	v37 =	vld.idx.msk [tilespmem:v51+s16+$0x0], $0xffff;
	v53 =	vor.u32 v21, v45;
	_ =	sdelay $0x3  }
0x4e0: {  	v51 =	vor.u32 s22, v48  }
0x4e1: {  	[tilespmem:v53+s18+$0x0] =	vst.idx.msk $0xffff, v37;
	v53 =	vor.u32 v22, v45;
	v45 =	vld [tilespmem:$0x1FF30];
	_ =	sdelay $0x3  }
0x4e2: {  	v37 =	vld.idx.msk [tilespmem:v51+s16+$0x0], $0xffff  }
0x4e3: {  	v48 =	vor.u32 s22, v45  }
0x4e4: {  	v39 =	vld [tilespmem:$0x1FF40];
	_ =	sdelay $0x2  }
0x4e5: {  	v51 =	vor.u32 v2, v36;
	[tilespmem:v53+s18+$0x0] =	vst.idx.msk $0xffff, v37  }
0x4e6: {  	v53 =	vor.u32 v15, v51;
	v37 =	vld.idx.msk [tilespmem:v48+s16+$0x0], $0xffff  }
0x4e7: {  	v45 =	vor.u32 s22, v39  }
0x4e8: {  	v48 =	vld [tilespmem:$0x1FD80];
	_ =	sdelay $0x2  }
0x4e9: {  	[tilespmem:v53+s18+$0x0] =	vst.idx.msk $0xffff, v37  }
0x4ea: {  	v35 =	vor.u32 v16, v51;
	v37 =	vld.idx.msk [tilespmem:v45+s16+$0x0], $0xffff  }
0x4eb: {  	v51 =	vor.u32 s22, v48;
	_ =	sdelay $0x3  }
0x4ec: {  	v53 =	vor.u32 v13, v36;
	[tilespmem:v35+s18+$0x0] =	vst.idx.msk $0xffff, v37  }
0x4ed: {  	v45 =	vor.u32 v17, v53;
	v37 =	vld.idx.msk [tilespmem:v51+s16+$0x0], $0xffff  }
0x4ee: {  	v48 =	vor.u32 s22, v41;
	_ =	sdelay $0x3  }
0x4ef: {  	[tilespmem:v45+s18+$0x0] =	vst.idx.msk $0xffff, v37  }
0x4f0: {  	v35 =	vor.u32 v18, v53;
	v37 =	vld.idx.msk [tilespmem:v48+s16+$0x0], $0xffff  }
0x4f1: {  	v51 =	vor.u32 s22, v44;
	_ =	sdelay $0x3  }
0x4f2: {  	v53 =	vor.u32 v9, v36;
	[tilespmem:v35+s18+$0x0] =	vst.idx.msk $0xffff, v37  }
0x4f3: {  	v34 =	vor.u32 v19, v53;
	v37 =	vld.idx.msk [tilespmem:v51+s16+$0x0], $0xffff  }
0x4f4: {  	v43 =	vor.u32 s22, v43  }
0x4f5: {  	v44 =	vld [tilespmem:$0x1FDC0];
	_ =	sdelay $0x2  }
0x4f6: {  	[tilespmem:v34+s18+$0x0] =	vst.idx.msk $0xffff, v37  }
0x4f7: {  	v35 =	vor.u32 v20, v53;
	v37 =	vld.idx.msk [tilespmem:v43+s16+$0x0], $0xffff  }
0x4f8: {  	v45 =	vor.u32 s22, v44  }
0x4f9: {  	v53 =	vld [tilespmem:$0x1FDD0];
	_ =	sdelay $0x2  }
0x4fa: {  	v48 =	vor.u32 v5, v36;
	[tilespmem:v35+s18+$0x0] =	vst.idx.msk $0xffff, v37  }
0x4fb: {  	v51 =	vor.u32 v21, v48;
	v37 =	vld.idx.msk [tilespmem:v45+s16+$0x0], $0xffff  }
0x4fc: {  	v34 =	vor.u32 s22, v53  }
0x4fd: {  	v39 =	vld [tilespmem:$0x1FDE0];
	_ =	sdelay $0x2  }
0x4fe: {  	[tilespmem:v51+s18+$0x0] =	vst.idx.msk $0xffff, v37  }
0x4ff: {  	v35 =	vor.u32 v22, v48;
	v37 =	vld.idx.msk [tilespmem:v34+s16+$0x0], $0xffff  }
0x500: {  	v43 =	vor.u32 s22, v39;
	_ =	sdelay $0x3  }
0x501: {  	v44 =	vor.u32 v1, v36;
	[tilespmem:v35+s18+$0x0] =	vst.idx.msk $0xffff, v37  }
0x502: {  	v45 =	vor.u32 v15, v44;
	v37 =	vld.idx.msk [tilespmem:v43+s16+$0x0], $0xffff  }
0x503: {  	v48 =	vor.u32 s22, v54  }
0x504: {  	v51 =	vld [tilespmem:$0x1FF80];
	_ =	sdelay $0x2  }
0x505: {  	[tilespmem:v45+s18+$0x0] =	vst.idx.msk $0xffff, v37  }
0x506: {  	v35 =	vor.u32 v16, v44;
	v37 =	vld.idx.msk [tilespmem:v48+s16+$0x0], $0xffff  }
0x507: {  	v53 =	vor.u32 s22, v51;
	_ =	sdelay $0x3  }
0x508: {  	v54 =	vor.u32 v12, v36;
	[tilespmem:v35+s18+$0x0] =	vst.idx.msk $0xffff, v37  }
0x509: {  	v34 =	vor.u32 v17, v54;
	v37 =	vld.idx.msk [tilespmem:v53+s16+$0x0], $0xffff  }
0x50a: {  	v43 =	vor.u32 s22, v42;
	_ =	sdelay $0x3  }
0x50b: {  	[tilespmem:v34+s18+$0x0] =	vst.idx.msk $0xffff, v37  }
0x50c: {  	v35 =	vor.u32 v18, v54;
	v37 =	vld.idx.msk [tilespmem:v43+s16+$0x0], $0xffff  }
0x50d: {  	v44 =	vor.u32 s22, v46;
	_ =	sdelay $0x3  }
0x50e: {  	v45 =	vor.u32 v8, v36;
	[tilespmem:v35+s18+$0x0] =	vst.idx.msk $0xffff, v37  }
0x50f: {  	v46 =	vor.u32 v19, v45;
	v37 =	vld.idx.msk [tilespmem:v44+s16+$0x0], $0xffff  }
0x510: {  	v48 =	vor.u32 s22, v49;
	_ =	sdelay $0x3  }
0x511: {  	[tilespmem:v46+s18+$0x0] =	vst.idx.msk $0xffff, v37  }
0x512: {  	v35 =	vor.u32 v20, v45;
	v37 =	vld.idx.msk [tilespmem:v48+s16+$0x0], $0xffff  }
0x513: {  	v49 =	vor.u32 s22, v47  }
0x514: {  	v54 =	vld [tilespmem:$0x1FF90];
	_ =	sdelay $0x2  }
0x515: {  	v51 =	vor.u32 v4, v36;
	[tilespmem:v35+s18+$0x0] =	vst.idx.msk $0xffff, v37  }
0x516: {  	v53 =	vor.u32 v21, v51;
	v37 =	vld.idx.msk [tilespmem:v49+s16+$0x0], $0xffff  }
0x517: {  	v34 =	vor.u32 s22, v54  }
0x518: {  	v39 =	vld [tilespmem:$0x1FE00];
	_ =	sdelay $0x2  }
0x519: {  	[tilespmem:v53+s18+$0x0] =	vst.idx.msk $0xffff, v37  }
0x51a: {  	v35 =	vor.u32 v22, v51;
	v37 =	vld.idx.msk [tilespmem:v34+s16+$0x0], $0xffff  }
0x51b: {  	v41 =	vor.u32 s22, v39  }
0x51c: {  	v48 =	vld [tilespmem:$0x1FFC0];
	_ =	sdelay $0x2  }
0x51d: {  	v42 =	vor.u32 v0, v36;
	[tilespmem:v35+s18+$0x0] =	vst.idx.msk $0xffff, v37  }
0x51e: {  	v43 =	vor.u32 v15, v42;
	v37 =	vld.idx.msk [tilespmem:v41+s16+$0x0], $0xffff  }
0x51f: {  	v49 =	vor.u32 s22, v48  }
0x520: {  	v51 =	vld [tilespmem:$0x1FFB0];
	_ =	sdelay $0x2  }
0x521: {  	[tilespmem:v43+s18+$0x0] =	vst.idx.msk $0xffff, v37  }
0x522: {  	v35 =	vor.u32 v16, v42;
	v37 =	vld.idx.msk [tilespmem:v49+s16+$0x0], $0xffff  }
0x523: {  	v53 =	vor.u32 s22, v51  }
0x524: {  	v39 =	vld [tilespmem:$0x1FF60];
	_ =	sdelay $0x2  }
0x525: {  	v54 =	vor.u32 v11, v36;
	[tilespmem:v35+s18+$0x0] =	vst.idx.msk $0xffff, v37  }
0x526: {  	v34 =	vor.u32 v17, v54;
	v37 =	vld.idx.msk [tilespmem:v53+s16+$0x0], $0xffff  }
0x527: {  	v45 =	vor.u32 s22, v39;
	_ =	sdelay $0x3  }
0x528: {  	[tilespmem:v34+s18+$0x0] =	vst.idx.msk $0xffff, v37  }
0x529: {  	v35 =	vor.u32 v18, v54;
	v37 =	vld.idx.msk [tilespmem:v45+s16+$0x0], $0xffff  }
0x52a: {  	v46 =	vor.u32 s22, v56;
	_ =	sdelay $0x3  }
0x52b: {  	v47 =	vor.u32 v7, v36;
	[tilespmem:v35+s18+$0x0] =	vst.idx.msk $0xffff, v37  }
0x52c: {  	v48 =	vor.u32 v19, v47;
	v37 =	vld.idx.msk [tilespmem:v46+s16+$0x0], $0xffff  }
0x52d: {  	v49 =	vor.u32 s22, v55;
	_ =	sdelay $0x3  }
0x52e: {  	[tilespmem:v48+s18+$0x0] =	vst.idx.msk $0xffff, v37  }
0x52f: {  	v35 =	vor.u32 v20, v47;
	v37 =	vld.idx.msk [tilespmem:v49+s16+$0x0], $0xffff  }
0x530: {  	v51 =	vor.u32 s22, v40;
	_ =	sdelay $0x3  }
0x531: {  	v53 =	vor.u32 v3, v36;
	[tilespmem:v35+s18+$0x0] =	vst.idx.msk $0xffff, v37  }
0x532: {  	v55 =	vor.u32 v21, v53;
	v54 =	vld.idx.msk [tilespmem:v51+s16+$0x0], $0xffff  }
0x533: {  	v56 =	vor.u32 s22, v50;
	_ =	sdelay $0x3  }
0x534: {  	[tilespmem:v55+s18+$0x0] =	vst.idx.msk $0xffff, v54  }
0x535: {  	v35 =	vor.u32 v22, v53;
	v36 =	vld.idx.msk [tilespmem:v56+s16+$0x0], $0xffff;
	_ =	sdelay $0x4  }
0x536: {  	[tilespmem:v35+s18+$0x0] =	vst.idx.msk $0xffff, v36  }
0x537: {  	[hbm4b:s8+s2] =	stream.linear.scatter [tilespmem:s18], [sflag:$0x4], $0x800, $0x38;
	[tilespmem:$0x11800] =	vst v63  }
0x538: {  	_ =	swait.ge [sflag:s17], $0x800  }
0x539: {  	v40 =	vld [tilespmem:$0x1FEF0]  }
0x53a: {  	v35 =	vld [tilespmem:$0x1FF00]  }
0x53b: {  	v36 =	vld [tilespmem:$0x1FF10]  }
0x53c: {  	v37 =	vld [tilespmem:$0x1FF20]  }
.Ltmp13:
0x53d: {  	v38 =	vld [tilespmem:$0x1FF30];
	(pc) =	sbr.rel .LBB2_18-.Ltmp13, $4  }
0x53e: {  	v39 =	vld [tilespmem:$0x1FF40]  }
0x53f: {  	v45 =	vld [tilespmem:$0x1FFA0]  }
0x540: {  	[sflag:s17] =	ssyncset.done $0x0;
	v34 =	vld [tilespmem:$0x1FED0]  }
0x541: {  	v53 =	vld [tilespmem:$0x1FEE0];
	[sflag:s17] =	ssyncadd.s32 $0xFFFFF800  }
.LBB2_19:
0x542: {  	_ =	sfence.sel $0x180000  }
0x543: {  	[bflag:$0x0] =	sbarrier.arrive $0xFFFF  }
0x544: {  	p0 =	sne.s32 s1, $0x0;
	_ =	strace $0x90000047  }
0x545: {  	s0 =	sadd.s32 @!p0 $0x100000, s0;
	[bflag:$0x2] =	sbarrier.arrive $0xFFFF  }
0x546: {  	[sflag:s0] =	ssyncadd.tile.s32 @!p0 $0x1;
	_ =	shalt  }
.Lfunc_end2:
_tile_overlayer_lowered:
.L_overlay_start_2:
0x547: {  	(tag) =	ssettag $0x2  }
0x548: {  	s0 =	rddreg [dreg:$0x0];
	s2 =	stileid.u32  }
0x549: {  	s1 =	rddreg [dreg:$0x1];
	p0 =	sne.s32 s2, $0x0  }
0x54a: {  	s3 =	rddreg [dreg:$0x2];
	[bflag:$0x3] =	sbarrier.arrive $0xFFFF;
	s2 =	simm.s32 @!p0 $0x1C04  }
0x54b: {  	[timem:s3], [sflag:s2] =	dma.local @!p0 [hbm:s0], s1  }
0x54c: {  	s0 =	simm.s32 @!p0 $0x4  }
0x54d: {  	_ =	swait.ge @!p0 [sflag:s0], s1  }
0x54e: {  	s1 =	ssub.s32 @!p0 $0x0, s1;
	[sflag:s0] =	ssyncset.done @!p0 $0x0  }
0x54f: {  	[sflag:s0] =	ssyncadd.s32 @!p0 s1  }
0x550: {  	[bflag:$0x3] =	sbarrier.arrive $0xFFFF  }
0x551: {  	_ =	shalt  }

// kernel: kernel.7.cloned.1.call-start
scs
__scs_entry_jumppad:
0x0: {  	(pc) =	sbr.rel $0x88, $3  }
0x1: {  	(tag) =	ssettag $0x0;
	lr =	simm.s32 $0x1  }
0x2: {  	[smem:$0x3F9E] =	sst lr;
	_ =	strace $0xD0000000  }
0x3: {  	_ = 	snop  }
0x4: {  	_ = 	snop  }
0x5: {  	_ = 	snop  }
0x6: {  	_ = 	snop  }
0x7: {  	_ = 	snop  }
__scs_overlays_trampoline_lowered:
0x8: {  	[smem:$0x3FAD] =	sst s0  }
0x9: {  	[smem:$0x3FAE] =	sst s1  }
0xa: {  	[smem:$0x3FAF] =	sst s2  }
0xb: {  	[smem:$0x3FB0] =	sst s3  }
0xc: {  	[smem:$0x3FB1] =	sst s4  }
0xd: {  	[smem:$0x3FB2] =	sst s5  }
0xe: {  	[smem:$0x3FB3] =	sst s6  }
0xf: {  	[smem:$0x3FB4] =	sst s7  }
0x10: {  	[smem:$0x3FB5] =	sst s8  }
0x11: {  	[smem:$0x3FB6] =	sst s9;
	s0 =	simm.s32 @!p0 $0x0  }
0x12: {  	s1 =	sld [smem:$0x3F9C];
	s0 =	simm.s32 @p0 $0x1  }
0x13: {  	[smem:$0x3FB7] =	sst s0;
	s0 =	simm.s32 @!p1 $0x0  }
0x14: {  	s2 =	sld [smem:$0x3F9B];
	s0 =	simm.s32 @p1 $0x1  }
0x15: {  	[smem:$0x3FB8] =	sst s0;
	s0 =	simm.s32 @!p2 $0x0  }
0x16: {  	s3 =	sld [smem:$0x3FDB];
	s0 =	simm.s32 @p2 $0x1  }
0x17: {  	s4 =	simm.s32 $0x1BF5;
	[smem:$0x3FBA] =	sst s0  }
0x18: {  	s0 =	sld [smem:$0x3F9D];
	_ =	swait.ge [sflag:s4], $0x0  }
0x19: {  	s7 =	sld [smem:$0x3F9E]  }
0x1a: {  	s8 =	sadd.s32 $0xFFFFE003, lr  }
0x1b: {  	s9 =	sadd.s32 $0xFFFFFEF7, lr;
	s5 =	simm.s32 $0xFFFFFFFF;
	p2 =	slt.u32 s8, $0xFFFFF086  }
0x1c: {  	p1 =	slt.u32 s9, $0xF7A;
	s5 =	simm.s32 @!p2 $0x0  }
0x1d: {  	s5 =	simm.s32 @p1 $0x1;
	p0 =	seq.s32 s7, s2  }
0x1e: {  	s7 =	smul.u32 @!p0 $0xF7A, s2;
	p2 =	seq.s32 @!p0 s5, $0x0  }
0x1f: {  	s9 =	smul.u32 $0xF7A, s1;
	s8 =	simm.s32 @!p0 $0x1BF5;
	p2 =	por !p2, p0  }
0x20: {  	[sflag:s8] =	ssyncset.s32 @!p0 $0xFFFFF086;
	s6 =	sadd.s32 @!p0 s3, s7;
	s7 =	simm.s32 @!p0 $0x108  }
0x21: {  	s3 =	sadd.s32 s3, s9;
	s6 =	sadd.s32 @!p0 $0x88, s6;
	s7 =	simm.s32 @p2 $0x1082  }
0x22: {  	[simem:s7], [sflag:s8] =	dma.local @!p0 [hbm:s6], $0xF7A  }
0x23: {  	s9 =	sor.u32 $0xD0000000, s2;
	s6 =	simm.s32 $0x108;
	_ =	swait.ge @!p0 [sflag:s8], $0x0  }
0x24: {  	s3 =	sadd.s32 $0x88, s3;
	s6 =	simm.s32 @!p1 $0x1082;
	[sflag:s4] =	ssyncset.s32 $0xFFFFF086  }
0x25: {  	[simem:s6], [sflag:s4] =	dma.local [hbm:s3], $0xF7A  }
0x26: {  	[smem:$0x3F9E] =	sst s1;
	(tag) =	ssettag s2;
	_ =	strace s9  }
0x27: {  	s1 =	sld [smem:$0x3FAE]  }
0x28: {  	s2 =	sld [smem:$0x3FAF]  }
0x29: {  	s4 =	sld [smem:$0x3FB1]  }
0x2a: {  	p0 =	seq.s32 s5, $0x0;
	s5 =	sld [smem:$0x3FB2]  }
0x2b: {  	s6 =	sld [smem:$0x3FB3]  }
0x2c: {  	s7 =	sld [smem:$0x3FB4]  }
0x2d: {  	s3 =	simm.s32 $0x108;
	s8 =	sld [smem:$0x3FB5]  }
0x2e: {  	s3 =	simm.s32 @!p0 $0x1082;
	s9 =	sld [smem:$0x3FB6]  }
0x2f: {  	lr =	sadd.s32 s0, s3;
	s0 =	sld [smem:$0x3FAD]  }
0x30: {  	s3 =	sld [smem:$0x3FB0]  }
0x31: {  	[smem:$0x3FB9] =	sst s10  }
0x32: {  	s10 =	sld [smem:$0x3FB7];
	_ =	sdelay $0x3  }
0x33: {  	p0 =	seq.s32 s10, $0x1;
	s10 =	sld [smem:$0x3FB9];
	_ =	sdelay $0x3  }
0x34: {  	[smem:$0x3FB9] =	sst s10  }
0x35: {  	s10 =	sld [smem:$0x3FB8];
	_ =	sdelay $0x3  }
0x36: {  	p1 =	seq.s32 s10, $0x1;
	s10 =	sld [smem:$0x3FB9];
	_ =	sdelay $0x3  }
0x37: {  	[smem:$0x3FB9] =	sst s10  }
0x38: {  	s10 =	sld [smem:$0x3FBA]  }
0x39: {  	_ = 	snop;
	(pc) =	sbr.ind lr, $3  }
0x3a: {  	_ = 	snop  }
0x3b: {  	_ = 	snop  }
0x3c: {  	p2 =	seq.s32 s10, $0x1;
	s10 =	sld [smem:$0x3FB9]  }
0x3d: {  	_ =	shalt  }
0x3e: {  	_ =	shalt  }
0x3f: {  	_ =	shalt  }
0x40: {  	_ =	shalt  }
0x41: {  	_ =	shalt  }
0x42: {  	_ =	shalt  }
0x43: {  	_ =	shalt  }
0x44: {  	_ =	shalt  }
0x45: {  	_ =	shalt  }
0x46: {  	_ =	shalt  }
0x47: {  	_ =	shalt  }
0x48: {  	_ =	shalt  }
0x49: {  	_ =	shalt  }
0x4a: {  	_ =	shalt  }
0x4b: {  	_ =	shalt  }
0x4c: {  	_ =	shalt  }
0x4d: {  	_ =	shalt  }
0x4e: {  	_ =	shalt  }
0x4f: {  	_ =	shalt  }
0x50: {  	_ =	shalt  }
0x51: {  	_ =	shalt  }
0x52: {  	_ =	shalt  }
0x53: {  	_ =	shalt  }
0x54: {  	_ =	shalt  }
0x55: {  	_ =	shalt  }
0x56: {  	_ =	shalt  }
0x57: {  	_ =	shalt  }
0x58: {  	_ =	shalt  }
0x59: {  	_ =	shalt  }
0x5a: {  	_ =	shalt  }
0x5b: {  	_ =	shalt  }
0x5c: {  	_ =	shalt  }
0x5d: {  	_ =	shalt  }
0x5e: {  	_ =	shalt  }
0x5f: {  	_ =	shalt  }
0x60: {  	_ =	shalt  }
0x61: {  	_ =	shalt  }
0x62: {  	_ =	shalt  }
0x63: {  	_ =	shalt  }
0x64: {  	_ =	shalt  }
0x65: {  	_ =	shalt  }
0x66: {  	_ =	shalt  }
0x67: {  	_ =	shalt  }
0x68: {  	_ =	shalt  }
0x69: {  	_ =	shalt  }
0x6a: {  	_ =	shalt  }
0x6b: {  	_ =	shalt  }
0x6c: {  	_ =	shalt  }
0x6d: {  	_ =	shalt  }
0x6e: {  	_ =	shalt  }
0x6f: {  	_ =	shalt  }
0x70: {  	_ =	shalt  }
0x71: {  	_ =	shalt  }
0x72: {  	_ =	shalt  }
0x73: {  	_ =	shalt  }
0x74: {  	_ =	shalt  }
0x75: {  	_ =	shalt  }
0x76: {  	_ =	shalt  }
0x77: {  	_ =	shalt  }
0x78: {  	_ =	shalt  }
0x79: {  	_ =	shalt  }
0x7a: {  	_ =	shalt  }
0x7b: {  	_ =	shalt  }
0x7c: {  	_ =	shalt  }
0x7d: {  	_ =	shalt  }
0x7e: {  	_ =	shalt  }
0x7f: {  	_ =	shalt  }
0x80: {  	_ =	shalt  }
0x81: {  	_ =	shalt  }
0x82: {  	_ =	shalt  }
0x83: {  	_ =	shalt  }
0x84: {  	_ =	shalt  }
0x85: {  	_ =	shalt  }
0x86: {  	_ =	shalt  }
0x87: {  	_ =	shalt  }
.Lfunc_end0:
.L_simem_size_0:
called_computation.1_lowered:
.L_overlay_start_0:
0x88: {  	s2 =	sld [smem:$0x3FD9]  }
0x89: {  	s3 =	sld [smem:$0x3FFE];
	_ =	sdelay $0x1  }
0x8a: {  	s1 =	srdreg.scid  }
0x8b: {  	s0 =	sand.u32 $0x1, s1  }
0x8c: {  	s17 =	sshll.u32 s0, $0xA;
	s2 =	sadd.s32 s3, s2  }
0x8d: {  	s2 =	sadd.s32 s2, s17  }
0x8e: {  	[smem:$0x3FC5] =	sst s2  }
0x8f: {  	_ = 	snop  }
0x90: {  	s2 =	sld [smem:$0x3FD0];
	(tm) =	ssettm $0x1  }
0x91: {  	s18 =	sld [smem:$0x3FFB];
	_ =	sdelay $0x3  }
0x92: {  	_ =	strace s18  }
0x93: {  	s3 =	sld [smem:$0x3FFC];
	_ =	sdelay $0x3  }
0x94: {  	_ =	strace s3  }
0x95: {  	s3 =	sld [smem:$0x3FFD];
	_ =	sdelay $0x3  }
0x96: {  	_ =	strace s3  }
0x97: {  	_ =	strace $0x8FFFFFFF  }
0x98: {  	s19 =	sld [smem:$0x3FDB];
	_ =	sdelay $0x1  }
0x99: {  	s4 =	simm.s32 $_scs_section_size  }
0x9a: {  	s5 =	simm.s32 $_size__tile_overlayer_lowered;
	s6 =	simm.s32 $_tile_overlayer_lowered  }
0x9b: {  	s22 =	simm.s32 $0x1BFF;
	s21 =	sshll.u32 s6, $0x1;
	s3 =	sadd.s32 s4, s19  }
0x9c: {  	s7 =	simm.s32 $0x0;
	s20 =	sshll.u32 s5, $0x1;
	s5 =	sadd.s32 s21, s3  }
0x9d: {  	[timem:s7], [sflag:s22] =	dma.local [hbm:s5], s20  }
0x9e: {  	_ =	swait.ge [sflag:s22], s20  }
0x9f: {  	s4 =	ssub.s32 $0x0, s20;
	[sflag:s22] =	ssyncset.done $0x0  }
0xa0: {  	[sflag:s22] =	ssyncadd.s32 s4;
	_ =	sdelay $0x1  }
0xa1: {  	s23 =	simm.s32 $0x1B8B  }
0xa2: {  	_ =	swait.ge [sflag:s23], $0x1  }
0xa3: {  	[sflag:s23] =	ssyncset.done $0x0  }
0xa4: {  	s25 =	simm.s32 $0x1B8E;
	s24 =	sld [smem:$0x3FFE];
	[sflag:s23] =	ssyncadd.s32 $0xFFFFFFFF  }
0xa5: {  	s26 =	simm.s32 $execute0_lowered;
	[smem:$0x3FD2] =	sst s25  }
0xa6: {  	s5 =	sshll.u32 s26, $0x1;
	_ =	strace $0x80000049;
	[dreg:$0x1] =	wrdreg $0xFFFFFFFF  }
0xa7: {  	s28 =	simm.s32 $_size_execute0_lowered;
	s3 =	sadd.s32 s3, s5;
	[dreg:$0x0] =	wrdreg $0x0  }
0xa8: {  	s5 =	sshll.u32 s28, $0x1;
	[dreg:$0x2] =	wrdreg s3  }
0xa9: {  	[dreg:$0x3] =	wrdreg s5  }
0xaa: {  	[dreg:$0x4] =	wrdreg $0xC0  }
0xab: {  	_ =	task [dreg:s7], $0x5FFFF  }
0xac: {  	[dreg:$0x1] =	wrdreg $0xFFFFFFFF  }
0xad: {  	[dreg:$0x0] =	wrdreg $0x60  }
0xae: {  	[dreg:$0x2] =	wrdreg s2  }
0xaf: {  	[dreg:$0x3] =	wrdreg s24  }
0xb0: {  	[dreg:$0x4] =	wrdreg $0x9  }
0xb1: {  	_ =	task.clear_ibuf [dreg:s7], $0x5FFFF;
	_ =	strace $0x90000049  }
0xb2: {  	s29 =	simm.s32 $0x9;
	_ =	strace $0x8000004B  }
0xb3: {  	_ =	swait.ge [sflag:s29], $0x1  }
0xb4: {  	[sflag:s29] =	ssyncadd.s32 $0xFFFFFFFF  }
0xb5: {  	_ =	strace $0x9000004B  }
0xb6: {  	_ =	sfence  }
0xb7: {  	s30 =	sld [smem:$0x0];
	_ =	sdelay $0x2  }
0xb8: {  	s31 =	sshll.u32 s1, $0xD;
	s1 =	sshrl.u32 s1, $0x2  }
0xb9: {  	s3 =	sand.u32 $0x4000, s31;
	s1 =	sadd.s32 s1, s30  }
0xba: {  	s0 =	sor.u32 s3, s0;
	s1 =	sshll.u32 s1, $0x11  }
0xbb: {  	s0 =	sor.u32 s1, s0  }
0xbc: {  	s0 =	sadd.s32 $0x8F2B, s0  }
0xbd: {  	[sflag:s0] =	ssyncadd.remote.s32 $0x1  }
0xbe: {  	_ =	sfence.sel $0xFFFF  }
0xbf: {  	[dreg:$0x0] =	wrdreg $0xFFFFFFFF;
	(pc) =	sbr.abs _section_cstart, $3  }
0xc0: {  	[dreg:$0x1] =	wrdreg $0xFFFFFFFF  }
0xc1: {  	_ =	task.clear_ibuf [dreg:s7], $0x2FFFF;
	_ =	strace $0x9FFFFFFF  }
0xc2: {  	(tm) =	ssettm $0x7FFFFFFF  }
0xc3: {  	_ =	shalt  }
tec
execute0_lowered:
.L_overlay_start_1:
0x0: {  	(tag) =	ssettag $0x1  }
0x1: {  	s0 =	rddreg [dreg:$0x0]  }
0x2: {  	s1 =	rddreg [dreg:$0x1]  }
0x3: {  	s2 =	srdreg.scid;
	s3 =	stileid.u32;
	s10 =	simm.s32 $0x4  }
0x4: {  	s11 =	simm.s32 $0x80;
	s15 =	simm.s32 $0xA000;
	s16 =	simm.s32 $0x180  }
0x5: {  	s17 =	simm.s32 $0xB000;
	s18 =	simm.s32 $0x2;
	s19 =	simm.s32 $0x3  }
0x6: {  	s20 =	simm.s32 $0x14100;
	s21 =	simm.s32 $0x1;
	s22 =	simm.s32 $0xC000  }
0x7: {  	v0 =	vlaneseq.u32;
	s23 =	simm.s32 $0xD000;
	s24 =	simm.s32 $0xE000;
	s25 =	simm.s32 $0xF000  }
0x8: {  	v1 =	vimm.s32 $0x0;
	vm0 =	vcmask $0x300;
	s26 =	simm.s32 $0x10000;
	s28 =	simm.s32 $0x0;
	s4 =	sand.u32 $0x1, s2;
	v0 =	vmul.u32 $0x208, v0  }
0x9: {  	s2 =	simm.s32 $0x0;
	s3 =	sshll.u32 s3, $0xA;
	v1 =	vsel vm0, $0x3, v1;
	s5 =	sshll.u32 s4, $0x9  }
.Ltmp0:
0xa: {  	[smem:$0x7FF] =	sst s2;
	s7 =	ssub.s32 $0x2, s4;
	v2 =	vadd.s32 $0x2080, v0;
	v3 =	vor.u32 $0x1, v0;
	v4 =	vadd.s32 $0x2081, v0;
	(pc) =	sbr.rel .LBB2_1-.Ltmp0, $4  }
0xb: {  	s4 =	sadd.s32 $0xC00, s1;
	s3 =	sor.u32 s5, s3;
	_ =	strace $0x8000004A;
	v5 =	vor.u32 $0x2, v0;
	v6 =	vadd.s32 $0x2082, v0;
	v7 =	vor.u32 $0x3, v0  }
0xc: {  	s9 =	sshrl.u32 s7, $0x1;
	s5 =	sadd.s32 $0x3E1600, s1;
	v8 =	vadd.s32 $0x2083, v0;
	v9 =	vor.u32 $0x4, v0;
	v10 =	vadd.s32 $0x2084, v0;
	s6 =	sshrl.u32 s3, $0x3  }
0xd: {  	v11 =	vor.u32 $0x5, v0;
	v12 =	vadd.s32 $0x2085, v0;
	v13 =	vor.u32 $0x6, v0;
	s31 =	ssub.s32 s7, s9;
	s9 =	simm.s32 $0x200;
	s8 =	sadd.s32 s6, s1  }
0xe: {  	v14 =	vadd.s32 $0x2086, v0;
	v15 =	vor.u32 $0x7, v0;
	v16 =	vadd.s32 $0x2087, v0;
	s6 =	sadd.s32 s0, s6;
	s7 =	sadd.s32 $0x3D1600, s8;
	s8 =	smax.u32 s31, $0x1  }
.LBB2_16:
0xf: {  	s28 =	sadd.s32 $0x1, s28  }
0x10: {  	_ =	swait.ge [sflag:s19], $0x4000;
	p0 =	sne.s32 s28, s8  }
.Ltmp1:
0x11: {  	[sflag:s19] =	ssyncset.done $0x0;
	(pc) =	sbr.rel @!p0 .LBB2_17-.Ltmp1, $4  }
0x12: {  	[sflag:s19] =	ssyncadd.s32 $0xFFFFC000  }
0x13: {  	_ =	swait.ge [sflag:s19], $0x4000  }
0x14: {  	[sflag:s19] =	ssyncset.done $0x0  }
0x15: {  	[sflag:s19] =	ssyncadd.s32 $0xFFFFC000  }
.LBB2_1:
0x16: {  	s29 =	simm.s32 $0x4000  }
0x17: {  	[tilespmem:s2], [sflag:$0x4] =	stream.strided.gather [hbm4b:s6+s9], $0x4000, s29, s9, $0x38;
	[tilespmem:$0x18200] =	vst v63  }
0x18: {  	_ =	swait.ge [sflag:s10], $0x4000  }
0x19: {  	[sflag:s10] =	ssyncset.done $0x0  }
0x1a: {  	[sflag:s10] =	ssyncadd.s32 $0xFFFFC000  }
0x1b: {  	[tilespmem:s29], [sflag:$0x4] =	stream.strided.gather [hbm4b:s7+s9], $0x4000, s29, s9, $0x38;
	[tilespmem:$0x18200] =	vst v63  }
0x1c: {  	_ =	swait.ge [sflag:s10], $0x4000  }
0x1d: {  	[sflag:s10] =	ssyncset.done $0x0  }
0x1e: {  	s0 =	simm.s32 $0x8000;
	[sflag:s10] =	ssyncadd.s32 $0xFFFFC000  }
0x1f: {  	[tilespmem:s0], [sflag:$0x1] =	stream.indirect.gather [hbm4b:s4+s11], $0x20, s2, s11, $0xb8;
	[tilespmem:$0x18200] =	vst v63  }
0x20: {  	s14 =	simm.s32 $0x9000  }
0x21: {  	[tilespmem:s14], [sflag:$0x1] =	stream.indirect.gather [hbm4b:s4+s11], $0x20, s11, s11, $0xb8;
	[tilespmem:$0x18200] =	vst v63  }
.Ltmp2:
0x22: {  	_ = 	snop;
	(pc) =	sbr.rel .LBB2_2-.Ltmp2, $4  }
0x23: {  	s31 =	simm.s32 $0x100  }
0x24: {  	[tilespmem:s15], [sflag:$0x1] =	stream.indirect.gather [hbm4b:s4+s11], $0x20, s31, s11, $0xb8;
	[tilespmem:$0x18200] =	vst v63  }
0x25: {  	s30 =	simm.s32 $0x0  }
0x26: {  	[tilespmem:s17], [sflag:$0x1] =	stream.indirect.gather [hbm4b:s4+s11], $0x20, s16, s11, $0xb8;
	[tilespmem:$0x18200] =	vst v63  }
.LBB2_7:
0x27: {  	[hbm4b:s14+s2] =	stream.linear.scatter [tilespmem:s1], [sflag:$0x3], $0x200, $0x38;
	[tilespmem:$0x18200] =	vst v63  }
.LBB2_15:
0x28: {  	s30 =	sadd.s32 $0x1, s30  }
0x29: {  	p0 =	sne.s32 s30, $0x1A  }
.Ltmp3:
0x2a: {  	_ = 	snop;
	(pc) =	sbr.rel @!p0 .LBB2_16-.Ltmp3, $2  }
0x2b: {  	_ =	sdelay $0x2  }
0x2c: {  	s29 =	sadd.s32 $0x200, s29  }
.LBB2_2:
0x2d: {  	s0 =	sand.u32 $0x1, s30  }
0x2e: {  	p0 =	seq.s32 s0, $0x1  }
.Ltmp4:
0x2f: {  	_ = 	snop;
	(pc) =	sbr.rel @!p0 .LBB2_3-.Ltmp4, $1  }
0x30: {  	_ =	sdelay $0x3  }
0x31: {  	_ =	swait.ge [sflag:s18], $0x4000;
	p0 =	seq.s32 s30, $0x19  }
0x32: {  	[sflag:s18] =	ssyncset.done $0x0;
	s0 =	sshll.u32 @!p0 s30, $0xB  }
0x33: {  	s13 =	simm.s32 @!p0 $0x80;
	s14 =	simm.s32 @!p0 $0x8000;
	s1 =	sshrl.u32 @!p0 s0, $0x2  }
0x34: {  	p1 =	slt.u32 @!p0 s30, $0x2;
	[sflag:s18] =	ssyncadd.s32 $0xFFFFC000;
	s12 =	sadd.s32 @!p0 $0x200, s1  }
0x35: {  	[tilespmem:s14], [sflag:$0x1] =	stream.indirect.gather @!p0 [hbm4b:s4+s13], $0x20, s12, s13, $0xb8;
	[tilespmem:$0x18200] =	vst v63  }
0x36: {  	p1 =	por p0, !p1;
	s12 =	sadd.s32 @!p0 $0x280, s1;
	s14 =	simm.s32 @!p0 $0x9000  }
0x37: {  	[tilespmem:s14], [sflag:$0x1] =	stream.indirect.gather @!p0 [hbm4b:s4+s13], $0x20, s12, s13, $0xb8;
	[tilespmem:$0x18200] =	vst v63  }
.Ltmp5:
0x38: {  	_ = 	snop;
	(pc) =	sbr.rel @!p1 .LBB2_10-.Ltmp5, $4  }
0x39: {  	s12 =	sadd.s32 @!p0 $0x300, s1;
	s14 =	simm.s32 @!p0 $0xA000  }
0x3a: {  	[tilespmem:s14], [sflag:$0x1] =	stream.indirect.gather @!p0 [hbm4b:s4+s13], $0x20, s12, s13, $0xb8;
	[tilespmem:$0x18200] =	vst v63  }
0x3b: {  	s1 =	sadd.s32 @!p0 $0x380, s1;
	s12 =	simm.s32 @!p0 $0xB000  }
0x3c: {  	[tilespmem:s12], [sflag:$0x1] =	stream.indirect.gather @!p0 [hbm4b:s4+s13], $0x20, s1, s13, $0xb8;
	[tilespmem:$0x18200] =	vst v63  }
0x3d: {  	_ =	swait.ge [sflag:s19], $0x4000  }
0x3e: {  	[sflag:s19] =	ssyncset.done $0x0  }
0x3f: {  	s0 =	simm.s32 @p0 $0xC800;
	[sflag:s19] =	ssyncadd.s32 $0xFFFFC000  }
.LBB2_10:
0x40: {  	s0 =	sshrl.u32 s0, $0x2;
	s1 =	simm.s32 $0x0  }
0x41: {  	s31 =	sadd.s32 $0x4000, s0;
	v18 =	vmov s1  }
0x42: {  	v17 =	vld [tilespmem:s31+$0x0];
	v18 =	vshrl.u32 v18, $0x3  }
0x43: {  	s0 =	simm.s32 $0xC100;
	v18 =	vshll.u32 v18, v1  }
0x44: {  	v19 =	vld [tilespmem:s0+$0xFFFFFF00];
	v18 =	vbroadcast v18, $0x0;
	_ =	sdelay $0x1  }
0x45: {  	v20 =	vadd.s32 v0, v18  }
0x46: {  	v21 =	vbroadcast v17, $0x0;
	_ =	sdelay $0x1  }
0x47: {  	v19 =	vmul.f32 v21, v19;
	_ =	sdelay $0x1  }
0x48: {  	[tilespmem:v20+s20+$0x0] =	vst.idx.msk $0xffff, v19  }
0x49: {  	v19 =	vld [tilespmem:s0+$0xFFFFFF10];
	_ =	sdelay $0x1  }
0x4a: {  	v18 =	vadd.s32 v2, v18;
	_ =	sdelay $0x1  }
0x4b: {  	s12 =	simm.s32 $0x1  }
0x4c: {  	v20 =	vmov s12;
	v19 =	vmul.f32 v19, v21  }
0x4d: {  	v20 =	vshrl.u32 v20, $0x3  }
0x4e: {  	[tilespmem:v18+s20+$0x0] =	vst.idx.msk $0xffff, v19;
	v18 =	vshll.u32 v20, v1  }
0x4f: {  	v19 =	vld [tilespmem:s0+$0xFFFFFF20];
	v18 =	vbroadcast v18, $0x0;
	_ =	sdelay $0x1  }
0x50: {  	v20 =	vadd.s32 v3, v18  }
0x51: {  	v49 =	vbroadcast v17, $0x1;
	_ =	sdelay $0x1  }
0x52: {  	v19 =	vmul.f32 v19, v49;
	_ =	sdelay $0x1  }
0x53: {  	[tilespmem:v20+s20+$0x0] =	vst.idx.msk $0xffff, v19  }
0x54: {  	v19 =	vld [tilespmem:s0+$0xFFFFFF30];
	_ =	sdelay $0x1  }
0x55: {  	v18 =	vadd.s32 v4, v18;
	_ =	sdelay $0x1  }
0x56: {  	s13 =	simm.s32 $0x2  }
0x57: {  	v20 =	vmov s13;
	v19 =	vmul.f32 v19, v49  }
0x58: {  	v20 =	vshrl.u32 v20, $0x3  }
0x59: {  	[tilespmem:v18+s20+$0x0] =	vst.idx.msk $0xffff, v19;
	v18 =	vshll.u32 v20, v1  }
0x5a: {  	v19 =	vld [tilespmem:s0+$0xFFFFFF40];
	v18 =	vbroadcast v18, $0x0;
	_ =	sdelay $0x1  }
0x5b: {  	v20 =	vadd.s32 v5, v18  }
0x5c: {  	v50 =	vbroadcast v17, $0x2;
	_ =	sdelay $0x1  }
0x5d: {  	v19 =	vmul.f32 v19, v50;
	_ =	sdelay $0x1  }
0x5e: {  	[tilespmem:v20+s20+$0x0] =	vst.idx.msk $0xffff, v19  }
0x5f: {  	v19 =	vld [tilespmem:s0+$0xFFFFFF50];
	_ =	sdelay $0x1  }
0x60: {  	v18 =	vadd.s32 v6, v18;
	_ =	sdelay $0x1  }
0x61: {  	s14 =	simm.s32 $0x3  }
0x62: {  	v20 =	vmov s14;
	v19 =	vmul.f32 v19, v50  }
0x63: {  	v20 =	vshrl.u32 v20, $0x3  }
0x64: {  	[tilespmem:v18+s20+$0x0] =	vst.idx.msk $0xffff, v19;
	v18 =	vshll.u32 v20, v1  }
0x65: {  	v19 =	vld [tilespmem:s0+$0xFFFFFF60];
	v18 =	vbroadcast v18, $0x0;
	_ =	sdelay $0x1  }
0x66: {  	v20 =	vadd.s32 v7, v18  }
0x67: {  	v51 =	vbroadcast v17, $0x3;
	_ =	sdelay $0x1  }
0x68: {  	v19 =	vmul.f32 v19, v51;
	_ =	sdelay $0x1  }
0x69: {  	[tilespmem:v20+s20+$0x0] =	vst.idx.msk $0xffff, v19  }
0x6a: {  	v19 =	vld [tilespmem:s0+$0xFFFFFF70];
	_ =	sdelay $0x1  }
0x6b: {  	v18 =	vadd.s32 v8, v18;
	_ =	sdelay $0x1  }
0x6c: {  	s12 =	simm.s32 $0x4  }
0x6d: {  	v20 =	vmov s12;
	v19 =	vmul.f32 v19, v51  }
0x6e: {  	v20 =	vshrl.u32 v20, $0x3  }
0x6f: {  	[tilespmem:v18+s20+$0x0] =	vst.idx.msk $0xffff, v19;
	v18 =	vshll.u32 v20, v1  }
0x70: {  	v19 =	vld [tilespmem:s0+$0xFFFFFF80];
	v18 =	vbroadcast v18, $0x0;
	_ =	sdelay $0x1  }
0x71: {  	v20 =	vadd.s32 v9, v18  }
0x72: {  	v52 =	vbroadcast v17, $0x4;
	_ =	sdelay $0x1  }
0x73: {  	v19 =	vmul.f32 v19, v52;
	_ =	sdelay $0x1  }
0x74: {  	[tilespmem:v20+s20+$0x0] =	vst.idx.msk $0xffff, v19  }
0x75: {  	v19 =	vld [tilespmem:s0+$0xFFFFFF90];
	_ =	sdelay $0x1  }
0x76: {  	v18 =	vadd.s32 v10, v18;
	_ =	sdelay $0x1  }
0x77: {  	s13 =	simm.s32 $0x5  }
0x78: {  	v20 =	vmov s13;
	v19 =	vmul.f32 v19, v52  }
0x79: {  	v20 =	vshrl.u32 v20, $0x3  }
0x7a: {  	[tilespmem:v18+s20+$0x0] =	vst.idx.msk $0xffff, v19;
	v18 =	vshll.u32 v20, v1  }
0x7b: {  	v19 =	vld [tilespmem:s0+$0xFFFFFFA0];
	v18 =	vbroadcast v18, $0x0;
	_ =	sdelay $0x1  }
0x7c: {  	v20 =	vadd.s32 v11, v18  }
0x7d: {  	v53 =	vbroadcast v17, $0x5;
	_ =	sdelay $0x1  }
0x7e: {  	v19 =	vmul.f32 v19, v53;
	_ =	sdelay $0x1  }
0x7f: {  	[tilespmem:v20+s20+$0x0] =	vst.idx.msk $0xffff, v19  }
0x80: {  	v19 =	vld [tilespmem:s0+$0xFFFFFFB0];
	_ =	sdelay $0x1  }
0x81: {  	v18 =	vadd.s32 v12, v18;
	_ =	sdelay $0x1  }
0x82: {  	s14 =	simm.s32 $0x6  }
0x83: {  	v20 =	vmov s14;
	v19 =	vmul.f32 v19, v53  }
0x84: {  	v20 =	vshrl.u32 v20, $0x3  }
0x85: {  	[tilespmem:v18+s20+$0x0] =	vst.idx.msk $0xffff, v19;
	v18 =	vshll.u32 v20, v1  }
0x86: {  	v19 =	vld [tilespmem:s0+$0xFFFFFFC0];
	v18 =	vbroadcast v18, $0x0;
	_ =	sdelay $0x1  }
0x87: {  	v20 =	vadd.s32 v13, v18  }
0x88: {  	v54 =	vbroadcast v17, $0x6;
	_ =	sdelay $0x1  }
0x89: {  	v19 =	vmul.f32 v19, v54;
	_ =	sdelay $0x1  }
0x8a: {  	[tilespmem:v20+s20+$0x0] =	vst.idx.msk $0xffff, v19  }
0x8b: {  	v19 =	vld [tilespmem:s0+$0xFFFFFFD0];
	_ =	sdelay $0x1  }
0x8c: {  	v18 =	vadd.s32 v14, v18;
	_ =	sdelay $0x1  }
0x8d: {  	s12 =	simm.s32 $0x7  }
0x8e: {  	v20 =	vmov s12;
	v19 =	vmul.f32 v19, v54  }
0x8f: {  	v20 =	vshrl.u32 v20, $0x3  }
0x90: {  	[tilespmem:v18+s20+$0x0] =	vst.idx.msk $0xffff, v19;
	v18 =	vshll.u32 v20, v1  }
0x91: {  	v19 =	vld [tilespmem:s0+$0xFFFFFFE0];
	v18 =	vbroadcast v18, $0x0;
	_ =	sdelay $0x1  }
0x92: {  	v20 =	vadd.s32 v15, v18  }
0x93: {  	v55 =	vbroadcast v17, $0x7;
	_ =	sdelay $0x1  }
0x94: {  	v19 =	vmul.f32 v19, v55;
	_ =	sdelay $0x1  }
0x95: {  	[tilespmem:v20+s20+$0x0] =	vst.idx.msk $0xffff, v19  }
0x96: {  	v19 =	vld [tilespmem:s0+$0xFFFFFFF0];
	_ =	sdelay $0x1  }
0x97: {  	v18 =	vadd.s32 v16, v18;
	_ =	sdelay $0x1  }
0x98: {  	s13 =	simm.s32 $0x8  }
0x99: {  	v20 =	vmov s13;
	v19 =	vmul.f32 v19, v55  }
0x9a: {  	v20 =	vshrl.u32 v20, $0x3  }
0x9b: {  	[tilespmem:v18+s20+$0x0] =	vst.idx.msk $0xffff, v19;
	v18 =	vshll.u32 v20, v1  }
0x9c: {  	v19 =	vld [tilespmem:s0+$0x0];
	v18 =	vbroadcast v18, $0x0;
	_ =	sdelay $0x1  }
0x9d: {  	v20 =	vadd.s32 v0, v18  }
0x9e: {  	v56 =	vbroadcast v17, $0x8;
	_ =	sdelay $0x1  }
0x9f: {  	v19 =	vmul.f32 v19, v56;
	_ =	sdelay $0x1  }
0xa0: {  	[tilespmem:v20+s20+$0x0] =	vst.idx.msk $0xffff, v19  }
0xa1: {  	v19 =	vld [tilespmem:s0+$0x10];
	_ =	sdelay $0x1  }
0xa2: {  	v18 =	vadd.s32 v2, v18;
	_ =	sdelay $0x1  }
0xa3: {  	s14 =	simm.s32 $0x9  }
0xa4: {  	v20 =	vmov s14;
	v19 =	vmul.f32 v19, v56  }
0xa5: {  	v20 =	vshrl.u32 v20, $0x3  }
0xa6: {  	[tilespmem:v18+s20+$0x0] =	vst.idx.msk $0xffff, v19;
	v18 =	vshll.u32 v20, v1  }
0xa7: {  	v19 =	vld [tilespmem:s0+$0x20];
	v18 =	vbroadcast v18, $0x0;
	_ =	sdelay $0x1  }
0xa8: {  	v20 =	vadd.s32 v3, v18  }
0xa9: {  	v57 =	vbroadcast v17, $0x9;
	_ =	sdelay $0x1  }
0xaa: {  	v19 =	vmul.f32 v19, v57;
	_ =	sdelay $0x1  }
0xab: {  	[tilespmem:v20+s20+$0x0] =	vst.idx.msk $0xffff, v19  }
0xac: {  	v19 =	vld [tilespmem:s0+$0x30];
	_ =	sdelay $0x1  }
0xad: {  	v18 =	vadd.s32 v4, v18;
	_ =	sdelay $0x1  }
0xae: {  	s12 =	simm.s32 $0xA  }
0xaf: {  	v20 =	vmov s12;
	v19 =	vmul.f32 v19, v57  }
0xb0: {  	v20 =	vshrl.u32 v20, $0x3  }
0xb1: {  	[tilespmem:v18+s20+$0x0] =	vst.idx.msk $0xffff, v19;
	v18 =	vshll.u32 v20, v1  }
0xb2: {  	v19 =	vld [tilespmem:s0+$0x40];
	v18 =	vbroadcast v18, $0x0;
	_ =	sdelay $0x1  }
0xb3: {  	v20 =	vadd.s32 v5, v18  }
0xb4: {  	v58 =	vbroadcast v17, $0xA;
	_ =	sdelay $0x1  }
0xb5: {  	v19 =	vmul.f32 v19, v58;
	_ =	sdelay $0x1  }
0xb6: {  	[tilespmem:v20+s20+$0x0] =	vst.idx.msk $0xffff, v19  }
0xb7: {  	v19 =	vld [tilespmem:s0+$0x50];
	_ =	sdelay $0x1  }
0xb8: {  	v18 =	vadd.s32 v6, v18;
	_ =	sdelay $0x1  }
0xb9: {  	s13 =	simm.s32 $0xB  }
0xba: {  	v20 =	vmov s13;
	v19 =	vmul.f32 v19, v58  }
0xbb: {  	v20 =	vshrl.u32 v20, $0x3  }
0xbc: {  	[tilespmem:v18+s20+$0x0] =	vst.idx.msk $0xffff, v19;
	v18 =	vshll.u32 v20, v1  }
0xbd: {  	v19 =	vld [tilespmem:s0+$0x60];
	v18 =	vbroadcast v18, $0x0;
	_ =	sdelay $0x1  }
0xbe: {  	v20 =	vadd.s32 v7, v18  }
0xbf: {  	v59 =	vbroadcast v17, $0xB;
	_ =	sdelay $0x1  }
0xc0: {  	v19 =	vmul.f32 v19, v59;
	_ =	sdelay $0x1  }
0xc1: {  	[tilespmem:v20+s20+$0x0] =	vst.idx.msk $0xffff, v19  }
0xc2: {  	v19 =	vld [tilespmem:s0+$0x70];
	_ =	sdelay $0x1  }
0xc3: {  	v18 =	vadd.s32 v8, v18;
	_ =	sdelay $0x1  }
0xc4: {  	s14 =	simm.s32 $0xC  }
0xc5: {  	v20 =	vmov s14;
	v19 =	vmul.f32 v19, v59  }
0xc6: {  	v20 =	vshrl.u32 v20, $0x3  }
0xc7: {  	[tilespmem:v18+s20+$0x0] =	vst.idx.msk $0xffff, v19;
	v18 =	vshll.u32 v20, v1  }
0xc8: {  	v19 =	vld [tilespmem:s0+$0x80];
	v18 =	vbroadcast v18, $0x0;
	_ =	sdelay $0x1  }
0xc9: {  	v20 =	vadd.s32 v9, v18  }
0xca: {  	v60 =	vbroadcast v17, $0xC;
	_ =	sdelay $0x1  }
0xcb: {  	v19 =	vmul.f32 v19, v60;
	_ =	sdelay $0x1  }
0xcc: {  	[tilespmem:v20+s20+$0x0] =	vst.idx.msk $0xffff, v19  }
0xcd: {  	v19 =	vld [tilespmem:s0+$0x90];
	_ =	sdelay $0x1  }
0xce: {  	v18 =	vadd.s32 v10, v18;
	_ =	sdelay $0x1  }
0xcf: {  	s12 =	simm.s32 $0xD  }
0xd0: {  	v20 =	vmov s12;
	v19 =	vmul.f32 v19, v60  }
0xd1: {  	v20 =	vshrl.u32 v20, $0x3  }
0xd2: {  	[tilespmem:v18+s20+$0x0] =	vst.idx.msk $0xffff, v19;
	v18 =	vshll.u32 v20, v1  }
0xd3: {  	v19 =	vld [tilespmem:s0+$0xA0];
	v18 =	vbroadcast v18, $0x0;
	_ =	sdelay $0x1  }
0xd4: {  	v20 =	vadd.s32 v11, v18  }
0xd5: {  	v61 =	vbroadcast v17, $0xD;
	_ =	sdelay $0x1  }
0xd6: {  	v19 =	vmul.f32 v19, v61;
	_ =	sdelay $0x1  }
0xd7: {  	[tilespmem:v20+s20+$0x0] =	vst.idx.msk $0xffff, v19  }
0xd8: {  	v19 =	vld [tilespmem:s0+$0xB0];
	_ =	sdelay $0x1  }
0xd9: {  	v18 =	vadd.s32 v12, v18;
	_ =	sdelay $0x1  }
0xda: {  	s13 =	simm.s32 $0xE  }
0xdb: {  	v20 =	vmov s13;
	v19 =	vmul.f32 v19, v61  }
0xdc: {  	v20 =	vshrl.u32 v20, $0x3  }
0xdd: {  	[tilespmem:v18+s20+$0x0] =	vst.idx.msk $0xffff, v19;
	v18 =	vshll.u32 v20, v1  }
0xde: {  	v19 =	vld [tilespmem:s0+$0xC0];
	v18 =	vbroadcast v18, $0x0;
	_ =	sdelay $0x1  }
0xdf: {  	v20 =	vadd.s32 v13, v18  }
0xe0: {  	v62 =	vbroadcast v17, $0xE;
	_ =	sdelay $0x1  }
0xe1: {  	v19 =	vmul.f32 v19, v62;
	_ =	sdelay $0x1  }
0xe2: {  	[tilespmem:v20+s20+$0x0] =	vst.idx.msk $0xffff, v19  }
0xe3: {  	v19 =	vld [tilespmem:s0+$0xD0];
	_ =	sdelay $0x1  }
0xe4: {  	v18 =	vadd.s32 v14, v18;
	_ =	sdelay $0x1  }
0xe5: {  	s14 =	simm.s32 $0xF  }
0xe6: {  	v20 =	vmov s14;
	v19 =	vmul.f32 v19, v62  }
0xe7: {  	v20 =	vshrl.u32 v20, $0x3  }
0xe8: {  	[tilespmem:v18+s20+$0x0] =	vst.idx.msk $0xffff, v19;
	v18 =	vshll.u32 v20, v1  }
0xe9: {  	v19 =	vld [tilespmem:s0+$0xE0];
	v18 =	vbroadcast v18, $0x0;
	_ =	sdelay $0x1  }
0xea: {  	v20 =	vadd.s32 v15, v18  }
0xeb: {  	v63 =	vbroadcast v17, $0xF;
	_ =	sdelay $0x1  }
0xec: {  	v17 =	vmul.f32 v19, v63;
	_ =	sdelay $0x1  }
0xed: {  	[tilespmem:v20+s20+$0x0] =	vst.idx.msk $0xffff, v17  }
0xee: {  	v19 =	vld [tilespmem:s0+$0xF0];
	_ =	sdelay $0x1  }
0xef: {  	v17 =	vadd.s32 v16, v18;
	_ =	sdelay $0x2  }
0xf0: {  	s1 =	simm.s32 $0x1F;
	s13 =	simm.s32 $0x10;
	s14 =	simm.s32 $0x2F;
	v18 =	vmul.f32 v19, v63  }
.LBB2_11:
0xf1: {  	s31 =	sadd.s32 $0x10, s31  }
0xf2: {  	v19 =	vmov s13;
	[tilespmem:v17+s20+$0x0] =	vst.idx.msk $0xffff, v18;
	s0 =	sadd.s32 $0x200, s0;
	s13 =	smov.u32 s14;
	s12 =	sadd.s32 $0x10, s14  }
0xf3: {  	p0 =	sne.s32 s14, $0x1FF;
	v17 =	vld [tilespmem:s31+$0x0];
	v18 =	vshrl.u32 v19, $0x3  }
0xf4: {  	v18 =	vshll.u32 v18, v1  }
0xf5: {  	v19 =	vld [tilespmem:s0+$0xFFFFFF00];
	v18 =	vbroadcast v18, $0x0;
	_ =	sdelay $0x1  }
0xf6: {  	v20 =	vadd.s32 v0, v18  }
0xf7: {  	v21 =	vbroadcast v17, $0x0;
	_ =	sdelay $0x1  }
0xf8: {  	v19 =	vmul.f32 v21, v19;
	_ =	sdelay $0x1  }
0xf9: {  	[tilespmem:v20+s20+$0x0] =	vst.idx.msk $0xffff, v19  }
0xfa: {  	v19 =	vld [tilespmem:s0+$0xFFFFFF10];
	_ =	sdelay $0x1  }
0xfb: {  	v18 =	vadd.s32 v2, v18;
	_ =	sdelay $0x1  }
0xfc: {  	s14 =	sadd.s32 $0xFFFFFFF2, s1  }
0xfd: {  	v20 =	vmov s14;
	v19 =	vmul.f32 v19, v21  }
0xfe: {  	v20 =	vshrl.u32 v20, $0x3  }
0xff: {  	[tilespmem:v18+s20+$0x0] =	vst.idx.msk $0xffff, v19;
	v18 =	vshll.u32 v20, v1  }
0x100: {  	v19 =	vld [tilespmem:s0+$0xFFFFFF20];
	v18 =	vbroadcast v18, $0x0;
	_ =	sdelay $0x1  }
0x101: {  	v20 =	vadd.s32 v3, v18  }
0x102: {  	v21 =	vbroadcast v17, $0x1;
	_ =	sdelay $0x1  }
0x103: {  	v19 =	vmul.f32 v19, v21;
	_ =	sdelay $0x1  }
0x104: {  	[tilespmem:v20+s20+$0x0] =	vst.idx.msk $0xffff, v19  }
0x105: {  	v19 =	vld [tilespmem:s0+$0xFFFFFF30];
	_ =	sdelay $0x1  }
0x106: {  	v18 =	vadd.s32 v4, v18;
	_ =	sdelay $0x1  }
0x107: {  	s14 =	sadd.s32 $0xFFFFFFF3, s1  }
0x108: {  	v20 =	vmov s14;
	v19 =	vmul.f32 v19, v21  }
0x109: {  	v20 =	vshrl.u32 v20, $0x3  }
0x10a: {  	[tilespmem:v18+s20+$0x0] =	vst.idx.msk $0xffff, v19;
	v18 =	vshll.u32 v20, v1  }
0x10b: {  	v19 =	vld [tilespmem:s0+$0xFFFFFF40];
	v18 =	vbroadcast v18, $0x0;
	_ =	sdelay $0x1  }
0x10c: {  	v20 =	vadd.s32 v5, v18  }
0x10d: {  	v21 =	vbroadcast v17, $0x2;
	_ =	sdelay $0x1  }
0x10e: {  	v19 =	vmul.f32 v19, v21;
	_ =	sdelay $0x1  }
0x10f: {  	[tilespmem:v20+s20+$0x0] =	vst.idx.msk $0xffff, v19  }
0x110: {  	v19 =	vld [tilespmem:s0+$0xFFFFFF50];
	_ =	sdelay $0x1  }
0x111: {  	v18 =	vadd.s32 v6, v18;
	_ =	sdelay $0x1  }
0x112: {  	s14 =	sadd.s32 $0xFFFFFFF4, s1  }
0x113: {  	v20 =	vmov s14;
	v19 =	vmul.f32 v19, v21  }
0x114: {  	v20 =	vshrl.u32 v20, $0x3  }
0x115: {  	[tilespmem:v18+s20+$0x0] =	vst.idx.msk $0xffff, v19;
	v18 =	vshll.u32 v20, v1  }
0x116: {  	v19 =	vld [tilespmem:s0+$0xFFFFFF60];
	v18 =	vbroadcast v18, $0x0;
	_ =	sdelay $0x1  }
0x117: {  	v20 =	vadd.s32 v7, v18  }
0x118: {  	v21 =	vbroadcast v17, $0x3;
	_ =	sdelay $0x1  }
0x119: {  	v19 =	vmul.f32 v19, v21;
	_ =	sdelay $0x1  }
0x11a: {  	[tilespmem:v20+s20+$0x0] =	vst.idx.msk $0xffff, v19  }
0x11b: {  	v19 =	vld [tilespmem:s0+$0xFFFFFF70];
	_ =	sdelay $0x1  }
0x11c: {  	v18 =	vadd.s32 v8, v18;
	_ =	sdelay $0x1  }
0x11d: {  	s14 =	sadd.s32 $0xFFFFFFF5, s1  }
0x11e: {  	v20 =	vmov s14;
	v19 =	vmul.f32 v19, v21  }
0x11f: {  	v20 =	vshrl.u32 v20, $0x3  }
0x120: {  	[tilespmem:v18+s20+$0x0] =	vst.idx.msk $0xffff, v19;
	v18 =	vshll.u32 v20, v1  }
0x121: {  	v19 =	vld [tilespmem:s0+$0xFFFFFF80];
	v18 =	vbroadcast v18, $0x0;
	_ =	sdelay $0x1  }
0x122: {  	v20 =	vadd.s32 v9, v18  }
0x123: {  	v21 =	vbroadcast v17, $0x4;
	_ =	sdelay $0x1  }
0x124: {  	v19 =	vmul.f32 v19, v21;
	_ =	sdelay $0x1  }
0x125: {  	[tilespmem:v20+s20+$0x0] =	vst.idx.msk $0xffff, v19  }
0x126: {  	v19 =	vld [tilespmem:s0+$0xFFFFFF90];
	_ =	sdelay $0x1  }
0x127: {  	v18 =	vadd.s32 v10, v18;
	_ =	sdelay $0x1  }
0x128: {  	s14 =	sadd.s32 $0xFFFFFFF6, s1  }
0x129: {  	v20 =	vmov s14;
	v19 =	vmul.f32 v19, v21  }
0x12a: {  	v20 =	vshrl.u32 v20, $0x3  }
0x12b: {  	[tilespmem:v18+s20+$0x0] =	vst.idx.msk $0xffff, v19;
	v18 =	vshll.u32 v20, v1  }
0x12c: {  	v19 =	vld [tilespmem:s0+$0xFFFFFFA0];
	v18 =	vbroadcast v18, $0x0;
	_ =	sdelay $0x1  }
0x12d: {  	v20 =	vadd.s32 v11, v18  }
0x12e: {  	v21 =	vbroadcast v17, $0x5;
	_ =	sdelay $0x1  }
0x12f: {  	v19 =	vmul.f32 v19, v21;
	_ =	sdelay $0x1  }
0x130: {  	[tilespmem:v20+s20+$0x0] =	vst.idx.msk $0xffff, v19  }
0x131: {  	v19 =	vld [tilespmem:s0+$0xFFFFFFB0];
	_ =	sdelay $0x1  }
0x132: {  	v18 =	vadd.s32 v12, v18;
	_ =	sdelay $0x1  }
0x133: {  	s14 =	sadd.s32 $0xFFFFFFF7, s1  }
0x134: {  	v20 =	vmov s14;
	v19 =	vmul.f32 v19, v21  }
0x135: {  	v20 =	vshrl.u32 v20, $0x3  }
0x136: {  	[tilespmem:v18+s20+$0x0] =	vst.idx.msk $0xffff, v19;
	v18 =	vshll.u32 v20, v1  }
0x137: {  	v19 =	vld [tilespmem:s0+$0xFFFFFFC0];
	v18 =	vbroadcast v18, $0x0;
	_ =	sdelay $0x1  }
0x138: {  	v20 =	vadd.s32 v13, v18  }
0x139: {  	v21 =	vbroadcast v17, $0x6;
	_ =	sdelay $0x1  }
0x13a: {  	v19 =	vmul.f32 v19, v21;
	_ =	sdelay $0x1  }
0x13b: {  	[tilespmem:v20+s20+$0x0] =	vst.idx.msk $0xffff, v19  }
0x13c: {  	v19 =	vld [tilespmem:s0+$0xFFFFFFD0];
	_ =	sdelay $0x1  }
0x13d: {  	v18 =	vadd.s32 v14, v18;
	_ =	sdelay $0x1  }
0x13e: {  	s14 =	sadd.s32 $0xFFFFFFF8, s1  }
0x13f: {  	v20 =	vmov s14;
	v19 =	vmul.f32 v19, v21  }
0x140: {  	v20 =	vshrl.u32 v20, $0x3  }
0x141: {  	[tilespmem:v18+s20+$0x0] =	vst.idx.msk $0xffff, v19;
	v18 =	vshll.u32 v20, v1  }
0x142: {  	v19 =	vld [tilespmem:s0+$0xFFFFFFE0];
	v18 =	vbroadcast v18, $0x0;
	_ =	sdelay $0x1  }
0x143: {  	v20 =	vadd.s32 v15, v18  }
0x144: {  	v21 =	vbroadcast v17, $0x7;
	_ =	sdelay $0x1  }
0x145: {  	v19 =	vmul.f32 v19, v21;
	_ =	sdelay $0x1  }
0x146: {  	[tilespmem:v20+s20+$0x0] =	vst.idx.msk $0xffff, v19  }
0x147: {  	v19 =	vld [tilespmem:s0+$0xFFFFFFF0];
	_ =	sdelay $0x1  }
0x148: {  	v18 =	vadd.s32 v16, v18;
	_ =	sdelay $0x1  }
0x149: {  	s14 =	sadd.s32 $0xFFFFFFF9, s1  }
0x14a: {  	v20 =	vmov s14;
	v19 =	vmul.f32 v19, v21  }
0x14b: {  	v20 =	vshrl.u32 v20, $0x3  }
0x14c: {  	[tilespmem:v18+s20+$0x0] =	vst.idx.msk $0xffff, v19;
	v18 =	vshll.u32 v20, v1  }
0x14d: {  	v19 =	vld [tilespmem:s0+$0x0];
	v18 =	vbroadcast v18, $0x0;
	_ =	sdelay $0x1  }
0x14e: {  	v20 =	vadd.s32 v0, v18  }
0x14f: {  	v21 =	vbroadcast v17, $0x8;
	_ =	sdelay $0x1  }
0x150: {  	v19 =	vmul.f32 v19, v21;
	_ =	sdelay $0x1  }
0x151: {  	[tilespmem:v20+s20+$0x0] =	vst.idx.msk $0xffff, v19  }
0x152: {  	v19 =	vld [tilespmem:s0+$0x10];
	_ =	sdelay $0x1  }
0x153: {  	v18 =	vadd.s32 v2, v18;
	_ =	sdelay $0x1  }
0x154: {  	s14 =	sadd.s32 $0xFFFFFFFA, s1  }
0x155: {  	v20 =	vmov s14;
	v19 =	vmul.f32 v19, v21  }
0x156: {  	v20 =	vshrl.u32 v20, $0x3  }
0x157: {  	[tilespmem:v18+s20+$0x0] =	vst.idx.msk $0xffff, v19;
	v18 =	vshll.u32 v20, v1  }
0x158: {  	v19 =	vld [tilespmem:s0+$0x20];
	v18 =	vbroadcast v18, $0x0;
	_ =	sdelay $0x1  }
0x159: {  	v20 =	vadd.s32 v3, v18  }
0x15a: {  	v21 =	vbroadcast v17, $0x9;
	_ =	sdelay $0x1  }
0x15b: {  	v19 =	vmul.f32 v19, v21;
	_ =	sdelay $0x1  }
0x15c: {  	[tilespmem:v20+s20+$0x0] =	vst.idx.msk $0xffff, v19  }
0x15d: {  	v19 =	vld [tilespmem:s0+$0x30];
	_ =	sdelay $0x1  }
0x15e: {  	v18 =	vadd.s32 v4, v18;
	_ =	sdelay $0x1  }
0x15f: {  	s14 =	sadd.s32 $0xFFFFFFFB, s1  }
0x160: {  	v20 =	vmov s14;
	v19 =	vmul.f32 v19, v21  }
0x161: {  	v20 =	vshrl.u32 v20, $0x3  }
0x162: {  	[tilespmem:v18+s20+$0x0] =	vst.idx.msk $0xffff, v19;
	v18 =	vshll.u32 v20, v1  }
0x163: {  	v19 =	vld [tilespmem:s0+$0x40];
	v18 =	vbroadcast v18, $0x0;
	_ =	sdelay $0x1  }
0x164: {  	v20 =	vadd.s32 v5, v18  }
0x165: {  	v21 =	vbroadcast v17, $0xA;
	_ =	sdelay $0x1  }
0x166: {  	v19 =	vmul.f32 v19, v21;
	_ =	sdelay $0x1  }
0x167: {  	[tilespmem:v20+s20+$0x0] =	vst.idx.msk $0xffff, v19  }
0x168: {  	v19 =	vld [tilespmem:s0+$0x50];
	_ =	sdelay $0x1  }
0x169: {  	v18 =	vadd.s32 v6, v18;
	_ =	sdelay $0x1  }
0x16a: {  	s14 =	sadd.s32 $0xFFFFFFFC, s1  }
0x16b: {  	v20 =	vmov s14;
	v19 =	vmul.f32 v19, v21  }
0x16c: {  	v20 =	vshrl.u32 v20, $0x3  }
0x16d: {  	[tilespmem:v18+s20+$0x0] =	vst.idx.msk $0xffff, v19;
	v18 =	vshll.u32 v20, v1  }
0x16e: {  	v19 =	vld [tilespmem:s0+$0x60];
	v18 =	vbroadcast v18, $0x0;
	_ =	sdelay $0x1  }
0x16f: {  	v20 =	vadd.s32 v7, v18  }
0x170: {  	v21 =	vbroadcast v17, $0xB;
	_ =	sdelay $0x1  }
0x171: {  	v19 =	vmul.f32 v19, v21;
	_ =	sdelay $0x1  }
0x172: {  	[tilespmem:v20+s20+$0x0] =	vst.idx.msk $0xffff, v19  }
0x173: {  	v19 =	vld [tilespmem:s0+$0x70];
	_ =	sdelay $0x1  }
0x174: {  	v18 =	vadd.s32 v8, v18;
	_ =	sdelay $0x1  }
0x175: {  	s14 =	sadd.s32 $0xFFFFFFFD, s1  }
0x176: {  	v20 =	vmov s14;
	v19 =	vmul.f32 v19, v21  }
0x177: {  	v20 =	vshrl.u32 v20, $0x3  }
0x178: {  	[tilespmem:v18+s20+$0x0] =	vst.idx.msk $0xffff, v19;
	v18 =	vshll.u32 v20, v1  }
0x179: {  	v19 =	vld [tilespmem:s0+$0x80];
	v18 =	vbroadcast v18, $0x0;
	_ =	sdelay $0x1  }
0x17a: {  	v20 =	vadd.s32 v9, v18  }
0x17b: {  	v21 =	vbroadcast v17, $0xC;
	_ =	sdelay $0x1  }
0x17c: {  	v19 =	vmul.f32 v19, v21;
	_ =	sdelay $0x1  }
0x17d: {  	[tilespmem:v20+s20+$0x0] =	vst.idx.msk $0xffff, v19  }
0x17e: {  	v19 =	vld [tilespmem:s0+$0x90];
	_ =	sdelay $0x1  }
0x17f: {  	v18 =	vadd.s32 v10, v18;
	_ =	sdelay $0x1  }
0x180: {  	s14 =	sadd.s32 $0xFFFFFFFE, s1  }
0x181: {  	v20 =	vmov s14;
	v19 =	vmul.f32 v19, v21  }
0x182: {  	v20 =	vshrl.u32 v20, $0x3  }
0x183: {  	[tilespmem:v18+s20+$0x0] =	vst.idx.msk $0xffff, v19;
	v18 =	vshll.u32 v20, v1  }
0x184: {  	v19 =	vld [tilespmem:s0+$0xA0];
	v18 =	vbroadcast v18, $0x0;
	_ =	sdelay $0x1  }
0x185: {  	v20 =	vadd.s32 v11, v18  }
0x186: {  	v21 =	vbroadcast v17, $0xD;
	_ =	sdelay $0x1  }
0x187: {  	v19 =	vmul.f32 v19, v21;
	_ =	sdelay $0x1  }
0x188: {  	[tilespmem:v20+s20+$0x0] =	vst.idx.msk $0xffff, v19  }
0x189: {  	v19 =	vld [tilespmem:s0+$0xB0];
	_ =	sdelay $0x1  }
0x18a: {  	v18 =	vadd.s32 v12, v18;
	_ =	sdelay $0x1  }
0x18b: {  	s14 =	sadd.s32 $0xFFFFFFFF, s1  }
0x18c: {  	v20 =	vmov s14;
	v19 =	vmul.f32 v19, v21  }
0x18d: {  	v20 =	vshrl.u32 v20, $0x3  }
0x18e: {  	[tilespmem:v18+s20+$0x0] =	vst.idx.msk $0xffff, v19;
	v18 =	vshll.u32 v20, v1  }
0x18f: {  	v19 =	vld [tilespmem:s0+$0xC0];
	v18 =	vbroadcast v18, $0x0;
	_ =	sdelay $0x1  }
0x190: {  	v20 =	vadd.s32 v13, v18  }
0x191: {  	v21 =	vbroadcast v17, $0xE;
	_ =	sdelay $0x1  }
0x192: {  	v19 =	vmul.f32 v19, v21;
	_ =	sdelay $0x1  }
0x193: {  	[tilespmem:v20+s20+$0x0] =	vst.idx.msk $0xffff, v19  }
0x194: {  	v19 =	vld [tilespmem:s0+$0xD0];
	_ =	sdelay $0x1  }
0x195: {  	v18 =	vadd.s32 v14, v18;
	_ =	sdelay $0x2  }
0x196: {  	v20 =	vmov s1;
	s1 =	smov.u32 s13;
	v19 =	vmul.f32 v19, v21  }
0x197: {  	v20 =	vshrl.u32 v20, $0x3  }
0x198: {  	[tilespmem:v18+s20+$0x0] =	vst.idx.msk $0xffff, v19;
	v18 =	vshll.u32 v20, v1  }
0x199: {  	v19 =	vld [tilespmem:s0+$0xE0];
	v18 =	vbroadcast v18, $0x0;
	_ =	sdelay $0x1  }
0x19a: {  	v20 =	vadd.s32 v15, v18  }
0x19b: {  	v21 =	vbroadcast v17, $0xF;
	_ =	sdelay $0x1  }
0x19c: {  	v17 =	vmul.f32 v19, v21;
	_ =	sdelay $0x1  }
0x19d: {  	[tilespmem:v20+s20+$0x0] =	vst.idx.msk $0xffff, v17  }
0x19e: {  	v19 =	vld [tilespmem:s0+$0xF0];
	_ =	sdelay $0x1  }
.Ltmp6:
0x19f: {  	v17 =	vadd.s32 v16, v18;
	(pc) =	sbr.rel @p0 .LBB2_11-.Ltmp6, $3  }
0x1a0: {  	_ =	sdelay $0x1  }
0x1a1: {  	v18 =	vmul.f32 v19, v21  }
0x1a2: {  	s14 =	smov.u32 s12;
	s13 =	sadd.s32 $0xFFFFFFF1, s1  }
0x1a3: {  	_ =	sdelay $0x3  }
0x1a4: {  	v19 =	vmov s13;
	[tilespmem:v17+s20+$0x0] =	vst.idx.msk $0xffff, v18;
	s12 =	sadd.s32 $0x10, s31  }
0x1a5: {  	v17 =	vld [tilespmem:s12+$0x0];
	v18 =	vshrl.u32 v19, $0x3  }
0x1a6: {  	s0 =	sadd.s32 $0x200, s0;
	v18 =	vshll.u32 v18, v1  }
0x1a7: {  	v19 =	vld [tilespmem:s0+$0xFFFFFF00];
	v18 =	vbroadcast v18, $0x0;
	_ =	sdelay $0x1  }
0x1a8: {  	v20 =	vadd.s32 v0, v18  }
0x1a9: {  	v21 =	vbroadcast v17, $0x0;
	_ =	sdelay $0x1  }
0x1aa: {  	v19 =	vmul.f32 v21, v19;
	_ =	sdelay $0x1  }
0x1ab: {  	[tilespmem:v20+s20+$0x0] =	vst.idx.msk $0xffff, v19  }
0x1ac: {  	v19 =	vld [tilespmem:s0+$0xFFFFFF10];
	_ =	sdelay $0x1  }
0x1ad: {  	v18 =	vadd.s32 v2, v18;
	_ =	sdelay $0x1  }
0x1ae: {  	s13 =	sadd.s32 $0xFFFFFFF2, s1  }
0x1af: {  	v60 =	vmov s13;
	v19 =	vmul.f32 v19, v21  }
0x1b0: {  	v20 =	vshrl.u32 v60, $0x3  }
0x1b1: {  	[tilespmem:v18+s20+$0x0] =	vst.idx.msk $0xffff, v19;
	v18 =	vshll.u32 v20, v1  }
0x1b2: {  	v19 =	vld [tilespmem:s0+$0xFFFFFF20];
	v18 =	vbroadcast v18, $0x0;
	_ =	sdelay $0x1  }
0x1b3: {  	v61 =	vadd.s32 v3, v18  }
0x1b4: {  	v62 =	vbroadcast v17, $0x1;
	_ =	sdelay $0x1  }
0x1b5: {  	v19 =	vmul.f32 v19, v62;
	_ =	sdelay $0x1  }
0x1b6: {  	[tilespmem:v61+s20+$0x0] =	vst.idx.msk $0xffff, v19  }
0x1b7: {  	v19 =	vld [tilespmem:s0+$0xFFFFFF30];
	_ =	sdelay $0x1  }
0x1b8: {  	v18 =	vadd.s32 v4, v18;
	_ =	sdelay $0x1  }
0x1b9: {  	s14 =	sadd.s32 $0xFFFFFFF3, s1  }
0x1ba: {  	v63 =	vmov s14;
	v19 =	vmul.f32 v19, v62  }
0x1bb: {  	v20 =	vshrl.u32 v63, $0x3  }
0x1bc: {  	[tilespmem:v18+s20+$0x0] =	vst.idx.msk $0xffff, v19;
	v18 =	vshll.u32 v20, v1  }
0x1bd: {  	v19 =	vld [tilespmem:s0+$0xFFFFFF40];
	v18 =	vbroadcast v18, $0x0;
	_ =	sdelay $0x1  }
0x1be: {  	v24 =	vadd.s32 v5, v18  }
0x1bf: {  	v25 =	vbroadcast v17, $0x2;
	_ =	sdelay $0x1  }
0x1c0: {  	v19 =	vmul.f32 v19, v25;
	_ =	sdelay $0x1  }
0x1c1: {  	[tilespmem:v24+s20+$0x0] =	vst.idx.msk $0xffff, v19  }
0x1c2: {  	v19 =	vld [tilespmem:s0+$0xFFFFFF50];
	_ =	sdelay $0x1  }
0x1c3: {  	v18 =	vadd.s32 v6, v18;
	_ =	sdelay $0x1  }
0x1c4: {  	s31 =	sadd.s32 $0xFFFFFFF4, s1  }
0x1c5: {  	v26 =	vmov s31;
	v19 =	vmul.f32 v19, v25  }
0x1c6: {  	v20 =	vshrl.u32 v26, $0x3  }
0x1c7: {  	[tilespmem:v18+s20+$0x0] =	vst.idx.msk $0xffff, v19;
	v18 =	vshll.u32 v20, v1  }
0x1c8: {  	v19 =	vld [tilespmem:s0+$0xFFFFFF60];
	v18 =	vbroadcast v18, $0x0;
	_ =	sdelay $0x1  }
0x1c9: {  	v27 =	vadd.s32 v7, v18  }
0x1ca: {  	v28 =	vbroadcast v17, $0x3;
	_ =	sdelay $0x1  }
0x1cb: {  	v19 =	vmul.f32 v19, v28;
	_ =	sdelay $0x1  }
0x1cc: {  	[tilespmem:v27+s20+$0x0] =	vst.idx.msk $0xffff, v19  }
0x1cd: {  	v19 =	vld [tilespmem:s0+$0xFFFFFF70];
	_ =	sdelay $0x1  }
0x1ce: {  	v18 =	vadd.s32 v8, v18;
	_ =	sdelay $0x1  }
0x1cf: {  	s13 =	sadd.s32 $0xFFFFFFF5, s1  }
0x1d0: {  	v29 =	vmov s13;
	v19 =	vmul.f32 v19, v28  }
0x1d1: {  	v20 =	vshrl.u32 v29, $0x3  }
0x1d2: {  	[tilespmem:v18+s20+$0x0] =	vst.idx.msk $0xffff, v19;
	v18 =	vshll.u32 v20, v1  }
0x1d3: {  	v19 =	vld [tilespmem:s0+$0xFFFFFF80];
	v18 =	vbroadcast v18, $0x0;
	_ =	sdelay $0x1  }
0x1d4: {  	v30 =	vadd.s32 v9, v18  }
0x1d5: {  	v31 =	vbroadcast v17, $0x4;
	_ =	sdelay $0x1  }
0x1d6: {  	v19 =	vmul.f32 v19, v31;
	_ =	sdelay $0x1  }
0x1d7: {  	[tilespmem:v30+s20+$0x0] =	vst.idx.msk $0xffff, v19  }
0x1d8: {  	v19 =	vld [tilespmem:s0+$0xFFFFFF90];
	_ =	sdelay $0x1  }
0x1d9: {  	v18 =	vadd.s32 v10, v18;
	_ =	sdelay $0x1  }
0x1da: {  	s14 =	sadd.s32 $0xFFFFFFF6, s1  }
0x1db: {  	v32 =	vmov s14;
	v19 =	vmul.f32 v19, v31  }
0x1dc: {  	v20 =	vshrl.u32 v32, $0x3  }
0x1dd: {  	[tilespmem:v18+s20+$0x0] =	vst.idx.msk $0xffff, v19;
	v18 =	vshll.u32 v20, v1  }
0x1de: {  	v19 =	vld [tilespmem:s0+$0xFFFFFFA0];
	v18 =	vbroadcast v18, $0x0;
	_ =	sdelay $0x1  }
0x1df: {  	v33 =	vadd.s32 v11, v18  }
0x1e0: {  	v34 =	vbroadcast v17, $0x5;
	_ =	sdelay $0x1  }
0x1e1: {  	v19 =	vmul.f32 v19, v34;
	_ =	sdelay $0x1  }
0x1e2: {  	[tilespmem:v33+s20+$0x0] =	vst.idx.msk $0xffff, v19  }
0x1e3: {  	v19 =	vld [tilespmem:s0+$0xFFFFFFB0];
	_ =	sdelay $0x1  }
0x1e4: {  	v18 =	vadd.s32 v12, v18;
	_ =	sdelay $0x1  }
0x1e5: {  	s31 =	sadd.s32 $0xFFFFFFF7, s1  }
0x1e6: {  	v35 =	vmov s31;
	v19 =	vmul.f32 v19, v34  }
0x1e7: {  	v20 =	vshrl.u32 v35, $0x3  }
0x1e8: {  	[tilespmem:v18+s20+$0x0] =	vst.idx.msk $0xffff, v19;
	v18 =	vshll.u32 v20, v1  }
0x1e9: {  	v19 =	vld [tilespmem:s0+$0xFFFFFFC0];
	v18 =	vbroadcast v18, $0x0;
	_ =	sdelay $0x1  }
0x1ea: {  	v36 =	vadd.s32 v13, v18  }
0x1eb: {  	v37 =	vbroadcast v17, $0x6;
	_ =	sdelay $0x1  }
0x1ec: {  	v19 =	vmul.f32 v19, v37;
	_ =	sdelay $0x1  }
0x1ed: {  	[tilespmem:v36+s20+$0x0] =	vst.idx.msk $0xffff, v19  }
0x1ee: {  	v19 =	vld [tilespmem:s0+$0xFFFFFFD0];
	_ =	sdelay $0x1  }
0x1ef: {  	v18 =	vadd.s32 v14, v18;
	_ =	sdelay $0x1  }
0x1f0: {  	s13 =	sadd.s32 $0xFFFFFFF8, s1  }
0x1f1: {  	v38 =	vmov s13;
	v19 =	vmul.f32 v19, v37  }
0x1f2: {  	v20 =	vshrl.u32 v38, $0x3  }
0x1f3: {  	[tilespmem:v18+s20+$0x0] =	vst.idx.msk $0xffff, v19;
	v18 =	vshll.u32 v20, v1  }
0x1f4: {  	v19 =	vld [tilespmem:s0+$0xFFFFFFE0];
	v18 =	vbroadcast v18, $0x0;
	_ =	sdelay $0x1  }
0x1f5: {  	v39 =	vadd.s32 v15, v18  }
0x1f6: {  	v40 =	vbroadcast v17, $0x7;
	_ =	sdelay $0x1  }
0x1f7: {  	v19 =	vmul.f32 v19, v40;
	_ =	sdelay $0x1  }
0x1f8: {  	[tilespmem:v39+s20+$0x0] =	vst.idx.msk $0xffff, v19  }
0x1f9: {  	v19 =	vld [tilespmem:s0+$0xFFFFFFF0];
	_ =	sdelay $0x1  }
0x1fa: {  	v18 =	vadd.s32 v16, v18;
	_ =	sdelay $0x1  }
0x1fb: {  	s14 =	sadd.s32 $0xFFFFFFF9, s1  }
0x1fc: {  	v41 =	vmov s14;
	v19 =	vmul.f32 v19, v40  }
0x1fd: {  	v20 =	vshrl.u32 v41, $0x3  }
0x1fe: {  	[tilespmem:v18+s20+$0x0] =	vst.idx.msk $0xffff, v19;
	v18 =	vshll.u32 v20, v1  }
0x1ff: {  	v19 =	vld [tilespmem:s0+$0x0];
	v18 =	vbroadcast v18, $0x0;
	_ =	sdelay $0x1  }
0x200: {  	v42 =	vadd.s32 v0, v18  }
0x201: {  	v43 =	vbroadcast v17, $0x8;
	_ =	sdelay $0x1  }
0x202: {  	v19 =	vmul.f32 v19, v43;
	_ =	sdelay $0x1  }
0x203: {  	[tilespmem:v42+s20+$0x0] =	vst.idx.msk $0xffff, v19  }
0x204: {  	v19 =	vld [tilespmem:s0+$0x10];
	_ =	sdelay $0x1  }
0x205: {  	v18 =	vadd.s32 v2, v18;
	_ =	sdelay $0x1  }
0x206: {  	s31 =	sadd.s32 $0xFFFFFFFA, s1  }
0x207: {  	v44 =	vmov s31;
	v19 =	vmul.f32 v19, v43  }
0x208: {  	v20 =	vshrl.u32 v44, $0x3  }
0x209: {  	[tilespmem:v18+s20+$0x0] =	vst.idx.msk $0xffff, v19;
	v18 =	vshll.u32 v20, v1  }
0x20a: {  	v19 =	vld [tilespmem:s0+$0x20];
	v18 =	vbroadcast v18, $0x0;
	_ =	sdelay $0x1  }
0x20b: {  	v45 =	vadd.s32 v3, v18  }
0x20c: {  	v46 =	vbroadcast v17, $0x9;
	_ =	sdelay $0x1  }
0x20d: {  	v19 =	vmul.f32 v19, v46;
	_ =	sdelay $0x1  }
0x20e: {  	[tilespmem:v45+s20+$0x0] =	vst.idx.msk $0xffff, v19  }
0x20f: {  	v19 =	vld [tilespmem:s0+$0x30];
	_ =	sdelay $0x1  }
0x210: {  	v18 =	vadd.s32 v4, v18;
	_ =	sdelay $0x1  }
0x211: {  	s13 =	sadd.s32 $0xFFFFFFFB, s1  }
0x212: {  	v47 =	vmov s13;
	v19 =	vmul.f32 v19, v46  }
0x213: {  	v20 =	vshrl.u32 v47, $0x3  }
0x214: {  	[tilespmem:v18+s20+$0x0] =	vst.idx.msk $0xffff, v19;
	v18 =	vshll.u32 v20, v1  }
0x215: {  	v19 =	vld [tilespmem:s0+$0x40];
	v18 =	vbroadcast v18, $0x0;
	_ =	sdelay $0x1  }
0x216: {  	v48 =	vadd.s32 v5, v18  }
0x217: {  	v49 =	vbroadcast v17, $0xA;
	_ =	sdelay $0x1  }
0x218: {  	v19 =	vmul.f32 v19, v49;
	_ =	sdelay $0x1  }
0x219: {  	[tilespmem:v48+s20+$0x0] =	vst.idx.msk $0xffff, v19  }
0x21a: {  	v19 =	vld [tilespmem:s0+$0x50];
	_ =	sdelay $0x1  }
0x21b: {  	v18 =	vadd.s32 v6, v18;
	_ =	sdelay $0x1  }
0x21c: {  	s14 =	sadd.s32 $0xFFFFFFFC, s1  }
0x21d: {  	v50 =	vmov s14;
	v19 =	vmul.f32 v19, v49  }
0x21e: {  	v20 =	vshrl.u32 v50, $0x3  }
0x21f: {  	[tilespmem:v18+s20+$0x0] =	vst.idx.msk $0xffff, v19;
	v18 =	vshll.u32 v20, v1  }
0x220: {  	v19 =	vld [tilespmem:s0+$0x60];
	v18 =	vbroadcast v18, $0x0;
	_ =	sdelay $0x1  }
0x221: {  	v51 =	vadd.s32 v7, v18  }
0x222: {  	v52 =	vbroadcast v17, $0xB;
	_ =	sdelay $0x1  }
0x223: {  	v19 =	vmul.f32 v19, v52;
	_ =	sdelay $0x1  }
0x224: {  	[tilespmem:v51+s20+$0x0] =	vst.idx.msk $0xffff, v19  }
0x225: {  	v19 =	vld [tilespmem:s0+$0x70];
	_ =	sdelay $0x1  }
0x226: {  	v18 =	vadd.s32 v8, v18;
	_ =	sdelay $0x1  }
0x227: {  	s31 =	sadd.s32 $0xFFFFFFFD, s1  }
0x228: {  	v53 =	vmov s31;
	v19 =	vmul.f32 v19, v52  }
0x229: {  	v20 =	vshrl.u32 v53, $0x3  }
0x22a: {  	[tilespmem:v18+s20+$0x0] =	vst.idx.msk $0xffff, v19;
	v18 =	vshll.u32 v20, v1  }
0x22b: {  	v19 =	vld [tilespmem:s0+$0x80];
	v18 =	vbroadcast v18, $0x0;
	_ =	sdelay $0x1  }
0x22c: {  	v54 =	vadd.s32 v9, v18  }
0x22d: {  	v55 =	vbroadcast v17, $0xC;
	_ =	sdelay $0x1  }
0x22e: {  	v19 =	vmul.f32 v19, v55;
	_ =	sdelay $0x1  }
0x22f: {  	[tilespmem:v54+s20+$0x0] =	vst.idx.msk $0xffff, v19  }
0x230: {  	v19 =	vld [tilespmem:s0+$0x90];
	_ =	sdelay $0x1  }
0x231: {  	v18 =	vadd.s32 v10, v18;
	_ =	sdelay $0x1  }
0x232: {  	s13 =	sadd.s32 $0xFFFFFFFE, s1  }
0x233: {  	v56 =	vmov s13;
	v19 =	vmul.f32 v19, v55  }
0x234: {  	v20 =	vshrl.u32 v56, $0x3  }
0x235: {  	[tilespmem:v18+s20+$0x0] =	vst.idx.msk $0xffff, v19;
	v18 =	vshll.u32 v20, v1  }
0x236: {  	v19 =	vld [tilespmem:s0+$0xA0];
	v18 =	vbroadcast v18, $0x0;
	_ =	sdelay $0x1  }
0x237: {  	v57 =	vadd.s32 v11, v18  }
0x238: {  	v58 =	vbroadcast v17, $0xD;
	_ =	sdelay $0x1  }
0x239: {  	v19 =	vmul.f32 v19, v58;
	_ =	sdelay $0x1  }
0x23a: {  	[tilespmem:v57+s20+$0x0] =	vst.idx.msk $0xffff, v19  }
0x23b: {  	v19 =	vld [tilespmem:s0+$0xB0];
	_ =	sdelay $0x1  }
0x23c: {  	v18 =	vadd.s32 v12, v18;
	_ =	sdelay $0x1  }
0x23d: {  	s14 =	sadd.s32 $0xFFFFFFFF, s1  }
0x23e: {  	v59 =	vmov s14;
	v19 =	vmul.f32 v19, v58  }
0x23f: {  	v20 =	vshrl.u32 v59, $0x3  }
0x240: {  	[tilespmem:v18+s20+$0x0] =	vst.idx.msk $0xffff, v19;
	v18 =	vshll.u32 v20, v1  }
0x241: {  	v19 =	vld [tilespmem:s0+$0xC0];
	v18 =	vbroadcast v18, $0x0;
	_ =	sdelay $0x1  }
0x242: {  	v60 =	vadd.s32 v13, v18  }
0x243: {  	v61 =	vbroadcast v17, $0xE;
	_ =	sdelay $0x1  }
0x244: {  	v19 =	vmul.f32 v19, v61;
	_ =	sdelay $0x1  }
0x245: {  	[tilespmem:v60+s20+$0x0] =	vst.idx.msk $0xffff, v19  }
0x246: {  	v19 =	vld [tilespmem:s0+$0xD0];
	_ =	sdelay $0x1  }
0x247: {  	v18 =	vadd.s32 v14, v18;
	_ =	sdelay $0x2  }
0x248: {  	v62 =	vmov s1;
	v19 =	vmul.f32 v19, v61  }
0x249: {  	v20 =	vshrl.u32 v62, $0x3  }
0x24a: {  	[tilespmem:v18+s20+$0x0] =	vst.idx.msk $0xffff, v19;
	v18 =	vshll.u32 v20, v1  }
0x24b: {  	v19 =	vld [tilespmem:s0+$0xE0];
	v18 =	vbroadcast v18, $0x0;
	_ =	sdelay $0x1  }
0x24c: {  	v63 =	vadd.s32 v15, v18  }
0x24d: {  	v17 =	vbroadcast v17, $0xF;
	_ =	sdelay $0x1  }
0x24e: {  	v19 =	vmul.f32 v19, v17;
	_ =	sdelay $0x1  }
0x24f: {  	[tilespmem:v63+s20+$0x0] =	vst.idx.msk $0xffff, v19  }
0x250: {  	v19 =	vld [tilespmem:s0+$0xF0];
	_ =	sdelay $0x1  }
0x251: {  	v18 =	vadd.s32 v16, v18  }
0x252: {  	s31 =	sshll.u32 s30, $0x13  }
0x253: {  	s0 =	sor.u32 s3, s31  }
0x254: {  	s0 =	sshrl.u32 s0, $0x3;
	v17 =	vmul.f32 v19, v17  }
0x255: {  	s12 =	simm.s32 $0x800;
	s0 =	sadd.s32 s5, s0  }
0x256: {  	s13 =	simm.s32 $0x14308;
	s1 =	simm.s32 $0x14100;
	s14 =	sadd.s32 $0x0, s0;
	[tilespmem:v18+s20+$0x0] =	vst.idx.msk $0xffff, v17  }
.LBB2_13:
0x257: {  	[hbm4b:s14+s2] =	stream.linear.scatter [tilespmem:s1], [sflag:$0x3], $0x200, $0x38;
	[tilespmem:$0x18200] =	vst v63  }
0x258: {  	s14 =	smov.u32 s12;
	s1 =	smov.u32 s13;
	p0 =	sne.s32 s12, $0xF800  }
.Ltmp7:
0x259: {  	s12 =	sadd.s32 $0x800, s12;
	(pc) =	sbr.rel @p0 .LBB2_13-.Ltmp7, $2  }
0x25a: {  	_ =	sdelay $0x2  }
0x25b: {  	s13 =	sadd.s32 $0x208, s13;
	s14 =	sadd.s32 s14, s0  }
.Ltmp8:
0x25c: {  	(pc) =	sbr.rel .LBB2_15-.Ltmp8, $2  }
0x25d: {  	_ =	sdelay $0x2  }
0x25e: {  	[hbm4b:s14+s2] =	stream.linear.scatter [tilespmem:s1], [sflag:$0x3], $0x200, $0x38;
	[tilespmem:$0x18200] =	vst v63  }
.LBB2_3:
0x25f: {  	_ =	swait.ge [sflag:s21], $0x4000;
	s0 =	sshll.u32 s30, $0x9  }
0x260: {  	[sflag:s21] =	ssyncset.done $0x0;
	s0 =	sand.u32 $0x3FFFFE00, s0  }
0x261: {  	[sflag:s21] =	ssyncadd.s32 $0xFFFFC000;
	s1 =	sadd.s32 $0x200, s0  }
0x262: {  	[tilespmem:s22], [sflag:$0x2] =	stream.indirect.gather [hbm4b:s4+s11], $0x20, s1, s11, $0xb8;
	[tilespmem:$0x18200] =	vst v63  }
0x263: {  	s12 =	sadd.s32 $0x280, s0  }
0x264: {  	[tilespmem:s23], [sflag:$0x2] =	stream.indirect.gather [hbm4b:s4+s11], $0x20, s12, s11, $0xb8;
	[tilespmem:$0x18200] =	vst v63  }
0x265: {  	s13 =	sadd.s32 $0x300, s0  }
0x266: {  	[tilespmem:s24], [sflag:$0x2] =	stream.indirect.gather [hbm4b:s4+s11], $0x20, s13, s11, $0xb8;
	[tilespmem:$0x18200] =	vst v63  }
0x267: {  	p0 =	slt.u32 s30, $0x2;
	s0 =	sadd.s32 $0x380, s0  }
0x268: {  	[tilespmem:s25], [sflag:$0x2] =	stream.indirect.gather [hbm4b:s4+s11], $0x20, s0, s11, $0xb8;
	[tilespmem:$0x18200] =	vst v63  }
0x269: {  	s0 =	simm.s32 @!p0 $0x3  }
0x26a: {  	_ =	swait.ge @!p0 [sflag:s0], $0x4000  }
0x26b: {  	s14 =	simm.s32 $0x0;
	[sflag:s0] =	ssyncset.done @!p0 $0x0  }
0x26c: {  	v18 =	vmov s14;
	[sflag:s0] =	ssyncadd.s32 @!p0 $0xFFFFC000  }
0x26d: {  	v18 =	vshrl.u32 v18, $0x3;
	v17 =	vld [tilespmem:s29+$0x0]  }
0x26e: {  	s31 =	simm.s32 $0x8100;
	v18 =	vshll.u32 v18, v1  }
0x26f: {  	v18 =	vbroadcast v18, $0x0;
	v19 =	vld [tilespmem:s31+$0xFFFFFF00];
	_ =	sdelay $0x1  }
0x270: {  	v20 =	vadd.s32 v0, v18  }
0x271: {  	v21 =	vbroadcast v17, $0x0;
	_ =	sdelay $0x1  }
0x272: {  	v19 =	vmul.f32 v21, v19;
	_ =	sdelay $0x1  }
0x273: {  	[tilespmem:v20+s26+$0x0] =	vst.idx.msk $0xffff, v19  }
0x274: {  	v19 =	vld [tilespmem:s31+$0xFFFFFF10];
	_ =	sdelay $0x1  }
0x275: {  	v18 =	vadd.s32 v2, v18;
	_ =	sdelay $0x1  }
0x276: {  	s12 =	simm.s32 $0x1  }
0x277: {  	v20 =	vmov s12;
	v19 =	vmul.f32 v19, v21  }
0x278: {  	v20 =	vshrl.u32 v20, $0x3  }
0x279: {  	[tilespmem:v18+s26+$0x0] =	vst.idx.msk $0xffff, v19;
	v18 =	vshll.u32 v20, v1  }
0x27a: {  	v19 =	vld [tilespmem:s31+$0xFFFFFF20];
	v18 =	vbroadcast v18, $0x0;
	_ =	sdelay $0x1  }
0x27b: {  	v20 =	vadd.s32 v3, v18  }
0x27c: {  	v49 =	vbroadcast v17, $0x1;
	_ =	sdelay $0x1  }
0x27d: {  	v19 =	vmul.f32 v19, v49;
	_ =	sdelay $0x1  }
0x27e: {  	[tilespmem:v20+s26+$0x0] =	vst.idx.msk $0xffff, v19  }
0x27f: {  	v19 =	vld [tilespmem:s31+$0xFFFFFF30];
	_ =	sdelay $0x1  }
0x280: {  	v18 =	vadd.s32 v4, v18;
	_ =	sdelay $0x1  }
0x281: {  	s13 =	simm.s32 $0x2  }
0x282: {  	v20 =	vmov s13;
	v19 =	vmul.f32 v19, v49  }
0x283: {  	v20 =	vshrl.u32 v20, $0x3  }
0x284: {  	[tilespmem:v18+s26+$0x0] =	vst.idx.msk $0xffff, v19;
	v18 =	vshll.u32 v20, v1  }
0x285: {  	v19 =	vld [tilespmem:s31+$0xFFFFFF40];
	v18 =	vbroadcast v18, $0x0;
	_ =	sdelay $0x1  }
0x286: {  	v20 =	vadd.s32 v5, v18  }
0x287: {  	v50 =	vbroadcast v17, $0x2;
	_ =	sdelay $0x1  }
0x288: {  	v19 =	vmul.f32 v19, v50;
	_ =	sdelay $0x1  }
0x289: {  	[tilespmem:v20+s26+$0x0] =	vst.idx.msk $0xffff, v19  }
0x28a: {  	v19 =	vld [tilespmem:s31+$0xFFFFFF50];
	_ =	sdelay $0x1  }
0x28b: {  	v18 =	vadd.s32 v6, v18;
	_ =	sdelay $0x1  }
0x28c: {  	s14 =	simm.s32 $0x3  }
0x28d: {  	v20 =	vmov s14;
	v19 =	vmul.f32 v19, v50  }
0x28e: {  	v20 =	vshrl.u32 v20, $0x3  }
0x28f: {  	[tilespmem:v18+s26+$0x0] =	vst.idx.msk $0xffff, v19;
	v18 =	vshll.u32 v20, v1  }
0x290: {  	v19 =	vld [tilespmem:s31+$0xFFFFFF60];
	v18 =	vbroadcast v18, $0x0;
	_ =	sdelay $0x1  }
0x291: {  	v20 =	vadd.s32 v7, v18  }
0x292: {  	v51 =	vbroadcast v17, $0x3;
	_ =	sdelay $0x1  }
0x293: {  	v19 =	vmul.f32 v19, v51;
	_ =	sdelay $0x1  }
0x294: {  	[tilespmem:v20+s26+$0x0] =	vst.idx.msk $0xffff, v19  }
0x295: {  	v19 =	vld [tilespmem:s31+$0xFFFFFF70];
	_ =	sdelay $0x1  }
0x296: {  	v18 =	vadd.s32 v8, v18;
	_ =	sdelay $0x1  }
0x297: {  	s1 =	simm.s32 $0x4  }
0x298: {  	v20 =	vmov s1;
	v19 =	vmul.f32 v19, v51  }
0x299: {  	v20 =	vshrl.u32 v20, $0x3  }
0x29a: {  	[tilespmem:v18+s26+$0x0] =	vst.idx.msk $0xffff, v19;
	v18 =	vshll.u32 v20, v1  }
0x29b: {  	v19 =	vld [tilespmem:s31+$0xFFFFFF80];
	v18 =	vbroadcast v18, $0x0;
	_ =	sdelay $0x1  }
0x29c: {  	v20 =	vadd.s32 v9, v18  }
0x29d: {  	v52 =	vbroadcast v17, $0x4;
	_ =	sdelay $0x1  }
0x29e: {  	v19 =	vmul.f32 v19, v52;
	_ =	sdelay $0x1  }
0x29f: {  	[tilespmem:v20+s26+$0x0] =	vst.idx.msk $0xffff, v19  }
0x2a0: {  	v19 =	vld [tilespmem:s31+$0xFFFFFF90];
	_ =	sdelay $0x1  }
0x2a1: {  	v18 =	vadd.s32 v10, v18;
	_ =	sdelay $0x1  }
0x2a2: {  	s12 =	simm.s32 $0x5  }
0x2a3: {  	v20 =	vmov s12;
	v19 =	vmul.f32 v19, v52  }
0x2a4: {  	v20 =	vshrl.u32 v20, $0x3  }
0x2a5: {  	[tilespmem:v18+s26+$0x0] =	vst.idx.msk $0xffff, v19;
	v18 =	vshll.u32 v20, v1  }
0x2a6: {  	v19 =	vld [tilespmem:s31+$0xFFFFFFA0];
	v18 =	vbroadcast v18, $0x0;
	_ =	sdelay $0x1  }
0x2a7: {  	v20 =	vadd.s32 v11, v18  }
0x2a8: {  	v53 =	vbroadcast v17, $0x5;
	_ =	sdelay $0x1  }
0x2a9: {  	v19 =	vmul.f32 v19, v53;
	_ =	sdelay $0x1  }
0x2aa: {  	[tilespmem:v20+s26+$0x0] =	vst.idx.msk $0xffff, v19  }
0x2ab: {  	v19 =	vld [tilespmem:s31+$0xFFFFFFB0];
	_ =	sdelay $0x1  }
0x2ac: {  	v18 =	vadd.s32 v12, v18;
	_ =	sdelay $0x1  }
0x2ad: {  	s13 =	simm.s32 $0x6  }
0x2ae: {  	v20 =	vmov s13;
	v19 =	vmul.f32 v19, v53  }
0x2af: {  	v20 =	vshrl.u32 v20, $0x3  }
0x2b0: {  	[tilespmem:v18+s26+$0x0] =	vst.idx.msk $0xffff, v19;
	v18 =	vshll.u32 v20, v1  }
0x2b1: {  	v19 =	vld [tilespmem:s31+$0xFFFFFFC0];
	v18 =	vbroadcast v18, $0x0;
	_ =	sdelay $0x1  }
0x2b2: {  	v20 =	vadd.s32 v13, v18  }
0x2b3: {  	v54 =	vbroadcast v17, $0x6;
	_ =	sdelay $0x1  }
0x2b4: {  	v19 =	vmul.f32 v19, v54;
	_ =	sdelay $0x1  }
0x2b5: {  	[tilespmem:v20+s26+$0x0] =	vst.idx.msk $0xffff, v19  }
0x2b6: {  	v19 =	vld [tilespmem:s31+$0xFFFFFFD0];
	_ =	sdelay $0x1  }
0x2b7: {  	v18 =	vadd.s32 v14, v18;
	_ =	sdelay $0x1  }
0x2b8: {  	s14 =	simm.s32 $0x7  }
0x2b9: {  	v20 =	vmov s14;
	v19 =	vmul.f32 v19, v54  }
0x2ba: {  	v20 =	vshrl.u32 v20, $0x3  }
0x2bb: {  	[tilespmem:v18+s26+$0x0] =	vst.idx.msk $0xffff, v19;
	v18 =	vshll.u32 v20, v1  }
0x2bc: {  	v19 =	vld [tilespmem:s31+$0xFFFFFFE0];
	v18 =	vbroadcast v18, $0x0;
	_ =	sdelay $0x1  }
0x2bd: {  	v20 =	vadd.s32 v15, v18  }
0x2be: {  	v55 =	vbroadcast v17, $0x7;
	_ =	sdelay $0x1  }
0x2bf: {  	v19 =	vmul.f32 v19, v55;
	_ =	sdelay $0x1  }
0x2c0: {  	[tilespmem:v20+s26+$0x0] =	vst.idx.msk $0xffff, v19  }
0x2c1: {  	v19 =	vld [tilespmem:s31+$0xFFFFFFF0];
	_ =	sdelay $0x1  }
0x2c2: {  	v18 =	vadd.s32 v16, v18;
	_ =	sdelay $0x1  }
0x2c3: {  	s1 =	simm.s32 $0x8  }
0x2c4: {  	v20 =	vmov s1;
	v19 =	vmul.f32 v19, v55  }
0x2c5: {  	v20 =	vshrl.u32 v20, $0x3  }
0x2c6: {  	[tilespmem:v18+s26+$0x0] =	vst.idx.msk $0xffff, v19;
	v18 =	vshll.u32 v20, v1  }
0x2c7: {  	v19 =	vld [tilespmem:s31+$0x0];
	v18 =	vbroadcast v18, $0x0;
	_ =	sdelay $0x1  }
0x2c8: {  	v20 =	vadd.s32 v0, v18  }
0x2c9: {  	v56 =	vbroadcast v17, $0x8;
	_ =	sdelay $0x1  }
0x2ca: {  	v19 =	vmul.f32 v19, v56;
	_ =	sdelay $0x1  }
0x2cb: {  	[tilespmem:v20+s26+$0x0] =	vst.idx.msk $0xffff, v19  }
0x2cc: {  	v19 =	vld [tilespmem:s31+$0x10];
	_ =	sdelay $0x1  }
0x2cd: {  	v18 =	vadd.s32 v2, v18;
	_ =	sdelay $0x1  }
0x2ce: {  	s12 =	simm.s32 $0x9  }
0x2cf: {  	v20 =	vmov s12;
	v19 =	vmul.f32 v19, v56  }
0x2d0: {  	v20 =	vshrl.u32 v20, $0x3  }
0x2d1: {  	[tilespmem:v18+s26+$0x0] =	vst.idx.msk $0xffff, v19;
	v18 =	vshll.u32 v20, v1  }
0x2d2: {  	v19 =	vld [tilespmem:s31+$0x20];
	v18 =	vbroadcast v18, $0x0;
	_ =	sdelay $0x1  }
0x2d3: {  	v20 =	vadd.s32 v3, v18  }
0x2d4: {  	v57 =	vbroadcast v17, $0x9;
	_ =	sdelay $0x1  }
0x2d5: {  	v19 =	vmul.f32 v19, v57;
	_ =	sdelay $0x1  }
0x2d6: {  	[tilespmem:v20+s26+$0x0] =	vst.idx.msk $0xffff, v19  }
0x2d7: {  	v19 =	vld [tilespmem:s31+$0x30];
	_ =	sdelay $0x1  }
0x2d8: {  	v18 =	vadd.s32 v4, v18;
	_ =	sdelay $0x1  }
0x2d9: {  	s13 =	simm.s32 $0xA  }
0x2da: {  	v20 =	vmov s13;
	v19 =	vmul.f32 v19, v57  }
0x2db: {  	v20 =	vshrl.u32 v20, $0x3  }
0x2dc: {  	[tilespmem:v18+s26+$0x0] =	vst.idx.msk $0xffff, v19;
	v18 =	vshll.u32 v20, v1  }
0x2dd: {  	v19 =	vld [tilespmem:s31+$0x40];
	v18 =	vbroadcast v18, $0x0;
	_ =	sdelay $0x1  }
0x2de: {  	v20 =	vadd.s32 v5, v18  }
0x2df: {  	v58 =	vbroadcast v17, $0xA;
	_ =	sdelay $0x1  }
0x2e0: {  	v19 =	vmul.f32 v19, v58;
	_ =	sdelay $0x1  }
0x2e1: {  	[tilespmem:v20+s26+$0x0] =	vst.idx.msk $0xffff, v19  }
0x2e2: {  	v19 =	vld [tilespmem:s31+$0x50];
	_ =	sdelay $0x1  }
0x2e3: {  	v18 =	vadd.s32 v6, v18;
	_ =	sdelay $0x1  }
0x2e4: {  	s14 =	simm.s32 $0xB  }
0x2e5: {  	v20 =	vmov s14;
	v19 =	vmul.f32 v19, v58  }
0x2e6: {  	v20 =	vshrl.u32 v20, $0x3  }
0x2e7: {  	[tilespmem:v18+s26+$0x0] =	vst.idx.msk $0xffff, v19;
	v18 =	vshll.u32 v20, v1  }
0x2e8: {  	v19 =	vld [tilespmem:s31+$0x60];
	v18 =	vbroadcast v18, $0x0;
	_ =	sdelay $0x1  }
0x2e9: {  	v20 =	vadd.s32 v7, v18  }
0x2ea: {  	v59 =	vbroadcast v17, $0xB;
	_ =	sdelay $0x1  }
0x2eb: {  	v19 =	vmul.f32 v19, v59;
	_ =	sdelay $0x1  }
0x2ec: {  	[tilespmem:v20+s26+$0x0] =	vst.idx.msk $0xffff, v19  }
0x2ed: {  	v19 =	vld [tilespmem:s31+$0x70];
	_ =	sdelay $0x1  }
0x2ee: {  	v18 =	vadd.s32 v8, v18;
	_ =	sdelay $0x1  }
0x2ef: {  	s1 =	simm.s32 $0xC  }
0x2f0: {  	v20 =	vmov s1;
	v19 =	vmul.f32 v19, v59  }
0x2f1: {  	v20 =	vshrl.u32 v20, $0x3  }
0x2f2: {  	[tilespmem:v18+s26+$0x0] =	vst.idx.msk $0xffff, v19;
	v18 =	vshll.u32 v20, v1  }
0x2f3: {  	v19 =	vld [tilespmem:s31+$0x80];
	v18 =	vbroadcast v18, $0x0;
	_ =	sdelay $0x1  }
0x2f4: {  	v20 =	vadd.s32 v9, v18  }
0x2f5: {  	v60 =	vbroadcast v17, $0xC;
	_ =	sdelay $0x1  }
0x2f6: {  	v19 =	vmul.f32 v19, v60;
	_ =	sdelay $0x1  }
0x2f7: {  	[tilespmem:v20+s26+$0x0] =	vst.idx.msk $0xffff, v19  }
0x2f8: {  	v19 =	vld [tilespmem:s31+$0x90];
	_ =	sdelay $0x1  }
0x2f9: {  	v18 =	vadd.s32 v10, v18;
	_ =	sdelay $0x1  }
0x2fa: {  	s12 =	simm.s32 $0xD  }
0x2fb: {  	v20 =	vmov s12;
	v19 =	vmul.f32 v19, v60  }
0x2fc: {  	v20 =	vshrl.u32 v20, $0x3  }
0x2fd: {  	[tilespmem:v18+s26+$0x0] =	vst.idx.msk $0xffff, v19;
	v18 =	vshll.u32 v20, v1  }
0x2fe: {  	v19 =	vld [tilespmem:s31+$0xA0];
	v18 =	vbroadcast v18, $0x0;
	_ =	sdelay $0x1  }
0x2ff: {  	v20 =	vadd.s32 v11, v18  }
0x300: {  	v61 =	vbroadcast v17, $0xD;
	_ =	sdelay $0x1  }
0x301: {  	v19 =	vmul.f32 v19, v61;
	_ =	sdelay $0x1  }
0x302: {  	[tilespmem:v20+s26+$0x0] =	vst.idx.msk $0xffff, v19  }
0x303: {  	v19 =	vld [tilespmem:s31+$0xB0];
	_ =	sdelay $0x1  }
0x304: {  	v18 =	vadd.s32 v12, v18;
	_ =	sdelay $0x1  }
0x305: {  	s13 =	simm.s32 $0xE  }
0x306: {  	v20 =	vmov s13;
	v19 =	vmul.f32 v19, v61  }
0x307: {  	v20 =	vshrl.u32 v20, $0x3  }
0x308: {  	[tilespmem:v18+s26+$0x0] =	vst.idx.msk $0xffff, v19;
	v18 =	vshll.u32 v20, v1  }
0x309: {  	v19 =	vld [tilespmem:s31+$0xC0];
	v18 =	vbroadcast v18, $0x0;
	_ =	sdelay $0x1  }
0x30a: {  	v20 =	vadd.s32 v13, v18  }
0x30b: {  	v62 =	vbroadcast v17, $0xE;
	_ =	sdelay $0x1  }
0x30c: {  	v19 =	vmul.f32 v19, v62;
	_ =	sdelay $0x1  }
0x30d: {  	[tilespmem:v20+s26+$0x0] =	vst.idx.msk $0xffff, v19  }
0x30e: {  	v19 =	vld [tilespmem:s31+$0xD0];
	_ =	sdelay $0x1  }
0x30f: {  	v18 =	vadd.s32 v14, v18;
	_ =	sdelay $0x1  }
0x310: {  	s14 =	simm.s32 $0xF  }
0x311: {  	v20 =	vmov s14;
	v19 =	vmul.f32 v19, v62  }
0x312: {  	v20 =	vshrl.u32 v20, $0x3  }
0x313: {  	[tilespmem:v18+s26+$0x0] =	vst.idx.msk $0xffff, v19;
	v18 =	vshll.u32 v20, v1  }
0x314: {  	v19 =	vld [tilespmem:s31+$0xE0];
	v18 =	vbroadcast v18, $0x0;
	_ =	sdelay $0x1  }
0x315: {  	v20 =	vadd.s32 v15, v18  }
0x316: {  	v63 =	vbroadcast v17, $0xF;
	_ =	sdelay $0x1  }
0x317: {  	v17 =	vmul.f32 v19, v63;
	_ =	sdelay $0x1  }
0x318: {  	[tilespmem:v20+s26+$0x0] =	vst.idx.msk $0xffff, v17  }
0x319: {  	v19 =	vld [tilespmem:s31+$0xF0];
	_ =	sdelay $0x1  }
0x31a: {  	v17 =	vadd.s32 v16, v18;
	_ =	sdelay $0x1  }
0x31b: {  	s0 =	simm.s32 $0x1F  }
0x31c: {  	s1 =	smov.u32 s29;
	s12 =	simm.s32 $0x2F;
	s13 =	simm.s32 $0x10;
	v18 =	vmul.f32 v19, v63  }
.LBB2_4:
0x31d: {  	s1 =	sadd.s32 $0x10, s1  }
0x31e: {  	v19 =	vmov s13;
	[tilespmem:v17+s26+$0x0] =	vst.idx.msk $0xffff, v18;
	s31 =	sadd.s32 $0x200, s31;
	s13 =	smov.u32 s12;
	s14 =	sadd.s32 $0x10, s12  }
0x31f: {  	p0 =	sne.s32 s12, $0x1FF;
	v17 =	vld [tilespmem:s1+$0x0];
	v18 =	vshrl.u32 v19, $0x3  }
0x320: {  	v18 =	vshll.u32 v18, v1  }
0x321: {  	v19 =	vld [tilespmem:s31+$0xFFFFFF00];
	v18 =	vbroadcast v18, $0x0;
	_ =	sdelay $0x1  }
0x322: {  	v20 =	vadd.s32 v0, v18  }
0x323: {  	v21 =	vbroadcast v17, $0x0;
	_ =	sdelay $0x1  }
0x324: {  	v19 =	vmul.f32 v21, v19;
	_ =	sdelay $0x1  }
0x325: {  	[tilespmem:v20+s26+$0x0] =	vst.idx.msk $0xffff, v19  }
0x326: {  	v19 =	vld [tilespmem:s31+$0xFFFFFF10];
	_ =	sdelay $0x1  }
0x327: {  	v18 =	vadd.s32 v2, v18;
	_ =	sdelay $0x1  }
0x328: {  	s12 =	sadd.s32 $0xFFFFFFF2, s0  }
0x329: {  	v20 =	vmov s12;
	v19 =	vmul.f32 v19, v21  }
0x32a: {  	v20 =	vshrl.u32 v20, $0x3  }
0x32b: {  	[tilespmem:v18+s26+$0x0] =	vst.idx.msk $0xffff, v19;
	v18 =	vshll.u32 v20, v1  }
0x32c: {  	v19 =	vld [tilespmem:s31+$0xFFFFFF20];
	v18 =	vbroadcast v18, $0x0;
	_ =	sdelay $0x1  }
0x32d: {  	v20 =	vadd.s32 v3, v18  }
0x32e: {  	v21 =	vbroadcast v17, $0x1;
	_ =	sdelay $0x1  }
0x32f: {  	v19 =	vmul.f32 v19, v21;
	_ =	sdelay $0x1  }
0x330: {  	[tilespmem:v20+s26+$0x0] =	vst.idx.msk $0xffff, v19  }
0x331: {  	v19 =	vld [tilespmem:s31+$0xFFFFFF30];
	_ =	sdelay $0x1  }
0x332: {  	v18 =	vadd.s32 v4, v18;
	_ =	sdelay $0x1  }
0x333: {  	s12 =	sadd.s32 $0xFFFFFFF3, s0  }
0x334: {  	v20 =	vmov s12;
	v19 =	vmul.f32 v19, v21  }
0x335: {  	v20 =	vshrl.u32 v20, $0x3  }
0x336: {  	[tilespmem:v18+s26+$0x0] =	vst.idx.msk $0xffff, v19;
	v18 =	vshll.u32 v20, v1  }
0x337: {  	v19 =	vld [tilespmem:s31+$0xFFFFFF40];
	v18 =	vbroadcast v18, $0x0;
	_ =	sdelay $0x1  }
0x338: {  	v20 =	vadd.s32 v5, v18  }
0x339: {  	v21 =	vbroadcast v17, $0x2;
	_ =	sdelay $0x1  }
0x33a: {  	v19 =	vmul.f32 v19, v21;
	_ =	sdelay $0x1  }
0x33b: {  	[tilespmem:v20+s26+$0x0] =	vst.idx.msk $0xffff, v19  }
0x33c: {  	v19 =	vld [tilespmem:s31+$0xFFFFFF50];
	_ =	sdelay $0x1  }
0x33d: {  	v18 =	vadd.s32 v6, v18;
	_ =	sdelay $0x1  }
0x33e: {  	s12 =	sadd.s32 $0xFFFFFFF4, s0  }
0x33f: {  	v20 =	vmov s12;
	v19 =	vmul.f32 v19, v21  }
0x340: {  	v20 =	vshrl.u32 v20, $0x3  }
0x341: {  	[tilespmem:v18+s26+$0x0] =	vst.idx.msk $0xffff, v19;
	v18 =	vshll.u32 v20, v1  }
0x342: {  	v19 =	vld [tilespmem:s31+$0xFFFFFF60];
	v18 =	vbroadcast v18, $0x0;
	_ =	sdelay $0x1  }
0x343: {  	v20 =	vadd.s32 v7, v18  }
0x344: {  	v21 =	vbroadcast v17, $0x3;
	_ =	sdelay $0x1  }
0x345: {  	v19 =	vmul.f32 v19, v21;
	_ =	sdelay $0x1  }
0x346: {  	[tilespmem:v20+s26+$0x0] =	vst.idx.msk $0xffff, v19  }
0x347: {  	v19 =	vld [tilespmem:s31+$0xFFFFFF70];
	_ =	sdelay $0x1  }
0x348: {  	v18 =	vadd.s32 v8, v18;
	_ =	sdelay $0x1  }
0x349: {  	s12 =	sadd.s32 $0xFFFFFFF5, s0  }
0x34a: {  	v20 =	vmov s12;
	v19 =	vmul.f32 v19, v21  }
0x34b: {  	v20 =	vshrl.u32 v20, $0x3  }
0x34c: {  	[tilespmem:v18+s26+$0x0] =	vst.idx.msk $0xffff, v19;
	v18 =	vshll.u32 v20, v1  }
0x34d: {  	v19 =	vld [tilespmem:s31+$0xFFFFFF80];
	v18 =	vbroadcast v18, $0x0;
	_ =	sdelay $0x1  }
0x34e: {  	v20 =	vadd.s32 v9, v18  }
0x34f: {  	v21 =	vbroadcast v17, $0x4;
	_ =	sdelay $0x1  }
0x350: {  	v19 =	vmul.f32 v19, v21;
	_ =	sdelay $0x1  }
0x351: {  	[tilespmem:v20+s26+$0x0] =	vst.idx.msk $0xffff, v19  }
0x352: {  	v19 =	vld [tilespmem:s31+$0xFFFFFF90];
	_ =	sdelay $0x1  }
0x353: {  	v18 =	vadd.s32 v10, v18;
	_ =	sdelay $0x1  }
0x354: {  	s12 =	sadd.s32 $0xFFFFFFF6, s0  }
0x355: {  	v20 =	vmov s12;
	v19 =	vmul.f32 v19, v21  }
0x356: {  	v20 =	vshrl.u32 v20, $0x3  }
0x357: {  	[tilespmem:v18+s26+$0x0] =	vst.idx.msk $0xffff, v19;
	v18 =	vshll.u32 v20, v1  }
0x358: {  	v19 =	vld [tilespmem:s31+$0xFFFFFFA0];
	v18 =	vbroadcast v18, $0x0;
	_ =	sdelay $0x1  }
0x359: {  	v20 =	vadd.s32 v11, v18  }
0x35a: {  	v21 =	vbroadcast v17, $0x5;
	_ =	sdelay $0x1  }
0x35b: {  	v19 =	vmul.f32 v19, v21;
	_ =	sdelay $0x1  }
0x35c: {  	[tilespmem:v20+s26+$0x0] =	vst.idx.msk $0xffff, v19  }
0x35d: {  	v19 =	vld [tilespmem:s31+$0xFFFFFFB0];
	_ =	sdelay $0x1  }
0x35e: {  	v18 =	vadd.s32 v12, v18;
	_ =	sdelay $0x1  }
0x35f: {  	s12 =	sadd.s32 $0xFFFFFFF7, s0  }
0x360: {  	v20 =	vmov s12;
	v19 =	vmul.f32 v19, v21  }
0x361: {  	v20 =	vshrl.u32 v20, $0x3  }
0x362: {  	[tilespmem:v18+s26+$0x0] =	vst.idx.msk $0xffff, v19;
	v18 =	vshll.u32 v20, v1  }
0x363: {  	v19 =	vld [tilespmem:s31+$0xFFFFFFC0];
	v18 =	vbroadcast v18, $0x0;
	_ =	sdelay $0x1  }
0x364: {  	v20 =	vadd.s32 v13, v18  }
0x365: {  	v21 =	vbroadcast v17, $0x6;
	_ =	sdelay $0x1  }
0x366: {  	v19 =	vmul.f32 v19, v21;
	_ =	sdelay $0x1  }
0x367: {  	[tilespmem:v20+s26+$0x0] =	vst.idx.msk $0xffff, v19  }
0x368: {  	v19 =	vld [tilespmem:s31+$0xFFFFFFD0];
	_ =	sdelay $0x1  }
0x369: {  	v18 =	vadd.s32 v14, v18;
	_ =	sdelay $0x1  }
0x36a: {  	s12 =	sadd.s32 $0xFFFFFFF8, s0  }
0x36b: {  	v20 =	vmov s12;
	v19 =	vmul.f32 v19, v21  }
0x36c: {  	v20 =	vshrl.u32 v20, $0x3  }
0x36d: {  	[tilespmem:v18+s26+$0x0] =	vst.idx.msk $0xffff, v19;
	v18 =	vshll.u32 v20, v1  }
0x36e: {  	v19 =	vld [tilespmem:s31+$0xFFFFFFE0];
	v18 =	vbroadcast v18, $0x0;
	_ =	sdelay $0x1  }
0x36f: {  	v20 =	vadd.s32 v15, v18  }
0x370: {  	v21 =	vbroadcast v17, $0x7;
	_ =	sdelay $0x1  }
0x371: {  	v19 =	vmul.f32 v19, v21;
	_ =	sdelay $0x1  }
0x372: {  	[tilespmem:v20+s26+$0x0] =	vst.idx.msk $0xffff, v19  }
0x373: {  	v19 =	vld [tilespmem:s31+$0xFFFFFFF0];
	_ =	sdelay $0x1  }
0x374: {  	v18 =	vadd.s32 v16, v18;
	_ =	sdelay $0x1  }
0x375: {  	s12 =	sadd.s32 $0xFFFFFFF9, s0  }
0x376: {  	v20 =	vmov s12;
	v19 =	vmul.f32 v19, v21  }
0x377: {  	v20 =	vshrl.u32 v20, $0x3  }
0x378: {  	[tilespmem:v18+s26+$0x0] =	vst.idx.msk $0xffff, v19;
	v18 =	vshll.u32 v20, v1  }
0x379: {  	v19 =	vld [tilespmem:s31+$0x0];
	v18 =	vbroadcast v18, $0x0;
	_ =	sdelay $0x1  }
0x37a: {  	v20 =	vadd.s32 v0, v18  }
0x37b: {  	v21 =	vbroadcast v17, $0x8;
	_ =	sdelay $0x1  }
0x37c: {  	v19 =	vmul.f32 v19, v21;
	_ =	sdelay $0x1  }
0x37d: {  	[tilespmem:v20+s26+$0x0] =	vst.idx.msk $0xffff, v19  }
0x37e: {  	v19 =	vld [tilespmem:s31+$0x10];
	_ =	sdelay $0x1  }
0x37f: {  	v18 =	vadd.s32 v2, v18;
	_ =	sdelay $0x1  }
0x380: {  	s12 =	sadd.s32 $0xFFFFFFFA, s0  }
0x381: {  	v20 =	vmov s12;
	v19 =	vmul.f32 v19, v21  }
0x382: {  	v20 =	vshrl.u32 v20, $0x3  }
0x383: {  	[tilespmem:v18+s26+$0x0] =	vst.idx.msk $0xffff, v19;
	v18 =	vshll.u32 v20, v1  }
0x384: {  	v19 =	vld [tilespmem:s31+$0x20];
	v18 =	vbroadcast v18, $0x0;
	_ =	sdelay $0x1  }
0x385: {  	v20 =	vadd.s32 v3, v18  }
0x386: {  	v21 =	vbroadcast v17, $0x9;
	_ =	sdelay $0x1  }
0x387: {  	v19 =	vmul.f32 v19, v21;
	_ =	sdelay $0x1  }
0x388: {  	[tilespmem:v20+s26+$0x0] =	vst.idx.msk $0xffff, v19  }
0x389: {  	v19 =	vld [tilespmem:s31+$0x30];
	_ =	sdelay $0x1  }
0x38a: {  	v18 =	vadd.s32 v4, v18;
	_ =	sdelay $0x1  }
0x38b: {  	s12 =	sadd.s32 $0xFFFFFFFB, s0  }
0x38c: {  	v20 =	vmov s12;
	v19 =	vmul.f32 v19, v21  }
0x38d: {  	v20 =	vshrl.u32 v20, $0x3  }
0x38e: {  	[tilespmem:v18+s26+$0x0] =	vst.idx.msk $0xffff, v19;
	v18 =	vshll.u32 v20, v1  }
0x38f: {  	v19 =	vld [tilespmem:s31+$0x40];
	v18 =	vbroadcast v18, $0x0;
	_ =	sdelay $0x1  }
0x390: {  	v20 =	vadd.s32 v5, v18  }
0x391: {  	v21 =	vbroadcast v17, $0xA;
	_ =	sdelay $0x1  }
0x392: {  	v19 =	vmul.f32 v19, v21;
	_ =	sdelay $0x1  }
0x393: {  	[tilespmem:v20+s26+$0x0] =	vst.idx.msk $0xffff, v19  }
0x394: {  	v19 =	vld [tilespmem:s31+$0x50];
	_ =	sdelay $0x1  }
0x395: {  	v18 =	vadd.s32 v6, v18;
	_ =	sdelay $0x1  }
0x396: {  	s12 =	sadd.s32 $0xFFFFFFFC, s0  }
0x397: {  	v20 =	vmov s12;
	v19 =	vmul.f32 v19, v21  }
0x398: {  	v20 =	vshrl.u32 v20, $0x3  }
0x399: {  	[tilespmem:v18+s26+$0x0] =	vst.idx.msk $0xffff, v19;
	v18 =	vshll.u32 v20, v1  }
0x39a: {  	v19 =	vld [tilespmem:s31+$0x60];
	v18 =	vbroadcast v18, $0x0;
	_ =	sdelay $0x1  }
0x39b: {  	v20 =	vadd.s32 v7, v18  }
0x39c: {  	v21 =	vbroadcast v17, $0xB;
	_ =	sdelay $0x1  }
0x39d: {  	v19 =	vmul.f32 v19, v21;
	_ =	sdelay $0x1  }
0x39e: {  	[tilespmem:v20+s26+$0x0] =	vst.idx.msk $0xffff, v19  }
0x39f: {  	v19 =	vld [tilespmem:s31+$0x70];
	_ =	sdelay $0x1  }
0x3a0: {  	v18 =	vadd.s32 v8, v18;
	_ =	sdelay $0x1  }
0x3a1: {  	s12 =	sadd.s32 $0xFFFFFFFD, s0  }
0x3a2: {  	v20 =	vmov s12;
	v19 =	vmul.f32 v19, v21  }
0x3a3: {  	v20 =	vshrl.u32 v20, $0x3  }
0x3a4: {  	[tilespmem:v18+s26+$0x0] =	vst.idx.msk $0xffff, v19;
	v18 =	vshll.u32 v20, v1  }
0x3a5: {  	v19 =	vld [tilespmem:s31+$0x80];
	v18 =	vbroadcast v18, $0x0;
	_ =	sdelay $0x1  }
0x3a6: {  	v20 =	vadd.s32 v9, v18  }
0x3a7: {  	v21 =	vbroadcast v17, $0xC;
	_ =	sdelay $0x1  }
0x3a8: {  	v19 =	vmul.f32 v19, v21;
	_ =	sdelay $0x1  }
0x3a9: {  	[tilespmem:v20+s26+$0x0] =	vst.idx.msk $0xffff, v19  }
0x3aa: {  	v19 =	vld [tilespmem:s31+$0x90];
	_ =	sdelay $0x1  }
0x3ab: {  	v18 =	vadd.s32 v10, v18;
	_ =	sdelay $0x1  }
0x3ac: {  	s12 =	sadd.s32 $0xFFFFFFFE, s0  }
0x3ad: {  	v20 =	vmov s12;
	v19 =	vmul.f32 v19, v21  }
0x3ae: {  	v20 =	vshrl.u32 v20, $0x3  }
0x3af: {  	[tilespmem:v18+s26+$0x0] =	vst.idx.msk $0xffff, v19;
	v18 =	vshll.u32 v20, v1  }
0x3b0: {  	v19 =	vld [tilespmem:s31+$0xA0];
	v18 =	vbroadcast v18, $0x0;
	_ =	sdelay $0x1  }
0x3b1: {  	v20 =	vadd.s32 v11, v18  }
0x3b2: {  	v21 =	vbroadcast v17, $0xD;
	_ =	sdelay $0x1  }
0x3b3: {  	v19 =	vmul.f32 v19, v21;
	_ =	sdelay $0x1  }
0x3b4: {  	[tilespmem:v20+s26+$0x0] =	vst.idx.msk $0xffff, v19  }
0x3b5: {  	v19 =	vld [tilespmem:s31+$0xB0];
	_ =	sdelay $0x1  }
0x3b6: {  	v18 =	vadd.s32 v12, v18;
	_ =	sdelay $0x1  }
0x3b7: {  	s12 =	sadd.s32 $0xFFFFFFFF, s0  }
0x3b8: {  	v20 =	vmov s12;
	v19 =	vmul.f32 v19, v21  }
0x3b9: {  	v20 =	vshrl.u32 v20, $0x3  }
0x3ba: {  	[tilespmem:v18+s26+$0x0] =	vst.idx.msk $0xffff, v19;
	v18 =	vshll.u32 v20, v1  }
0x3bb: {  	v19 =	vld [tilespmem:s31+$0xC0];
	v18 =	vbroadcast v18, $0x0;
	_ =	sdelay $0x1  }
0x3bc: {  	v20 =	vadd.s32 v13, v18  }
0x3bd: {  	v21 =	vbroadcast v17, $0xE;
	_ =	sdelay $0x1  }
0x3be: {  	v19 =	vmul.f32 v19, v21;
	_ =	sdelay $0x1  }
0x3bf: {  	[tilespmem:v20+s26+$0x0] =	vst.idx.msk $0xffff, v19  }
0x3c0: {  	v19 =	vld [tilespmem:s31+$0xD0];
	_ =	sdelay $0x1  }
0x3c1: {  	v18 =	vadd.s32 v14, v18;
	_ =	sdelay $0x2  }
0x3c2: {  	v20 =	vmov s0;
	s0 =	smov.u32 s13;
	v19 =	vmul.f32 v19, v21  }
0x3c3: {  	v20 =	vshrl.u32 v20, $0x3  }
0x3c4: {  	[tilespmem:v18+s26+$0x0] =	vst.idx.msk $0xffff, v19;
	v18 =	vshll.u32 v20, v1  }
0x3c5: {  	v19 =	vld [tilespmem:s31+$0xE0];
	v18 =	vbroadcast v18, $0x0;
	_ =	sdelay $0x1  }
0x3c6: {  	v20 =	vadd.s32 v15, v18  }
0x3c7: {  	v21 =	vbroadcast v17, $0xF;
	_ =	sdelay $0x1  }
0x3c8: {  	v17 =	vmul.f32 v19, v21;
	_ =	sdelay $0x1  }
0x3c9: {  	[tilespmem:v20+s26+$0x0] =	vst.idx.msk $0xffff, v17  }
0x3ca: {  	v19 =	vld [tilespmem:s31+$0xF0];
	_ =	sdelay $0x1  }
.Ltmp9:
0x3cb: {  	v17 =	vadd.s32 v16, v18;
	(pc) =	sbr.rel @p0 .LBB2_4-.Ltmp9, $3  }
0x3cc: {  	_ =	sdelay $0x1  }
0x3cd: {  	v18 =	vmul.f32 v19, v21  }
0x3ce: {  	s12 =	smov.u32 s14;
	s13 =	sadd.s32 $0xFFFFFFF1, s0  }
0x3cf: {  	_ =	sdelay $0x3  }
0x3d0: {  	v19 =	vmov s13;
	[tilespmem:v17+s26+$0x0] =	vst.idx.msk $0xffff, v18;
	s1 =	sadd.s32 $0x10, s1  }
0x3d1: {  	v17 =	vld [tilespmem:s1+$0x0];
	v18 =	vshrl.u32 v19, $0x3  }
0x3d2: {  	s1 =	sadd.s32 $0x200, s31;
	v18 =	vshll.u32 v18, v1  }
0x3d3: {  	v19 =	vld [tilespmem:s1+$0xFFFFFF00];
	v18 =	vbroadcast v18, $0x0;
	_ =	sdelay $0x1  }
0x3d4: {  	v20 =	vadd.s32 v0, v18  }
0x3d5: {  	v21 =	vbroadcast v17, $0x0;
	_ =	sdelay $0x1  }
0x3d6: {  	v19 =	vmul.f32 v21, v19;
	_ =	sdelay $0x1  }
0x3d7: {  	[tilespmem:v20+s26+$0x0] =	vst.idx.msk $0xffff, v19  }
0x3d8: {  	v19 =	vld [tilespmem:s1+$0xFFFFFF10];
	_ =	sdelay $0x1  }
0x3d9: {  	v18 =	vadd.s32 v2, v18;
	_ =	sdelay $0x1  }
0x3da: {  	s12 =	sadd.s32 $0xFFFFFFF2, s0  }
0x3db: {  	v60 =	vmov s12;
	v19 =	vmul.f32 v19, v21  }
0x3dc: {  	v20 =	vshrl.u32 v60, $0x3  }
0x3dd: {  	[tilespmem:v18+s26+$0x0] =	vst.idx.msk $0xffff, v19;
	v18 =	vshll.u32 v20, v1  }
0x3de: {  	v19 =	vld [tilespmem:s1+$0xFFFFFF20];
	v18 =	vbroadcast v18, $0x0;
	_ =	sdelay $0x1  }
0x3df: {  	v61 =	vadd.s32 v3, v18  }
0x3e0: {  	v62 =	vbroadcast v17, $0x1;
	_ =	sdelay $0x1  }
0x3e1: {  	v19 =	vmul.f32 v19, v62;
	_ =	sdelay $0x1  }
0x3e2: {  	[tilespmem:v61+s26+$0x0] =	vst.idx.msk $0xffff, v19  }
0x3e3: {  	v19 =	vld [tilespmem:s1+$0xFFFFFF30];
	_ =	sdelay $0x1  }
0x3e4: {  	v18 =	vadd.s32 v4, v18;
	_ =	sdelay $0x1  }
0x3e5: {  	s14 =	sadd.s32 $0xFFFFFFF3, s0  }
0x3e6: {  	v63 =	vmov s14;
	v19 =	vmul.f32 v19, v62  }
0x3e7: {  	v20 =	vshrl.u32 v63, $0x3  }
0x3e8: {  	[tilespmem:v18+s26+$0x0] =	vst.idx.msk $0xffff, v19;
	v18 =	vshll.u32 v20, v1  }
0x3e9: {  	v19 =	vld [tilespmem:s1+$0xFFFFFF40];
	v18 =	vbroadcast v18, $0x0;
	_ =	sdelay $0x1  }
0x3ea: {  	v24 =	vadd.s32 v5, v18  }
0x3eb: {  	v25 =	vbroadcast v17, $0x2;
	_ =	sdelay $0x1  }
0x3ec: {  	v19 =	vmul.f32 v19, v25;
	_ =	sdelay $0x1  }
0x3ed: {  	[tilespmem:v24+s26+$0x0] =	vst.idx.msk $0xffff, v19  }
0x3ee: {  	v19 =	vld [tilespmem:s1+$0xFFFFFF50];
	_ =	sdelay $0x1  }
0x3ef: {  	v18 =	vadd.s32 v6, v18;
	_ =	sdelay $0x1  }
0x3f0: {  	s31 =	sadd.s32 $0xFFFFFFF4, s0  }
0x3f1: {  	v26 =	vmov s31;
	v19 =	vmul.f32 v19, v25  }
0x3f2: {  	v20 =	vshrl.u32 v26, $0x3  }
0x3f3: {  	[tilespmem:v18+s26+$0x0] =	vst.idx.msk $0xffff, v19;
	v18 =	vshll.u32 v20, v1  }
0x3f4: {  	v19 =	vld [tilespmem:s1+$0xFFFFFF60];
	v18 =	vbroadcast v18, $0x0;
	_ =	sdelay $0x1  }
0x3f5: {  	v27 =	vadd.s32 v7, v18  }
0x3f6: {  	v28 =	vbroadcast v17, $0x3;
	_ =	sdelay $0x1  }
0x3f7: {  	v19 =	vmul.f32 v19, v28;
	_ =	sdelay $0x1  }
0x3f8: {  	[tilespmem:v27+s26+$0x0] =	vst.idx.msk $0xffff, v19  }
0x3f9: {  	v19 =	vld [tilespmem:s1+$0xFFFFFF70];
	_ =	sdelay $0x1  }
0x3fa: {  	v18 =	vadd.s32 v8, v18;
	_ =	sdelay $0x1  }
0x3fb: {  	s13 =	sadd.s32 $0xFFFFFFF5, s0  }
0x3fc: {  	v29 =	vmov s13;
	v19 =	vmul.f32 v19, v28  }
0x3fd: {  	v20 =	vshrl.u32 v29, $0x3  }
0x3fe: {  	[tilespmem:v18+s26+$0x0] =	vst.idx.msk $0xffff, v19;
	v18 =	vshll.u32 v20, v1  }
0x3ff: {  	v19 =	vld [tilespmem:s1+$0xFFFFFF80];
	v18 =	vbroadcast v18, $0x0;
	_ =	sdelay $0x1  }
0x400: {  	v30 =	vadd.s32 v9, v18  }
0x401: {  	v31 =	vbroadcast v17, $0x4;
	_ =	sdelay $0x1  }
0x402: {  	v19 =	vmul.f32 v19, v31;
	_ =	sdelay $0x1  }
0x403: {  	[tilespmem:v30+s26+$0x0] =	vst.idx.msk $0xffff, v19  }
0x404: {  	v19 =	vld [tilespmem:s1+$0xFFFFFF90];
	_ =	sdelay $0x1  }
0x405: {  	v18 =	vadd.s32 v10, v18;
	_ =	sdelay $0x1  }
0x406: {  	s14 =	sadd.s32 $0xFFFFFFF6, s0  }
0x407: {  	v32 =	vmov s14;
	v19 =	vmul.f32 v19, v31  }
0x408: {  	v20 =	vshrl.u32 v32, $0x3  }
0x409: {  	[tilespmem:v18+s26+$0x0] =	vst.idx.msk $0xffff, v19;
	v18 =	vshll.u32 v20, v1  }
0x40a: {  	v19 =	vld [tilespmem:s1+$0xFFFFFFA0];
	v18 =	vbroadcast v18, $0x0;
	_ =	sdelay $0x1  }
0x40b: {  	v33 =	vadd.s32 v11, v18  }
0x40c: {  	v34 =	vbroadcast v17, $0x5;
	_ =	sdelay $0x1  }
0x40d: {  	v19 =	vmul.f32 v19, v34;
	_ =	sdelay $0x1  }
0x40e: {  	[tilespmem:v33+s26+$0x0] =	vst.idx.msk $0xffff, v19  }
0x40f: {  	v19 =	vld [tilespmem:s1+$0xFFFFFFB0];
	_ =	sdelay $0x1  }
0x410: {  	v18 =	vadd.s32 v12, v18;
	_ =	sdelay $0x1  }
0x411: {  	s31 =	sadd.s32 $0xFFFFFFF7, s0  }
0x412: {  	v35 =	vmov s31;
	v19 =	vmul.f32 v19, v34  }
0x413: {  	v20 =	vshrl.u32 v35, $0x3  }
0x414: {  	[tilespmem:v18+s26+$0x0] =	vst.idx.msk $0xffff, v19;
	v18 =	vshll.u32 v20, v1  }
0x415: {  	v19 =	vld [tilespmem:s1+$0xFFFFFFC0];
	v18 =	vbroadcast v18, $0x0;
	_ =	sdelay $0x1  }
0x416: {  	v36 =	vadd.s32 v13, v18  }
0x417: {  	v37 =	vbroadcast v17, $0x6;
	_ =	sdelay $0x1  }
0x418: {  	v19 =	vmul.f32 v19, v37;
	_ =	sdelay $0x1  }
0x419: {  	[tilespmem:v36+s26+$0x0] =	vst.idx.msk $0xffff, v19  }
0x41a: {  	v19 =	vld [tilespmem:s1+$0xFFFFFFD0];
	_ =	sdelay $0x1  }
0x41b: {  	v18 =	vadd.s32 v14, v18;
	_ =	sdelay $0x1  }
0x41c: {  	s13 =	sadd.s32 $0xFFFFFFF8, s0  }
0x41d: {  	v38 =	vmov s13;
	v19 =	vmul.f32 v19, v37  }
0x41e: {  	v20 =	vshrl.u32 v38, $0x3  }
0x41f: {  	[tilespmem:v18+s26+$0x0] =	vst.idx.msk $0xffff, v19;
	v18 =	vshll.u32 v20, v1  }
0x420: {  	v19 =	vld [tilespmem:s1+$0xFFFFFFE0];
	v18 =	vbroadcast v18, $0x0;
	_ =	sdelay $0x1  }
0x421: {  	v39 =	vadd.s32 v15, v18  }
0x422: {  	v40 =	vbroadcast v17, $0x7;
	_ =	sdelay $0x1  }
0x423: {  	v19 =	vmul.f32 v19, v40;
	_ =	sdelay $0x1  }
0x424: {  	[tilespmem:v39+s26+$0x0] =	vst.idx.msk $0xffff, v19  }
0x425: {  	v19 =	vld [tilespmem:s1+$0xFFFFFFF0];
	_ =	sdelay $0x1  }
0x426: {  	v18 =	vadd.s32 v16, v18;
	_ =	sdelay $0x1  }
0x427: {  	s14 =	sadd.s32 $0xFFFFFFF9, s0  }
0x428: {  	v41 =	vmov s14;
	v19 =	vmul.f32 v19, v40  }
0x429: {  	v20 =	vshrl.u32 v41, $0x3  }
0x42a: {  	[tilespmem:v18+s26+$0x0] =	vst.idx.msk $0xffff, v19;
	v18 =	vshll.u32 v20, v1  }
0x42b: {  	v19 =	vld [tilespmem:s1+$0x0];
	v18 =	vbroadcast v18, $0x0;
	_ =	sdelay $0x1  }
0x42c: {  	v42 =	vadd.s32 v0, v18  }
0x42d: {  	v43 =	vbroadcast v17, $0x8;
	_ =	sdelay $0x1  }
0x42e: {  	v19 =	vmul.f32 v19, v43;
	_ =	sdelay $0x1  }
0x42f: {  	[tilespmem:v42+s26+$0x0] =	vst.idx.msk $0xffff, v19  }
0x430: {  	v19 =	vld [tilespmem:s1+$0x10];
	_ =	sdelay $0x1  }
0x431: {  	v18 =	vadd.s32 v2, v18;
	_ =	sdelay $0x1  }
0x432: {  	s31 =	sadd.s32 $0xFFFFFFFA, s0  }
0x433: {  	v44 =	vmov s31;
	v19 =	vmul.f32 v19, v43  }
0x434: {  	v20 =	vshrl.u32 v44, $0x3  }
0x435: {  	[tilespmem:v18+s26+$0x0] =	vst.idx.msk $0xffff, v19;
	v18 =	vshll.u32 v20, v1  }
0x436: {  	v19 =	vld [tilespmem:s1+$0x20];
	v18 =	vbroadcast v18, $0x0;
	_ =	sdelay $0x1  }
0x437: {  	v45 =	vadd.s32 v3, v18  }
0x438: {  	v46 =	vbroadcast v17, $0x9;
	_ =	sdelay $0x1  }
0x439: {  	v19 =	vmul.f32 v19, v46;
	_ =	sdelay $0x1  }
0x43a: {  	[tilespmem:v45+s26+$0x0] =	vst.idx.msk $0xffff, v19  }
0x43b: {  	v19 =	vld [tilespmem:s1+$0x30];
	_ =	sdelay $0x1  }
0x43c: {  	v18 =	vadd.s32 v4, v18;
	_ =	sdelay $0x1  }
0x43d: {  	s13 =	sadd.s32 $0xFFFFFFFB, s0  }
0x43e: {  	v47 =	vmov s13;
	v19 =	vmul.f32 v19, v46  }
0x43f: {  	v20 =	vshrl.u32 v47, $0x3  }
0x440: {  	[tilespmem:v18+s26+$0x0] =	vst.idx.msk $0xffff, v19;
	v18 =	vshll.u32 v20, v1  }
0x441: {  	v19 =	vld [tilespmem:s1+$0x40];
	v18 =	vbroadcast v18, $0x0;
	_ =	sdelay $0x1  }
0x442: {  	v48 =	vadd.s32 v5, v18  }
0x443: {  	v49 =	vbroadcast v17, $0xA;
	_ =	sdelay $0x1  }
0x444: {  	v19 =	vmul.f32 v19, v49;
	_ =	sdelay $0x1  }
0x445: {  	[tilespmem:v48+s26+$0x0] =	vst.idx.msk $0xffff, v19  }
0x446: {  	v19 =	vld [tilespmem:s1+$0x50];
	_ =	sdelay $0x1  }
0x447: {  	v18 =	vadd.s32 v6, v18;
	_ =	sdelay $0x1  }
0x448: {  	s14 =	sadd.s32 $0xFFFFFFFC, s0  }
0x449: {  	v50 =	vmov s14;
	v19 =	vmul.f32 v19, v49  }
0x44a: {  	v20 =	vshrl.u32 v50, $0x3  }
0x44b: {  	[tilespmem:v18+s26+$0x0] =	vst.idx.msk $0xffff, v19;
	v18 =	vshll.u32 v20, v1  }
0x44c: {  	v19 =	vld [tilespmem:s1+$0x60];
	v18 =	vbroadcast v18, $0x0;
	_ =	sdelay $0x1  }
0x44d: {  	v51 =	vadd.s32 v7, v18  }
0x44e: {  	v52 =	vbroadcast v17, $0xB;
	_ =	sdelay $0x1  }
0x44f: {  	v19 =	vmul.f32 v19, v52;
	_ =	sdelay $0x1  }
0x450: {  	[tilespmem:v51+s26+$0x0] =	vst.idx.msk $0xffff, v19  }
0x451: {  	v19 =	vld [tilespmem:s1+$0x70];
	_ =	sdelay $0x1  }
0x452: {  	v18 =	vadd.s32 v8, v18;
	_ =	sdelay $0x1  }
0x453: {  	s31 =	sadd.s32 $0xFFFFFFFD, s0  }
0x454: {  	v53 =	vmov s31;
	v19 =	vmul.f32 v19, v52  }
0x455: {  	v20 =	vshrl.u32 v53, $0x3  }
0x456: {  	[tilespmem:v18+s26+$0x0] =	vst.idx.msk $0xffff, v19;
	v18 =	vshll.u32 v20, v1  }
0x457: {  	v19 =	vld [tilespmem:s1+$0x80];
	v18 =	vbroadcast v18, $0x0;
	_ =	sdelay $0x1  }
0x458: {  	v54 =	vadd.s32 v9, v18  }
0x459: {  	v55 =	vbroadcast v17, $0xC;
	_ =	sdelay $0x1  }
0x45a: {  	v19 =	vmul.f32 v19, v55;
	_ =	sdelay $0x1  }
0x45b: {  	[tilespmem:v54+s26+$0x0] =	vst.idx.msk $0xffff, v19  }
0x45c: {  	v19 =	vld [tilespmem:s1+$0x90];
	_ =	sdelay $0x1  }
0x45d: {  	v18 =	vadd.s32 v10, v18;
	_ =	sdelay $0x1  }
0x45e: {  	s13 =	sadd.s32 $0xFFFFFFFE, s0  }
0x45f: {  	v56 =	vmov s13;
	v19 =	vmul.f32 v19, v55  }
0x460: {  	v20 =	vshrl.u32 v56, $0x3  }
0x461: {  	[tilespmem:v18+s26+$0x0] =	vst.idx.msk $0xffff, v19;
	v18 =	vshll.u32 v20, v1  }
0x462: {  	v19 =	vld [tilespmem:s1+$0xA0];
	v18 =	vbroadcast v18, $0x0;
	_ =	sdelay $0x1  }
0x463: {  	v57 =	vadd.s32 v11, v18  }
0x464: {  	v58 =	vbroadcast v17, $0xD;
	_ =	sdelay $0x1  }
0x465: {  	v19 =	vmul.f32 v19, v58;
	_ =	sdelay $0x1  }
0x466: {  	[tilespmem:v57+s26+$0x0] =	vst.idx.msk $0xffff, v19  }
0x467: {  	v19 =	vld [tilespmem:s1+$0xB0];
	_ =	sdelay $0x1  }
0x468: {  	v18 =	vadd.s32 v12, v18;
	_ =	sdelay $0x1  }
0x469: {  	s14 =	sadd.s32 $0xFFFFFFFF, s0  }
0x46a: {  	v59 =	vmov s14;
	v19 =	vmul.f32 v19, v58  }
0x46b: {  	v20 =	vshrl.u32 v59, $0x3  }
0x46c: {  	[tilespmem:v18+s26+$0x0] =	vst.idx.msk $0xffff, v19;
	v18 =	vshll.u32 v20, v1  }
0x46d: {  	v19 =	vld [tilespmem:s1+$0xC0];
	v18 =	vbroadcast v18, $0x0;
	_ =	sdelay $0x1  }
0x46e: {  	v60 =	vadd.s32 v13, v18  }
0x46f: {  	v61 =	vbroadcast v17, $0xE;
	_ =	sdelay $0x1  }
0x470: {  	v19 =	vmul.f32 v19, v61;
	_ =	sdelay $0x1  }
0x471: {  	[tilespmem:v60+s26+$0x0] =	vst.idx.msk $0xffff, v19  }
0x472: {  	v19 =	vld [tilespmem:s1+$0xD0];
	_ =	sdelay $0x1  }
0x473: {  	v18 =	vadd.s32 v14, v18;
	_ =	sdelay $0x2  }
0x474: {  	v62 =	vmov s0;
	v19 =	vmul.f32 v19, v61  }
0x475: {  	v20 =	vshrl.u32 v62, $0x3  }
0x476: {  	[tilespmem:v18+s26+$0x0] =	vst.idx.msk $0xffff, v19;
	v18 =	vshll.u32 v20, v1  }
0x477: {  	v19 =	vld [tilespmem:s1+$0xE0];
	v18 =	vbroadcast v18, $0x0;
	_ =	sdelay $0x1  }
0x478: {  	v63 =	vadd.s32 v15, v18  }
0x479: {  	v17 =	vbroadcast v17, $0xF;
	_ =	sdelay $0x1  }
0x47a: {  	v19 =	vmul.f32 v19, v17;
	_ =	sdelay $0x1  }
0x47b: {  	[tilespmem:v63+s26+$0x0] =	vst.idx.msk $0xffff, v19  }
0x47c: {  	v19 =	vld [tilespmem:s1+$0xF0];
	_ =	sdelay $0x1  }
0x47d: {  	v18 =	vadd.s32 v16, v18  }
0x47e: {  	s31 =	sshll.u32 s30, $0x13  }
0x47f: {  	s0 =	sor.u32 s3, s31  }
0x480: {  	s0 =	sshrl.u32 s0, $0x3;
	v17 =	vmul.f32 v19, v17  }
0x481: {  	s12 =	simm.s32 $0x800;
	s0 =	sadd.s32 s5, s0  }
0x482: {  	s13 =	simm.s32 $0x10208;
	s14 =	sadd.s32 $0x0, s0;
	s1 =	simm.s32 $0x10000;
	[tilespmem:v18+s26+$0x0] =	vst.idx.msk $0xffff, v17  }
.LBB2_6:
0x483: {  	[hbm4b:s14+s2] =	stream.linear.scatter [tilespmem:s1], [sflag:$0x3], $0x200, $0x38;
	[tilespmem:$0x18200] =	vst v63  }
0x484: {  	s14 =	smov.u32 s12;
	s1 =	smov.u32 s13;
	p0 =	seq.s32 s12, $0xF800  }
.Ltmp10:
0x485: {  	s12 =	sadd.s32 $0x800, s12;
	(pc) =	sbr.rel @!p0 .LBB2_6-.Ltmp10, $2  }
0x486: {  	_ =	sdelay $0x2  }
0x487: {  	s13 =	sadd.s32 $0x208, s13;
	s14 =	sadd.s32 s14, s0  }
.Ltmp11:
0x488: {  	_ = 	snop;
	(pc) =	sbr.rel .LBB2_7-.Ltmp11, $1  }
0x489: {  	_ =	sdelay $0x3  }
.LBB2_17:
0x48a: {  	_ =	sfence.sel $0x180000  }
0x48b: {  	[bflag:$0x0] =	sbarrier.arrive $0xFFFF  }
0x48c: {  	_ =	strace $0x9000004A  }
0x48d: {  	s0 =	stileid.u32;
	[bflag:$0x2] =	sbarrier.arrive $0xFFFF  }
0x48e: {  	p0 =	sne.s32 s0, $0x0;
	s0 =	rddreg [dreg:$0x2]  }
0x48f: {  	s0 =	sadd.s32 @!p0 $0x100000, s0  }
0x490: {  	[sflag:s0] =	ssyncadd.tile.s32 @!p0 $0x1;
	_ =	shalt  }
.Lfunc_end2:
_tile_overlayer_lowered:
.L_overlay_start_2:
0x491: {  	(tag) =	ssettag $0x2  }
0x492: {  	s0 =	rddreg [dreg:$0x0];
	s2 =	stileid.u32  }
0x493: {  	s1 =	rddreg [dreg:$0x1];
	p0 =	sne.s32 s2, $0x0  }
0x494: {  	s3 =	rddreg [dreg:$0x2];
	[bflag:$0x3] =	sbarrier.arrive $0xFFFF;
	s2 =	simm.s32 @!p0 $0x1C04  }
0x495: {  	[timem:s3], [sflag:s2] =	dma.local @!p0 [hbm:s0], s1  }
0x496: {  	s0 =	simm.s32 @!p0 $0x4  }
0x497: {  	_ =	swait.ge @!p0 [sflag:s0], s1  }
0x498: {  	s1 =	ssub.s32 @!p0 $0x0, s1;
	[sflag:s0] =	ssyncset.done @!p0 $0x0  }
0x499: {  	[sflag:s0] =	ssyncadd.s32 @!p0 s1  }
0x49a: {  	[bflag:$0x3] =	sbarrier.arrive $0xFFFF  }
0x49b: {  	_ =	shalt  }

</sc_bundles>
